<compile_context>
chip_gen: v7x
topology: tpu7x:2x2x1
jax: 0.10.2.dev20260603
libtpu: 0.0.44.dev20260713+nightly
codegen_flags: <defaults>
</compile_context>

<pallas_src>
import functools

import jax
import jax.numpy as jnp
from jax import lax
from jax.experimental import pallas as pl
from jax.experimental.pallas import tpu as pltpu
from jax.experimental.pallas import tpu_sc as plsc

L = 16
NS = 16
W = 128
DEPTH = 4


def _build(n_pad, g, g_pad):
    ch = n_pad // NS
    kc = ch // W
    stripe = g_pad // NS
    tpc = W // L

    mesh = plsc.VectorSubcoreMesh(
        core_axis_name="c", subcore_axis_name="s", num_cores=1)

    @functools.partial(
        pl.kernel,
        out_type=jax.ShapeDtypeStruct((NS, kc, W), jnp.float32),
        mesh=mesh,
        compiler_params=pltpu.CompilerParams(needs_layout_passes=False),
        scratch_types=[
            pltpu.VMEM((kc, W), jnp.int32),
            pltpu.VMEM((kc, W), jnp.float32),
            pltpu.VMEM((kc, W), jnp.float32),
            pltpu.VMEM((kc, W), jnp.float32),
            pltpu.VMEM((kc, W), jnp.float32),
            pltpu.VMEM((kc, W), jnp.float32),
            pltpu.VMEM((g_pad,), jnp.float32),
            pltpu.VMEM((stripe,), jnp.float32),
            pltpu.VMEM((stripe,), jnp.float32),
            pltpu.VMEM_SHARED((g_pad,), jnp.float32),
            pltpu.VMEM_SHARED((g_pad,), jnp.float32),
            pltpu.SemaphoreType.DMA,
        ],
    )
    def sc_kernel(ids_a, e_h, s_h, q_h, out_h,
                  ids_m, va, vb, ev, sv, qv, rl, ta, tb, acc_a, acc_b, sem):
        s = lax.axis_index("s")

        d0 = pltpu.async_copy(ids_a.at[s], ids_m, sem)
        d1 = pltpu.async_copy(e_h.at[s], ev, sem)
        d2 = pltpu.async_copy(s_h.at[s], sv, sem)
        d3 = pltpu.async_copy(q_h.at[s], qv, sem)

        zero_v = jnp.zeros((L,), jnp.float32)

        def fz(j, carry):
            ta[pl.ds(j * L, L)] = zero_v
            return carry

        lax.fori_loop(0, stripe // L, fz, 0)
        zs = pl.ds(s * stripe, stripe)
        pltpu.sync_copy(ta, acc_a.at[zs])
        pltpu.sync_copy(ta, acc_b.at[zs])
        d0.wait()
        d1.wait()
        d2.wait()
        d3.wait()

        gmax = jnp.full((L,), g, jnp.int32)
        gmin = jnp.zeros((L,), jnp.int32)

        def f1(j, carry):
            k = j // tpc
            tl = pl.ds((j % tpc) * L, L)
            ids_m[k, tl] = jnp.minimum(jnp.maximum(ids_m[k, tl], gmin), gmax)
            si = 1.0 / sv[k, tl]
            va[k, tl] = qv[k, tl] + ev[k, tl] * si
            vb[k, tl] = si
            return carry

        lax.fori_loop(0, kc * tpc, f1, 0)

        plsc.subcore_barrier()

        pend = []
        for k in range(kc):
            pend.append(pltpu.async_copy(va.at[k], acc_a.at[ids_m.at[k]],
                                         sem, add=True))
            pend.append(pltpu.async_copy(vb.at[k], acc_b.at[ids_m.at[k]],
                                         sem, add=True))
            while len(pend) > 2 * DEPTH:
                pend.pop(0).wait()
        for d in pend:
            d.wait()

        plsc.subcore_barrier()

        pltpu.sync_copy(acc_a.at[zs], ta)
        pltpu.sync_copy(acc_b.at[zs], tb)

        def fr(j, carry):
            sl = pl.ds(j * L, L)
            ta[sl] = ta[sl] / tb[sl]
            return carry

        lax.fori_loop(0, stripe // L, fr, 0)
        pltpu.sync_copy(ta, acc_a.at[zs])

        plsc.subcore_barrier()

        pltpu.sync_copy(acc_a, rl)

        def f3(j, carry):
            k = j // tpc
            tl = pl.ds((j % tpc) * L, L)
            r = plsc.load_gather(rl, [ids_m[k, tl]])
            qv[k, tl] = vb[k, tl] * (r - ev[k, tl])
            return carry

        lax.fori_loop(0, kc * tpc, f3, 0)

        pltpu.sync_copy(qv, out_h.at[s])

    return sc_kernel


G_STATIC = 5000


def kernel(e, s, q_ref, segment_ids, num_segments):
    del num_segments
    g = G_STATIC
    n = e.shape[0]
    align = NS * W
    n_pad = -(-n // align) * align
    pad = n_pad - n
    g_pad = -(-(g + 1) // W) * W
    kc = (n_pad // NS) // W

    shape3 = (NS, kc, W)
    ef = jnp.pad(e.reshape(n), (0, pad)).reshape(shape3)
    sf = jnp.pad(s.reshape(n), (0, pad),
                 constant_values=1.0).reshape(shape3)
    qf = jnp.pad(q_ref.reshape(n), (0, pad)).reshape(shape3)
    ids_a = jnp.pad(segment_ids.astype(jnp.int32), (0, pad),
                    constant_values=g).reshape(shape3)

    out = _build(n_pad, g, g_pad)(ids_a, ef, sf, qf)
    return out.reshape(n_pad)[:n].reshape(n, 1)

# --- scband reference (transcript-rebuilt; emitter-appended) ---
"""Pipeline reference for scband-charge-equilibrium-43636867727898 (READ-ONLY COPY).

The authoritative reference and input builder live on the scoring server;
editing this copy changes nothing except your own understanding.
"""

import jax, jax.numpy as jnp
import numpy as np

N = 100000
G = 5000

def setup_inputs(seed: int = 0) -> dict:
    key = jax.random.key(seed)
    k1, k2, k3, k4 = jax.random.split(key, 4)
    # electronegativity
    e = jax.random.normal(k1, (N, 1), dtype=jnp.float32)
    # hardness: strictly positive, bounded away from zero
    s = jax.random.uniform(k2, (N, 1), dtype=jnp.float32, minval=0.5, maxval=1.5)
    # reference per-atom charges (q_ref present -> total_charge = sum_nodes(q_ref))
    q_ref = jax.random.normal(k3, (N, 1), dtype=jnp.float32) * 0.1
    # molecule (graph) id for each node, sorted as in a batched DGL graph
    segment_ids = jnp.sort(jax.random.randint(k4, (N,), 0, G)).astype(jnp.int32)
    return {"e": e, "s": s, "q_ref": q_ref, "segment_ids": segment_ids, "num_segments": G}

def reference(e, s, q_ref, segment_ids, num_segments):
    # g.apply_nodes: s_inv = s ** -1 ; e_s_inv = e * s ** -1
    s_inv = s ** (-1)
    e_s_inv = e * s_inv
    segment_ids = (segment_ids % num_segments).astype(jnp.int32)
    # dgl.sum_nodes(g, 'q_ref') -> per-molecule total charge Q
    total_charge = jax.ops.segment_sum(q_ref, segment_ids, num_segments=G)
    # dgl.sum_nodes(g, 's_inv'), dgl.sum_nodes(g, 'e_s_inv')
    sum_s_inv = jax.ops.segment_sum(s_inv, segment_ids, num_segments=G)
    sum_e_s_inv = jax.ops.segment_sum(e_s_inv, segment_ids, num_segments=G)
    # dgl.broadcast_nodes: gather per-molecule sums back to nodes
    sum_q_n = total_charge[segment_ids]
    sum_s_inv_n = sum_s_inv[segment_ids]
    sum_e_s_inv_n = sum_e_s_inv[segment_ids]
    # get_charges: q_i = -e_i / s_i + (1/s_i) * (Q + sum_j e_j/s_j) / (sum_j 1/s_j)
    q = -e * s_inv + s_inv * jnp.divide(sum_q_n + sum_e_s_inv_n, sum_s_inv_n)
    return q

if __name__ == "__main__":
    import jax
    _d = setup_inputs()
    print(jax.jit(kernel)(*tuple(_d.values())))

</pallas_src>

<mosaic_0001>
#map = affine_map<(d0, d1) -> (0, 0, 0)>
module attributes {stable_mosaic.version = 14 : i64} {
  func.func @sc_kernel(%arg0: i32, %arg1: i32, %arg2: memref<16x49x128xi32, #tpu.memory_space<hbm>>, %arg3: memref<16x49x128xf32, #tpu.memory_space<hbm>>, %arg4: memref<16x49x128xf32, #tpu.memory_space<hbm>>, %arg5: memref<16x49x128xf32, #tpu.memory_space<hbm>>, %arg6: memref<16x49x128xf32, #tpu.memory_space<hbm>>, %arg7: memref<49x128xi32, #tpu.memory_space<vmem>>, %arg8: memref<49x128xf32, #tpu.memory_space<vmem>>, %arg9: memref<49x128xf32, #tpu.memory_space<vmem>>, %arg10: memref<49x128xf32, #tpu.memory_space<vmem>>, %arg11: memref<49x128xf32, #tpu.memory_space<vmem>>, %arg12: memref<49x128xf32, #tpu.memory_space<vmem>>, %arg13: memref<5120xf32, #tpu.memory_space<vmem>>, %arg14: memref<320xf32, #tpu.memory_space<vmem>>, %arg15: memref<320xf32, #tpu.memory_space<vmem>>, %arg16: memref<5120xf32, #tpu.memory_space<vmem_shared>>, %arg17: memref<5120xf32, #tpu.memory_space<vmem_shared>>, %arg18: memref<!tpu.dma_semaphore, #tpu.memory_space<semaphore_mem>>) attributes {dimension_semantics = [#tpu.dimension_semantics<core_parallel>, #tpu.dimension_semantics<subcore_parallel>], iteration_bounds = array<i64: 1, 16>, scalar_prefetch = 0 : i64, scratch_operands = 12 : i64, tpu.core_type = #tpu.core_type<sc_vector_subcore>, window_params = [{transform_indices = #map}, {transform_indices = #map}, {transform_indices = #map}, {transform_indices = #map}, {transform_indices = #map}]} {
    %dma_start3A = arith.constant 0 : i32
    %dma_start3A_0 = arith.constant 0 : i32
    %dma_start3A_1 = tpu.memref_slice %arg2[%arg1, %dma_start3A, %dma_start3A_0] : memref<16x49x128xi32, #tpu.memory_space<hbm>> -> memref<1x49x128xi32, #tpu.memory_space<hbm>>
    %dma_start3A_2 = tpu.memref_squeeze %dma_start3A_1 : memref<1x49x128xi32, #tpu.memory_space<hbm>> -> memref<49x128xi32, #tpu.memory_space<hbm>>
    %dma_start3A_3 = arith.constant 0 : i32
    %dma_start3A_4 = arith.constant 0 : i32
    %dma_start3A_5 = tpu.memref_slice %arg2[%arg1, %dma_start3A_3, %dma_start3A_4] : memref<16x49x128xi32, #tpu.memory_space<hbm>> -> memref<1x49x128xi32, #tpu.memory_space<hbm>>
    %dma_start3A_6 = tpu.memref_squeeze %dma_start3A_5 : memref<1x49x128xi32, #tpu.memory_space<hbm>> -> memref<49x128xi32, #tpu.memory_space<hbm>>
    tpu.enqueue_dma source(%dma_start3A_6 : memref<49x128xi32, #tpu.memory_space<hbm>>) target(%arg7 : memref<49x128xi32, #tpu.memory_space<vmem>>) target_semaphore(%arg18 : memref<!tpu.dma_semaphore, #tpu.memory_space<semaphore_mem>>)
    %dma_start3A_7 = arith.constant 0 : i32
    %dma_start3A_8 = arith.constant 0 : i32
    %dma_start3A_9 = tpu.memref_slice %arg3[%arg1, %dma_start3A_7, %dma_start3A_8] : memref<16x49x128xf32, #tpu.memory_space<hbm>> -> memref<1x49x128xf32, #tpu.memory_space<hbm>>
    %dma_start3A_10 = tpu.memref_squeeze %dma_start3A_9 : memref<1x49x128xf32, #tpu.memory_space<hbm>> -> memref<49x128xf32, #tpu.memory_space<hbm>>
    %dma_start3A_11 = arith.constant 0 : i32
    %dma_start3A_12 = arith.constant 0 : i32
    %dma_start3A_13 = tpu.memref_slice %arg3[%arg1, %dma_start3A_11, %dma_start3A_12] : memref<16x49x128xf32, #tpu.memory_space<hbm>> -> memref<1x49x128xf32, #tpu.memory_space<hbm>>
    %dma_start3A_14 = tpu.memref_squeeze %dma_start3A_13 : memref<1x49x128xf32, #tpu.memory_space<hbm>> -> memref<49x128xf32, #tpu.memory_space<hbm>>
    tpu.enqueue_dma source(%dma_start3A_14 : memref<49x128xf32, #tpu.memory_space<hbm>>) target(%arg10 : memref<49x128xf32, #tpu.memory_space<vmem>>) target_semaphore(%arg18 : memref<!tpu.dma_semaphore, #tpu.memory_space<semaphore_mem>>)
    %dma_start3A_15 = arith.constant 0 : i32
    %dma_start3A_16 = arith.constant 0 : i32
    %dma_start3A_17 = tpu.memref_slice %arg4[%arg1, %dma_start3A_15, %dma_start3A_16] : memref<16x49x128xf32, #tpu.memory_space<hbm>> -> memref<1x49x128xf32, #tpu.memory_space<hbm>>
    %dma_start3A_18 = tpu.memref_squeeze %dma_start3A_17 : memref<1x49x128xf32, #tpu.memory_space<hbm>> -> memref<49x128xf32, #tpu.memory_space<hbm>>
    %dma_start3A_19 = arith.constant 0 : i32
    %dma_start3A_20 = arith.constant 0 : i32
    %dma_start3A_21 = tpu.memref_slice %arg4[%arg1, %dma_start3A_19, %dma_start3A_20] : memref<16x49x128xf32, #tpu.memory_space<hbm>> -> memref<1x49x128xf32, #tpu.memory_space<hbm>>
    %dma_start3A_22 = tpu.memref_squeeze %dma_start3A_21 : memref<1x49x128xf32, #tpu.memory_space<hbm>> -> memref<49x128xf32, #tpu.memory_space<hbm>>
    tpu.enqueue_dma source(%dma_start3A_22 : memref<49x128xf32, #tpu.memory_space<hbm>>) target(%arg11 : memref<49x128xf32, #tpu.memory_space<vmem>>) target_semaphore(%arg18 : memref<!tpu.dma_semaphore, #tpu.memory_space<semaphore_mem>>)
    %dma_start3A_23 = arith.constant 0 : i32
    %dma_start3A_24 = arith.constant 0 : i32
    %dma_start3A_25 = tpu.memref_slice %arg5[%arg1, %dma_start3A_23, %dma_start3A_24] : memref<16x49x128xf32, #tpu.memory_space<hbm>> -> memref<1x49x128xf32, #tpu.memory_space<hbm>>
    %dma_start3A_26 = tpu.memref_squeeze %dma_start3A_25 : memref<1x49x128xf32, #tpu.memory_space<hbm>> -> memref<49x128xf32, #tpu.memory_space<hbm>>
    %dma_start3A_27 = arith.constant 0 : i32
    %dma_start3A_28 = arith.constant 0 : i32
    %dma_start3A_29 = tpu.memref_slice %arg5[%arg1, %dma_start3A_27, %dma_start3A_28] : memref<16x49x128xf32, #tpu.memory_space<hbm>> -> memref<1x49x128xf32, #tpu.memory_space<hbm>>
    %dma_start3A_30 = tpu.memref_squeeze %dma_start3A_29 : memref<1x49x128xf32, #tpu.memory_space<hbm>> -> memref<49x128xf32, #tpu.memory_space<hbm>>
    tpu.enqueue_dma source(%dma_start3A_30 : memref<49x128xf32, #tpu.memory_space<hbm>>) target(%arg12 : memref<49x128xf32, #tpu.memory_space<vmem>>) target_semaphore(%arg18 : memref<!tpu.dma_semaphore, #tpu.memory_space<semaphore_mem>>)
    %broadcast_in_dim3A = arith.constant 0.000000e+00 : f32
    %broadcast_in_dim3A_31 = vector.broadcast %broadcast_in_dim3A : f32 to vector<16xf32>
    %scan3A = arith.constant 0 : i32
    %scan3A_32 = arith.constant 0 : i32
    %scan3A_33 = arith.constant 20 : i32
    %scan3A_34 = arith.addi %scan3A_32, %scan3A_33 : i32
    %scan3A_35 = arith.constant 1 : i32
    scf.for %scan3A_2053 = %scan3A_32 to %scan3A_34 step %scan3A_35  : i32 {
      %mul3A_2054 = arith.constant 16 : i32
      %mul3A_2055 = arith.muli %scan3A_2053, %mul3A_2054 : i32
      %swap3A = arith.index_cast %mul3A_2055 : i32 to index
      %swap3A_2056 = tpu.vector_load %arg14[%swap3A] {strides = array<i32>} : memref<320xf32, #tpu.memory_space<vmem>>, vector<16xf32>,
      tpu.vector_store %arg14[%swap3A], %broadcast_in_dim3A_31 {strides = array<i32>} : memref<320xf32, #tpu.memory_space<vmem>>, vector<16xf32>,
    }
    %scan3A_36 = arith.constant 20 : i32
    %mul3A = arith.constant 320 : i32
    %mul3A_37 = arith.muli %arg1, %mul3A : i32
    "tpu.region"() ({
      %run_scoped3A = tpu.sem_alloc : memref<!tpu.dma_semaphore, #tpu.memory_space<semaphore_mem>>
      %dma_start3A_2053 = tpu.memref_slice %arg16[%mul3A_37] : memref<5120xf32, #tpu.memory_space<vmem_shared>> -> memref<320xf32, #tpu.memory_space<vmem_shared>>
      %dma_start3A_2054 = tpu.memref_slice %arg16[%mul3A_37] : memref<5120xf32, #tpu.memory_space<vmem_shared>> -> memref<320xf32, #tpu.memory_space<vmem_shared>>
      tpu.enqueue_dma source(%arg14 : memref<320xf32, #tpu.memory_space<vmem>>) target(%dma_start3A_2054 : memref<320xf32, #tpu.memory_space<vmem_shared>>) target_semaphore(%run_scoped3A : memref<!tpu.dma_semaphore, #tpu.memory_space<semaphore_mem>>)
      %dma_wait3A_2055 = tpu.memref_slice %arg16[%mul3A_37] : memref<5120xf32, #tpu.memory_space<vmem_shared>> -> memref<320xf32, #tpu.memory_space<vmem_shared>>
      %dma_wait3A_2056 = tpu.memref_slice %arg16[%mul3A_37] : memref<5120xf32, #tpu.memory_space<vmem_shared>> -> memref<320xf32, #tpu.memory_space<vmem_shared>>
      tpu.wait_dma2 semaphore(%run_scoped3A : memref<!tpu.dma_semaphore, #tpu.memory_space<semaphore_mem>>) src(%arg14 : memref<320xf32, #tpu.memory_space<vmem>>) dst(%dma_wait3A_2056 : memref<320xf32, #tpu.memory_space<vmem_shared>>)
      tpu.yield
    }) : () -> ()
    "tpu.region"() ({
      %run_scoped3A = tpu.sem_alloc : memref<!tpu.dma_semaphore, #tpu.memory_space<semaphore_mem>>
      %dma_start3A_2053 = tpu.memref_slice %arg17[%mul3A_37] : memref<5120xf32, #tpu.memory_space<vmem_shared>> -> memref<320xf32, #tpu.memory_space<vmem_shared>>
      %dma_start3A_2054 = tpu.memref_slice %arg17[%mul3A_37] : memref<5120xf32, #tpu.memory_space<vmem_shared>> -> memref<320xf32, #tpu.memory_space<vmem_shared>>
      tpu.enqueue_dma source(%arg14 : memref<320xf32, #tpu.memory_space<vmem>>) target(%dma_start3A_2054 : memref<320xf32, #tpu.memory_space<vmem_shared>>) target_semaphore(%run_scoped3A : memref<!tpu.dma_semaphore, #tpu.memory_space<semaphore_mem>>)
      %dma_wait3A_2055 = tpu.memref_slice %arg17[%mul3A_37] : memref<5120xf32, #tpu.memory_space<vmem_shared>> -> memref<320xf32, #tpu.memory_space<vmem_shared>>
      %dma_wait3A_2056 = tpu.memref_slice %arg17[%mul3A_37] : memref<5120xf32, #tpu.memory_space<vmem_shared>> -> memref<320xf32, #tpu.memory_space<vmem_shared>>
      tpu.wait_dma2 semaphore(%run_scoped3A : memref<!tpu.dma_semaphore, #tpu.memory_space<semaphore_mem>>) src(%arg14 : memref<320xf32, #tpu.memory_space<vmem>>) dst(%dma_wait3A_2056 : memref<320xf32, #tpu.memory_space<vmem_shared>>)
      tpu.yield
    }) : () -> ()
    %dma_wait3A = arith.constant 0 : i32
    %dma_wait3A_38 = arith.constant 0 : i32
    %dma_wait3A_39 = tpu.memref_slice %arg2[%arg1, %dma_wait3A, %dma_wait3A_38] : memref<16x49x128xi32, #tpu.memory_space<hbm>> -> memref<1x49x128xi32, #tpu.memory_space<hbm>>
    %dma_wait3A_40 = tpu.memref_squeeze %dma_wait3A_39 : memref<1x49x128xi32, #tpu.memory_space<hbm>> -> memref<49x128xi32, #tpu.memory_space<hbm>>
    %dma_wait3A_41 = arith.constant 0 : i32
    %dma_wait3A_42 = arith.constant 0 : i32
    %dma_wait3A_43 = tpu.memref_slice %arg2[%arg1, %dma_wait3A_41, %dma_wait3A_42] : memref<16x49x128xi32, #tpu.memory_space<hbm>> -> memref<1x49x128xi32, #tpu.memory_space<hbm>>
    %dma_wait3A_44 = tpu.memref_squeeze %dma_wait3A_43 : memref<1x49x128xi32, #tpu.memory_space<hbm>> -> memref<49x128xi32, #tpu.memory_space<hbm>>
    tpu.wait_dma2 semaphore(%arg18 : memref<!tpu.dma_semaphore, #tpu.memory_space<semaphore_mem>>) src(%dma_wait3A_44 : memref<49x128xi32, #tpu.memory_space<hbm>>) dst(%arg7 : memref<49x128xi32, #tpu.memory_space<vmem>>)
    %dma_wait3A_45 = arith.constant 0 : i32
    %dma_wait3A_46 = arith.constant 0 : i32
    %dma_wait3A_47 = tpu.memref_slice %arg3[%arg1, %dma_wait3A_45, %dma_wait3A_46] : memref<16x49x128xf32, #tpu.memory_space<hbm>> -> memref<1x49x128xf32, #tpu.memory_space<hbm>>
    %dma_wait3A_48 = tpu.memref_squeeze %dma_wait3A_47 : memref<1x49x128xf32, #tpu.memory_space<hbm>> -> memref<49x128xf32, #tpu.memory_space<hbm>>
    %dma_wait3A_49 = arith.constant 0 : i32
    %dma_wait3A_50 = arith.constant 0 : i32
    %dma_wait3A_51 = tpu.memref_slice %arg3[%arg1, %dma_wait3A_49, %dma_wait3A_50] : memref<16x49x128xf32, #tpu.memory_space<hbm>> -> memref<1x49x128xf32, #tpu.memory_space<hbm>>
    %dma_wait3A_52 = tpu.memref_squeeze %dma_wait3A_51 : memref<1x49x128xf32, #tpu.memory_space<hbm>> -> memref<49x128xf32, #tpu.memory_space<hbm>>
    tpu.wait_dma2 semaphore(%arg18 : memref<!tpu.dma_semaphore, #tpu.memory_space<semaphore_mem>>) src(%dma_wait3A_52 : memref<49x128xf32, #tpu.memory_space<hbm>>) dst(%arg10 : memref<49x128xf32, #tpu.memory_space<vmem>>)
    %dma_wait3A_53 = arith.constant 0 : i32
    %dma_wait3A_54 = arith.constant 0 : i32
    %dma_wait3A_55 = tpu.memref_slice %arg4[%arg1, %dma_wait3A_53, %dma_wait3A_54] : memref<16x49x128xf32, #tpu.memory_space<hbm>> -> memref<1x49x128xf32, #tpu.memory_space<hbm>>
    %dma_wait3A_56 = tpu.memref_squeeze %dma_wait3A_55 : memref<1x49x128xf32, #tpu.memory_space<hbm>> -> memref<49x128xf32, #tpu.memory_space<hbm>>
    %dma_wait3A_57 = arith.constant 0 : i32
    %dma_wait3A_58 = arith.constant 0 : i32
    %dma_wait3A_59 = tpu.memref_slice %arg4[%arg1, %dma_wait3A_57, %dma_wait3A_58] : memref<16x49x128xf32, #tpu.memory_space<hbm>> -> memref<1x49x128xf32, #tpu.memory_space<hbm>>
    %dma_wait3A_60 = tpu.memref_squeeze %dma_wait3A_59 : memref<1x49x128xf32, #tpu.memory_space<hbm>> -> memref<49x128xf32, #tpu.memory_space<hbm>>
    tpu.wait_dma2 semaphore(%arg18 : memref<!tpu.dma_semaphore, #tpu.memory_space<semaphore_mem>>) src(%dma_wait3A_60 : memref<49x128xf32, #tpu.memory_space<hbm>>) dst(%arg11 : memref<49x128xf32, #tpu.memory_space<vmem>>)
    %dma_wait3A_61 = arith.constant 0 : i32
    %dma_wait3A_62 = arith.constant 0 : i32
    %dma_wait3A_63 = tpu.memref_slice %arg5[%arg1, %dma_wait3A_61, %dma_wait3A_62] : memref<16x49x128xf32, #tpu.memory_space<hbm>> -> memref<1x49x128xf32, #tpu.memory_space<hbm>>
    %dma_wait3A_64 = tpu.memref_squeeze %dma_wait3A_63 : memref<1x49x128xf32, #tpu.memory_space<hbm>> -> memref<49x128xf32, #tpu.memory_space<hbm>>
    %dma_wait3A_65 = arith.constant 0 : i32
    %dma_wait3A_66 = arith.constant 0 : i32
    %dma_wait3A_67 = tpu.memref_slice %arg5[%arg1, %dma_wait3A_65, %dma_wait3A_66] : memref<16x49x128xf32, #tpu.memory_space<hbm>> -> memref<1x49x128xf32, #tpu.memory_space<hbm>>
    %dma_wait3A_68 = tpu.memref_squeeze %dma_wait3A_67 : memref<1x49x128xf32, #tpu.memory_space<hbm>> -> memref<49x128xf32, #tpu.memory_space<hbm>>
    tpu.wait_dma2 semaphore(%arg18 : memref<!tpu.dma_semaphore, #tpu.memory_space<semaphore_mem>>) src(%dma_wait3A_68 : memref<49x128xf32, #tpu.memory_space<hbm>>) dst(%arg12 : memref<49x128xf32, #tpu.memory_space<vmem>>)
    %broadcast_in_dim3A_69 = arith.constant 5000 : i32
    %broadcast_in_dim3A_70 = vector.broadcast %broadcast_in_dim3A_69 : i32 to vector<16xi32>
    %broadcast_in_dim3A_71 = arith.constant 0 : i32
    %broadcast_in_dim3A_72 = vector.broadcast %broadcast_in_dim3A_71 : i32 to vector<16xi32>
    %scan3A_73 = arith.constant 0 : i32
    %scan3A_74 = arith.constant 0 : i32
    %scan3A_75 = arith.constant 392 : i32
    %scan3A_76 = arith.addi %scan3A_74, %scan3A_75 : i32
    %scan3A_77 = arith.constant 1 : i32
    scf.for %scan3A_2053 = %scan3A_74 to %scan3A_76 step %scan3A_77  : i32 {
      %jit3A = arith.constant 8 : i32
      %div3A = arith.divsi %scan3A_2053, %jit3A : i32
      %sign3A = arith.constant 0 : i32
      %sign3A_2054 = arith.cmpi sgt, %scan3A_2053, %sign3A : i32
      %sign3A_2055 = arith.extui %sign3A_2054 : i1 to i32
      %sign3A_2056 = arith.constant 0 : i32
      %sign3A_2057 = arith.cmpi slt, %scan3A_2053, %sign3A_2056 : i32
      %sign3A_2058 = arith.extui %sign3A_2057 : i1 to i32
      %sign3A_2059 = arith.subi %sign3A_2055, %sign3A_2058 : i32
      %sign3A_2060 = arith.constant 0 : i32
      %sign3A_2061 = arith.cmpi sgt, %jit3A, %sign3A_2060 : i32
      %sign3A_2062 = arith.extui %sign3A_2061 : i1 to i32
      %sign3A_2063 = arith.constant 0 : i32
      %sign3A_2064 = arith.cmpi slt, %jit3A, %sign3A_2063 : i32
      %sign3A_2065 = arith.extui %sign3A_2064 : i1 to i32
      %sign3A_2066 = arith.subi %sign3A_2062, %sign3A_2065 : i32
      %ne3A = arith.cmpi ne, %sign3A_2059, %sign3A_2066 : i32
      %rem3A = arith.remsi %scan3A_2053, %jit3A : i32
      %ne3A_2067 = arith.constant 0 : i32
      %ne3A_2068 = arith.cmpi ne, %rem3A, %ne3A_2067 : i32
      %and3A = arith.andi %ne3A, %ne3A_2068 : i1
      %sub3A = arith.constant 1 : i32
      %sub3A_2069 = arith.subi %div3A, %sub3A : i32
      %select_n3A = arith.select %and3A, %sub3A_2069, %div3A : i32
      %jit3A_2070 = arith.constant 8 : i32
      %eq3A = arith.constant 0 : i32
      %eq3A_2071 = arith.cmpi eq, %jit3A_2070, %eq3A : i32
      %jit3A_2072 = arith.constant 1 : i32
      %select_n3A_2073 = arith.select %eq3A_2071, %jit3A_2072, %jit3A_2070 : i32
      %rem3A_2074 = arith.remsi %scan3A_2053, %select_n3A_2073 : i32
      %ne3A_2075 = arith.constant 0 : i32
      %ne3A_2076 = arith.cmpi ne, %rem3A_2074, %ne3A_2075 : i32
      %lt3A = arith.constant 0 : i32
      %lt3A_2077 = arith.cmpi slt, %rem3A_2074, %lt3A : i32
      %lt3A_2078 = arith.constant 0 : i32
      %lt3A_2079 = arith.cmpi slt, %select_n3A_2073, %lt3A_2078 : i32
      %ne3A_2080 = arith.xori %lt3A_2077, %lt3A_2079 : i1
      %and3A_2081 = arith.andi %ne3A_2080, %ne3A_2076 : i1
      %add3A = arith.addi %rem3A_2074, %select_n3A_2073 : i32
      %select_n3A_2082 = arith.select %and3A_2081, %add3A, %rem3A_2074 : i32
      %mul3A_2083 = arith.constant 16 : i32
      %mul3A_2084 = arith.muli %select_n3A_2082, %mul3A_2083 : i32
      %get3A = arith.index_cast %select_n3A : i32 to index
      %get3A_2085 = arith.index_cast %mul3A_2084 : i32 to index
      %get3A_2086 = tpu.vector_load %arg7[%get3A, %get3A_2085] {strides = array<i32>} : memref<49x128xi32, #tpu.memory_space<vmem>>, vector<16xi32>,
      %max3A = arith.maxsi %get3A_2086, %broadcast_in_dim3A_72 : vector<16xi32>
      %min3A = arith.minsi %max3A, %broadcast_in_dim3A_70 : vector<16xi32>
      %swap3A = arith.index_cast %select_n3A : i32 to index
      %swap3A_2087 = arith.index_cast %mul3A_2084 : i32 to index
      %swap3A_2088 = tpu.vector_load %arg7[%swap3A, %swap3A_2087] {strides = array<i32>} : memref<49x128xi32, #tpu.memory_space<vmem>>, vector<16xi32>,
      tpu.vector_store %arg7[%swap3A, %swap3A_2087], %min3A {strides = array<i32>} : memref<49x128xi32, #tpu.memory_space<vmem>>, vector<16xi32>,
      %get3A_2089 = arith.index_cast %select_n3A : i32 to index
      %get3A_2090 = arith.index_cast %mul3A_2084 : i32 to index
      %get3A_2091 = tpu.vector_load %arg11[%get3A_2089, %get3A_2090] {strides = array<i32>} : memref<49x128xf32, #tpu.memory_space<vmem>>, vector<16xf32>,
      %div3A_2092 = arith.constant 1.000000e+00 : f32
      %div3A_2093 = vector.broadcast %div3A_2092 : f32 to vector<16xf32>
      %div3A_2094 = arith.divf %div3A_2093, %get3A_2091 : vector<16xf32>
      %get3A_2095 = arith.index_cast %select_n3A : i32 to index
      %get3A_2096 = arith.index_cast %mul3A_2084 : i32 to index
      %get3A_2097 = tpu.vector_load %arg12[%get3A_2095, %get3A_2096] {strides = array<i32>} : memref<49x128xf32, #tpu.memory_space<vmem>>, vector<16xf32>,
      %get3A_2098 = arith.index_cast %select_n3A : i32 to index
      %get3A_2099 = arith.index_cast %mul3A_2084 : i32 to index
      %get3A_2100 = tpu.vector_load %arg10[%get3A_2098, %get3A_2099] {strides = array<i32>} : memref<49x128xf32, #tpu.memory_space<vmem>>, vector<16xf32>,
      %mul3A_2101 = arith.mulf %get3A_2100, %div3A_2094 : vector<16xf32>
      %add3A_2102 = arith.addf %get3A_2097, %mul3A_2101 : vector<16xf32>
      %swap3A_2103 = arith.index_cast %select_n3A : i32 to index
      %swap3A_2104 = arith.index_cast %mul3A_2084 : i32 to index
      %swap3A_2105 = tpu.vector_load %arg8[%swap3A_2103, %swap3A_2104] {strides = array<i32>} : memref<49x128xf32, #tpu.memory_space<vmem>>, vector<16xf32>,
      tpu.vector_store %arg8[%swap3A_2103, %swap3A_2104], %add3A_2102 {strides = array<i32>} : memref<49x128xf32, #tpu.memory_space<vmem>>, vector<16xf32>,
      %swap3A_2106 = arith.index_cast %select_n3A : i32 to index
      %swap3A_2107 = arith.index_cast %mul3A_2084 : i32 to index
      %swap3A_2108 = tpu.vector_load %arg9[%swap3A_2106, %swap3A_2107] {strides = array<i32>} : memref<49x128xf32, #tpu.memory_space<vmem>>, vector<16xf32>,
      tpu.vector_store %arg9[%swap3A_2106, %swap3A_2107], %div3A_2094 {strides = array<i32>} : memref<49x128xf32, #tpu.memory_space<vmem>>, vector<16xf32>,
    }
    %scan3A_78 = arith.constant 392 : i32
    %barrier3A = arith.constant 0 : index
    tpu.barrier barrier_id(%barrier3A)
    %dma_start3A_79 = arith.constant 0 : i32
    %dma_start3A_80 = arith.constant 0 : i32
    %dma_start3A_81 = arith.constant 0 : i32
    %dma_start3A_82 = tpu.memref_slice %arg8[%dma_start3A_79, %dma_start3A_81] : memref<49x128xf32, #tpu.memory_space<vmem>> -> memref<1x128xf32, #tpu.memory_space<vmem>>
    %dma_start3A_83 = tpu.memref_squeeze %dma_start3A_82 : memref<1x128xf32, #tpu.memory_space<vmem>> -> memref<128xf32, #tpu.memory_space<vmem>>
    %dma_start3A_84 = arith.constant 0 : i32
    %dma_start3A_85 = tpu.memref_slice %arg7[%dma_start3A_80, %dma_start3A_84] : memref<49x128xi32, #tpu.memory_space<vmem>> -> memref<1x128xi32, #tpu.memory_space<vmem>>
    %dma_start3A_86 = tpu.memref_squeeze %dma_start3A_85 : memref<1x128xi32, #tpu.memory_space<vmem>> -> memref<128xi32, #tpu.memory_space<vmem>>
    %dma_start3A_87 = arith.constant 0 : i32
    %dma_start3A_88 = tpu.memref_slice %arg16[%dma_start3A_87] : memref<5120xf32, #tpu.memory_space<vmem_shared>> -> memref<5120xf32, #tpu.memory_space<vmem_shared>>
    tpu.enqueue_indirect_dma source(%dma_start3A_83 : memref<128xf32, #tpu.memory_space<vmem>>) target(%dma_start3A_88 : memref<5120xf32, #tpu.memory_space<vmem_shared>>) offsets(%dma_start3A_86 : memref<128xi32, #tpu.memory_space<vmem>>) semaphore(%arg18 : memref<!tpu.dma_semaphore, #tpu.memory_space<semaphore_mem>>) {add = true}
    %dma_start3A_89 = arith.constant 0 : i32
    %dma_start3A_90 = arith.constant 0 : i32
    %dma_start3A_91 = arith.constant 0 : i32
    %dma_start3A_92 = tpu.memref_slice %arg9[%dma_start3A_89, %dma_start3A_91] : memref<49x128xf32, #tpu.memory_space<vmem>> -> memref<1x128xf32, #tpu.memory_space<vmem>>
    %dma_start3A_93 = tpu.memref_squeeze %dma_start3A_92 : memref<1x128xf32, #tpu.memory_space<vmem>> -> memref<128xf32, #tpu.memory_space<vmem>>
    %dma_start3A_94 = arith.constant 0 : i32
    %dma_start3A_95 = tpu.memref_slice %arg7[%dma_start3A_90, %dma_start3A_94] : memref<49x128xi32, #tpu.memory_space<vmem>> -> memref<1x128xi32, #tpu.memory_space<vmem>>
    %dma_start3A_96 = tpu.memref_squeeze %dma_start3A_95 : memref<1x128xi32, #tpu.memory_space<vmem>> -> memref<128xi32, #tpu.memory_space<vmem>>
    %dma_start3A_97 = arith.constant 0 : i32
    %dma_start3A_98 = tpu.memref_slice %arg17[%dma_start3A_97] : memref<5120xf32, #tpu.memory_space<vmem_shared>> -> memref<5120xf32, #tpu.memory_space<vmem_shared>>
    tpu.enqueue_indirect_dma source(%dma_start3A_93 : memref<128xf32, #tpu.memory_space<vmem>>) target(%dma_start3A_98 : memref<5120xf32, #tpu.memory_space<vmem_shared>>) offsets(%dma_start3A_96 : memref<128xi32, #tpu.memory_space<vmem>>) semaphore(%arg18 : memref<!tpu.dma_semaphore, #tpu.memory_space<semaphore_mem>>) {add = true}
    %dma_start3A_99 = arith.constant 1 : i32
    %dma_start3A_100 = arith.constant 1 : i32
    %dma_start3A_101 = arith.constant 0 : i32
    %dma_start3A_102 = tpu.memref_slice %arg8[%dma_start3A_99, %dma_start3A_101] : memref<49x128xf32, #tpu.memory_space<vmem>> -> memref<1x128xf32, #tpu.memory_space<vmem>>
    %dma_start3A_103 = tpu.memref_squeeze %dma_start3A_102 : memref<1x128xf32, #tpu.memory_space<vmem>> -> memref<128xf32, #tpu.memory_space<vmem>>
    %dma_start3A_104 = arith.constant 0 : i32
    %dma_start3A_105 = tpu.memref_slice %arg7[%dma_start3A_100, %dma_start3A_104] : memref<49x128xi32, #tpu.memory_space<vmem>> -> memref<1x128xi32, #tpu.memory_space<vmem>>
    %dma_start3A_106 = tpu.memref_squeeze %dma_start3A_105 : memref<1x128xi32, #tpu.memory_space<vmem>> -> memref<128xi32, #tpu.memory_space<vmem>>
    %dma_start3A_107 = arith.constant 0 : i32
    %dma_start3A_108 = tpu.memref_slice %arg16[%dma_start3A_107] : memref<5120xf32, #tpu.memory_space<vmem_shared>> -> memref<5120xf32, #tpu.memory_space<vmem_shared>>
    tpu.enqueue_indirect_dma source(%dma_start3A_103 : memref<128xf32, #tpu.memory_space<vmem>>) target(%dma_start3A_108 : memref<5120xf32, #tpu.memory_space<vmem_shared>>) offsets(%dma_start3A_106 : memref<128xi32, #tpu.memory_space<vmem>>) semaphore(%arg18 : memref<!tpu.dma_semaphore, #tpu.memory_space<semaphore_mem>>) {add = true}
    %dma_start3A_109 = arith.constant 1 : i32
    %dma_start3A_110 = arith.constant 1 : i32
    %dma_start3A_111 = arith.constant 0 : i32
    %dma_start3A_112 = tpu.memref_slice %arg9[%dma_start3A_109, %dma_start3A_111] : memref<49x128xf32, #tpu.memory_space<vmem>> -> memref<1x128xf32, #tpu.memory_space<vmem>>
    %dma_start3A_113 = tpu.memref_squeeze %dma_start3A_112 : memref<1x128xf32, #tpu.memory_space<vmem>> -> memref<128xf32, #tpu.memory_space<vmem>>
    %dma_start3A_114 = arith.constant 0 : i32
    %dma_start3A_115 = tpu.memref_slice %arg7[%dma_start3A_110, %dma_start3A_114] : memref<49x128xi32, #tpu.memory_space<vmem>> -> memref<1x128xi32, #tpu.memory_space<vmem>>
    %dma_start3A_116 = tpu.memref_squeeze %dma_start3A_115 : memref<1x128xi32, #tpu.memory_space<vmem>> -> memref<128xi32, #tpu.memory_space<vmem>>
    %dma_start3A_117 = arith.constant 0 : i32
    %dma_start3A_118 = tpu.memref_slice %arg17[%dma_start3A_117] : memref<5120xf32, #tpu.memory_space<vmem_shared>> -> memref<5120xf32, #tpu.memory_space<vmem_shared>>
    tpu.enqueue_indirect_dma source(%dma_start3A_113 : memref<128xf32, #tpu.memory_space<vmem>>) target(%dma_start3A_118 : memref<5120xf32, #tpu.memory_space<vmem_shared>>) offsets(%dma_start3A_116 : memref<128xi32, #tpu.memory_space<vmem>>) semaphore(%arg18 : memref<!tpu.dma_semaphore, #tpu.memory_space<semaphore_mem>>) {add = true}
    %dma_start3A_119 = arith.constant 2 : i32
    %dma_start3A_120 = arith.constant 2 : i32
    %dma_start3A_121 = arith.constant 0 : i32
    %dma_start3A_122 = tpu.memref_slice %arg8[%dma_start3A_119, %dma_start3A_121] : memref<49x128xf32, #tpu.memory_space<vmem>> -> memref<1x128xf32, #tpu.memory_space<vmem>>
    %dma_start3A_123 = tpu.memref_squeeze %dma_start3A_122 : memref<1x128xf32, #tpu.memory_space<vmem>> -> memref<128xf32, #tpu.memory_space<vmem>>
    %dma_start3A_124 = arith.constant 0 : i32
    %dma_start3A_125 = tpu.memref_slice %arg7[%dma_start3A_120, %dma_start3A_124] : memref<49x128xi32, #tpu.memory_space<vmem>> -> memref<1x128xi32, #tpu.memory_space<vmem>>
    %dma_start3A_126 = tpu.memref_squeeze %dma_start3A_125 : memref<1x128xi32, #tpu.memory_space<vmem>> -> memref<128xi32, #tpu.memory_space<vmem>>
    %dma_start3A_127 = arith.constant 0 : i32
    %dma_start3A_128 = tpu.memref_slice %arg16[%dma_start3A_127] : memref<5120xf32, #tpu.memory_space<vmem_shared>> -> memref<5120xf32, #tpu.memory_space<vmem_shared>>
    tpu.enqueue_indirect_dma source(%dma_start3A_123 : memref<128xf32, #tpu.memory_space<vmem>>) target(%dma_start3A_128 : memref<5120xf32, #tpu.memory_space<vmem_shared>>) offsets(%dma_start3A_126 : memref<128xi32, #tpu.memory_space<vmem>>) semaphore(%arg18 : memref<!tpu.dma_semaphore, #tpu.memory_space<semaphore_mem>>) {add = true}
    %dma_start3A_129 = arith.constant 2 : i32
    %dma_start3A_130 = arith.constant 2 : i32
    %dma_start3A_131 = arith.constant 0 : i32
    %dma_start3A_132 = tpu.memref_slice %arg9[%dma_start3A_129, %dma_start3A_131] : memref<49x128xf32, #tpu.memory_space<vmem>> -> memref<1x128xf32, #tpu.memory_space<vmem>>
    %dma_start3A_133 = tpu.memref_squeeze %dma_start3A_132 : memref<1x128xf32, #tpu.memory_space<vmem>> -> memref<128xf32, #tpu.memory_space<vmem>>
    %dma_start3A_134 = arith.constant 0 : i32
    %dma_start3A_135 = tpu.memref_slice %arg7[%dma_start3A_130, %dma_start3A_134] : memref<49x128xi32, #tpu.memory_space<vmem>> -> memref<1x128xi32, #tpu.memory_space<vmem>>
    %dma_start3A_136 = tpu.memref_squeeze %dma_start3A_135 : memref<1x128xi32, #tpu.memory_space<vmem>> -> memref<128xi32, #tpu.memory_space<vmem>>
    %dma_start3A_137 = arith.constant 0 : i32
    %dma_start3A_138 = tpu.memref_slice %arg17[%dma_start3A_137] : memref<5120xf32, #tpu.memory_space<vmem_shared>> -> memref<5120xf32, #tpu.memory_space<vmem_shared>>
    tpu.enqueue_indirect_dma source(%dma_start3A_133 : memref<128xf32, #tpu.memory_space<vmem>>) target(%dma_start3A_138 : memref<5120xf32, #tpu.memory_space<vmem_shared>>) offsets(%dma_start3A_136 : memref<128xi32, #tpu.memory_space<vmem>>) semaphore(%arg18 : memref<!tpu.dma_semaphore, #tpu.memory_space<semaphore_mem>>) {add = true}
    %dma_start3A_139 = arith.constant 3 : i32
    %dma_start3A_140 = arith.constant 3 : i32
    %dma_start3A_141 = arith.constant 0 : i32
    %dma_start3A_142 = tpu.memref_slice %arg8[%dma_start3A_139, %dma_start3A_141] : memref<49x128xf32, #tpu.memory_space<vmem>> -> memref<1x128xf32, #tpu.memory_space<vmem>>
    %dma_start3A_143 = tpu.memref_squeeze %dma_start3A_142 : memref<1x128xf32, #tpu.memory_space<vmem>> -> memref<128xf32, #tpu.memory_space<vmem>>
    %dma_start3A_144 = arith.constant 0 : i32
    %dma_start3A_145 = tpu.memref_slice %arg7[%dma_start3A_140, %dma_start3A_144] : memref<49x128xi32, #tpu.memory_space<vmem>> -> memref<1x128xi32, #tpu.memory_space<vmem>>
    %dma_start3A_146 = tpu.memref_squeeze %dma_start3A_145 : memref<1x128xi32, #tpu.memory_space<vmem>> -> memref<128xi32, #tpu.memory_space<vmem>>
    %dma_start3A_147 = arith.constant 0 : i32
    %dma_start3A_148 = tpu.memref_slice %arg16[%dma_start3A_147] : memref<5120xf32, #tpu.memory_space<vmem_shared>> -> memref<5120xf32, #tpu.memory_space<vmem_shared>>
    tpu.enqueue_indirect_dma source(%dma_start3A_143 : memref<128xf32, #tpu.memory_space<vmem>>) target(%dma_start3A_148 : memref<5120xf32, #tpu.memory_space<vmem_shared>>) offsets(%dma_start3A_146 : memref<128xi32, #tpu.memory_space<vmem>>) semaphore(%arg18 : memref<!tpu.dma_semaphore, #tpu.memory_space<semaphore_mem>>) {add = true}
    %dma_start3A_149 = arith.constant 3 : i32
    %dma_start3A_150 = arith.constant 3 : i32
    %dma_start3A_151 = arith.constant 0 : i32
    %dma_start3A_152 = tpu.memref_slice %arg9[%dma_start3A_149, %dma_start3A_151] : memref<49x128xf32, #tpu.memory_space<vmem>> -> memref<1x128xf32, #tpu.memory_space<vmem>>
    %dma_start3A_153 = tpu.memref_squeeze %dma_start3A_152 : memref<1x128xf32, #tpu.memory_space<vmem>> -> memref<128xf32, #tpu.memory_space<vmem>>
    %dma_start3A_154 = arith.constant 0 : i32
    %dma_start3A_155 = tpu.memref_slice %arg7[%dma_start3A_150, %dma_start3A_154] : memref<49x128xi32, #tpu.memory_space<vmem>> -> memref<1x128xi32, #tpu.memory_space<vmem>>
    %dma_start3A_156 = tpu.memref_squeeze %dma_start3A_155 : memref<1x128xi32, #tpu.memory_space<vmem>> -> memref<128xi32, #tpu.memory_space<vmem>>
    %dma_start3A_157 = arith.constant 0 : i32
    %dma_start3A_158 = tpu.memref_slice %arg17[%dma_start3A_157] : memref<5120xf32, #tpu.memory_space<vmem_shared>> -> memref<5120xf32, #tpu.memory_space<vmem_shared>>
    tpu.enqueue_indirect_dma source(%dma_start3A_153 : memref<128xf32, #tpu.memory_space<vmem>>) target(%dma_start3A_158 : memref<5120xf32, #tpu.memory_space<vmem_shared>>) offsets(%dma_start3A_156 : memref<128xi32, #tpu.memory_space<vmem>>) semaphore(%arg18 : memref<!tpu.dma_semaphore, #tpu.memory_space<semaphore_mem>>) {add = true}
    %dma_start3A_159 = arith.constant 4 : i32
    %dma_start3A_160 = arith.constant 4 : i32
    %dma_start3A_161 = arith.constant 0 : i32
    %dma_start3A_162 = tpu.memref_slice %arg8[%dma_start3A_159, %dma_start3A_161] : memref<49x128xf32, #tpu.memory_space<vmem>> -> memref<1x128xf32, #tpu.memory_space<vmem>>
    %dma_start3A_163 = tpu.memref_squeeze %dma_start3A_162 : memref<1x128xf32, #tpu.memory_space<vmem>> -> memref<128xf32, #tpu.memory_space<vmem>>
    %dma_start3A_164 = arith.constant 0 : i32
    %dma_start3A_165 = tpu.memref_slice %arg7[%dma_start3A_160, %dma_start3A_164] : memref<49x128xi32, #tpu.memory_space<vmem>> -> memref<1x128xi32, #tpu.memory_space<vmem>>
    %dma_start3A_166 = tpu.memref_squeeze %dma_start3A_165 : memref<1x128xi32, #tpu.memory_space<vmem>> -> memref<128xi32, #tpu.memory_space<vmem>>
    %dma_start3A_167 = arith.constant 0 : i32
    %dma_start3A_168 = tpu.memref_slice %arg16[%dma_start3A_167] : memref<5120xf32, #tpu.memory_space<vmem_shared>> -> memref<5120xf32, #tpu.memory_space<vmem_shared>>
    tpu.enqueue_indirect_dma source(%dma_start3A_163 : memref<128xf32, #tpu.memory_space<vmem>>) target(%dma_start3A_168 : memref<5120xf32, #tpu.memory_space<vmem_shared>>) offsets(%dma_start3A_166 : memref<128xi32, #tpu.memory_space<vmem>>) semaphore(%arg18 : memref<!tpu.dma_semaphore, #tpu.memory_space<semaphore_mem>>) {add = true}
    %dma_start3A_169 = arith.constant 4 : i32
    %dma_start3A_170 = arith.constant 4 : i32
    %dma_start3A_171 = arith.constant 0 : i32
    %dma_start3A_172 = tpu.memref_slice %arg9[%dma_start3A_169, %dma_start3A_171] : memref<49x128xf32, #tpu.memory_space<vmem>> -> memref<1x128xf32, #tpu.memory_space<vmem>>
    %dma_start3A_173 = tpu.memref_squeeze %dma_start3A_172 : memref<1x128xf32, #tpu.memory_space<vmem>> -> memref<128xf32, #tpu.memory_space<vmem>>
    %dma_start3A_174 = arith.constant 0 : i32
    %dma_start3A_175 = tpu.memref_slice %arg7[%dma_start3A_170, %dma_start3A_174] : memref<49x128xi32, #tpu.memory_space<vmem>> -> memref<1x128xi32, #tpu.memory_space<vmem>>
    %dma_start3A_176 = tpu.memref_squeeze %dma_start3A_175 : memref<1x128xi32, #tpu.memory_space<vmem>> -> memref<128xi32, #tpu.memory_space<vmem>>
    %dma_start3A_177 = arith.constant 0 : i32
    %dma_start3A_178 = tpu.memref_slice %arg17[%dma_start3A_177] : memref<5120xf32, #tpu.memory_space<vmem_shared>> -> memref<5120xf32, #tpu.memory_space<vmem_shared>>
    tpu.enqueue_indirect_dma source(%dma_start3A_173 : memref<128xf32, #tpu.memory_space<vmem>>) target(%dma_start3A_178 : memref<5120xf32, #tpu.memory_space<vmem_shared>>) offsets(%dma_start3A_176 : memref<128xi32, #tpu.memory_space<vmem>>) semaphore(%arg18 : memref<!tpu.dma_semaphore, #tpu.memory_space<semaphore_mem>>) {add = true}
    %dma_wait3A_179 = arith.constant 0 : i32
    %dma_wait3A_180 = arith.constant 0 : i32
    %dma_wait3A_181 = arith.constant 0 : i32
    %dma_wait3A_182 = tpu.memref_slice %arg8[%dma_wait3A_179, %dma_wait3A_181] : memref<49x128xf32, #tpu.memory_space<vmem>> -> memref<1x128xf32, #tpu.memory_space<vmem>>
    %dma_wait3A_183 = tpu.memref_squeeze %dma_wait3A_182 : memref<1x128xf32, #tpu.memory_space<vmem>> -> memref<128xf32, #tpu.memory_space<vmem>>
    %dma_wait3A_184 = arith.constant 0 : i32
    %dma_wait3A_185 = tpu.memref_slice %arg7[%dma_wait3A_180, %dma_wait3A_184] : memref<49x128xi32, #tpu.memory_space<vmem>> -> memref<1x128xi32, #tpu.memory_space<vmem>>
    %dma_wait3A_186 = tpu.memref_squeeze %dma_wait3A_185 : memref<1x128xi32, #tpu.memory_space<vmem>> -> memref<128xi32, #tpu.memory_space<vmem>>
    %dma_wait3A_187 = arith.constant 0 : i32
    %dma_wait3A_188 = tpu.memref_slice %arg16[%dma_wait3A_187] : memref<5120xf32, #tpu.memory_space<vmem_shared>> -> memref<5120xf32, #tpu.memory_space<vmem_shared>>
    tpu.wait_indirect_dma semaphore(%arg18 : memref<!tpu.dma_semaphore, #tpu.memory_space<semaphore_mem>>) src(%dma_wait3A_183 : memref<128xf32, #tpu.memory_space<vmem>>) dst(%dma_wait3A_188 : memref<5120xf32, #tpu.memory_space<vmem_shared>>)
    %dma_wait3A_189 = arith.constant 0 : i32
    %dma_wait3A_190 = arith.constant 0 : i32
    %dma_wait3A_191 = arith.constant 0 : i32
    %dma_wait3A_192 = tpu.memref_slice %arg9[%dma_wait3A_189, %dma_wait3A_191] : memref<49x128xf32, #tpu.memory_space<vmem>> -> memref<1x128xf32, #tpu.memory_space<vmem>>
    %dma_wait3A_193 = tpu.memref_squeeze %dma_wait3A_192 : memref<1x128xf32, #tpu.memory_space<vmem>> -> memref<128xf32, #tpu.memory_space<vmem>>
    %dma_wait3A_194 = arith.constant 0 : i32
    %dma_wait3A_195 = tpu.memref_slice %arg7[%dma_wait3A_190, %dma_wait3A_194] : memref<49x128xi32, #tpu.memory_space<vmem>> -> memref<1x128xi32, #tpu.memory_space<vmem>>
    %dma_wait3A_196 = tpu.memref_squeeze %dma_wait3A_195 : memref<1x128xi32, #tpu.memory_space<vmem>> -> memref<128xi32, #tpu.memory_space<vmem>>
    %dma_wait3A_197 = arith.constant 0 : i32
    %dma_wait3A_198 = tpu.memref_slice %arg17[%dma_wait3A_197] : memref<5120xf32, #tpu.memory_space<vmem_shared>> -> memref<5120xf32, #tpu.memory_space<vmem_shared>>
    tpu.wait_indirect_dma semaphore(%arg18 : memref<!tpu.dma_semaphore, #tpu.memory_space<semaphore_mem>>) src(%dma_wait3A_193 : memref<128xf32, #tpu.memory_space<vmem>>) dst(%dma_wait3A_198 : memref<5120xf32, #tpu.memory_space<vmem_shared>>)
    %dma_start3A_199 = arith.constant 5 : i32
    %dma_start3A_200 = arith.constant 5 : i32
    %dma_start3A_201 = arith.constant 0 : i32
    %dma_start3A_202 = tpu.memref_slice %arg8[%dma_start3A_199, %dma_start3A_201] : memref<49x128xf32, #tpu.memory_space<vmem>> -> memref<1x128xf32, #tpu.memory_space<vmem>>
    %dma_start3A_203 = tpu.memref_squeeze %dma_start3A_202 : memref<1x128xf32, #tpu.memory_space<vmem>> -> memref<128xf32, #tpu.memory_space<vmem>>
    %dma_start3A_204 = arith.constant 0 : i32
    %dma_start3A_205 = tpu.memref_slice %arg7[%dma_start3A_200, %dma_start3A_204] : memref<49x128xi32, #tpu.memory_space<vmem>> -> memref<1x128xi32, #tpu.memory_space<vmem>>
    %dma_start3A_206 = tpu.memref_squeeze %dma_start3A_205 : memref<1x128xi32, #tpu.memory_space<vmem>> -> memref<128xi32, #tpu.memory_space<vmem>>
    %dma_start3A_207 = arith.constant 0 : i32
    %dma_start3A_208 = tpu.memref_slice %arg16[%dma_start3A_207] : memref<5120xf32, #tpu.memory_space<vmem_shared>> -> memref<5120xf32, #tpu.memory_space<vmem_shared>>
    tpu.enqueue_indirect_dma source(%dma_start3A_203 : memref<128xf32, #tpu.memory_space<vmem>>) target(%dma_start3A_208 : memref<5120xf32, #tpu.memory_space<vmem_shared>>) offsets(%dma_start3A_206 : memref<128xi32, #tpu.memory_space<vmem>>) semaphore(%arg18 : memref<!tpu.dma_semaphore, #tpu.memory_space<semaphore_mem>>) {add = true}
    %dma_start3A_209 = arith.constant 5 : i32
    %dma_start3A_210 = arith.constant 5 : i32
    %dma_start3A_211 = arith.constant 0 : i32
    %dma_start3A_212 = tpu.memref_slice %arg9[%dma_start3A_209, %dma_start3A_211] : memref<49x128xf32, #tpu.memory_space<vmem>> -> memref<1x128xf32, #tpu.memory_space<vmem>>
    %dma_start3A_213 = tpu.memref_squeeze %dma_start3A_212 : memref<1x128xf32, #tpu.memory_space<vmem>> -> memref<128xf32, #tpu.memory_space<vmem>>
    %dma_start3A_214 = arith.constant 0 : i32
    %dma_start3A_215 = tpu.memref_slice %arg7[%dma_start3A_210, %dma_start3A_214] : memref<49x128xi32, #tpu.memory_space<vmem>> -> memref<1x128xi32, #tpu.memory_space<vmem>>
    %dma_start3A_216 = tpu.memref_squeeze %dma_start3A_215 : memref<1x128xi32, #tpu.memory_space<vmem>> -> memref<128xi32, #tpu.memory_space<vmem>>
    %dma_start3A_217 = arith.constant 0 : i32
    %dma_start3A_218 = tpu.memref_slice %arg17[%dma_start3A_217] : memref<5120xf32, #tpu.memory_space<vmem_shared>> -> memref<5120xf32, #tpu.memory_space<vmem_shared>>
    tpu.enqueue_indirect_dma source(%dma_start3A_213 : memref<128xf32, #tpu.memory_space<vmem>>) target(%dma_start3A_218 : memref<5120xf32, #tpu.memory_space<vmem_shared>>) offsets(%dma_start3A_216 : memref<128xi32, #tpu.memory_space<vmem>>) semaphore(%arg18 : memref<!tpu.dma_semaphore, #tpu.memory_space<semaphore_mem>>) {add = true}
    %dma_wait3A_219 = arith.constant 1 : i32
    %dma_wait3A_220 = arith.constant 1 : i32
    %dma_wait3A_221 = arith.constant 0 : i32
    %dma_wait3A_222 = tpu.memref_slice %arg8[%dma_wait3A_219, %dma_wait3A_221] : memref<49x128xf32, #tpu.memory_space<vmem>> -> memref<1x128xf32, #tpu.memory_space<vmem>>
    %dma_wait3A_223 = tpu.memref_squeeze %dma_wait3A_222 : memref<1x128xf32, #tpu.memory_space<vmem>> -> memref<128xf32, #tpu.memory_space<vmem>>
    %dma_wait3A_224 = arith.constant 0 : i32
    %dma_wait3A_225 = tpu.memref_slice %arg7[%dma_wait3A_220, %dma_wait3A_224] : memref<49x128xi32, #tpu.memory_space<vmem>> -> memref<1x128xi32, #tpu.memory_space<vmem>>
    %dma_wait3A_226 = tpu.memref_squeeze %dma_wait3A_225 : memref<1x128xi32, #tpu.memory_space<vmem>> -> memref<128xi32, #tpu.memory_space<vmem>>
    %dma_wait3A_227 = arith.constant 0 : i32
    %dma_wait3A_228 = tpu.memref_slice %arg16[%dma_wait3A_227] : memref<5120xf32, #tpu.memory_space<vmem_shared>> -> memref<5120xf32, #tpu.memory_space<vmem_shared>>
    tpu.wait_indirect_dma semaphore(%arg18 : memref<!tpu.dma_semaphore, #tpu.memory_space<semaphore_mem>>) src(%dma_wait3A_223 : memref<128xf32, #tpu.memory_space<vmem>>) dst(%dma_wait3A_228 : memref<5120xf32, #tpu.memory_space<vmem_shared>>)
    %dma_wait3A_229 = arith.constant 1 : i32
    %dma_wait3A_230 = arith.constant 1 : i32
    %dma_wait3A_231 = arith.constant 0 : i32
    %dma_wait3A_232 = tpu.memref_slice %arg9[%dma_wait3A_229, %dma_wait3A_231] : memref<49x128xf32, #tpu.memory_space<vmem>> -> memref<1x128xf32, #tpu.memory_space<vmem>>
    %dma_wait3A_233 = tpu.memref_squeeze %dma_wait3A_232 : memref<1x128xf32, #tpu.memory_space<vmem>> -> memref<128xf32, #tpu.memory_space<vmem>>
    %dma_wait3A_234 = arith.constant 0 : i32
    %dma_wait3A_235 = tpu.memref_slice %arg7[%dma_wait3A_230, %dma_wait3A_234] : memref<49x128xi32, #tpu.memory_space<vmem>> -> memref<1x128xi32, #tpu.memory_space<vmem>>
    %dma_wait3A_236 = tpu.memref_squeeze %dma_wait3A_235 : memref<1x128xi32, #tpu.memory_space<vmem>> -> memref<128xi32, #tpu.memory_space<vmem>>
    %dma_wait3A_237 = arith.constant 0 : i32
    %dma_wait3A_238 = tpu.memref_slice %arg17[%dma_wait3A_237] : memref<5120xf32, #tpu.memory_space<vmem_shared>> -> memref<5120xf32, #tpu.memory_space<vmem_shared>>
    tpu.wait_indirect_dma semaphore(%arg18 : memref<!tpu.dma_semaphore, #tpu.memory_space<semaphore_mem>>) src(%dma_wait3A_233 : memref<128xf32, #tpu.memory_space<vmem>>) dst(%dma_wait3A_238 : memref<5120xf32, #tpu.memory_space<vmem_shared>>)
    %dma_start3A_239 = arith.constant 6 : i32
    %dma_start3A_240 = arith.constant 6 : i32
    %dma_start3A_241 = arith.constant 0 : i32
    %dma_start3A_242 = tpu.memref_slice %arg8[%dma_start3A_239, %dma_start3A_241] : memref<49x128xf32, #tpu.memory_space<vmem>> -> memref<1x128xf32, #tpu.memory_space<vmem>>
    %dma_start3A_243 = tpu.memref_squeeze %dma_start3A_242 : memref<1x128xf32, #tpu.memory_space<vmem>> -> memref<128xf32, #tpu.memory_space<vmem>>
    %dma_start3A_244 = arith.constant 0 : i32
    %dma_start3A_245 = tpu.memref_slice %arg7[%dma_start3A_240, %dma_start3A_244] : memref<49x128xi32, #tpu.memory_space<vmem>> -> memref<1x128xi32, #tpu.memory_space<vmem>>
    %dma_start3A_246 = tpu.memref_squeeze %dma_start3A_245 : memref<1x128xi32, #tpu.memory_space<vmem>> -> memref<128xi32, #tpu.memory_space<vmem>>
    %dma_start3A_247 = arith.constant 0 : i32
    %dma_start3A_248 = tpu.memref_slice %arg16[%dma_start3A_247] : memref<5120xf32, #tpu.memory_space<vmem_shared>> -> memref<5120xf32, #tpu.memory_space<vmem_shared>>
    tpu.enqueue_indirect_dma source(%dma_start3A_243 : memref<128xf32, #tpu.memory_space<vmem>>) target(%dma_start3A_248 : memref<5120xf32, #tpu.memory_space<vmem_shared>>) offsets(%dma_start3A_246 : memref<128xi32, #tpu.memory_space<vmem>>) semaphore(%arg18 : memref<!tpu.dma_semaphore, #tpu.memory_space<semaphore_mem>>) {add = true}
    %dma_start3A_249 = arith.constant 6 : i32
    %dma_start3A_250 = arith.constant 6 : i32
    %dma_start3A_251 = arith.constant 0 : i32
    %dma_start3A_252 = tpu.memref_slice %arg9[%dma_start3A_249, %dma_start3A_251] : memref<49x128xf32, #tpu.memory_space<vmem>> -> memref<1x128xf32, #tpu.memory_space<vmem>>
    %dma_start3A_253 = tpu.memref_squeeze %dma_start3A_252 : memref<1x128xf32, #tpu.memory_space<vmem>> -> memref<128xf32, #tpu.memory_space<vmem>>
    %dma_start3A_254 = arith.constant 0 : i32
    %dma_start3A_255 = tpu.memref_slice %arg7[%dma_start3A_250, %dma_start3A_254] : memref<49x128xi32, #tpu.memory_space<vmem>> -> memref<1x128xi32, #tpu.memory_space<vmem>>
    %dma_start3A_256 = tpu.memref_squeeze %dma_start3A_255 : memref<1x128xi32, #tpu.memory_space<vmem>> -> memref<128xi32, #tpu.memory_space<vmem>>
    %dma_start3A_257 = arith.constant 0 : i32
    %dma_start3A_258 = tpu.memref_slice %arg17[%dma_start3A_257] : memref<5120xf32, #tpu.memory_space<vmem_shared>> -> memref<5120xf32, #tpu.memory_space<vmem_shared>>
    tpu.enqueue_indirect_dma source(%dma_start3A_253 : memref<128xf32, #tpu.memory_space<vmem>>) target(%dma_start3A_258 : memref<5120xf32, #tpu.memory_space<vmem_shared>>) offsets(%dma_start3A_256 : memref<128xi32, #tpu.memory_space<vmem>>) semaphore(%arg18 : memref<!tpu.dma_semaphore, #tpu.memory_space<semaphore_mem>>) {add = true}
    %dma_wait3A_259 = arith.constant 2 : i32
    %dma_wait3A_260 = arith.constant 2 : i32
    %dma_wait3A_261 = arith.constant 0 : i32
    %dma_wait3A_262 = tpu.memref_slice %arg8[%dma_wait3A_259, %dma_wait3A_261] : memref<49x128xf32, #tpu.memory_space<vmem>> -> memref<1x128xf32, #tpu.memory_space<vmem>>
    %dma_wait3A_263 = tpu.memref_squeeze %dma_wait3A_262 : memref<1x128xf32, #tpu.memory_space<vmem>> -> memref<128xf32, #tpu.memory_space<vmem>>
    %dma_wait3A_264 = arith.constant 0 : i32
    %dma_wait3A_265 = tpu.memref_slice %arg7[%dma_wait3A_260, %dma_wait3A_264] : memref<49x128xi32, #tpu.memory_space<vmem>> -> memref<1x128xi32, #tpu.memory_space<vmem>>
    %dma_wait3A_266 = tpu.memref_squeeze %dma_wait3A_265 : memref<1x128xi32, #tpu.memory_space<vmem>> -> memref<128xi32, #tpu.memory_space<vmem>>
    %dma_wait3A_267 = arith.constant 0 : i32
    %dma_wait3A_268 = tpu.memref_slice %arg16[%dma_wait3A_267] : memref<5120xf32, #tpu.memory_space<vmem_shared>> -> memref<5120xf32, #tpu.memory_space<vmem_shared>>
    tpu.wait_indirect_dma semaphore(%arg18 : memref<!tpu.dma_semaphore, #tpu.memory_space<semaphore_mem>>) src(%dma_wait3A_263 : memref<128xf32, #tpu.memory_space<vmem>>) dst(%dma_wait3A_268 : memref<5120xf32, #tpu.memory_space<vmem_shared>>)
    %dma_wait3A_269 = arith.constant 2 : i32
    %dma_wait3A_270 = arith.constant 2 : i32
    %dma_wait3A_271 = arith.constant 0 : i32
    %dma_wait3A_272 = tpu.memref_slice %arg9[%dma_wait3A_269, %dma_wait3A_271] : memref<49x128xf32, #tpu.memory_space<vmem>> -> memref<1x128xf32, #tpu.memory_space<vmem>>
    %dma_wait3A_273 = tpu.memref_squeeze %dma_wait3A_272 : memref<1x128xf32, #tpu.memory_space<vmem>> -> memref<128xf32, #tpu.memory_space<vmem>>
    %dma_wait3A_274 = arith.constant 0 : i32
    %dma_wait3A_275 = tpu.memref_slice %arg7[%dma_wait3A_270, %dma_wait3A_274] : memref<49x128xi32, #tpu.memory_space<vmem>> -> memref<1x128xi32, #tpu.memory_space<vmem>>
    %dma_wait3A_276 = tpu.memref_squeeze %dma_wait3A_275 : memref<1x128xi32, #tpu.memory_space<vmem>> -> memref<128xi32, #tpu.memory_space<vmem>>
    %dma_wait3A_277 = arith.constant 0 : i32
    %dma_wait3A_278 = tpu.memref_slice %arg17[%dma_wait3A_277] : memref<5120xf32, #tpu.memory_space<vmem_shared>> -> memref<5120xf32, #tpu.memory_space<vmem_shared>>
    tpu.wait_indirect_dma semaphore(%arg18 : memref<!tpu.dma_semaphore, #tpu.memory_space<semaphore_mem>>) src(%dma_wait3A_273 : memref<128xf32, #tpu.memory_space<vmem>>) dst(%dma_wait3A_278 : memref<5120xf32, #tpu.memory_space<vmem_shared>>)
    %dma_start3A_279 = arith.constant 7 : i32
    %dma_start3A_280 = arith.constant 7 : i32
    %dma_start3A_281 = arith.constant 0 : i32
    %dma_start3A_282 = tpu.memref_slice %arg8[%dma_start3A_279, %dma_start3A_281] : memref<49x128xf32, #tpu.memory_space<vmem>> -> memref<1x128xf32, #tpu.memory_space<vmem>>
    %dma_start3A_283 = tpu.memref_squeeze %dma_start3A_282 : memref<1x128xf32, #tpu.memory_space<vmem>> -> memref<128xf32, #tpu.memory_space<vmem>>
    %dma_start3A_284 = arith.constant 0 : i32
    %dma_start3A_285 = tpu.memref_slice %arg7[%dma_start3A_280, %dma_start3A_284] : memref<49x128xi32, #tpu.memory_space<vmem>> -> memref<1x128xi32, #tpu.memory_space<vmem>>
    %dma_start3A_286 = tpu.memref_squeeze %dma_start3A_285 : memref<1x128xi32, #tpu.memory_space<vmem>> -> memref<128xi32, #tpu.memory_space<vmem>>
    %dma_start3A_287 = arith.constant 0 : i32
    %dma_start3A_288 = tpu.memref_slice %arg16[%dma_start3A_287] : memref<5120xf32, #tpu.memory_space<vmem_shared>> -> memref<5120xf32, #tpu.memory_space<vmem_shared>>
    tpu.enqueue_indirect_dma source(%dma_start3A_283 : memref<128xf32, #tpu.memory_space<vmem>>) target(%dma_start3A_288 : memref<5120xf32, #tpu.memory_space<vmem_shared>>) offsets(%dma_start3A_286 : memref<128xi32, #tpu.memory_space<vmem>>) semaphore(%arg18 : memref<!tpu.dma_semaphore, #tpu.memory_space<semaphore_mem>>) {add = true}
    %dma_start3A_289 = arith.constant 7 : i32
    %dma_start3A_290 = arith.constant 7 : i32
    %dma_start3A_291 = arith.constant 0 : i32
    %dma_start3A_292 = tpu.memref_slice %arg9[%dma_start3A_289, %dma_start3A_291] : memref<49x128xf32, #tpu.memory_space<vmem>> -> memref<1x128xf32, #tpu.memory_space<vmem>>
    %dma_start3A_293 = tpu.memref_squeeze %dma_start3A_292 : memref<1x128xf32, #tpu.memory_space<vmem>> -> memref<128xf32, #tpu.memory_space<vmem>>
    %dma_start3A_294 = arith.constant 0 : i32
    %dma_start3A_295 = tpu.memref_slice %arg7[%dma_start3A_290, %dma_start3A_294] : memref<49x128xi32, #tpu.memory_space<vmem>> -> memref<1x128xi32, #tpu.memory_space<vmem>>
    %dma_start3A_296 = tpu.memref_squeeze %dma_start3A_295 : memref<1x128xi32, #tpu.memory_space<vmem>> -> memref<128xi32, #tpu.memory_space<vmem>>
    %dma_start3A_297 = arith.constant 0 : i32
    %dma_start3A_298 = tpu.memref_slice %arg17[%dma_start3A_297] : memref<5120xf32, #tpu.memory_space<vmem_shared>> -> memref<5120xf32, #tpu.memory_space<vmem_shared>>
    tpu.enqueue_indirect_dma source(%dma_start3A_293 : memref<128xf32, #tpu.memory_space<vmem>>) target(%dma_start3A_298 : memref<5120xf32, #tpu.memory_space<vmem_shared>>) offsets(%dma_start3A_296 : memref<128xi32, #tpu.memory_space<vmem>>) semaphore(%arg18 : memref<!tpu.dma_semaphore, #tpu.memory_space<semaphore_mem>>) {add = true}
    %dma_wait3A_299 = arith.constant 3 : i32
    %dma_wait3A_300 = arith.constant 3 : i32
    %dma_wait3A_301 = arith.constant 0 : i32
    %dma_wait3A_302 = tpu.memref_slice %arg8[%dma_wait3A_299, %dma_wait3A_301] : memref<49x128xf32, #tpu.memory_space<vmem>> -> memref<1x128xf32, #tpu.memory_space<vmem>>
    %dma_wait3A_303 = tpu.memref_squeeze %dma_wait3A_302 : memref<1x128xf32, #tpu.memory_space<vmem>> -> memref<128xf32, #tpu.memory_space<vmem>>
    %dma_wait3A_304 = arith.constant 0 : i32
    %dma_wait3A_305 = tpu.memref_slice %arg7[%dma_wait3A_300, %dma_wait3A_304] : memref<49x128xi32, #tpu.memory_space<vmem>> -> memref<1x128xi32, #tpu.memory_space<vmem>>
    %dma_wait3A_306 = tpu.memref_squeeze %dma_wait3A_305 : memref<1x128xi32, #tpu.memory_space<vmem>> -> memref<128xi32, #tpu.memory_space<vmem>>
    %dma_wait3A_307 = arith.constant 0 : i32
    %dma_wait3A_308 = tpu.memref_slice %arg16[%dma_wait3A_307] : memref<5120xf32, #tpu.memory_space<vmem_shared>> -> memref<5120xf32, #tpu.memory_space<vmem_shared>>
    tpu.wait_indirect_dma semaphore(%arg18 : memref<!tpu.dma_semaphore, #tpu.memory_space<semaphore_mem>>) src(%dma_wait3A_303 : memref<128xf32, #tpu.memory_space<vmem>>) dst(%dma_wait3A_308 : memref<5120xf32, #tpu.memory_space<vmem_shared>>)
    %dma_wait3A_309 = arith.constant 3 : i32
    %dma_wait3A_310 = arith.constant 3 : i32
    %dma_wait3A_311 = arith.constant 0 : i32
    %dma_wait3A_312 = tpu.memref_slice %arg9[%dma_wait3A_309, %dma_wait3A_311] : memref<49x128xf32, #tpu.memory_space<vmem>> -> memref<1x128xf32, #tpu.memory_space<vmem>>
    %dma_wait3A_313 = tpu.memref_squeeze %dma_wait3A_312 : memref<1x128xf32, #tpu.memory_space<vmem>> -> memref<128xf32, #tpu.memory_space<vmem>>
    %dma_wait3A_314 = arith.constant 0 : i32
    %dma_wait3A_315 = tpu.memref_slice %arg7[%dma_wait3A_310, %dma_wait3A_314] : memref<49x128xi32, #tpu.memory_space<vmem>> -> memref<1x128xi32, #tpu.memory_space<vmem>>
    %dma_wait3A_316 = tpu.memref_squeeze %dma_wait3A_315 : memref<1x128xi32, #tpu.memory_space<vmem>> -> memref<128xi32, #tpu.memory_space<vmem>>
    %dma_wait3A_317 = arith.constant 0 : i32
    %dma_wait3A_318 = tpu.memref_slice %arg17[%dma_wait3A_317] : memref<5120xf32, #tpu.memory_space<vmem_shared>> -> memref<5120xf32, #tpu.memory_space<vmem_shared>>
    tpu.wait_indirect_dma semaphore(%arg18 : memref<!tpu.dma_semaphore, #tpu.memory_space<semaphore_mem>>) src(%dma_wait3A_313 : memref<128xf32, #tpu.memory_space<vmem>>) dst(%dma_wait3A_318 : memref<5120xf32, #tpu.memory_space<vmem_shared>>)
    %dma_start3A_319 = arith.constant 8 : i32
    %dma_start3A_320 = arith.constant 8 : i32
    %dma_start3A_321 = arith.constant 0 : i32
    %dma_start3A_322 = tpu.memref_slice %arg8[%dma_start3A_319, %dma_start3A_321] : memref<49x128xf32, #tpu.memory_space<vmem>> -> memref<1x128xf32, #tpu.memory_space<vmem>>
    %dma_start3A_323 = tpu.memref_squeeze %dma_start3A_322 : memref<1x128xf32, #tpu.memory_space<vmem>> -> memref<128xf32, #tpu.memory_space<vmem>>
    %dma_start3A_324 = arith.constant 0 : i32
    %dma_start3A_325 = tpu.memref_slice %arg7[%dma_start3A_320, %dma_start3A_324] : memref<49x128xi32, #tpu.memory_space<vmem>> -> memref<1x128xi32, #tpu.memory_space<vmem>>
    %dma_start3A_326 = tpu.memref_squeeze %dma_start3A_325 : memref<1x128xi32, #tpu.memory_space<vmem>> -> memref<128xi32, #tpu.memory_space<vmem>>
    %dma_start3A_327 = arith.constant 0 : i32
    %dma_start3A_328 = tpu.memref_slice %arg16[%dma_start3A_327] : memref<5120xf32, #tpu.memory_space<vmem_shared>> -> memref<5120xf32, #tpu.memory_space<vmem_shared>>
    tpu.enqueue_indirect_dma source(%dma_start3A_323 : memref<128xf32, #tpu.memory_space<vmem>>) target(%dma_start3A_328 : memref<5120xf32, #tpu.memory_space<vmem_shared>>) offsets(%dma_start3A_326 : memref<128xi32, #tpu.memory_space<vmem>>) semaphore(%arg18 : memref<!tpu.dma_semaphore, #tpu.memory_space<semaphore_mem>>) {add = true}
    %dma_start3A_329 = arith.constant 8 : i32
    %dma_start3A_330 = arith.constant 8 : i32
    %dma_start3A_331 = arith.constant 0 : i32
    %dma_start3A_332 = tpu.memref_slice %arg9[%dma_start3A_329, %dma_start3A_331] : memref<49x128xf32, #tpu.memory_space<vmem>> -> memref<1x128xf32, #tpu.memory_space<vmem>>
    %dma_start3A_333 = tpu.memref_squeeze %dma_start3A_332 : memref<1x128xf32, #tpu.memory_space<vmem>> -> memref<128xf32, #tpu.memory_space<vmem>>
    %dma_start3A_334 = arith.constant 0 : i32
    %dma_start3A_335 = tpu.memref_slice %arg7[%dma_start3A_330, %dma_start3A_334] : memref<49x128xi32, #tpu.memory_space<vmem>> -> memref<1x128xi32, #tpu.memory_space<vmem>>
    %dma_start3A_336 = tpu.memref_squeeze %dma_start3A_335 : memref<1x128xi32, #tpu.memory_space<vmem>> -> memref<128xi32, #tpu.memory_space<vmem>>
    %dma_start3A_337 = arith.constant 0 : i32
    %dma_start3A_338 = tpu.memref_slice %arg17[%dma_start3A_337] : memref<5120xf32, #tpu.memory_space<vmem_shared>> -> memref<5120xf32, #tpu.memory_space<vmem_shared>>
    tpu.enqueue_indirect_dma source(%dma_start3A_333 : memref<128xf32, #tpu.memory_space<vmem>>) target(%dma_start3A_338 : memref<5120xf32, #tpu.memory_space<vmem_shared>>) offsets(%dma_start3A_336 : memref<128xi32, #tpu.memory_space<vmem>>) semaphore(%arg18 : memref<!tpu.dma_semaphore, #tpu.memory_space<semaphore_mem>>) {add = true}
    %dma_wait3A_339 = arith.constant 4 : i32
    %dma_wait3A_340 = arith.constant 4 : i32
    %dma_wait3A_341 = arith.constant 0 : i32
    %dma_wait3A_342 = tpu.memref_slice %arg8[%dma_wait3A_339, %dma_wait3A_341] : memref<49x128xf32, #tpu.memory_space<vmem>> -> memref<1x128xf32, #tpu.memory_space<vmem>>
    %dma_wait3A_343 = tpu.memref_squeeze %dma_wait3A_342 : memref<1x128xf32, #tpu.memory_space<vmem>> -> memref<128xf32, #tpu.memory_space<vmem>>
    %dma_wait3A_344 = arith.constant 0 : i32
    %dma_wait3A_345 = tpu.memref_slice %arg7[%dma_wait3A_340, %dma_wait3A_344] : memref<49x128xi32, #tpu.memory_space<vmem>> -> memref<1x128xi32, #tpu.memory_space<vmem>>
    %dma_wait3A_346 = tpu.memref_squeeze %dma_wait3A_345 : memref<1x128xi32, #tpu.memory_space<vmem>> -> memref<128xi32, #tpu.memory_space<vmem>>
    %dma_wait3A_347 = arith.constant 0 : i32
    %dma_wait3A_348 = tpu.memref_slice %arg16[%dma_wait3A_347] : memref<5120xf32, #tpu.memory_space<vmem_shared>> -> memref<5120xf32, #tpu.memory_space<vmem_shared>>
    tpu.wait_indirect_dma semaphore(%arg18 : memref<!tpu.dma_semaphore, #tpu.memory_space<semaphore_mem>>) src(%dma_wait3A_343 : memref<128xf32, #tpu.memory_space<vmem>>) dst(%dma_wait3A_348 : memref<5120xf32, #tpu.memory_space<vmem_shared>>)
    %dma_wait3A_349 = arith.constant 4 : i32
    %dma_wait3A_350 = arith.constant 4 : i32
    %dma_wait3A_351 = arith.constant 0 : i32
    %dma_wait3A_352 = tpu.memref_slice %arg9[%dma_wait3A_349, %dma_wait3A_351] : memref<49x128xf32, #tpu.memory_space<vmem>> -> memref<1x128xf32, #tpu.memory_space<vmem>>
    %dma_wait3A_353 = tpu.memref_squeeze %dma_wait3A_352 : memref<1x128xf32, #tpu.memory_space<vmem>> -> memref<128xf32, #tpu.memory_space<vmem>>
    %dma_wait3A_354 = arith.constant 0 : i32
    %dma_wait3A_355 = tpu.memref_slice %arg7[%dma_wait3A_350, %dma_wait3A_354] : memref<49x128xi32, #tpu.memory_space<vmem>> -> memref<1x128xi32, #tpu.memory_space<vmem>>
    %dma_wait3A_356 = tpu.memref_squeeze %dma_wait3A_355 : memref<1x128xi32, #tpu.memory_space<vmem>> -> memref<128xi32, #tpu.memory_space<vmem>>
    %dma_wait3A_357 = arith.constant 0 : i32
    %dma_wait3A_358 = tpu.memref_slice %arg17[%dma_wait3A_357] : memref<5120xf32, #tpu.memory_space<vmem_shared>> -> memref<5120xf32, #tpu.memory_space<vmem_shared>>
    tpu.wait_indirect_dma semaphore(%arg18 : memref<!tpu.dma_semaphore, #tpu.memory_space<semaphore_mem>>) src(%dma_wait3A_353 : memref<128xf32, #tpu.memory_space<vmem>>) dst(%dma_wait3A_358 : memref<5120xf32, #tpu.memory_space<vmem_shared>>)
    %dma_start3A_359 = arith.constant 9 : i32
    %dma_start3A_360 = arith.constant 9 : i32
    %dma_start3A_361 = arith.constant 0 : i32
    %dma_start3A_362 = tpu.memref_slice %arg8[%dma_start3A_359, %dma_start3A_361] : memref<49x128xf32, #tpu.memory_space<vmem>> -> memref<1x128xf32, #tpu.memory_space<vmem>>
    %dma_start3A_363 = tpu.memref_squeeze %dma_start3A_362 : memref<1x128xf32, #tpu.memory_space<vmem>> -> memref<128xf32, #tpu.memory_space<vmem>>
    %dma_start3A_364 = arith.constant 0 : i32
    %dma_start3A_365 = tpu.memref_slice %arg7[%dma_start3A_360, %dma_start3A_364] : memref<49x128xi32, #tpu.memory_space<vmem>> -> memref<1x128xi32, #tpu.memory_space<vmem>>
    %dma_start3A_366 = tpu.memref_squeeze %dma_start3A_365 : memref<1x128xi32, #tpu.memory_space<vmem>> -> memref<128xi32, #tpu.memory_space<vmem>>
    %dma_start3A_367 = arith.constant 0 : i32
    %dma_start3A_368 = tpu.memref_slice %arg16[%dma_start3A_367] : memref<5120xf32, #tpu.memory_space<vmem_shared>> -> memref<5120xf32, #tpu.memory_space<vmem_shared>>
    tpu.enqueue_indirect_dma source(%dma_start3A_363 : memref<128xf32, #tpu.memory_space<vmem>>) target(%dma_start3A_368 : memref<5120xf32, #tpu.memory_space<vmem_shared>>) offsets(%dma_start3A_366 : memref<128xi32, #tpu.memory_space<vmem>>) semaphore(%arg18 : memref<!tpu.dma_semaphore, #tpu.memory_space<semaphore_mem>>) {add = true}
    %dma_start3A_369 = arith.constant 9 : i32
    %dma_start3A_370 = arith.constant 9 : i32
    %dma_start3A_371 = arith.constant 0 : i32
    %dma_start3A_372 = tpu.memref_slice %arg9[%dma_start3A_369, %dma_start3A_371] : memref<49x128xf32, #tpu.memory_space<vmem>> -> memref<1x128xf32, #tpu.memory_space<vmem>>
    %dma_start3A_373 = tpu.memref_squeeze %dma_start3A_372 : memref<1x128xf32, #tpu.memory_space<vmem>> -> memref<128xf32, #tpu.memory_space<vmem>>
    %dma_start3A_374 = arith.constant 0 : i32
    %dma_start3A_375 = tpu.memref_slice %arg7[%dma_start3A_370, %dma_start3A_374] : memref<49x128xi32, #tpu.memory_space<vmem>> -> memref<1x128xi32, #tpu.memory_space<vmem>>
    %dma_start3A_376 = tpu.memref_squeeze %dma_start3A_375 : memref<1x128xi32, #tpu.memory_space<vmem>> -> memref<128xi32, #tpu.memory_space<vmem>>
    %dma_start3A_377 = arith.constant 0 : i32
    %dma_start3A_378 = tpu.memref_slice %arg17[%dma_start3A_377] : memref<5120xf32, #tpu.memory_space<vmem_shared>> -> memref<5120xf32, #tpu.memory_space<vmem_shared>>
    tpu.enqueue_indirect_dma source(%dma_start3A_373 : memref<128xf32, #tpu.memory_space<vmem>>) target(%dma_start3A_378 : memref<5120xf32, #tpu.memory_space<vmem_shared>>) offsets(%dma_start3A_376 : memref<128xi32, #tpu.memory_space<vmem>>) semaphore(%arg18 : memref<!tpu.dma_semaphore, #tpu.memory_space<semaphore_mem>>) {add = true}
    %dma_wait3A_379 = arith.constant 5 : i32
    %dma_wait3A_380 = arith.constant 5 : i32
    %dma_wait3A_381 = arith.constant 0 : i32
    %dma_wait3A_382 = tpu.memref_slice %arg8[%dma_wait3A_379, %dma_wait3A_381] : memref<49x128xf32, #tpu.memory_space<vmem>> -> memref<1x128xf32, #tpu.memory_space<vmem>>
    %dma_wait3A_383 = tpu.memref_squeeze %dma_wait3A_382 : memref<1x128xf32, #tpu.memory_space<vmem>> -> memref<128xf32, #tpu.memory_space<vmem>>
    %dma_wait3A_384 = arith.constant 0 : i32
    %dma_wait3A_385 = tpu.memref_slice %arg7[%dma_wait3A_380, %dma_wait3A_384] : memref<49x128xi32, #tpu.memory_space<vmem>> -> memref<1x128xi32, #tpu.memory_space<vmem>>
    %dma_wait3A_386 = tpu.memref_squeeze %dma_wait3A_385 : memref<1x128xi32, #tpu.memory_space<vmem>> -> memref<128xi32, #tpu.memory_space<vmem>>
    %dma_wait3A_387 = arith.constant 0 : i32
    %dma_wait3A_388 = tpu.memref_slice %arg16[%dma_wait3A_387] : memref<5120xf32, #tpu.memory_space<vmem_shared>> -> memref<5120xf32, #tpu.memory_space<vmem_shared>>
    tpu.wait_indirect_dma semaphore(%arg18 : memref<!tpu.dma_semaphore, #tpu.memory_space<semaphore_mem>>) src(%dma_wait3A_383 : memref<128xf32, #tpu.memory_space<vmem>>) dst(%dma_wait3A_388 : memref<5120xf32, #tpu.memory_space<vmem_shared>>)
    %dma_wait3A_389 = arith.constant 5 : i32
    %dma_wait3A_390 = arith.constant 5 : i32
    %dma_wait3A_391 = arith.constant 0 : i32
    %dma_wait3A_392 = tpu.memref_slice %arg9[%dma_wait3A_389, %dma_wait3A_391] : memref<49x128xf32, #tpu.memory_space<vmem>> -> memref<1x128xf32, #tpu.memory_space<vmem>>
    %dma_wait3A_393 = tpu.memref_squeeze %dma_wait3A_392 : memref<1x128xf32, #tpu.memory_space<vmem>> -> memref<128xf32, #tpu.memory_space<vmem>>
    %dma_wait3A_394 = arith.constant 0 : i32
    %dma_wait3A_395 = tpu.memref_slice %arg7[%dma_wait3A_390, %dma_wait3A_394] : memref<49x128xi32, #tpu.memory_space<vmem>> -> memref<1x128xi32, #tpu.memory_space<vmem>>
    %dma_wait3A_396 = tpu.memref_squeeze %dma_wait3A_395 : memref<1x128xi32, #tpu.memory_space<vmem>> -> memref<128xi32, #tpu.memory_space<vmem>>
    %dma_wait3A_397 = arith.constant 0 : i32
    %dma_wait3A_398 = tpu.memref_slice %arg17[%dma_wait3A_397] : memref<5120xf32, #tpu.memory_space<vmem_shared>> -> memref<5120xf32, #tpu.memory_space<vmem_shared>>
    tpu.wait_indirect_dma semaphore(%arg18 : memref<!tpu.dma_semaphore, #tpu.memory_space<semaphore_mem>>) src(%dma_wait3A_393 : memref<128xf32, #tpu.memory_space<vmem>>) dst(%dma_wait3A_398 : memref<5120xf32, #tpu.memory_space<vmem_shared>>)
    %dma_start3A_399 = arith.constant 10 : i32
    %dma_start3A_400 = arith.constant 10 : i32
    %dma_start3A_401 = arith.constant 0 : i32
    %dma_start3A_402 = tpu.memref_slice %arg8[%dma_start3A_399, %dma_start3A_401] : memref<49x128xf32, #tpu.memory_space<vmem>> -> memref<1x128xf32, #tpu.memory_space<vmem>>
    %dma_start3A_403 = tpu.memref_squeeze %dma_start3A_402 : memref<1x128xf32, #tpu.memory_space<vmem>> -> memref<128xf32, #tpu.memory_space<vmem>>
    %dma_start3A_404 = arith.constant 0 : i32
    %dma_start3A_405 = tpu.memref_slice %arg7[%dma_start3A_400, %dma_start3A_404] : memref<49x128xi32, #tpu.memory_space<vmem>> -> memref<1x128xi32, #tpu.memory_space<vmem>>
    %dma_start3A_406 = tpu.memref_squeeze %dma_start3A_405 : memref<1x128xi32, #tpu.memory_space<vmem>> -> memref<128xi32, #tpu.memory_space<vmem>>
    %dma_start3A_407 = arith.constant 0 : i32
    %dma_start3A_408 = tpu.memref_slice %arg16[%dma_start3A_407] : memref<5120xf32, #tpu.memory_space<vmem_shared>> -> memref<5120xf32, #tpu.memory_space<vmem_shared>>
    tpu.enqueue_indirect_dma source(%dma_start3A_403 : memref<128xf32, #tpu.memory_space<vmem>>) target(%dma_start3A_408 : memref<5120xf32, #tpu.memory_space<vmem_shared>>) offsets(%dma_start3A_406 : memref<128xi32, #tpu.memory_space<vmem>>) semaphore(%arg18 : memref<!tpu.dma_semaphore, #tpu.memory_space<semaphore_mem>>) {add = true}
    %dma_start3A_409 = arith.constant 10 : i32
    %dma_start3A_410 = arith.constant 10 : i32
    %dma_start3A_411 = arith.constant 0 : i32
    %dma_start3A_412 = tpu.memref_slice %arg9[%dma_start3A_409, %dma_start3A_411] : memref<49x128xf32, #tpu.memory_space<vmem>> -> memref<1x128xf32, #tpu.memory_space<vmem>>
    %dma_start3A_413 = tpu.memref_squeeze %dma_start3A_412 : memref<1x128xf32, #tpu.memory_space<vmem>> -> memref<128xf32, #tpu.memory_space<vmem>>
    %dma_start3A_414 = arith.constant 0 : i32
    %dma_start3A_415 = tpu.memref_slice %arg7[%dma_start3A_410, %dma_start3A_414] : memref<49x128xi32, #tpu.memory_space<vmem>> -> memref<1x128xi32, #tpu.memory_space<vmem>>
    %dma_start3A_416 = tpu.memref_squeeze %dma_start3A_415 : memref<1x128xi32, #tpu.memory_space<vmem>> -> memref<128xi32, #tpu.memory_space<vmem>>
    %dma_start3A_417 = arith.constant 0 : i32
    %dma_start3A_418 = tpu.memref_slice %arg17[%dma_start3A_417] : memref<5120xf32, #tpu.memory_space<vmem_shared>> -> memref<5120xf32, #tpu.memory_space<vmem_shared>>
    tpu.enqueue_indirect_dma source(%dma_start3A_413 : memref<128xf32, #tpu.memory_space<vmem>>) target(%dma_start3A_418 : memref<5120xf32, #tpu.memory_space<vmem_shared>>) offsets(%dma_start3A_416 : memref<128xi32, #tpu.memory_space<vmem>>) semaphore(%arg18 : memref<!tpu.dma_semaphore, #tpu.memory_space<semaphore_mem>>) {add = true}
    %dma_wait3A_419 = arith.constant 6 : i32
    %dma_wait3A_420 = arith.constant 6 : i32
    %dma_wait3A_421 = arith.constant 0 : i32
    %dma_wait3A_422 = tpu.memref_slice %arg8[%dma_wait3A_419, %dma_wait3A_421] : memref<49x128xf32, #tpu.memory_space<vmem>> -> memref<1x128xf32, #tpu.memory_space<vmem>>
    %dma_wait3A_423 = tpu.memref_squeeze %dma_wait3A_422 : memref<1x128xf32, #tpu.memory_space<vmem>> -> memref<128xf32, #tpu.memory_space<vmem>>
    %dma_wait3A_424 = arith.constant 0 : i32
    %dma_wait3A_425 = tpu.memref_slice %arg7[%dma_wait3A_420, %dma_wait3A_424] : memref<49x128xi32, #tpu.memory_space<vmem>> -> memref<1x128xi32, #tpu.memory_space<vmem>>
    %dma_wait3A_426 = tpu.memref_squeeze %dma_wait3A_425 : memref<1x128xi32, #tpu.memory_space<vmem>> -> memref<128xi32, #tpu.memory_space<vmem>>
    %dma_wait3A_427 = arith.constant 0 : i32
    %dma_wait3A_428 = tpu.memref_slice %arg16[%dma_wait3A_427] : memref<5120xf32, #tpu.memory_space<vmem_shared>> -> memref<5120xf32, #tpu.memory_space<vmem_shared>>
    tpu.wait_indirect_dma semaphore(%arg18 : memref<!tpu.dma_semaphore, #tpu.memory_space<semaphore_mem>>) src(%dma_wait3A_423 : memref<128xf32, #tpu.memory_space<vmem>>) dst(%dma_wait3A_428 : memref<5120xf32, #tpu.memory_space<vmem_shared>>)
    %dma_wait3A_429 = arith.constant 6 : i32
    %dma_wait3A_430 = arith.constant 6 : i32
    %dma_wait3A_431 = arith.constant 0 : i32
    %dma_wait3A_432 = tpu.memref_slice %arg9[%dma_wait3A_429, %dma_wait3A_431] : memref<49x128xf32, #tpu.memory_space<vmem>> -> memref<1x128xf32, #tpu.memory_space<vmem>>
    %dma_wait3A_433 = tpu.memref_squeeze %dma_wait3A_432 : memref<1x128xf32, #tpu.memory_space<vmem>> -> memref<128xf32, #tpu.memory_space<vmem>>
    %dma_wait3A_434 = arith.constant 0 : i32
    %dma_wait3A_435 = tpu.memref_slice %arg7[%dma_wait3A_430, %dma_wait3A_434] : memref<49x128xi32, #tpu.memory_space<vmem>> -> memref<1x128xi32, #tpu.memory_space<vmem>>
    %dma_wait3A_436 = tpu.memref_squeeze %dma_wait3A_435 : memref<1x128xi32, #tpu.memory_space<vmem>> -> memref<128xi32, #tpu.memory_space<vmem>>
    %dma_wait3A_437 = arith.constant 0 : i32
    %dma_wait3A_438 = tpu.memref_slice %arg17[%dma_wait3A_437] : memref<5120xf32, #tpu.memory_space<vmem_shared>> -> memref<5120xf32, #tpu.memory_space<vmem_shared>>
    tpu.wait_indirect_dma semaphore(%arg18 : memref<!tpu.dma_semaphore, #tpu.memory_space<semaphore_mem>>) src(%dma_wait3A_433 : memref<128xf32, #tpu.memory_space<vmem>>) dst(%dma_wait3A_438 : memref<5120xf32, #tpu.memory_space<vmem_shared>>)
    %dma_start3A_439 = arith.constant 11 : i32
    %dma_start3A_440 = arith.constant 11 : i32
    %dma_start3A_441 = arith.constant 0 : i32
    %dma_start3A_442 = tpu.memref_slice %arg8[%dma_start3A_439, %dma_start3A_441] : memref<49x128xf32, #tpu.memory_space<vmem>> -> memref<1x128xf32, #tpu.memory_space<vmem>>
    %dma_start3A_443 = tpu.memref_squeeze %dma_start3A_442 : memref<1x128xf32, #tpu.memory_space<vmem>> -> memref<128xf32, #tpu.memory_space<vmem>>
    %dma_start3A_444 = arith.constant 0 : i32
    %dma_start3A_445 = tpu.memref_slice %arg7[%dma_start3A_440, %dma_start3A_444] : memref<49x128xi32, #tpu.memory_space<vmem>> -> memref<1x128xi32, #tpu.memory_space<vmem>>
    %dma_start3A_446 = tpu.memref_squeeze %dma_start3A_445 : memref<1x128xi32, #tpu.memory_space<vmem>> -> memref<128xi32, #tpu.memory_space<vmem>>
    %dma_start3A_447 = arith.constant 0 : i32
    %dma_start3A_448 = tpu.memref_slice %arg16[%dma_start3A_447] : memref<5120xf32, #tpu.memory_space<vmem_shared>> -> memref<5120xf32, #tpu.memory_space<vmem_shared>>
    tpu.enqueue_indirect_dma source(%dma_start3A_443 : memref<128xf32, #tpu.memory_space<vmem>>) target(%dma_start3A_448 : memref<5120xf32, #tpu.memory_space<vmem_shared>>) offsets(%dma_start3A_446 : memref<128xi32, #tpu.memory_space<vmem>>) semaphore(%arg18 : memref<!tpu.dma_semaphore, #tpu.memory_space<semaphore_mem>>) {add = true}
    %dma_start3A_449 = arith.constant 11 : i32
    %dma_start3A_450 = arith.constant 11 : i32
    %dma_start3A_451 = arith.constant 0 : i32
    %dma_start3A_452 = tpu.memref_slice %arg9[%dma_start3A_449, %dma_start3A_451] : memref<49x128xf32, #tpu.memory_space<vmem>> -> memref<1x128xf32, #tpu.memory_space<vmem>>
    %dma_start3A_453 = tpu.memref_squeeze %dma_start3A_452 : memref<1x128xf32, #tpu.memory_space<vmem>> -> memref<128xf32, #tpu.memory_space<vmem>>
    %dma_start3A_454 = arith.constant 0 : i32
    %dma_start3A_455 = tpu.memref_slice %arg7[%dma_start3A_450, %dma_start3A_454] : memref<49x128xi32, #tpu.memory_space<vmem>> -> memref<1x128xi32, #tpu.memory_space<vmem>>
    %dma_start3A_456 = tpu.memref_squeeze %dma_start3A_455 : memref<1x128xi32, #tpu.memory_space<vmem>> -> memref<128xi32, #tpu.memory_space<vmem>>
    %dma_start3A_457 = arith.constant 0 : i32
    %dma_start3A_458 = tpu.memref_slice %arg17[%dma_start3A_457] : memref<5120xf32, #tpu.memory_space<vmem_shared>> -> memref<5120xf32, #tpu.memory_space<vmem_shared>>
    tpu.enqueue_indirect_dma source(%dma_start3A_453 : memref<128xf32, #tpu.memory_space<vmem>>) target(%dma_start3A_458 : memref<5120xf32, #tpu.memory_space<vmem_shared>>) offsets(%dma_start3A_456 : memref<128xi32, #tpu.memory_space<vmem>>) semaphore(%arg18 : memref<!tpu.dma_semaphore, #tpu.memory_space<semaphore_mem>>) {add = true}
    %dma_wait3A_459 = arith.constant 7 : i32
    %dma_wait3A_460 = arith.constant 7 : i32
    %dma_wait3A_461 = arith.constant 0 : i32
    %dma_wait3A_462 = tpu.memref_slice %arg8[%dma_wait3A_459, %dma_wait3A_461] : memref<49x128xf32, #tpu.memory_space<vmem>> -> memref<1x128xf32, #tpu.memory_space<vmem>>
    %dma_wait3A_463 = tpu.memref_squeeze %dma_wait3A_462 : memref<1x128xf32, #tpu.memory_space<vmem>> -> memref<128xf32, #tpu.memory_space<vmem>>
    %dma_wait3A_464 = arith.constant 0 : i32
    %dma_wait3A_465 = tpu.memref_slice %arg7[%dma_wait3A_460, %dma_wait3A_464] : memref<49x128xi32, #tpu.memory_space<vmem>> -> memref<1x128xi32, #tpu.memory_space<vmem>>
    %dma_wait3A_466 = tpu.memref_squeeze %dma_wait3A_465 : memref<1x128xi32, #tpu.memory_space<vmem>> -> memref<128xi32, #tpu.memory_space<vmem>>
    %dma_wait3A_467 = arith.constant 0 : i32
    %dma_wait3A_468 = tpu.memref_slice %arg16[%dma_wait3A_467] : memref<5120xf32, #tpu.memory_space<vmem_shared>> -> memref<5120xf32, #tpu.memory_space<vmem_shared>>
    tpu.wait_indirect_dma semaphore(%arg18 : memref<!tpu.dma_semaphore, #tpu.memory_space<semaphore_mem>>) src(%dma_wait3A_463 : memref<128xf32, #tpu.memory_space<vmem>>) dst(%dma_wait3A_468 : memref<5120xf32, #tpu.memory_space<vmem_shared>>)
    %dma_wait3A_469 = arith.constant 7 : i32
    %dma_wait3A_470 = arith.constant 7 : i32
    %dma_wait3A_471 = arith.constant 0 : i32
    %dma_wait3A_472 = tpu.memref_slice %arg9[%dma_wait3A_469, %dma_wait3A_471] : memref<49x128xf32, #tpu.memory_space<vmem>> -> memref<1x128xf32, #tpu.memory_space<vmem>>
    %dma_wait3A_473 = tpu.memref_squeeze %dma_wait3A_472 : memref<1x128xf32, #tpu.memory_space<vmem>> -> memref<128xf32, #tpu.memory_space<vmem>>
    %dma_wait3A_474 = arith.constant 0 : i32
    %dma_wait3A_475 = tpu.memref_slice %arg7[%dma_wait3A_470, %dma_wait3A_474] : memref<49x128xi32, #tpu.memory_space<vmem>> -> memref<1x128xi32, #tpu.memory_space<vmem>>
    %dma_wait3A_476 = tpu.memref_squeeze %dma_wait3A_475 : memref<1x128xi32, #tpu.memory_space<vmem>> -> memref<128xi32, #tpu.memory_space<vmem>>
    %dma_wait3A_477 = arith.constant 0 : i32
    %dma_wait3A_478 = tpu.memref_slice %arg17[%dma_wait3A_477] : memref<5120xf32, #tpu.memory_space<vmem_shared>> -> memref<5120xf32, #tpu.memory_space<vmem_shared>>
    tpu.wait_indirect_dma semaphore(%arg18 : memref<!tpu.dma_semaphore, #tpu.memory_space<semaphore_mem>>) src(%dma_wait3A_473 : memref<128xf32, #tpu.memory_space<vmem>>) dst(%dma_wait3A_478 : memref<5120xf32, #tpu.memory_space<vmem_shared>>)
    %dma_start3A_479 = arith.constant 12 : i32
    %dma_start3A_480 = arith.constant 12 : i32
    %dma_start3A_481 = arith.constant 0 : i32
    %dma_start3A_482 = tpu.memref_slice %arg8[%dma_start3A_479, %dma_start3A_481] : memref<49x128xf32, #tpu.memory_space<vmem>> -> memref<1x128xf32, #tpu.memory_space<vmem>>
    %dma_start3A_483 = tpu.memref_squeeze %dma_start3A_482 : memref<1x128xf32, #tpu.memory_space<vmem>> -> memref<128xf32, #tpu.memory_space<vmem>>
    %dma_start3A_484 = arith.constant 0 : i32
    %dma_start3A_485 = tpu.memref_slice %arg7[%dma_start3A_480, %dma_start3A_484] : memref<49x128xi32, #tpu.memory_space<vmem>> -> memref<1x128xi32, #tpu.memory_space<vmem>>
    %dma_start3A_486 = tpu.memref_squeeze %dma_start3A_485 : memref<1x128xi32, #tpu.memory_space<vmem>> -> memref<128xi32, #tpu.memory_space<vmem>>
    %dma_start3A_487 = arith.constant 0 : i32
    %dma_start3A_488 = tpu.memref_slice %arg16[%dma_start3A_487] : memref<5120xf32, #tpu.memory_space<vmem_shared>> -> memref<5120xf32, #tpu.memory_space<vmem_shared>>
    tpu.enqueue_indirect_dma source(%dma_start3A_483 : memref<128xf32, #tpu.memory_space<vmem>>) target(%dma_start3A_488 : memref<5120xf32, #tpu.memory_space<vmem_shared>>) offsets(%dma_start3A_486 : memref<128xi32, #tpu.memory_space<vmem>>) semaphore(%arg18 : memref<!tpu.dma_semaphore, #tpu.memory_space<semaphore_mem>>) {add = true}
    %dma_start3A_489 = arith.constant 12 : i32
    %dma_start3A_490 = arith.constant 12 : i32
    %dma_start3A_491 = arith.constant 0 : i32
    %dma_start3A_492 = tpu.memref_slice %arg9[%dma_start3A_489, %dma_start3A_491] : memref<49x128xf32, #tpu.memory_space<vmem>> -> memref<1x128xf32, #tpu.memory_space<vmem>>
    %dma_start3A_493 = tpu.memref_squeeze %dma_start3A_492 : memref<1x128xf32, #tpu.memory_space<vmem>> -> memref<128xf32, #tpu.memory_space<vmem>>
    %dma_start3A_494 = arith.constant 0 : i32
    %dma_start3A_495 = tpu.memref_slice %arg7[%dma_start3A_490, %dma_start3A_494] : memref<49x128xi32, #tpu.memory_space<vmem>> -> memref<1x128xi32, #tpu.memory_space<vmem>>
    %dma_start3A_496 = tpu.memref_squeeze %dma_start3A_495 : memref<1x128xi32, #tpu.memory_space<vmem>> -> memref<128xi32, #tpu.memory_space<vmem>>
    %dma_start3A_497 = arith.constant 0 : i32
    %dma_start3A_498 = tpu.memref_slice %arg17[%dma_start3A_497] : memref<5120xf32, #tpu.memory_space<vmem_shared>> -> memref<5120xf32, #tpu.memory_space<vmem_shared>>
    tpu.enqueue_indirect_dma source(%dma_start3A_493 : memref<128xf32, #tpu.memory_space<vmem>>) target(%dma_start3A_498 : memref<5120xf32, #tpu.memory_space<vmem_shared>>) offsets(%dma_start3A_496 : memref<128xi32, #tpu.memory_space<vmem>>) semaphore(%arg18 : memref<!tpu.dma_semaphore, #tpu.memory_space<semaphore_mem>>) {add = true}
    %dma_wait3A_499 = arith.constant 8 : i32
    %dma_wait3A_500 = arith.constant 8 : i32
    %dma_wait3A_501 = arith.constant 0 : i32
    %dma_wait3A_502 = tpu.memref_slice %arg8[%dma_wait3A_499, %dma_wait3A_501] : memref<49x128xf32, #tpu.memory_space<vmem>> -> memref<1x128xf32, #tpu.memory_space<vmem>>
    %dma_wait3A_503 = tpu.memref_squeeze %dma_wait3A_502 : memref<1x128xf32, #tpu.memory_space<vmem>> -> memref<128xf32, #tpu.memory_space<vmem>>
    %dma_wait3A_504 = arith.constant 0 : i32
    %dma_wait3A_505 = tpu.memref_slice %arg7[%dma_wait3A_500, %dma_wait3A_504] : memref<49x128xi32, #tpu.memory_space<vmem>> -> memref<1x128xi32, #tpu.memory_space<vmem>>
    %dma_wait3A_506 = tpu.memref_squeeze %dma_wait3A_505 : memref<1x128xi32, #tpu.memory_space<vmem>> -> memref<128xi32, #tpu.memory_space<vmem>>
    %dma_wait3A_507 = arith.constant 0 : i32
    %dma_wait3A_508 = tpu.memref_slice %arg16[%dma_wait3A_507] : memref<5120xf32, #tpu.memory_space<vmem_shared>> -> memref<5120xf32, #tpu.memory_space<vmem_shared>>
    tpu.wait_indirect_dma semaphore(%arg18 : memref<!tpu.dma_semaphore, #tpu.memory_space<semaphore_mem>>) src(%dma_wait3A_503 : memref<128xf32, #tpu.memory_space<vmem>>) dst(%dma_wait3A_508 : memref<5120xf32, #tpu.memory_space<vmem_shared>>)
    %dma_wait3A_509 = arith.constant 8 : i32
    %dma_wait3A_510 = arith.constant 8 : i32
    %dma_wait3A_511 = arith.constant 0 : i32
    %dma_wait3A_512 = tpu.memref_slice %arg9[%dma_wait3A_509, %dma_wait3A_511] : memref<49x128xf32, #tpu.memory_space<vmem>> -> memref<1x128xf32, #tpu.memory_space<vmem>>
    %dma_wait3A_513 = tpu.memref_squeeze %dma_wait3A_512 : memref<1x128xf32, #tpu.memory_space<vmem>> -> memref<128xf32, #tpu.memory_space<vmem>>
    %dma_wait3A_514 = arith.constant 0 : i32
    %dma_wait3A_515 = tpu.memref_slice %arg7[%dma_wait3A_510, %dma_wait3A_514] : memref<49x128xi32, #tpu.memory_space<vmem>> -> memref<1x128xi32, #tpu.memory_space<vmem>>
    %dma_wait3A_516 = tpu.memref_squeeze %dma_wait3A_515 : memref<1x128xi32, #tpu.memory_space<vmem>> -> memref<128xi32, #tpu.memory_space<vmem>>
    %dma_wait3A_517 = arith.constant 0 : i32
    %dma_wait3A_518 = tpu.memref_slice %arg17[%dma_wait3A_517] : memref<5120xf32, #tpu.memory_space<vmem_shared>> -> memref<5120xf32, #tpu.memory_space<vmem_shared>>
    tpu.wait_indirect_dma semaphore(%arg18 : memref<!tpu.dma_semaphore, #tpu.memory_space<semaphore_mem>>) src(%dma_wait3A_513 : memref<128xf32, #tpu.memory_space<vmem>>) dst(%dma_wait3A_518 : memref<5120xf32, #tpu.memory_space<vmem_shared>>)
    %dma_start3A_519 = arith.constant 13 : i32
    %dma_start3A_520 = arith.constant 13 : i32
    %dma_start3A_521 = arith.constant 0 : i32
    %dma_start3A_522 = tpu.memref_slice %arg8[%dma_start3A_519, %dma_start3A_521] : memref<49x128xf32, #tpu.memory_space<vmem>> -> memref<1x128xf32, #tpu.memory_space<vmem>>
    %dma_start3A_523 = tpu.memref_squeeze %dma_start3A_522 : memref<1x128xf32, #tpu.memory_space<vmem>> -> memref<128xf32, #tpu.memory_space<vmem>>
    %dma_start3A_524 = arith.constant 0 : i32
    %dma_start3A_525 = tpu.memref_slice %arg7[%dma_start3A_520, %dma_start3A_524] : memref<49x128xi32, #tpu.memory_space<vmem>> -> memref<1x128xi32, #tpu.memory_space<vmem>>
    %dma_start3A_526 = tpu.memref_squeeze %dma_start3A_525 : memref<1x128xi32, #tpu.memory_space<vmem>> -> memref<128xi32, #tpu.memory_space<vmem>>
    %dma_start3A_527 = arith.constant 0 : i32
    %dma_start3A_528 = tpu.memref_slice %arg16[%dma_start3A_527] : memref<5120xf32, #tpu.memory_space<vmem_shared>> -> memref<5120xf32, #tpu.memory_space<vmem_shared>>
    tpu.enqueue_indirect_dma source(%dma_start3A_523 : memref<128xf32, #tpu.memory_space<vmem>>) target(%dma_start3A_528 : memref<5120xf32, #tpu.memory_space<vmem_shared>>) offsets(%dma_start3A_526 : memref<128xi32, #tpu.memory_space<vmem>>) semaphore(%arg18 : memref<!tpu.dma_semaphore, #tpu.memory_space<semaphore_mem>>) {add = true}
    %dma_start3A_529 = arith.constant 13 : i32
    %dma_start3A_530 = arith.constant 13 : i32
    %dma_start3A_531 = arith.constant 0 : i32
    %dma_start3A_532 = tpu.memref_slice %arg9[%dma_start3A_529, %dma_start3A_531] : memref<49x128xf32, #tpu.memory_space<vmem>> -> memref<1x128xf32, #tpu.memory_space<vmem>>
    %dma_start3A_533 = tpu.memref_squeeze %dma_start3A_532 : memref<1x128xf32, #tpu.memory_space<vmem>> -> memref<128xf32, #tpu.memory_space<vmem>>
    %dma_start3A_534 = arith.constant 0 : i32
    %dma_start3A_535 = tpu.memref_slice %arg7[%dma_start3A_530, %dma_start3A_534] : memref<49x128xi32, #tpu.memory_space<vmem>> -> memref<1x128xi32, #tpu.memory_space<vmem>>
    %dma_start3A_536 = tpu.memref_squeeze %dma_start3A_535 : memref<1x128xi32, #tpu.memory_space<vmem>> -> memref<128xi32, #tpu.memory_space<vmem>>
    %dma_start3A_537 = arith.constant 0 : i32
    %dma_start3A_538 = tpu.memref_slice %arg17[%dma_start3A_537] : memref<5120xf32, #tpu.memory_space<vmem_shared>> -> memref<5120xf32, #tpu.memory_space<vmem_shared>>
    tpu.enqueue_indirect_dma source(%dma_start3A_533 : memref<128xf32, #tpu.memory_space<vmem>>) target(%dma_start3A_538 : memref<5120xf32, #tpu.memory_space<vmem_shared>>) offsets(%dma_start3A_536 : memref<128xi32, #tpu.memory_space<vmem>>) semaphore(%arg18 : memref<!tpu.dma_semaphore, #tpu.memory_space<semaphore_mem>>) {add = true}
    %dma_wait3A_539 = arith.constant 9 : i32
    %dma_wait3A_540 = arith.constant 9 : i32
    %dma_wait3A_541 = arith.constant 0 : i32
    %dma_wait3A_542 = tpu.memref_slice %arg8[%dma_wait3A_539, %dma_wait3A_541] : memref<49x128xf32, #tpu.memory_space<vmem>> -> memref<1x128xf32, #tpu.memory_space<vmem>>
    %dma_wait3A_543 = tpu.memref_squeeze %dma_wait3A_542 : memref<1x128xf32, #tpu.memory_space<vmem>> -> memref<128xf32, #tpu.memory_space<vmem>>
    %dma_wait3A_544 = arith.constant 0 : i32
    %dma_wait3A_545 = tpu.memref_slice %arg7[%dma_wait3A_540, %dma_wait3A_544] : memref<49x128xi32, #tpu.memory_space<vmem>> -> memref<1x128xi32, #tpu.memory_space<vmem>>
    %dma_wait3A_546 = tpu.memref_squeeze %dma_wait3A_545 : memref<1x128xi32, #tpu.memory_space<vmem>> -> memref<128xi32, #tpu.memory_space<vmem>>
    %dma_wait3A_547 = arith.constant 0 : i32
    %dma_wait3A_548 = tpu.memref_slice %arg16[%dma_wait3A_547] : memref<5120xf32, #tpu.memory_space<vmem_shared>> -> memref<5120xf32, #tpu.memory_space<vmem_shared>>
    tpu.wait_indirect_dma semaphore(%arg18 : memref<!tpu.dma_semaphore, #tpu.memory_space<semaphore_mem>>) src(%dma_wait3A_543 : memref<128xf32, #tpu.memory_space<vmem>>) dst(%dma_wait3A_548 : memref<5120xf32, #tpu.memory_space<vmem_shared>>)
    %dma_wait3A_549 = arith.constant 9 : i32
    %dma_wait3A_550 = arith.constant 9 : i32
    %dma_wait3A_551 = arith.constant 0 : i32
    %dma_wait3A_552 = tpu.memref_slice %arg9[%dma_wait3A_549, %dma_wait3A_551] : memref<49x128xf32, #tpu.memory_space<vmem>> -> memref<1x128xf32, #tpu.memory_space<vmem>>
    %dma_wait3A_553 = tpu.memref_squeeze %dma_wait3A_552 : memref<1x128xf32, #tpu.memory_space<vmem>> -> memref<128xf32, #tpu.memory_space<vmem>>
    %dma_wait3A_554 = arith.constant 0 : i32
    %dma_wait3A_555 = tpu.memref_slice %arg7[%dma_wait3A_550, %dma_wait3A_554] : memref<49x128xi32, #tpu.memory_space<vmem>> -> memref<1x128xi32, #tpu.memory_space<vmem>>
    %dma_wait3A_556 = tpu.memref_squeeze %dma_wait3A_555 : memref<1x128xi32, #tpu.memory_space<vmem>> -> memref<128xi32, #tpu.memory_space<vmem>>
    %dma_wait3A_557 = arith.constant 0 : i32
    %dma_wait3A_558 = tpu.memref_slice %arg17[%dma_wait3A_557] : memref<5120xf32, #tpu.memory_space<vmem_shared>> -> memref<5120xf32, #tpu.memory_space<vmem_shared>>
    tpu.wait_indirect_dma semaphore(%arg18 : memref<!tpu.dma_semaphore, #tpu.memory_space<semaphore_mem>>) src(%dma_wait3A_553 : memref<128xf32, #tpu.memory_space<vmem>>) dst(%dma_wait3A_558 : memref<5120xf32, #tpu.memory_space<vmem_shared>>)
    %dma_start3A_559 = arith.constant 14 : i32
    %dma_start3A_560 = arith.constant 14 : i32
    %dma_start3A_561 = arith.constant 0 : i32
    %dma_start3A_562 = tpu.memref_slice %arg8[%dma_start3A_559, %dma_start3A_561] : memref<49x128xf32, #tpu.memory_space<vmem>> -> memref<1x128xf32, #tpu.memory_space<vmem>>
    %dma_start3A_563 = tpu.memref_squeeze %dma_start3A_562 : memref<1x128xf32, #tpu.memory_space<vmem>> -> memref<128xf32, #tpu.memory_space<vmem>>
    %dma_start3A_564 = arith.constant 0 : i32
    %dma_start3A_565 = tpu.memref_slice %arg7[%dma_start3A_560, %dma_start3A_564] : memref<49x128xi32, #tpu.memory_space<vmem>> -> memref<1x128xi32, #tpu.memory_space<vmem>>
    %dma_start3A_566 = tpu.memref_squeeze %dma_start3A_565 : memref<1x128xi32, #tpu.memory_space<vmem>> -> memref<128xi32, #tpu.memory_space<vmem>>
    %dma_start3A_567 = arith.constant 0 : i32
    %dma_start3A_568 = tpu.memref_slice %arg16[%dma_start3A_567] : memref<5120xf32, #tpu.memory_space<vmem_shared>> -> memref<5120xf32, #tpu.memory_space<vmem_shared>>
    tpu.enqueue_indirect_dma source(%dma_start3A_563 : memref<128xf32, #tpu.memory_space<vmem>>) target(%dma_start3A_568 : memref<5120xf32, #tpu.memory_space<vmem_shared>>) offsets(%dma_start3A_566 : memref<128xi32, #tpu.memory_space<vmem>>) semaphore(%arg18 : memref<!tpu.dma_semaphore, #tpu.memory_space<semaphore_mem>>) {add = true}
    %dma_start3A_569 = arith.constant 14 : i32
    %dma_start3A_570 = arith.constant 14 : i32
    %dma_start3A_571 = arith.constant 0 : i32
    %dma_start3A_572 = tpu.memref_slice %arg9[%dma_start3A_569, %dma_start3A_571] : memref<49x128xf32, #tpu.memory_space<vmem>> -> memref<1x128xf32, #tpu.memory_space<vmem>>
    %dma_start3A_573 = tpu.memref_squeeze %dma_start3A_572 : memref<1x128xf32, #tpu.memory_space<vmem>> -> memref<128xf32, #tpu.memory_space<vmem>>
    %dma_start3A_574 = arith.constant 0 : i32
    %dma_start3A_575 = tpu.memref_slice %arg7[%dma_start3A_570, %dma_start3A_574] : memref<49x128xi32, #tpu.memory_space<vmem>> -> memref<1x128xi32, #tpu.memory_space<vmem>>
    %dma_start3A_576 = tpu.memref_squeeze %dma_start3A_575 : memref<1x128xi32, #tpu.memory_space<vmem>> -> memref<128xi32, #tpu.memory_space<vmem>>
    %dma_start3A_577 = arith.constant 0 : i32
    %dma_start3A_578 = tpu.memref_slice %arg17[%dma_start3A_577] : memref<5120xf32, #tpu.memory_space<vmem_shared>> -> memref<5120xf32, #tpu.memory_space<vmem_shared>>
    tpu.enqueue_indirect_dma source(%dma_start3A_573 : memref<128xf32, #tpu.memory_space<vmem>>) target(%dma_start3A_578 : memref<5120xf32, #tpu.memory_space<vmem_shared>>) offsets(%dma_start3A_576 : memref<128xi32, #tpu.memory_space<vmem>>) semaphore(%arg18 : memref<!tpu.dma_semaphore, #tpu.memory_space<semaphore_mem>>) {add = true}
    %dma_wait3A_579 = arith.constant 10 : i32
    %dma_wait3A_580 = arith.constant 10 : i32
    %dma_wait3A_581 = arith.constant 0 : i32
    %dma_wait3A_582 = tpu.memref_slice %arg8[%dma_wait3A_579, %dma_wait3A_581] : memref<49x128xf32, #tpu.memory_space<vmem>> -> memref<1x128xf32, #tpu.memory_space<vmem>>
    %dma_wait3A_583 = tpu.memref_squeeze %dma_wait3A_582 : memref<1x128xf32, #tpu.memory_space<vmem>> -> memref<128xf32, #tpu.memory_space<vmem>>
    %dma_wait3A_584 = arith.constant 0 : i32
    %dma_wait3A_585 = tpu.memref_slice %arg7[%dma_wait3A_580, %dma_wait3A_584] : memref<49x128xi32, #tpu.memory_space<vmem>> -> memref<1x128xi32, #tpu.memory_space<vmem>>
    %dma_wait3A_586 = tpu.memref_squeeze %dma_wait3A_585 : memref<1x128xi32, #tpu.memory_space<vmem>> -> memref<128xi32, #tpu.memory_space<vmem>>
    %dma_wait3A_587 = arith.constant 0 : i32
    %dma_wait3A_588 = tpu.memref_slice %arg16[%dma_wait3A_587] : memref<5120xf32, #tpu.memory_space<vmem_shared>> -> memref<5120xf32, #tpu.memory_space<vmem_shared>>
    tpu.wait_indirect_dma semaphore(%arg18 : memref<!tpu.dma_semaphore, #tpu.memory_space<semaphore_mem>>) src(%dma_wait3A_583 : memref<128xf32, #tpu.memory_space<vmem>>) dst(%dma_wait3A_588 : memref<5120xf32, #tpu.memory_space<vmem_shared>>)
    %dma_wait3A_589 = arith.constant 10 : i32
    %dma_wait3A_590 = arith.constant 10 : i32
    %dma_wait3A_591 = arith.constant 0 : i32
    %dma_wait3A_592 = tpu.memref_slice %arg9[%dma_wait3A_589, %dma_wait3A_591] : memref<49x128xf32, #tpu.memory_space<vmem>> -> memref<1x128xf32, #tpu.memory_space<vmem>>
    %dma_wait3A_593 = tpu.memref_squeeze %dma_wait3A_592 : memref<1x128xf32, #tpu.memory_space<vmem>> -> memref<128xf32, #tpu.memory_space<vmem>>
    %dma_wait3A_594 = arith.constant 0 : i32
    %dma_wait3A_595 = tpu.memref_slice %arg7[%dma_wait3A_590, %dma_wait3A_594] : memref<49x128xi32, #tpu.memory_space<vmem>> -> memref<1x128xi32, #tpu.memory_space<vmem>>
    %dma_wait3A_596 = tpu.memref_squeeze %dma_wait3A_595 : memref<1x128xi32, #tpu.memory_space<vmem>> -> memref<128xi32, #tpu.memory_space<vmem>>
    %dma_wait3A_597 = arith.constant 0 : i32
    %dma_wait3A_598 = tpu.memref_slice %arg17[%dma_wait3A_597] : memref<5120xf32, #tpu.memory_space<vmem_shared>> -> memref<5120xf32, #tpu.memory_space<vmem_shared>>
    tpu.wait_indirect_dma semaphore(%arg18 : memref<!tpu.dma_semaphore, #tpu.memory_space<semaphore_mem>>) src(%dma_wait3A_593 : memref<128xf32, #tpu.memory_space<vmem>>) dst(%dma_wait3A_598 : memref<5120xf32, #tpu.memory_space<vmem_shared>>)
    %dma_start3A_599 = arith.constant 15 : i32
    %dma_start3A_600 = arith.constant 15 : i32
    %dma_start3A_601 = arith.constant 0 : i32
    %dma_start3A_602 = tpu.memref_slice %arg8[%dma_start3A_599, %dma_start3A_601] : memref<49x128xf32, #tpu.memory_space<vmem>> -> memref<1x128xf32, #tpu.memory_space<vmem>>
    %dma_start3A_603 = tpu.memref_squeeze %dma_start3A_602 : memref<1x128xf32, #tpu.memory_space<vmem>> -> memref<128xf32, #tpu.memory_space<vmem>>
    %dma_start3A_604 = arith.constant 0 : i32
    %dma_start3A_605 = tpu.memref_slice %arg7[%dma_start3A_600, %dma_start3A_604] : memref<49x128xi32, #tpu.memory_space<vmem>> -> memref<1x128xi32, #tpu.memory_space<vmem>>
    %dma_start3A_606 = tpu.memref_squeeze %dma_start3A_605 : memref<1x128xi32, #tpu.memory_space<vmem>> -> memref<128xi32, #tpu.memory_space<vmem>>
    %dma_start3A_607 = arith.constant 0 : i32
    %dma_start3A_608 = tpu.memref_slice %arg16[%dma_start3A_607] : memref<5120xf32, #tpu.memory_space<vmem_shared>> -> memref<5120xf32, #tpu.memory_space<vmem_shared>>
    tpu.enqueue_indirect_dma source(%dma_start3A_603 : memref<128xf32, #tpu.memory_space<vmem>>) target(%dma_start3A_608 : memref<5120xf32, #tpu.memory_space<vmem_shared>>) offsets(%dma_start3A_606 : memref<128xi32, #tpu.memory_space<vmem>>) semaphore(%arg18 : memref<!tpu.dma_semaphore, #tpu.memory_space<semaphore_mem>>) {add = true}
    %dma_start3A_609 = arith.constant 15 : i32
    %dma_start3A_610 = arith.constant 15 : i32
    %dma_start3A_611 = arith.constant 0 : i32
    %dma_start3A_612 = tpu.memref_slice %arg9[%dma_start3A_609, %dma_start3A_611] : memref<49x128xf32, #tpu.memory_space<vmem>> -> memref<1x128xf32, #tpu.memory_space<vmem>>
    %dma_start3A_613 = tpu.memref_squeeze %dma_start3A_612 : memref<1x128xf32, #tpu.memory_space<vmem>> -> memref<128xf32, #tpu.memory_space<vmem>>
    %dma_start3A_614 = arith.constant 0 : i32
    %dma_start3A_615 = tpu.memref_slice %arg7[%dma_start3A_610, %dma_start3A_614] : memref<49x128xi32, #tpu.memory_space<vmem>> -> memref<1x128xi32, #tpu.memory_space<vmem>>
    %dma_start3A_616 = tpu.memref_squeeze %dma_start3A_615 : memref<1x128xi32, #tpu.memory_space<vmem>> -> memref<128xi32, #tpu.memory_space<vmem>>
    %dma_start3A_617 = arith.constant 0 : i32
    %dma_start3A_618 = tpu.memref_slice %arg17[%dma_start3A_617] : memref<5120xf32, #tpu.memory_space<vmem_shared>> -> memref<5120xf32, #tpu.memory_space<vmem_shared>>
    tpu.enqueue_indirect_dma source(%dma_start3A_613 : memref<128xf32, #tpu.memory_space<vmem>>) target(%dma_start3A_618 : memref<5120xf32, #tpu.memory_space<vmem_shared>>) offsets(%dma_start3A_616 : memref<128xi32, #tpu.memory_space<vmem>>) semaphore(%arg18 : memref<!tpu.dma_semaphore, #tpu.memory_space<semaphore_mem>>) {add = true}
    %dma_wait3A_619 = arith.constant 11 : i32
    %dma_wait3A_620 = arith.constant 11 : i32
    %dma_wait3A_621 = arith.constant 0 : i32
    %dma_wait3A_622 = tpu.memref_slice %arg8[%dma_wait3A_619, %dma_wait3A_621] : memref<49x128xf32, #tpu.memory_space<vmem>> -> memref<1x128xf32, #tpu.memory_space<vmem>>
    %dma_wait3A_623 = tpu.memref_squeeze %dma_wait3A_622 : memref<1x128xf32, #tpu.memory_space<vmem>> -> memref<128xf32, #tpu.memory_space<vmem>>
    %dma_wait3A_624 = arith.constant 0 : i32
    %dma_wait3A_625 = tpu.memref_slice %arg7[%dma_wait3A_620, %dma_wait3A_624] : memref<49x128xi32, #tpu.memory_space<vmem>> -> memref<1x128xi32, #tpu.memory_space<vmem>>
    %dma_wait3A_626 = tpu.memref_squeeze %dma_wait3A_625 : memref<1x128xi32, #tpu.memory_space<vmem>> -> memref<128xi32, #tpu.memory_space<vmem>>
    %dma_wait3A_627 = arith.constant 0 : i32
    %dma_wait3A_628 = tpu.memref_slice %arg16[%dma_wait3A_627] : memref<5120xf32, #tpu.memory_space<vmem_shared>> -> memref<5120xf32, #tpu.memory_space<vmem_shared>>
    tpu.wait_indirect_dma semaphore(%arg18 : memref<!tpu.dma_semaphore, #tpu.memory_space<semaphore_mem>>) src(%dma_wait3A_623 : memref<128xf32, #tpu.memory_space<vmem>>) dst(%dma_wait3A_628 : memref<5120xf32, #tpu.memory_space<vmem_shared>>)
    %dma_wait3A_629 = arith.constant 11 : i32
    %dma_wait3A_630 = arith.constant 11 : i32
    %dma_wait3A_631 = arith.constant 0 : i32
    %dma_wait3A_632 = tpu.memref_slice %arg9[%dma_wait3A_629, %dma_wait3A_631] : memref<49x128xf32, #tpu.memory_space<vmem>> -> memref<1x128xf32, #tpu.memory_space<vmem>>
    %dma_wait3A_633 = tpu.memref_squeeze %dma_wait3A_632 : memref<1x128xf32, #tpu.memory_space<vmem>> -> memref<128xf32, #tpu.memory_space<vmem>>
    %dma_wait3A_634 = arith.constant 0 : i32
    %dma_wait3A_635 = tpu.memref_slice %arg7[%dma_wait3A_630, %dma_wait3A_634] : memref<49x128xi32, #tpu.memory_space<vmem>> -> memref<1x128xi32, #tpu.memory_space<vmem>>
    %dma_wait3A_636 = tpu.memref_squeeze %dma_wait3A_635 : memref<1x128xi32, #tpu.memory_space<vmem>> -> memref<128xi32, #tpu.memory_space<vmem>>
    %dma_wait3A_637 = arith.constant 0 : i32
    %dma_wait3A_638 = tpu.memref_slice %arg17[%dma_wait3A_637] : memref<5120xf32, #tpu.memory_space<vmem_shared>> -> memref<5120xf32, #tpu.memory_space<vmem_shared>>
    tpu.wait_indirect_dma semaphore(%arg18 : memref<!tpu.dma_semaphore, #tpu.memory_space<semaphore_mem>>) src(%dma_wait3A_633 : memref<128xf32, #tpu.memory_space<vmem>>) dst(%dma_wait3A_638 : memref<5120xf32, #tpu.memory_space<vmem_shared>>)
    %dma_start3A_639 = arith.constant 16 : i32
    %dma_start3A_640 = arith.constant 16 : i32
    %dma_start3A_641 = arith.constant 0 : i32
    %dma_start3A_642 = tpu.memref_slice %arg8[%dma_start3A_639, %dma_start3A_641] : memref<49x128xf32, #tpu.memory_space<vmem>> -> memref<1x128xf32, #tpu.memory_space<vmem>>
    %dma_start3A_643 = tpu.memref_squeeze %dma_start3A_642 : memref<1x128xf32, #tpu.memory_space<vmem>> -> memref<128xf32, #tpu.memory_space<vmem>>
    %dma_start3A_644 = arith.constant 0 : i32
    %dma_start3A_645 = tpu.memref_slice %arg7[%dma_start3A_640, %dma_start3A_644] : memref<49x128xi32, #tpu.memory_space<vmem>> -> memref<1x128xi32, #tpu.memory_space<vmem>>
    %dma_start3A_646 = tpu.memref_squeeze %dma_start3A_645 : memref<1x128xi32, #tpu.memory_space<vmem>> -> memref<128xi32, #tpu.memory_space<vmem>>
    %dma_start3A_647 = arith.constant 0 : i32
    %dma_start3A_648 = tpu.memref_slice %arg16[%dma_start3A_647] : memref<5120xf32, #tpu.memory_space<vmem_shared>> -> memref<5120xf32, #tpu.memory_space<vmem_shared>>
    tpu.enqueue_indirect_dma source(%dma_start3A_643 : memref<128xf32, #tpu.memory_space<vmem>>) target(%dma_start3A_648 : memref<5120xf32, #tpu.memory_space<vmem_shared>>) offsets(%dma_start3A_646 : memref<128xi32, #tpu.memory_space<vmem>>) semaphore(%arg18 : memref<!tpu.dma_semaphore, #tpu.memory_space<semaphore_mem>>) {add = true}
    %dma_start3A_649 = arith.constant 16 : i32
    %dma_start3A_650 = arith.constant 16 : i32
    %dma_start3A_651 = arith.constant 0 : i32
    %dma_start3A_652 = tpu.memref_slice %arg9[%dma_start3A_649, %dma_start3A_651] : memref<49x128xf32, #tpu.memory_space<vmem>> -> memref<1x128xf32, #tpu.memory_space<vmem>>
    %dma_start3A_653 = tpu.memref_squeeze %dma_start3A_652 : memref<1x128xf32, #tpu.memory_space<vmem>> -> memref<128xf32, #tpu.memory_space<vmem>>
    %dma_start3A_654 = arith.constant 0 : i32
    %dma_start3A_655 = tpu.memref_slice %arg7[%dma_start3A_650, %dma_start3A_654] : memref<49x128xi32, #tpu.memory_space<vmem>> -> memref<1x128xi32, #tpu.memory_space<vmem>>
    %dma_start3A_656 = tpu.memref_squeeze %dma_start3A_655 : memref<1x128xi32, #tpu.memory_space<vmem>> -> memref<128xi32, #tpu.memory_space<vmem>>
    %dma_start3A_657 = arith.constant 0 : i32
    %dma_start3A_658 = tpu.memref_slice %arg17[%dma_start3A_657] : memref<5120xf32, #tpu.memory_space<vmem_shared>> -> memref<5120xf32, #tpu.memory_space<vmem_shared>>
    tpu.enqueue_indirect_dma source(%dma_start3A_653 : memref<128xf32, #tpu.memory_space<vmem>>) target(%dma_start3A_658 : memref<5120xf32, #tpu.memory_space<vmem_shared>>) offsets(%dma_start3A_656 : memref<128xi32, #tpu.memory_space<vmem>>) semaphore(%arg18 : memref<!tpu.dma_semaphore, #tpu.memory_space<semaphore_mem>>) {add = true}
    %dma_wait3A_659 = arith.constant 12 : i32
    %dma_wait3A_660 = arith.constant 12 : i32
    %dma_wait3A_661 = arith.constant 0 : i32
    %dma_wait3A_662 = tpu.memref_slice %arg8[%dma_wait3A_659, %dma_wait3A_661] : memref<49x128xf32, #tpu.memory_space<vmem>> -> memref<1x128xf32, #tpu.memory_space<vmem>>
    %dma_wait3A_663 = tpu.memref_squeeze %dma_wait3A_662 : memref<1x128xf32, #tpu.memory_space<vmem>> -> memref<128xf32, #tpu.memory_space<vmem>>
    %dma_wait3A_664 = arith.constant 0 : i32
    %dma_wait3A_665 = tpu.memref_slice %arg7[%dma_wait3A_660, %dma_wait3A_664] : memref<49x128xi32, #tpu.memory_space<vmem>> -> memref<1x128xi32, #tpu.memory_space<vmem>>
    %dma_wait3A_666 = tpu.memref_squeeze %dma_wait3A_665 : memref<1x128xi32, #tpu.memory_space<vmem>> -> memref<128xi32, #tpu.memory_space<vmem>>
    %dma_wait3A_667 = arith.constant 0 : i32
    %dma_wait3A_668 = tpu.memref_slice %arg16[%dma_wait3A_667] : memref<5120xf32, #tpu.memory_space<vmem_shared>> -> memref<5120xf32, #tpu.memory_space<vmem_shared>>
    tpu.wait_indirect_dma semaphore(%arg18 : memref<!tpu.dma_semaphore, #tpu.memory_space<semaphore_mem>>) src(%dma_wait3A_663 : memref<128xf32, #tpu.memory_space<vmem>>) dst(%dma_wait3A_668 : memref<5120xf32, #tpu.memory_space<vmem_shared>>)
    %dma_wait3A_669 = arith.constant 12 : i32
    %dma_wait3A_670 = arith.constant 12 : i32
    %dma_wait3A_671 = arith.constant 0 : i32
    %dma_wait3A_672 = tpu.memref_slice %arg9[%dma_wait3A_669, %dma_wait3A_671] : memref<49x128xf32, #tpu.memory_space<vmem>> -> memref<1x128xf32, #tpu.memory_space<vmem>>
    %dma_wait3A_673 = tpu.memref_squeeze %dma_wait3A_672 : memref<1x128xf32, #tpu.memory_space<vmem>> -> memref<128xf32, #tpu.memory_space<vmem>>
    %dma_wait3A_674 = arith.constant 0 : i32
    %dma_wait3A_675 = tpu.memref_slice %arg7[%dma_wait3A_670, %dma_wait3A_674] : memref<49x128xi32, #tpu.memory_space<vmem>> -> memref<1x128xi32, #tpu.memory_space<vmem>>
    %dma_wait3A_676 = tpu.memref_squeeze %dma_wait3A_675 : memref<1x128xi32, #tpu.memory_space<vmem>> -> memref<128xi32, #tpu.memory_space<vmem>>
    %dma_wait3A_677 = arith.constant 0 : i32
    %dma_wait3A_678 = tpu.memref_slice %arg17[%dma_wait3A_677] : memref<5120xf32, #tpu.memory_space<vmem_shared>> -> memref<5120xf32, #tpu.memory_space<vmem_shared>>
    tpu.wait_indirect_dma semaphore(%arg18 : memref<!tpu.dma_semaphore, #tpu.memory_space<semaphore_mem>>) src(%dma_wait3A_673 : memref<128xf32, #tpu.memory_space<vmem>>) dst(%dma_wait3A_678 : memref<5120xf32, #tpu.memory_space<vmem_shared>>)
    %dma_start3A_679 = arith.constant 17 : i32
    %dma_start3A_680 = arith.constant 17 : i32
    %dma_start3A_681 = arith.constant 0 : i32
    %dma_start3A_682 = tpu.memref_slice %arg8[%dma_start3A_679, %dma_start3A_681] : memref<49x128xf32, #tpu.memory_space<vmem>> -> memref<1x128xf32, #tpu.memory_space<vmem>>
    %dma_start3A_683 = tpu.memref_squeeze %dma_start3A_682 : memref<1x128xf32, #tpu.memory_space<vmem>> -> memref<128xf32, #tpu.memory_space<vmem>>
    %dma_start3A_684 = arith.constant 0 : i32
    %dma_start3A_685 = tpu.memref_slice %arg7[%dma_start3A_680, %dma_start3A_684] : memref<49x128xi32, #tpu.memory_space<vmem>> -> memref<1x128xi32, #tpu.memory_space<vmem>>
    %dma_start3A_686 = tpu.memref_squeeze %dma_start3A_685 : memref<1x128xi32, #tpu.memory_space<vmem>> -> memref<128xi32, #tpu.memory_space<vmem>>
    %dma_start3A_687 = arith.constant 0 : i32
    %dma_start3A_688 = tpu.memref_slice %arg16[%dma_start3A_687] : memref<5120xf32, #tpu.memory_space<vmem_shared>> -> memref<5120xf32, #tpu.memory_space<vmem_shared>>
    tpu.enqueue_indirect_dma source(%dma_start3A_683 : memref<128xf32, #tpu.memory_space<vmem>>) target(%dma_start3A_688 : memref<5120xf32, #tpu.memory_space<vmem_shared>>) offsets(%dma_start3A_686 : memref<128xi32, #tpu.memory_space<vmem>>) semaphore(%arg18 : memref<!tpu.dma_semaphore, #tpu.memory_space<semaphore_mem>>) {add = true}
    %dma_start3A_689 = arith.constant 17 : i32
    %dma_start3A_690 = arith.constant 17 : i32
    %dma_start3A_691 = arith.constant 0 : i32
    %dma_start3A_692 = tpu.memref_slice %arg9[%dma_start3A_689, %dma_start3A_691] : memref<49x128xf32, #tpu.memory_space<vmem>> -> memref<1x128xf32, #tpu.memory_space<vmem>>
    %dma_start3A_693 = tpu.memref_squeeze %dma_start3A_692 : memref<1x128xf32, #tpu.memory_space<vmem>> -> memref<128xf32, #tpu.memory_space<vmem>>
    %dma_start3A_694 = arith.constant 0 : i32
    %dma_start3A_695 = tpu.memref_slice %arg7[%dma_start3A_690, %dma_start3A_694] : memref<49x128xi32, #tpu.memory_space<vmem>> -> memref<1x128xi32, #tpu.memory_space<vmem>>
    %dma_start3A_696 = tpu.memref_squeeze %dma_start3A_695 : memref<1x128xi32, #tpu.memory_space<vmem>> -> memref<128xi32, #tpu.memory_space<vmem>>
    %dma_start3A_697 = arith.constant 0 : i32
    %dma_start3A_698 = tpu.memref_slice %arg17[%dma_start3A_697] : memref<5120xf32, #tpu.memory_space<vmem_shared>> -> memref<5120xf32, #tpu.memory_space<vmem_shared>>
    tpu.enqueue_indirect_dma source(%dma_start3A_693 : memref<128xf32, #tpu.memory_space<vmem>>) target(%dma_start3A_698 : memref<5120xf32, #tpu.memory_space<vmem_shared>>) offsets(%dma_start3A_696 : memref<128xi32, #tpu.memory_space<vmem>>) semaphore(%arg18 : memref<!tpu.dma_semaphore, #tpu.memory_space<semaphore_mem>>) {add = true}
    %dma_wait3A_699 = arith.constant 13 : i32
    %dma_wait3A_700 = arith.constant 13 : i32
    %dma_wait3A_701 = arith.constant 0 : i32
    %dma_wait3A_702 = tpu.memref_slice %arg8[%dma_wait3A_699, %dma_wait3A_701] : memref<49x128xf32, #tpu.memory_space<vmem>> -> memref<1x128xf32, #tpu.memory_space<vmem>>
    %dma_wait3A_703 = tpu.memref_squeeze %dma_wait3A_702 : memref<1x128xf32, #tpu.memory_space<vmem>> -> memref<128xf32, #tpu.memory_space<vmem>>
    %dma_wait3A_704 = arith.constant 0 : i32
    %dma_wait3A_705 = tpu.memref_slice %arg7[%dma_wait3A_700, %dma_wait3A_704] : memref<49x128xi32, #tpu.memory_space<vmem>> -> memref<1x128xi32, #tpu.memory_space<vmem>>
    %dma_wait3A_706 = tpu.memref_squeeze %dma_wait3A_705 : memref<1x128xi32, #tpu.memory_space<vmem>> -> memref<128xi32, #tpu.memory_space<vmem>>
    %dma_wait3A_707 = arith.constant 0 : i32
    %dma_wait3A_708 = tpu.memref_slice %arg16[%dma_wait3A_707] : memref<5120xf32, #tpu.memory_space<vmem_shared>> -> memref<5120xf32, #tpu.memory_space<vmem_shared>>
    tpu.wait_indirect_dma semaphore(%arg18 : memref<!tpu.dma_semaphore, #tpu.memory_space<semaphore_mem>>) src(%dma_wait3A_703 : memref<128xf32, #tpu.memory_space<vmem>>) dst(%dma_wait3A_708 : memref<5120xf32, #tpu.memory_space<vmem_shared>>)
    %dma_wait3A_709 = arith.constant 13 : i32
    %dma_wait3A_710 = arith.constant 13 : i32
    %dma_wait3A_711 = arith.constant 0 : i32
    %dma_wait3A_712 = tpu.memref_slice %arg9[%dma_wait3A_709, %dma_wait3A_711] : memref<49x128xf32, #tpu.memory_space<vmem>> -> memref<1x128xf32, #tpu.memory_space<vmem>>
    %dma_wait3A_713 = tpu.memref_squeeze %dma_wait3A_712 : memref<1x128xf32, #tpu.memory_space<vmem>> -> memref<128xf32, #tpu.memory_space<vmem>>
    %dma_wait3A_714 = arith.constant 0 : i32
    %dma_wait3A_715 = tpu.memref_slice %arg7[%dma_wait3A_710, %dma_wait3A_714] : memref<49x128xi32, #tpu.memory_space<vmem>> -> memref<1x128xi32, #tpu.memory_space<vmem>>
    %dma_wait3A_716 = tpu.memref_squeeze %dma_wait3A_715 : memref<1x128xi32, #tpu.memory_space<vmem>> -> memref<128xi32, #tpu.memory_space<vmem>>
    %dma_wait3A_717 = arith.constant 0 : i32
    %dma_wait3A_718 = tpu.memref_slice %arg17[%dma_wait3A_717] : memref<5120xf32, #tpu.memory_space<vmem_shared>> -> memref<5120xf32, #tpu.memory_space<vmem_shared>>
    tpu.wait_indirect_dma semaphore(%arg18 : memref<!tpu.dma_semaphore, #tpu.memory_space<semaphore_mem>>) src(%dma_wait3A_713 : memref<128xf32, #tpu.memory_space<vmem>>) dst(%dma_wait3A_718 : memref<5120xf32, #tpu.memory_space<vmem_shared>>)
    %dma_start3A_719 = arith.constant 18 : i32
    %dma_start3A_720 = arith.constant 18 : i32
    %dma_start3A_721 = arith.constant 0 : i32
    %dma_start3A_722 = tpu.memref_slice %arg8[%dma_start3A_719, %dma_start3A_721] : memref<49x128xf32, #tpu.memory_space<vmem>> -> memref<1x128xf32, #tpu.memory_space<vmem>>
    %dma_start3A_723 = tpu.memref_squeeze %dma_start3A_722 : memref<1x128xf32, #tpu.memory_space<vmem>> -> memref<128xf32, #tpu.memory_space<vmem>>
    %dma_start3A_724 = arith.constant 0 : i32
    %dma_start3A_725 = tpu.memref_slice %arg7[%dma_start3A_720, %dma_start3A_724] : memref<49x128xi32, #tpu.memory_space<vmem>> -> memref<1x128xi32, #tpu.memory_space<vmem>>
    %dma_start3A_726 = tpu.memref_squeeze %dma_start3A_725 : memref<1x128xi32, #tpu.memory_space<vmem>> -> memref<128xi32, #tpu.memory_space<vmem>>
    %dma_start3A_727 = arith.constant 0 : i32
    %dma_start3A_728 = tpu.memref_slice %arg16[%dma_start3A_727] : memref<5120xf32, #tpu.memory_space<vmem_shared>> -> memref<5120xf32, #tpu.memory_space<vmem_shared>>
    tpu.enqueue_indirect_dma source(%dma_start3A_723 : memref<128xf32, #tpu.memory_space<vmem>>) target(%dma_start3A_728 : memref<5120xf32, #tpu.memory_space<vmem_shared>>) offsets(%dma_start3A_726 : memref<128xi32, #tpu.memory_space<vmem>>) semaphore(%arg18 : memref<!tpu.dma_semaphore, #tpu.memory_space<semaphore_mem>>) {add = true}
    %dma_start3A_729 = arith.constant 18 : i32
    %dma_start3A_730 = arith.constant 18 : i32
    %dma_start3A_731 = arith.constant 0 : i32
    %dma_start3A_732 = tpu.memref_slice %arg9[%dma_start3A_729, %dma_start3A_731] : memref<49x128xf32, #tpu.memory_space<vmem>> -> memref<1x128xf32, #tpu.memory_space<vmem>>
    %dma_start3A_733 = tpu.memref_squeeze %dma_start3A_732 : memref<1x128xf32, #tpu.memory_space<vmem>> -> memref<128xf32, #tpu.memory_space<vmem>>
    %dma_start3A_734 = arith.constant 0 : i32
    %dma_start3A_735 = tpu.memref_slice %arg7[%dma_start3A_730, %dma_start3A_734] : memref<49x128xi32, #tpu.memory_space<vmem>> -> memref<1x128xi32, #tpu.memory_space<vmem>>
    %dma_start3A_736 = tpu.memref_squeeze %dma_start3A_735 : memref<1x128xi32, #tpu.memory_space<vmem>> -> memref<128xi32, #tpu.memory_space<vmem>>
    %dma_start3A_737 = arith.constant 0 : i32
    %dma_start3A_738 = tpu.memref_slice %arg17[%dma_start3A_737] : memref<5120xf32, #tpu.memory_space<vmem_shared>> -> memref<5120xf32, #tpu.memory_space<vmem_shared>>
    tpu.enqueue_indirect_dma source(%dma_start3A_733 : memref<128xf32, #tpu.memory_space<vmem>>) target(%dma_start3A_738 : memref<5120xf32, #tpu.memory_space<vmem_shared>>) offsets(%dma_start3A_736 : memref<128xi32, #tpu.memory_space<vmem>>) semaphore(%arg18 : memref<!tpu.dma_semaphore, #tpu.memory_space<semaphore_mem>>) {add = true}
    %dma_wait3A_739 = arith.constant 14 : i32
    %dma_wait3A_740 = arith.constant 14 : i32
    %dma_wait3A_741 = arith.constant 0 : i32
    %dma_wait3A_742 = tpu.memref_slice %arg8[%dma_wait3A_739, %dma_wait3A_741] : memref<49x128xf32, #tpu.memory_space<vmem>> -> memref<1x128xf32, #tpu.memory_space<vmem>>
    %dma_wait3A_743 = tpu.memref_squeeze %dma_wait3A_742 : memref<1x128xf32, #tpu.memory_space<vmem>> -> memref<128xf32, #tpu.memory_space<vmem>>
    %dma_wait3A_744 = arith.constant 0 : i32
    %dma_wait3A_745 = tpu.memref_slice %arg7[%dma_wait3A_740, %dma_wait3A_744] : memref<49x128xi32, #tpu.memory_space<vmem>> -> memref<1x128xi32, #tpu.memory_space<vmem>>
    %dma_wait3A_746 = tpu.memref_squeeze %dma_wait3A_745 : memref<1x128xi32, #tpu.memory_space<vmem>> -> memref<128xi32, #tpu.memory_space<vmem>>
    %dma_wait3A_747 = arith.constant 0 : i32
    %dma_wait3A_748 = tpu.memref_slice %arg16[%dma_wait3A_747] : memref<5120xf32, #tpu.memory_space<vmem_shared>> -> memref<5120xf32, #tpu.memory_space<vmem_shared>>
    tpu.wait_indirect_dma semaphore(%arg18 : memref<!tpu.dma_semaphore, #tpu.memory_space<semaphore_mem>>) src(%dma_wait3A_743 : memref<128xf32, #tpu.memory_space<vmem>>) dst(%dma_wait3A_748 : memref<5120xf32, #tpu.memory_space<vmem_shared>>)
    %dma_wait3A_749 = arith.constant 14 : i32
    %dma_wait3A_750 = arith.constant 14 : i32
    %dma_wait3A_751 = arith.constant 0 : i32
    %dma_wait3A_752 = tpu.memref_slice %arg9[%dma_wait3A_749, %dma_wait3A_751] : memref<49x128xf32, #tpu.memory_space<vmem>> -> memref<1x128xf32, #tpu.memory_space<vmem>>
    %dma_wait3A_753 = tpu.memref_squeeze %dma_wait3A_752 : memref<1x128xf32, #tpu.memory_space<vmem>> -> memref<128xf32, #tpu.memory_space<vmem>>
    %dma_wait3A_754 = arith.constant 0 : i32
    %dma_wait3A_755 = tpu.memref_slice %arg7[%dma_wait3A_750, %dma_wait3A_754] : memref<49x128xi32, #tpu.memory_space<vmem>> -> memref<1x128xi32, #tpu.memory_space<vmem>>
    %dma_wait3A_756 = tpu.memref_squeeze %dma_wait3A_755 : memref<1x128xi32, #tpu.memory_space<vmem>> -> memref<128xi32, #tpu.memory_space<vmem>>
    %dma_wait3A_757 = arith.constant 0 : i32
    %dma_wait3A_758 = tpu.memref_slice %arg17[%dma_wait3A_757] : memref<5120xf32, #tpu.memory_space<vmem_shared>> -> memref<5120xf32, #tpu.memory_space<vmem_shared>>
    tpu.wait_indirect_dma semaphore(%arg18 : memref<!tpu.dma_semaphore, #tpu.memory_space<semaphore_mem>>) src(%dma_wait3A_753 : memref<128xf32, #tpu.memory_space<vmem>>) dst(%dma_wait3A_758 : memref<5120xf32, #tpu.memory_space<vmem_shared>>)
    %dma_start3A_759 = arith.constant 19 : i32
    %dma_start3A_760 = arith.constant 19 : i32
    %dma_start3A_761 = arith.constant 0 : i32
    %dma_start3A_762 = tpu.memref_slice %arg8[%dma_start3A_759, %dma_start3A_761] : memref<49x128xf32, #tpu.memory_space<vmem>> -> memref<1x128xf32, #tpu.memory_space<vmem>>
    %dma_start3A_763 = tpu.memref_squeeze %dma_start3A_762 : memref<1x128xf32, #tpu.memory_space<vmem>> -> memref<128xf32, #tpu.memory_space<vmem>>
    %dma_start3A_764 = arith.constant 0 : i32
    %dma_start3A_765 = tpu.memref_slice %arg7[%dma_start3A_760, %dma_start3A_764] : memref<49x128xi32, #tpu.memory_space<vmem>> -> memref<1x128xi32, #tpu.memory_space<vmem>>
    %dma_start3A_766 = tpu.memref_squeeze %dma_start3A_765 : memref<1x128xi32, #tpu.memory_space<vmem>> -> memref<128xi32, #tpu.memory_space<vmem>>
    %dma_start3A_767 = arith.constant 0 : i32
    %dma_start3A_768 = tpu.memref_slice %arg16[%dma_start3A_767] : memref<5120xf32, #tpu.memory_space<vmem_shared>> -> memref<5120xf32, #tpu.memory_space<vmem_shared>>
    tpu.enqueue_indirect_dma source(%dma_start3A_763 : memref<128xf32, #tpu.memory_space<vmem>>) target(%dma_start3A_768 : memref<5120xf32, #tpu.memory_space<vmem_shared>>) offsets(%dma_start3A_766 : memref<128xi32, #tpu.memory_space<vmem>>) semaphore(%arg18 : memref<!tpu.dma_semaphore, #tpu.memory_space<semaphore_mem>>) {add = true}
    %dma_start3A_769 = arith.constant 19 : i32
    %dma_start3A_770 = arith.constant 19 : i32
    %dma_start3A_771 = arith.constant 0 : i32
    %dma_start3A_772 = tpu.memref_slice %arg9[%dma_start3A_769, %dma_start3A_771] : memref<49x128xf32, #tpu.memory_space<vmem>> -> memref<1x128xf32, #tpu.memory_space<vmem>>
    %dma_start3A_773 = tpu.memref_squeeze %dma_start3A_772 : memref<1x128xf32, #tpu.memory_space<vmem>> -> memref<128xf32, #tpu.memory_space<vmem>>
    %dma_start3A_774 = arith.constant 0 : i32
    %dma_start3A_775 = tpu.memref_slice %arg7[%dma_start3A_770, %dma_start3A_774] : memref<49x128xi32, #tpu.memory_space<vmem>> -> memref<1x128xi32, #tpu.memory_space<vmem>>
    %dma_start3A_776 = tpu.memref_squeeze %dma_start3A_775 : memref<1x128xi32, #tpu.memory_space<vmem>> -> memref<128xi32, #tpu.memory_space<vmem>>
    %dma_start3A_777 = arith.constant 0 : i32
    %dma_start3A_778 = tpu.memref_slice %arg17[%dma_start3A_777] : memref<5120xf32, #tpu.memory_space<vmem_shared>> -> memref<5120xf32, #tpu.memory_space<vmem_shared>>
    tpu.enqueue_indirect_dma source(%dma_start3A_773 : memref<128xf32, #tpu.memory_space<vmem>>) target(%dma_start3A_778 : memref<5120xf32, #tpu.memory_space<vmem_shared>>) offsets(%dma_start3A_776 : memref<128xi32, #tpu.memory_space<vmem>>) semaphore(%arg18 : memref<!tpu.dma_semaphore, #tpu.memory_space<semaphore_mem>>) {add = true}
    %dma_wait3A_779 = arith.constant 15 : i32
    %dma_wait3A_780 = arith.constant 15 : i32
    %dma_wait3A_781 = arith.constant 0 : i32
    %dma_wait3A_782 = tpu.memref_slice %arg8[%dma_wait3A_779, %dma_wait3A_781] : memref<49x128xf32, #tpu.memory_space<vmem>> -> memref<1x128xf32, #tpu.memory_space<vmem>>
    %dma_wait3A_783 = tpu.memref_squeeze %dma_wait3A_782 : memref<1x128xf32, #tpu.memory_space<vmem>> -> memref<128xf32, #tpu.memory_space<vmem>>
    %dma_wait3A_784 = arith.constant 0 : i32
    %dma_wait3A_785 = tpu.memref_slice %arg7[%dma_wait3A_780, %dma_wait3A_784] : memref<49x128xi32, #tpu.memory_space<vmem>> -> memref<1x128xi32, #tpu.memory_space<vmem>>
    %dma_wait3A_786 = tpu.memref_squeeze %dma_wait3A_785 : memref<1x128xi32, #tpu.memory_space<vmem>> -> memref<128xi32, #tpu.memory_space<vmem>>
    %dma_wait3A_787 = arith.constant 0 : i32
    %dma_wait3A_788 = tpu.memref_slice %arg16[%dma_wait3A_787] : memref<5120xf32, #tpu.memory_space<vmem_shared>> -> memref<5120xf32, #tpu.memory_space<vmem_shared>>
    tpu.wait_indirect_dma semaphore(%arg18 : memref<!tpu.dma_semaphore, #tpu.memory_space<semaphore_mem>>) src(%dma_wait3A_783 : memref<128xf32, #tpu.memory_space<vmem>>) dst(%dma_wait3A_788 : memref<5120xf32, #tpu.memory_space<vmem_shared>>)
    %dma_wait3A_789 = arith.constant 15 : i32
    %dma_wait3A_790 = arith.constant 15 : i32
    %dma_wait3A_791 = arith.constant 0 : i32
    %dma_wait3A_792 = tpu.memref_slice %arg9[%dma_wait3A_789, %dma_wait3A_791] : memref<49x128xf32, #tpu.memory_space<vmem>> -> memref<1x128xf32, #tpu.memory_space<vmem>>
    %dma_wait3A_793 = tpu.memref_squeeze %dma_wait3A_792 : memref<1x128xf32, #tpu.memory_space<vmem>> -> memref<128xf32, #tpu.memory_space<vmem>>
    %dma_wait3A_794 = arith.constant 0 : i32
    %dma_wait3A_795 = tpu.memref_slice %arg7[%dma_wait3A_790, %dma_wait3A_794] : memref<49x128xi32, #tpu.memory_space<vmem>> -> memref<1x128xi32, #tpu.memory_space<vmem>>
    %dma_wait3A_796 = tpu.memref_squeeze %dma_wait3A_795 : memref<1x128xi32, #tpu.memory_space<vmem>> -> memref<128xi32, #tpu.memory_space<vmem>>
    %dma_wait3A_797 = arith.constant 0 : i32
    %dma_wait3A_798 = tpu.memref_slice %arg17[%dma_wait3A_797] : memref<5120xf32, #tpu.memory_space<vmem_shared>> -> memref<5120xf32, #tpu.memory_space<vmem_shared>>
    tpu.wait_indirect_dma semaphore(%arg18 : memref<!tpu.dma_semaphore, #tpu.memory_space<semaphore_mem>>) src(%dma_wait3A_793 : memref<128xf32, #tpu.memory_space<vmem>>) dst(%dma_wait3A_798 : memref<5120xf32, #tpu.memory_space<vmem_shared>>)
    %dma_start3A_799 = arith.constant 20 : i32
    %dma_start3A_800 = arith.constant 20 : i32
    %dma_start3A_801 = arith.constant 0 : i32
    %dma_start3A_802 = tpu.memref_slice %arg8[%dma_start3A_799, %dma_start3A_801] : memref<49x128xf32, #tpu.memory_space<vmem>> -> memref<1x128xf32, #tpu.memory_space<vmem>>
    %dma_start3A_803 = tpu.memref_squeeze %dma_start3A_802 : memref<1x128xf32, #tpu.memory_space<vmem>> -> memref<128xf32, #tpu.memory_space<vmem>>
    %dma_start3A_804 = arith.constant 0 : i32
    %dma_start3A_805 = tpu.memref_slice %arg7[%dma_start3A_800, %dma_start3A_804] : memref<49x128xi32, #tpu.memory_space<vmem>> -> memref<1x128xi32, #tpu.memory_space<vmem>>
    %dma_start3A_806 = tpu.memref_squeeze %dma_start3A_805 : memref<1x128xi32, #tpu.memory_space<vmem>> -> memref<128xi32, #tpu.memory_space<vmem>>
    %dma_start3A_807 = arith.constant 0 : i32
    %dma_start3A_808 = tpu.memref_slice %arg16[%dma_start3A_807] : memref<5120xf32, #tpu.memory_space<vmem_shared>> -> memref<5120xf32, #tpu.memory_space<vmem_shared>>
    tpu.enqueue_indirect_dma source(%dma_start3A_803 : memref<128xf32, #tpu.memory_space<vmem>>) target(%dma_start3A_808 : memref<5120xf32, #tpu.memory_space<vmem_shared>>) offsets(%dma_start3A_806 : memref<128xi32, #tpu.memory_space<vmem>>) semaphore(%arg18 : memref<!tpu.dma_semaphore, #tpu.memory_space<semaphore_mem>>) {add = true}
    %dma_start3A_809 = arith.constant 20 : i32
    %dma_start3A_810 = arith.constant 20 : i32
    %dma_start3A_811 = arith.constant 0 : i32
    %dma_start3A_812 = tpu.memref_slice %arg9[%dma_start3A_809, %dma_start3A_811] : memref<49x128xf32, #tpu.memory_space<vmem>> -> memref<1x128xf32, #tpu.memory_space<vmem>>
    %dma_start3A_813 = tpu.memref_squeeze %dma_start3A_812 : memref<1x128xf32, #tpu.memory_space<vmem>> -> memref<128xf32, #tpu.memory_space<vmem>>
    %dma_start3A_814 = arith.constant 0 : i32
    %dma_start3A_815 = tpu.memref_slice %arg7[%dma_start3A_810, %dma_start3A_814] : memref<49x128xi32, #tpu.memory_space<vmem>> -> memref<1x128xi32, #tpu.memory_space<vmem>>
    %dma_start3A_816 = tpu.memref_squeeze %dma_start3A_815 : memref<1x128xi32, #tpu.memory_space<vmem>> -> memref<128xi32, #tpu.memory_space<vmem>>
    %dma_start3A_817 = arith.constant 0 : i32
    %dma_start3A_818 = tpu.memref_slice %arg17[%dma_start3A_817] : memref<5120xf32, #tpu.memory_space<vmem_shared>> -> memref<5120xf32, #tpu.memory_space<vmem_shared>>
    tpu.enqueue_indirect_dma source(%dma_start3A_813 : memref<128xf32, #tpu.memory_space<vmem>>) target(%dma_start3A_818 : memref<5120xf32, #tpu.memory_space<vmem_shared>>) offsets(%dma_start3A_816 : memref<128xi32, #tpu.memory_space<vmem>>) semaphore(%arg18 : memref<!tpu.dma_semaphore, #tpu.memory_space<semaphore_mem>>) {add = true}
    %dma_wait3A_819 = arith.constant 16 : i32
    %dma_wait3A_820 = arith.constant 16 : i32
    %dma_wait3A_821 = arith.constant 0 : i32
    %dma_wait3A_822 = tpu.memref_slice %arg8[%dma_wait3A_819, %dma_wait3A_821] : memref<49x128xf32, #tpu.memory_space<vmem>> -> memref<1x128xf32, #tpu.memory_space<vmem>>
    %dma_wait3A_823 = tpu.memref_squeeze %dma_wait3A_822 : memref<1x128xf32, #tpu.memory_space<vmem>> -> memref<128xf32, #tpu.memory_space<vmem>>
    %dma_wait3A_824 = arith.constant 0 : i32
    %dma_wait3A_825 = tpu.memref_slice %arg7[%dma_wait3A_820, %dma_wait3A_824] : memref<49x128xi32, #tpu.memory_space<vmem>> -> memref<1x128xi32, #tpu.memory_space<vmem>>
    %dma_wait3A_826 = tpu.memref_squeeze %dma_wait3A_825 : memref<1x128xi32, #tpu.memory_space<vmem>> -> memref<128xi32, #tpu.memory_space<vmem>>
    %dma_wait3A_827 = arith.constant 0 : i32
    %dma_wait3A_828 = tpu.memref_slice %arg16[%dma_wait3A_827] : memref<5120xf32, #tpu.memory_space<vmem_shared>> -> memref<5120xf32, #tpu.memory_space<vmem_shared>>
    tpu.wait_indirect_dma semaphore(%arg18 : memref<!tpu.dma_semaphore, #tpu.memory_space<semaphore_mem>>) src(%dma_wait3A_823 : memref<128xf32, #tpu.memory_space<vmem>>) dst(%dma_wait3A_828 : memref<5120xf32, #tpu.memory_space<vmem_shared>>)
    %dma_wait3A_829 = arith.constant 16 : i32
    %dma_wait3A_830 = arith.constant 16 : i32
    %dma_wait3A_831 = arith.constant 0 : i32
    %dma_wait3A_832 = tpu.memref_slice %arg9[%dma_wait3A_829, %dma_wait3A_831] : memref<49x128xf32, #tpu.memory_space<vmem>> -> memref<1x128xf32, #tpu.memory_space<vmem>>
    %dma_wait3A_833 = tpu.memref_squeeze %dma_wait3A_832 : memref<1x128xf32, #tpu.memory_space<vmem>> -> memref<128xf32, #tpu.memory_space<vmem>>
    %dma_wait3A_834 = arith.constant 0 : i32
    %dma_wait3A_835 = tpu.memref_slice %arg7[%dma_wait3A_830, %dma_wait3A_834] : memref<49x128xi32, #tpu.memory_space<vmem>> -> memref<1x128xi32, #tpu.memory_space<vmem>>
    %dma_wait3A_836 = tpu.memref_squeeze %dma_wait3A_835 : memref<1x128xi32, #tpu.memory_space<vmem>> -> memref<128xi32, #tpu.memory_space<vmem>>
    %dma_wait3A_837 = arith.constant 0 : i32
    %dma_wait3A_838 = tpu.memref_slice %arg17[%dma_wait3A_837] : memref<5120xf32, #tpu.memory_space<vmem_shared>> -> memref<5120xf32, #tpu.memory_space<vmem_shared>>
    tpu.wait_indirect_dma semaphore(%arg18 : memref<!tpu.dma_semaphore, #tpu.memory_space<semaphore_mem>>) src(%dma_wait3A_833 : memref<128xf32, #tpu.memory_space<vmem>>) dst(%dma_wait3A_838 : memref<5120xf32, #tpu.memory_space<vmem_shared>>)
    %dma_start3A_839 = arith.constant 21 : i32
    %dma_start3A_840 = arith.constant 21 : i32
    %dma_start3A_841 = arith.constant 0 : i32
    %dma_start3A_842 = tpu.memref_slice %arg8[%dma_start3A_839, %dma_start3A_841] : memref<49x128xf32, #tpu.memory_space<vmem>> -> memref<1x128xf32, #tpu.memory_space<vmem>>
    %dma_start3A_843 = tpu.memref_squeeze %dma_start3A_842 : memref<1x128xf32, #tpu.memory_space<vmem>> -> memref<128xf32, #tpu.memory_space<vmem>>
    %dma_start3A_844 = arith.constant 0 : i32
    %dma_start3A_845 = tpu.memref_slice %arg7[%dma_start3A_840, %dma_start3A_844] : memref<49x128xi32, #tpu.memory_space<vmem>> -> memref<1x128xi32, #tpu.memory_space<vmem>>
    %dma_start3A_846 = tpu.memref_squeeze %dma_start3A_845 : memref<1x128xi32, #tpu.memory_space<vmem>> -> memref<128xi32, #tpu.memory_space<vmem>>
    %dma_start3A_847 = arith.constant 0 : i32
    %dma_start3A_848 = tpu.memref_slice %arg16[%dma_start3A_847] : memref<5120xf32, #tpu.memory_space<vmem_shared>> -> memref<5120xf32, #tpu.memory_space<vmem_shared>>
    tpu.enqueue_indirect_dma source(%dma_start3A_843 : memref<128xf32, #tpu.memory_space<vmem>>) target(%dma_start3A_848 : memref<5120xf32, #tpu.memory_space<vmem_shared>>) offsets(%dma_start3A_846 : memref<128xi32, #tpu.memory_space<vmem>>) semaphore(%arg18 : memref<!tpu.dma_semaphore, #tpu.memory_space<semaphore_mem>>) {add = true}
    %dma_start3A_849 = arith.constant 21 : i32
    %dma_start3A_850 = arith.constant 21 : i32
    %dma_start3A_851 = arith.constant 0 : i32
    %dma_start3A_852 = tpu.memref_slice %arg9[%dma_start3A_849, %dma_start3A_851] : memref<49x128xf32, #tpu.memory_space<vmem>> -> memref<1x128xf32, #tpu.memory_space<vmem>>
    %dma_start3A_853 = tpu.memref_squeeze %dma_start3A_852 : memref<1x128xf32, #tpu.memory_space<vmem>> -> memref<128xf32, #tpu.memory_space<vmem>>
    %dma_start3A_854 = arith.constant 0 : i32
    %dma_start3A_855 = tpu.memref_slice %arg7[%dma_start3A_850, %dma_start3A_854] : memref<49x128xi32, #tpu.memory_space<vmem>> -> memref<1x128xi32, #tpu.memory_space<vmem>>
    %dma_start3A_856 = tpu.memref_squeeze %dma_start3A_855 : memref<1x128xi32, #tpu.memory_space<vmem>> -> memref<128xi32, #tpu.memory_space<vmem>>
    %dma_start3A_857 = arith.constant 0 : i32
    %dma_start3A_858 = tpu.memref_slice %arg17[%dma_start3A_857] : memref<5120xf32, #tpu.memory_space<vmem_shared>> -> memref<5120xf32, #tpu.memory_space<vmem_shared>>
    tpu.enqueue_indirect_dma source(%dma_start3A_853 : memref<128xf32, #tpu.memory_space<vmem>>) target(%dma_start3A_858 : memref<5120xf32, #tpu.memory_space<vmem_shared>>) offsets(%dma_start3A_856 : memref<128xi32, #tpu.memory_space<vmem>>) semaphore(%arg18 : memref<!tpu.dma_semaphore, #tpu.memory_space<semaphore_mem>>) {add = true}
    %dma_wait3A_859 = arith.constant 17 : i32
    %dma_wait3A_860 = arith.constant 17 : i32
    %dma_wait3A_861 = arith.constant 0 : i32
    %dma_wait3A_862 = tpu.memref_slice %arg8[%dma_wait3A_859, %dma_wait3A_861] : memref<49x128xf32, #tpu.memory_space<vmem>> -> memref<1x128xf32, #tpu.memory_space<vmem>>
    %dma_wait3A_863 = tpu.memref_squeeze %dma_wait3A_862 : memref<1x128xf32, #tpu.memory_space<vmem>> -> memref<128xf32, #tpu.memory_space<vmem>>
    %dma_wait3A_864 = arith.constant 0 : i32
    %dma_wait3A_865 = tpu.memref_slice %arg7[%dma_wait3A_860, %dma_wait3A_864] : memref<49x128xi32, #tpu.memory_space<vmem>> -> memref<1x128xi32, #tpu.memory_space<vmem>>
    %dma_wait3A_866 = tpu.memref_squeeze %dma_wait3A_865 : memref<1x128xi32, #tpu.memory_space<vmem>> -> memref<128xi32, #tpu.memory_space<vmem>>
    %dma_wait3A_867 = arith.constant 0 : i32
    %dma_wait3A_868 = tpu.memref_slice %arg16[%dma_wait3A_867] : memref<5120xf32, #tpu.memory_space<vmem_shared>> -> memref<5120xf32, #tpu.memory_space<vmem_shared>>
    tpu.wait_indirect_dma semaphore(%arg18 : memref<!tpu.dma_semaphore, #tpu.memory_space<semaphore_mem>>) src(%dma_wait3A_863 : memref<128xf32, #tpu.memory_space<vmem>>) dst(%dma_wait3A_868 : memref<5120xf32, #tpu.memory_space<vmem_shared>>)
    %dma_wait3A_869 = arith.constant 17 : i32
    %dma_wait3A_870 = arith.constant 17 : i32
    %dma_wait3A_871 = arith.constant 0 : i32
    %dma_wait3A_872 = tpu.memref_slice %arg9[%dma_wait3A_869, %dma_wait3A_871] : memref<49x128xf32, #tpu.memory_space<vmem>> -> memref<1x128xf32, #tpu.memory_space<vmem>>
    %dma_wait3A_873 = tpu.memref_squeeze %dma_wait3A_872 : memref<1x128xf32, #tpu.memory_space<vmem>> -> memref<128xf32, #tpu.memory_space<vmem>>
    %dma_wait3A_874 = arith.constant 0 : i32
    %dma_wait3A_875 = tpu.memref_slice %arg7[%dma_wait3A_870, %dma_wait3A_874] : memref<49x128xi32, #tpu.memory_space<vmem>> -> memref<1x128xi32, #tpu.memory_space<vmem>>
    %dma_wait3A_876 = tpu.memref_squeeze %dma_wait3A_875 : memref<1x128xi32, #tpu.memory_space<vmem>> -> memref<128xi32, #tpu.memory_space<vmem>>
    %dma_wait3A_877 = arith.constant 0 : i32
    %dma_wait3A_878 = tpu.memref_slice %arg17[%dma_wait3A_877] : memref<5120xf32, #tpu.memory_space<vmem_shared>> -> memref<5120xf32, #tpu.memory_space<vmem_shared>>
    tpu.wait_indirect_dma semaphore(%arg18 : memref<!tpu.dma_semaphore, #tpu.memory_space<semaphore_mem>>) src(%dma_wait3A_873 : memref<128xf32, #tpu.memory_space<vmem>>) dst(%dma_wait3A_878 : memref<5120xf32, #tpu.memory_space<vmem_shared>>)
    %dma_start3A_879 = arith.constant 22 : i32
    %dma_start3A_880 = arith.constant 22 : i32
    %dma_start3A_881 = arith.constant 0 : i32
    %dma_start3A_882 = tpu.memref_slice %arg8[%dma_start3A_879, %dma_start3A_881] : memref<49x128xf32, #tpu.memory_space<vmem>> -> memref<1x128xf32, #tpu.memory_space<vmem>>
    %dma_start3A_883 = tpu.memref_squeeze %dma_start3A_882 : memref<1x128xf32, #tpu.memory_space<vmem>> -> memref<128xf32, #tpu.memory_space<vmem>>
    %dma_start3A_884 = arith.constant 0 : i32
    %dma_start3A_885 = tpu.memref_slice %arg7[%dma_start3A_880, %dma_start3A_884] : memref<49x128xi32, #tpu.memory_space<vmem>> -> memref<1x128xi32, #tpu.memory_space<vmem>>
    %dma_start3A_886 = tpu.memref_squeeze %dma_start3A_885 : memref<1x128xi32, #tpu.memory_space<vmem>> -> memref<128xi32, #tpu.memory_space<vmem>>
    %dma_start3A_887 = arith.constant 0 : i32
    %dma_start3A_888 = tpu.memref_slice %arg16[%dma_start3A_887] : memref<5120xf32, #tpu.memory_space<vmem_shared>> -> memref<5120xf32, #tpu.memory_space<vmem_shared>>
    tpu.enqueue_indirect_dma source(%dma_start3A_883 : memref<128xf32, #tpu.memory_space<vmem>>) target(%dma_start3A_888 : memref<5120xf32, #tpu.memory_space<vmem_shared>>) offsets(%dma_start3A_886 : memref<128xi32, #tpu.memory_space<vmem>>) semaphore(%arg18 : memref<!tpu.dma_semaphore, #tpu.memory_space<semaphore_mem>>) {add = true}
    %dma_start3A_889 = arith.constant 22 : i32
    %dma_start3A_890 = arith.constant 22 : i32
    %dma_start3A_891 = arith.constant 0 : i32
    %dma_start3A_892 = tpu.memref_slice %arg9[%dma_start3A_889, %dma_start3A_891] : memref<49x128xf32, #tpu.memory_space<vmem>> -> memref<1x128xf32, #tpu.memory_space<vmem>>
    %dma_start3A_893 = tpu.memref_squeeze %dma_start3A_892 : memref<1x128xf32, #tpu.memory_space<vmem>> -> memref<128xf32, #tpu.memory_space<vmem>>
    %dma_start3A_894 = arith.constant 0 : i32
    %dma_start3A_895 = tpu.memref_slice %arg7[%dma_start3A_890, %dma_start3A_894] : memref<49x128xi32, #tpu.memory_space<vmem>> -> memref<1x128xi32, #tpu.memory_space<vmem>>
    %dma_start3A_896 = tpu.memref_squeeze %dma_start3A_895 : memref<1x128xi32, #tpu.memory_space<vmem>> -> memref<128xi32, #tpu.memory_space<vmem>>
    %dma_start3A_897 = arith.constant 0 : i32
    %dma_start3A_898 = tpu.memref_slice %arg17[%dma_start3A_897] : memref<5120xf32, #tpu.memory_space<vmem_shared>> -> memref<5120xf32, #tpu.memory_space<vmem_shared>>
    tpu.enqueue_indirect_dma source(%dma_start3A_893 : memref<128xf32, #tpu.memory_space<vmem>>) target(%dma_start3A_898 : memref<5120xf32, #tpu.memory_space<vmem_shared>>) offsets(%dma_start3A_896 : memref<128xi32, #tpu.memory_space<vmem>>) semaphore(%arg18 : memref<!tpu.dma_semaphore, #tpu.memory_space<semaphore_mem>>) {add = true}
    %dma_wait3A_899 = arith.constant 18 : i32
    %dma_wait3A_900 = arith.constant 18 : i32
    %dma_wait3A_901 = arith.constant 0 : i32
    %dma_wait3A_902 = tpu.memref_slice %arg8[%dma_wait3A_899, %dma_wait3A_901] : memref<49x128xf32, #tpu.memory_space<vmem>> -> memref<1x128xf32, #tpu.memory_space<vmem>>
    %dma_wait3A_903 = tpu.memref_squeeze %dma_wait3A_902 : memref<1x128xf32, #tpu.memory_space<vmem>> -> memref<128xf32, #tpu.memory_space<vmem>>
    %dma_wait3A_904 = arith.constant 0 : i32
    %dma_wait3A_905 = tpu.memref_slice %arg7[%dma_wait3A_900, %dma_wait3A_904] : memref<49x128xi32, #tpu.memory_space<vmem>> -> memref<1x128xi32, #tpu.memory_space<vmem>>
    %dma_wait3A_906 = tpu.memref_squeeze %dma_wait3A_905 : memref<1x128xi32, #tpu.memory_space<vmem>> -> memref<128xi32, #tpu.memory_space<vmem>>
    %dma_wait3A_907 = arith.constant 0 : i32
    %dma_wait3A_908 = tpu.memref_slice %arg16[%dma_wait3A_907] : memref<5120xf32, #tpu.memory_space<vmem_shared>> -> memref<5120xf32, #tpu.memory_space<vmem_shared>>
    tpu.wait_indirect_dma semaphore(%arg18 : memref<!tpu.dma_semaphore, #tpu.memory_space<semaphore_mem>>) src(%dma_wait3A_903 : memref<128xf32, #tpu.memory_space<vmem>>) dst(%dma_wait3A_908 : memref<5120xf32, #tpu.memory_space<vmem_shared>>)
    %dma_wait3A_909 = arith.constant 18 : i32
    %dma_wait3A_910 = arith.constant 18 : i32
    %dma_wait3A_911 = arith.constant 0 : i32
    %dma_wait3A_912 = tpu.memref_slice %arg9[%dma_wait3A_909, %dma_wait3A_911] : memref<49x128xf32, #tpu.memory_space<vmem>> -> memref<1x128xf32, #tpu.memory_space<vmem>>
    %dma_wait3A_913 = tpu.memref_squeeze %dma_wait3A_912 : memref<1x128xf32, #tpu.memory_space<vmem>> -> memref<128xf32, #tpu.memory_space<vmem>>
    %dma_wait3A_914 = arith.constant 0 : i32
    %dma_wait3A_915 = tpu.memref_slice %arg7[%dma_wait3A_910, %dma_wait3A_914] : memref<49x128xi32, #tpu.memory_space<vmem>> -> memref<1x128xi32, #tpu.memory_space<vmem>>
    %dma_wait3A_916 = tpu.memref_squeeze %dma_wait3A_915 : memref<1x128xi32, #tpu.memory_space<vmem>> -> memref<128xi32, #tpu.memory_space<vmem>>
    %dma_wait3A_917 = arith.constant 0 : i32
    %dma_wait3A_918 = tpu.memref_slice %arg17[%dma_wait3A_917] : memref<5120xf32, #tpu.memory_space<vmem_shared>> -> memref<5120xf32, #tpu.memory_space<vmem_shared>>
    tpu.wait_indirect_dma semaphore(%arg18 : memref<!tpu.dma_semaphore, #tpu.memory_space<semaphore_mem>>) src(%dma_wait3A_913 : memref<128xf32, #tpu.memory_space<vmem>>) dst(%dma_wait3A_918 : memref<5120xf32, #tpu.memory_space<vmem_shared>>)
    %dma_start3A_919 = arith.constant 23 : i32
    %dma_start3A_920 = arith.constant 23 : i32
    %dma_start3A_921 = arith.constant 0 : i32
    %dma_start3A_922 = tpu.memref_slice %arg8[%dma_start3A_919, %dma_start3A_921] : memref<49x128xf32, #tpu.memory_space<vmem>> -> memref<1x128xf32, #tpu.memory_space<vmem>>
    %dma_start3A_923 = tpu.memref_squeeze %dma_start3A_922 : memref<1x128xf32, #tpu.memory_space<vmem>> -> memref<128xf32, #tpu.memory_space<vmem>>
    %dma_start3A_924 = arith.constant 0 : i32
    %dma_start3A_925 = tpu.memref_slice %arg7[%dma_start3A_920, %dma_start3A_924] : memref<49x128xi32, #tpu.memory_space<vmem>> -> memref<1x128xi32, #tpu.memory_space<vmem>>
    %dma_start3A_926 = tpu.memref_squeeze %dma_start3A_925 : memref<1x128xi32, #tpu.memory_space<vmem>> -> memref<128xi32, #tpu.memory_space<vmem>>
    %dma_start3A_927 = arith.constant 0 : i32
    %dma_start3A_928 = tpu.memref_slice %arg16[%dma_start3A_927] : memref<5120xf32, #tpu.memory_space<vmem_shared>> -> memref<5120xf32, #tpu.memory_space<vmem_shared>>
    tpu.enqueue_indirect_dma source(%dma_start3A_923 : memref<128xf32, #tpu.memory_space<vmem>>) target(%dma_start3A_928 : memref<5120xf32, #tpu.memory_space<vmem_shared>>) offsets(%dma_start3A_926 : memref<128xi32, #tpu.memory_space<vmem>>) semaphore(%arg18 : memref<!tpu.dma_semaphore, #tpu.memory_space<semaphore_mem>>) {add = true}
    %dma_start3A_929 = arith.constant 23 : i32
    %dma_start3A_930 = arith.constant 23 : i32
    %dma_start3A_931 = arith.constant 0 : i32
    %dma_start3A_932 = tpu.memref_slice %arg9[%dma_start3A_929, %dma_start3A_931] : memref<49x128xf32, #tpu.memory_space<vmem>> -> memref<1x128xf32, #tpu.memory_space<vmem>>
    %dma_start3A_933 = tpu.memref_squeeze %dma_start3A_932 : memref<1x128xf32, #tpu.memory_space<vmem>> -> memref<128xf32, #tpu.memory_space<vmem>>
    %dma_start3A_934 = arith.constant 0 : i32
    %dma_start3A_935 = tpu.memref_slice %arg7[%dma_start3A_930, %dma_start3A_934] : memref<49x128xi32, #tpu.memory_space<vmem>> -> memref<1x128xi32, #tpu.memory_space<vmem>>
    %dma_start3A_936 = tpu.memref_squeeze %dma_start3A_935 : memref<1x128xi32, #tpu.memory_space<vmem>> -> memref<128xi32, #tpu.memory_space<vmem>>
    %dma_start3A_937 = arith.constant 0 : i32
    %dma_start3A_938 = tpu.memref_slice %arg17[%dma_start3A_937] : memref<5120xf32, #tpu.memory_space<vmem_shared>> -> memref<5120xf32, #tpu.memory_space<vmem_shared>>
    tpu.enqueue_indirect_dma source(%dma_start3A_933 : memref<128xf32, #tpu.memory_space<vmem>>) target(%dma_start3A_938 : memref<5120xf32, #tpu.memory_space<vmem_shared>>) offsets(%dma_start3A_936 : memref<128xi32, #tpu.memory_space<vmem>>) semaphore(%arg18 : memref<!tpu.dma_semaphore, #tpu.memory_space<semaphore_mem>>) {add = true}
    %dma_wait3A_939 = arith.constant 19 : i32
    %dma_wait3A_940 = arith.constant 19 : i32
    %dma_wait3A_941 = arith.constant 0 : i32
    %dma_wait3A_942 = tpu.memref_slice %arg8[%dma_wait3A_939, %dma_wait3A_941] : memref<49x128xf32, #tpu.memory_space<vmem>> -> memref<1x128xf32, #tpu.memory_space<vmem>>
    %dma_wait3A_943 = tpu.memref_squeeze %dma_wait3A_942 : memref<1x128xf32, #tpu.memory_space<vmem>> -> memref<128xf32, #tpu.memory_space<vmem>>
    %dma_wait3A_944 = arith.constant 0 : i32
    %dma_wait3A_945 = tpu.memref_slice %arg7[%dma_wait3A_940, %dma_wait3A_944] : memref<49x128xi32, #tpu.memory_space<vmem>> -> memref<1x128xi32, #tpu.memory_space<vmem>>
    %dma_wait3A_946 = tpu.memref_squeeze %dma_wait3A_945 : memref<1x128xi32, #tpu.memory_space<vmem>> -> memref<128xi32, #tpu.memory_space<vmem>>
    %dma_wait3A_947 = arith.constant 0 : i32
    %dma_wait3A_948 = tpu.memref_slice %arg16[%dma_wait3A_947] : memref<5120xf32, #tpu.memory_space<vmem_shared>> -> memref<5120xf32, #tpu.memory_space<vmem_shared>>
    tpu.wait_indirect_dma semaphore(%arg18 : memref<!tpu.dma_semaphore, #tpu.memory_space<semaphore_mem>>) src(%dma_wait3A_943 : memref<128xf32, #tpu.memory_space<vmem>>) dst(%dma_wait3A_948 : memref<5120xf32, #tpu.memory_space<vmem_shared>>)
    %dma_wait3A_949 = arith.constant 19 : i32
    %dma_wait3A_950 = arith.constant 19 : i32
    %dma_wait3A_951 = arith.constant 0 : i32
    %dma_wait3A_952 = tpu.memref_slice %arg9[%dma_wait3A_949, %dma_wait3A_951] : memref<49x128xf32, #tpu.memory_space<vmem>> -> memref<1x128xf32, #tpu.memory_space<vmem>>
    %dma_wait3A_953 = tpu.memref_squeeze %dma_wait3A_952 : memref<1x128xf32, #tpu.memory_space<vmem>> -> memref<128xf32, #tpu.memory_space<vmem>>
    %dma_wait3A_954 = arith.constant 0 : i32
    %dma_wait3A_955 = tpu.memref_slice %arg7[%dma_wait3A_950, %dma_wait3A_954] : memref<49x128xi32, #tpu.memory_space<vmem>> -> memref<1x128xi32, #tpu.memory_space<vmem>>
    %dma_wait3A_956 = tpu.memref_squeeze %dma_wait3A_955 : memref<1x128xi32, #tpu.memory_space<vmem>> -> memref<128xi32, #tpu.memory_space<vmem>>
    %dma_wait3A_957 = arith.constant 0 : i32
    %dma_wait3A_958 = tpu.memref_slice %arg17[%dma_wait3A_957] : memref<5120xf32, #tpu.memory_space<vmem_shared>> -> memref<5120xf32, #tpu.memory_space<vmem_shared>>
    tpu.wait_indirect_dma semaphore(%arg18 : memref<!tpu.dma_semaphore, #tpu.memory_space<semaphore_mem>>) src(%dma_wait3A_953 : memref<128xf32, #tpu.memory_space<vmem>>) dst(%dma_wait3A_958 : memref<5120xf32, #tpu.memory_space<vmem_shared>>)
    %dma_start3A_959 = arith.constant 24 : i32
    %dma_start3A_960 = arith.constant 24 : i32
    %dma_start3A_961 = arith.constant 0 : i32
    %dma_start3A_962 = tpu.memref_slice %arg8[%dma_start3A_959, %dma_start3A_961] : memref<49x128xf32, #tpu.memory_space<vmem>> -> memref<1x128xf32, #tpu.memory_space<vmem>>
    %dma_start3A_963 = tpu.memref_squeeze %dma_start3A_962 : memref<1x128xf32, #tpu.memory_space<vmem>> -> memref<128xf32, #tpu.memory_space<vmem>>
    %dma_start3A_964 = arith.constant 0 : i32
    %dma_start3A_965 = tpu.memref_slice %arg7[%dma_start3A_960, %dma_start3A_964] : memref<49x128xi32, #tpu.memory_space<vmem>> -> memref<1x128xi32, #tpu.memory_space<vmem>>
    %dma_start3A_966 = tpu.memref_squeeze %dma_start3A_965 : memref<1x128xi32, #tpu.memory_space<vmem>> -> memref<128xi32, #tpu.memory_space<vmem>>
    %dma_start3A_967 = arith.constant 0 : i32
    %dma_start3A_968 = tpu.memref_slice %arg16[%dma_start3A_967] : memref<5120xf32, #tpu.memory_space<vmem_shared>> -> memref<5120xf32, #tpu.memory_space<vmem_shared>>
    tpu.enqueue_indirect_dma source(%dma_start3A_963 : memref<128xf32, #tpu.memory_space<vmem>>) target(%dma_start3A_968 : memref<5120xf32, #tpu.memory_space<vmem_shared>>) offsets(%dma_start3A_966 : memref<128xi32, #tpu.memory_space<vmem>>) semaphore(%arg18 : memref<!tpu.dma_semaphore, #tpu.memory_space<semaphore_mem>>) {add = true}
    %dma_start3A_969 = arith.constant 24 : i32
    %dma_start3A_970 = arith.constant 24 : i32
    %dma_start3A_971 = arith.constant 0 : i32
    %dma_start3A_972 = tpu.memref_slice %arg9[%dma_start3A_969, %dma_start3A_971] : memref<49x128xf32, #tpu.memory_space<vmem>> -> memref<1x128xf32, #tpu.memory_space<vmem>>
    %dma_start3A_973 = tpu.memref_squeeze %dma_start3A_972 : memref<1x128xf32, #tpu.memory_space<vmem>> -> memref<128xf32, #tpu.memory_space<vmem>>
    %dma_start3A_974 = arith.constant 0 : i32
    %dma_start3A_975 = tpu.memref_slice %arg7[%dma_start3A_970, %dma_start3A_974] : memref<49x128xi32, #tpu.memory_space<vmem>> -> memref<1x128xi32, #tpu.memory_space<vmem>>
    %dma_start3A_976 = tpu.memref_squeeze %dma_start3A_975 : memref<1x128xi32, #tpu.memory_space<vmem>> -> memref<128xi32, #tpu.memory_space<vmem>>
    %dma_start3A_977 = arith.constant 0 : i32
    %dma_start3A_978 = tpu.memref_slice %arg17[%dma_start3A_977] : memref<5120xf32, #tpu.memory_space<vmem_shared>> -> memref<5120xf32, #tpu.memory_space<vmem_shared>>
    tpu.enqueue_indirect_dma source(%dma_start3A_973 : memref<128xf32, #tpu.memory_space<vmem>>) target(%dma_start3A_978 : memref<5120xf32, #tpu.memory_space<vmem_shared>>) offsets(%dma_start3A_976 : memref<128xi32, #tpu.memory_space<vmem>>) semaphore(%arg18 : memref<!tpu.dma_semaphore, #tpu.memory_space<semaphore_mem>>) {add = true}
    %dma_wait3A_979 = arith.constant 20 : i32
    %dma_wait3A_980 = arith.constant 20 : i32
    %dma_wait3A_981 = arith.constant 0 : i32
    %dma_wait3A_982 = tpu.memref_slice %arg8[%dma_wait3A_979, %dma_wait3A_981] : memref<49x128xf32, #tpu.memory_space<vmem>> -> memref<1x128xf32, #tpu.memory_space<vmem>>
    %dma_wait3A_983 = tpu.memref_squeeze %dma_wait3A_982 : memref<1x128xf32, #tpu.memory_space<vmem>> -> memref<128xf32, #tpu.memory_space<vmem>>
    %dma_wait3A_984 = arith.constant 0 : i32
    %dma_wait3A_985 = tpu.memref_slice %arg7[%dma_wait3A_980, %dma_wait3A_984] : memref<49x128xi32, #tpu.memory_space<vmem>> -> memref<1x128xi32, #tpu.memory_space<vmem>>
    %dma_wait3A_986 = tpu.memref_squeeze %dma_wait3A_985 : memref<1x128xi32, #tpu.memory_space<vmem>> -> memref<128xi32, #tpu.memory_space<vmem>>
    %dma_wait3A_987 = arith.constant 0 : i32
    %dma_wait3A_988 = tpu.memref_slice %arg16[%dma_wait3A_987] : memref<5120xf32, #tpu.memory_space<vmem_shared>> -> memref<5120xf32, #tpu.memory_space<vmem_shared>>
    tpu.wait_indirect_dma semaphore(%arg18 : memref<!tpu.dma_semaphore, #tpu.memory_space<semaphore_mem>>) src(%dma_wait3A_983 : memref<128xf32, #tpu.memory_space<vmem>>) dst(%dma_wait3A_988 : memref<5120xf32, #tpu.memory_space<vmem_shared>>)
    %dma_wait3A_989 = arith.constant 20 : i32
    %dma_wait3A_990 = arith.constant 20 : i32
    %dma_wait3A_991 = arith.constant 0 : i32
    %dma_wait3A_992 = tpu.memref_slice %arg9[%dma_wait3A_989, %dma_wait3A_991] : memref<49x128xf32, #tpu.memory_space<vmem>> -> memref<1x128xf32, #tpu.memory_space<vmem>>
    %dma_wait3A_993 = tpu.memref_squeeze %dma_wait3A_992 : memref<1x128xf32, #tpu.memory_space<vmem>> -> memref<128xf32, #tpu.memory_space<vmem>>
    %dma_wait3A_994 = arith.constant 0 : i32
    %dma_wait3A_995 = tpu.memref_slice %arg7[%dma_wait3A_990, %dma_wait3A_994] : memref<49x128xi32, #tpu.memory_space<vmem>> -> memref<1x128xi32, #tpu.memory_space<vmem>>
    %dma_wait3A_996 = tpu.memref_squeeze %dma_wait3A_995 : memref<1x128xi32, #tpu.memory_space<vmem>> -> memref<128xi32, #tpu.memory_space<vmem>>
    %dma_wait3A_997 = arith.constant 0 : i32
    %dma_wait3A_998 = tpu.memref_slice %arg17[%dma_wait3A_997] : memref<5120xf32, #tpu.memory_space<vmem_shared>> -> memref<5120xf32, #tpu.memory_space<vmem_shared>>
    tpu.wait_indirect_dma semaphore(%arg18 : memref<!tpu.dma_semaphore, #tpu.memory_space<semaphore_mem>>) src(%dma_wait3A_993 : memref<128xf32, #tpu.memory_space<vmem>>) dst(%dma_wait3A_998 : memref<5120xf32, #tpu.memory_space<vmem_shared>>)
    %dma_start3A_999 = arith.constant 25 : i32
    %dma_start3A_1000 = arith.constant 25 : i32
    %dma_start3A_1001 = arith.constant 0 : i32
    %dma_start3A_1002 = tpu.memref_slice %arg8[%dma_start3A_999, %dma_start3A_1001] : memref<49x128xf32, #tpu.memory_space<vmem>> -> memref<1x128xf32, #tpu.memory_space<vmem>>
    %dma_start3A_1003 = tpu.memref_squeeze %dma_start3A_1002 : memref<1x128xf32, #tpu.memory_space<vmem>> -> memref<128xf32, #tpu.memory_space<vmem>>
    %dma_start3A_1004 = arith.constant 0 : i32
    %dma_start3A_1005 = tpu.memref_slice %arg7[%dma_start3A_1000, %dma_start3A_1004] : memref<49x128xi32, #tpu.memory_space<vmem>> -> memref<1x128xi32, #tpu.memory_space<vmem>>
    %dma_start3A_1006 = tpu.memref_squeeze %dma_start3A_1005 : memref<1x128xi32, #tpu.memory_space<vmem>> -> memref<128xi32, #tpu.memory_space<vmem>>
    %dma_start3A_1007 = arith.constant 0 : i32
    %dma_start3A_1008 = tpu.memref_slice %arg16[%dma_start3A_1007] : memref<5120xf32, #tpu.memory_space<vmem_shared>> -> memref<5120xf32, #tpu.memory_space<vmem_shared>>
    tpu.enqueue_indirect_dma source(%dma_start3A_1003 : memref<128xf32, #tpu.memory_space<vmem>>) target(%dma_start3A_1008 : memref<5120xf32, #tpu.memory_space<vmem_shared>>) offsets(%dma_start3A_1006 : memref<128xi32, #tpu.memory_space<vmem>>) semaphore(%arg18 : memref<!tpu.dma_semaphore, #tpu.memory_space<semaphore_mem>>) {add = true}
    %dma_start3A_1009 = arith.constant 25 : i32
    %dma_start3A_1010 = arith.constant 25 : i32
    %dma_start3A_1011 = arith.constant 0 : i32
    %dma_start3A_1012 = tpu.memref_slice %arg9[%dma_start3A_1009, %dma_start3A_1011] : memref<49x128xf32, #tpu.memory_space<vmem>> -> memref<1x128xf32, #tpu.memory_space<vmem>>
    %dma_start3A_1013 = tpu.memref_squeeze %dma_start3A_1012 : memref<1x128xf32, #tpu.memory_space<vmem>> -> memref<128xf32, #tpu.memory_space<vmem>>
    %dma_start3A_1014 = arith.constant 0 : i32
    %dma_start3A_1015 = tpu.memref_slice %arg7[%dma_start3A_1010, %dma_start3A_1014] : memref<49x128xi32, #tpu.memory_space<vmem>> -> memref<1x128xi32, #tpu.memory_space<vmem>>
    %dma_start3A_1016 = tpu.memref_squeeze %dma_start3A_1015 : memref<1x128xi32, #tpu.memory_space<vmem>> -> memref<128xi32, #tpu.memory_space<vmem>>
    %dma_start3A_1017 = arith.constant 0 : i32
    %dma_start3A_1018 = tpu.memref_slice %arg17[%dma_start3A_1017] : memref<5120xf32, #tpu.memory_space<vmem_shared>> -> memref<5120xf32, #tpu.memory_space<vmem_shared>>
    tpu.enqueue_indirect_dma source(%dma_start3A_1013 : memref<128xf32, #tpu.memory_space<vmem>>) target(%dma_start3A_1018 : memref<5120xf32, #tpu.memory_space<vmem_shared>>) offsets(%dma_start3A_1016 : memref<128xi32, #tpu.memory_space<vmem>>) semaphore(%arg18 : memref<!tpu.dma_semaphore, #tpu.memory_space<semaphore_mem>>) {add = true}
    %dma_wait3A_1019 = arith.constant 21 : i32
    %dma_wait3A_1020 = arith.constant 21 : i32
    %dma_wait3A_1021 = arith.constant 0 : i32
    %dma_wait3A_1022 = tpu.memref_slice %arg8[%dma_wait3A_1019, %dma_wait3A_1021] : memref<49x128xf32, #tpu.memory_space<vmem>> -> memref<1x128xf32, #tpu.memory_space<vmem>>
    %dma_wait3A_1023 = tpu.memref_squeeze %dma_wait3A_1022 : memref<1x128xf32, #tpu.memory_space<vmem>> -> memref<128xf32, #tpu.memory_space<vmem>>
    %dma_wait3A_1024 = arith.constant 0 : i32
    %dma_wait3A_1025 = tpu.memref_slice %arg7[%dma_wait3A_1020, %dma_wait3A_1024] : memref<49x128xi32, #tpu.memory_space<vmem>> -> memref<1x128xi32, #tpu.memory_space<vmem>>
    %dma_wait3A_1026 = tpu.memref_squeeze %dma_wait3A_1025 : memref<1x128xi32, #tpu.memory_space<vmem>> -> memref<128xi32, #tpu.memory_space<vmem>>
    %dma_wait3A_1027 = arith.constant 0 : i32
    %dma_wait3A_1028 = tpu.memref_slice %arg16[%dma_wait3A_1027] : memref<5120xf32, #tpu.memory_space<vmem_shared>> -> memref<5120xf32, #tpu.memory_space<vmem_shared>>
    tpu.wait_indirect_dma semaphore(%arg18 : memref<!tpu.dma_semaphore, #tpu.memory_space<semaphore_mem>>) src(%dma_wait3A_1023 : memref<128xf32, #tpu.memory_space<vmem>>) dst(%dma_wait3A_1028 : memref<5120xf32, #tpu.memory_space<vmem_shared>>)
    %dma_wait3A_1029 = arith.constant 21 : i32
    %dma_wait3A_1030 = arith.constant 21 : i32
    %dma_wait3A_1031 = arith.constant 0 : i32
    %dma_wait3A_1032 = tpu.memref_slice %arg9[%dma_wait3A_1029, %dma_wait3A_1031] : memref<49x128xf32, #tpu.memory_space<vmem>> -> memref<1x128xf32, #tpu.memory_space<vmem>>
    %dma_wait3A_1033 = tpu.memref_squeeze %dma_wait3A_1032 : memref<1x128xf32, #tpu.memory_space<vmem>> -> memref<128xf32, #tpu.memory_space<vmem>>
    %dma_wait3A_1034 = arith.constant 0 : i32
    %dma_wait3A_1035 = tpu.memref_slice %arg7[%dma_wait3A_1030, %dma_wait3A_1034] : memref<49x128xi32, #tpu.memory_space<vmem>> -> memref<1x128xi32, #tpu.memory_space<vmem>>
    %dma_wait3A_1036 = tpu.memref_squeeze %dma_wait3A_1035 : memref<1x128xi32, #tpu.memory_space<vmem>> -> memref<128xi32, #tpu.memory_space<vmem>>
    %dma_wait3A_1037 = arith.constant 0 : i32
    %dma_wait3A_1038 = tpu.memref_slice %arg17[%dma_wait3A_1037] : memref<5120xf32, #tpu.memory_space<vmem_shared>> -> memref<5120xf32, #tpu.memory_space<vmem_shared>>
    tpu.wait_indirect_dma semaphore(%arg18 : memref<!tpu.dma_semaphore, #tpu.memory_space<semaphore_mem>>) src(%dma_wait3A_1033 : memref<128xf32, #tpu.memory_space<vmem>>) dst(%dma_wait3A_1038 : memref<5120xf32, #tpu.memory_space<vmem_shared>>)
    %dma_start3A_1039 = arith.constant 26 : i32
    %dma_start3A_1040 = arith.constant 26 : i32
    %dma_start3A_1041 = arith.constant 0 : i32
    %dma_start3A_1042 = tpu.memref_slice %arg8[%dma_start3A_1039, %dma_start3A_1041] : memref<49x128xf32, #tpu.memory_space<vmem>> -> memref<1x128xf32, #tpu.memory_space<vmem>>
    %dma_start3A_1043 = tpu.memref_squeeze %dma_start3A_1042 : memref<1x128xf32, #tpu.memory_space<vmem>> -> memref<128xf32, #tpu.memory_space<vmem>>
    %dma_start3A_1044 = arith.constant 0 : i32
    %dma_start3A_1045 = tpu.memref_slice %arg7[%dma_start3A_1040, %dma_start3A_1044] : memref<49x128xi32, #tpu.memory_space<vmem>> -> memref<1x128xi32, #tpu.memory_space<vmem>>
    %dma_start3A_1046 = tpu.memref_squeeze %dma_start3A_1045 : memref<1x128xi32, #tpu.memory_space<vmem>> -> memref<128xi32, #tpu.memory_space<vmem>>
    %dma_start3A_1047 = arith.constant 0 : i32
    %dma_start3A_1048 = tpu.memref_slice %arg16[%dma_start3A_1047] : memref<5120xf32, #tpu.memory_space<vmem_shared>> -> memref<5120xf32, #tpu.memory_space<vmem_shared>>
    tpu.enqueue_indirect_dma source(%dma_start3A_1043 : memref<128xf32, #tpu.memory_space<vmem>>) target(%dma_start3A_1048 : memref<5120xf32, #tpu.memory_space<vmem_shared>>) offsets(%dma_start3A_1046 : memref<128xi32, #tpu.memory_space<vmem>>) semaphore(%arg18 : memref<!tpu.dma_semaphore, #tpu.memory_space<semaphore_mem>>) {add = true}
    %dma_start3A_1049 = arith.constant 26 : i32
    %dma_start3A_1050 = arith.constant 26 : i32
    %dma_start3A_1051 = arith.constant 0 : i32
    %dma_start3A_1052 = tpu.memref_slice %arg9[%dma_start3A_1049, %dma_start3A_1051] : memref<49x128xf32, #tpu.memory_space<vmem>> -> memref<1x128xf32, #tpu.memory_space<vmem>>
    %dma_start3A_1053 = tpu.memref_squeeze %dma_start3A_1052 : memref<1x128xf32, #tpu.memory_space<vmem>> -> memref<128xf32, #tpu.memory_space<vmem>>
    %dma_start3A_1054 = arith.constant 0 : i32
    %dma_start3A_1055 = tpu.memref_slice %arg7[%dma_start3A_1050, %dma_start3A_1054] : memref<49x128xi32, #tpu.memory_space<vmem>> -> memref<1x128xi32, #tpu.memory_space<vmem>>
    %dma_start3A_1056 = tpu.memref_squeeze %dma_start3A_1055 : memref<1x128xi32, #tpu.memory_space<vmem>> -> memref<128xi32, #tpu.memory_space<vmem>>
    %dma_start3A_1057 = arith.constant 0 : i32
    %dma_start3A_1058 = tpu.memref_slice %arg17[%dma_start3A_1057] : memref<5120xf32, #tpu.memory_space<vmem_shared>> -> memref<5120xf32, #tpu.memory_space<vmem_shared>>
    tpu.enqueue_indirect_dma source(%dma_start3A_1053 : memref<128xf32, #tpu.memory_space<vmem>>) target(%dma_start3A_1058 : memref<5120xf32, #tpu.memory_space<vmem_shared>>) offsets(%dma_start3A_1056 : memref<128xi32, #tpu.memory_space<vmem>>) semaphore(%arg18 : memref<!tpu.dma_semaphore, #tpu.memory_space<semaphore_mem>>) {add = true}
    %dma_wait3A_1059 = arith.constant 22 : i32
    %dma_wait3A_1060 = arith.constant 22 : i32
    %dma_wait3A_1061 = arith.constant 0 : i32
    %dma_wait3A_1062 = tpu.memref_slice %arg8[%dma_wait3A_1059, %dma_wait3A_1061] : memref<49x128xf32, #tpu.memory_space<vmem>> -> memref<1x128xf32, #tpu.memory_space<vmem>>
    %dma_wait3A_1063 = tpu.memref_squeeze %dma_wait3A_1062 : memref<1x128xf32, #tpu.memory_space<vmem>> -> memref<128xf32, #tpu.memory_space<vmem>>
    %dma_wait3A_1064 = arith.constant 0 : i32
    %dma_wait3A_1065 = tpu.memref_slice %arg7[%dma_wait3A_1060, %dma_wait3A_1064] : memref<49x128xi32, #tpu.memory_space<vmem>> -> memref<1x128xi32, #tpu.memory_space<vmem>>
    %dma_wait3A_1066 = tpu.memref_squeeze %dma_wait3A_1065 : memref<1x128xi32, #tpu.memory_space<vmem>> -> memref<128xi32, #tpu.memory_space<vmem>>
    %dma_wait3A_1067 = arith.constant 0 : i32
    %dma_wait3A_1068 = tpu.memref_slice %arg16[%dma_wait3A_1067] : memref<5120xf32, #tpu.memory_space<vmem_shared>> -> memref<5120xf32, #tpu.memory_space<vmem_shared>>
    tpu.wait_indirect_dma semaphore(%arg18 : memref<!tpu.dma_semaphore, #tpu.memory_space<semaphore_mem>>) src(%dma_wait3A_1063 : memref<128xf32, #tpu.memory_space<vmem>>) dst(%dma_wait3A_1068 : memref<5120xf32, #tpu.memory_space<vmem_shared>>)
    %dma_wait3A_1069 = arith.constant 22 : i32
    %dma_wait3A_1070 = arith.constant 22 : i32
    %dma_wait3A_1071 = arith.constant 0 : i32
    %dma_wait3A_1072 = tpu.memref_slice %arg9[%dma_wait3A_1069, %dma_wait3A_1071] : memref<49x128xf32, #tpu.memory_space<vmem>> -> memref<1x128xf32, #tpu.memory_space<vmem>>
    %dma_wait3A_1073 = tpu.memref_squeeze %dma_wait3A_1072 : memref<1x128xf32, #tpu.memory_space<vmem>> -> memref<128xf32, #tpu.memory_space<vmem>>
    %dma_wait3A_1074 = arith.constant 0 : i32
    %dma_wait3A_1075 = tpu.memref_slice %arg7[%dma_wait3A_1070, %dma_wait3A_1074] : memref<49x128xi32, #tpu.memory_space<vmem>> -> memref<1x128xi32, #tpu.memory_space<vmem>>
    %dma_wait3A_1076 = tpu.memref_squeeze %dma_wait3A_1075 : memref<1x128xi32, #tpu.memory_space<vmem>> -> memref<128xi32, #tpu.memory_space<vmem>>
    %dma_wait3A_1077 = arith.constant 0 : i32
    %dma_wait3A_1078 = tpu.memref_slice %arg17[%dma_wait3A_1077] : memref<5120xf32, #tpu.memory_space<vmem_shared>> -> memref<5120xf32, #tpu.memory_space<vmem_shared>>
    tpu.wait_indirect_dma semaphore(%arg18 : memref<!tpu.dma_semaphore, #tpu.memory_space<semaphore_mem>>) src(%dma_wait3A_1073 : memref<128xf32, #tpu.memory_space<vmem>>) dst(%dma_wait3A_1078 : memref<5120xf32, #tpu.memory_space<vmem_shared>>)
    %dma_start3A_1079 = arith.constant 27 : i32
    %dma_start3A_1080 = arith.constant 27 : i32
    %dma_start3A_1081 = arith.constant 0 : i32
    %dma_start3A_1082 = tpu.memref_slice %arg8[%dma_start3A_1079, %dma_start3A_1081] : memref<49x128xf32, #tpu.memory_space<vmem>> -> memref<1x128xf32, #tpu.memory_space<vmem>>
    %dma_start3A_1083 = tpu.memref_squeeze %dma_start3A_1082 : memref<1x128xf32, #tpu.memory_space<vmem>> -> memref<128xf32, #tpu.memory_space<vmem>>
    %dma_start3A_1084 = arith.constant 0 : i32
    %dma_start3A_1085 = tpu.memref_slice %arg7[%dma_start3A_1080, %dma_start3A_1084] : memref<49x128xi32, #tpu.memory_space<vmem>> -> memref<1x128xi32, #tpu.memory_space<vmem>>
    %dma_start3A_1086 = tpu.memref_squeeze %dma_start3A_1085 : memref<1x128xi32, #tpu.memory_space<vmem>> -> memref<128xi32, #tpu.memory_space<vmem>>
    %dma_start3A_1087 = arith.constant 0 : i32
    %dma_start3A_1088 = tpu.memref_slice %arg16[%dma_start3A_1087] : memref<5120xf32, #tpu.memory_space<vmem_shared>> -> memref<5120xf32, #tpu.memory_space<vmem_shared>>
    tpu.enqueue_indirect_dma source(%dma_start3A_1083 : memref<128xf32, #tpu.memory_space<vmem>>) target(%dma_start3A_1088 : memref<5120xf32, #tpu.memory_space<vmem_shared>>) offsets(%dma_start3A_1086 : memref<128xi32, #tpu.memory_space<vmem>>) semaphore(%arg18 : memref<!tpu.dma_semaphore, #tpu.memory_space<semaphore_mem>>) {add = true}
    %dma_start3A_1089 = arith.constant 27 : i32
    %dma_start3A_1090 = arith.constant 27 : i32
    %dma_start3A_1091 = arith.constant 0 : i32
    %dma_start3A_1092 = tpu.memref_slice %arg9[%dma_start3A_1089, %dma_start3A_1091] : memref<49x128xf32, #tpu.memory_space<vmem>> -> memref<1x128xf32, #tpu.memory_space<vmem>>
    %dma_start3A_1093 = tpu.memref_squeeze %dma_start3A_1092 : memref<1x128xf32, #tpu.memory_space<vmem>> -> memref<128xf32, #tpu.memory_space<vmem>>
    %dma_start3A_1094 = arith.constant 0 : i32
    %dma_start3A_1095 = tpu.memref_slice %arg7[%dma_start3A_1090, %dma_start3A_1094] : memref<49x128xi32, #tpu.memory_space<vmem>> -> memref<1x128xi32, #tpu.memory_space<vmem>>
    %dma_start3A_1096 = tpu.memref_squeeze %dma_start3A_1095 : memref<1x128xi32, #tpu.memory_space<vmem>> -> memref<128xi32, #tpu.memory_space<vmem>>
    %dma_start3A_1097 = arith.constant 0 : i32
    %dma_start3A_1098 = tpu.memref_slice %arg17[%dma_start3A_1097] : memref<5120xf32, #tpu.memory_space<vmem_shared>> -> memref<5120xf32, #tpu.memory_space<vmem_shared>>
    tpu.enqueue_indirect_dma source(%dma_start3A_1093 : memref<128xf32, #tpu.memory_space<vmem>>) target(%dma_start3A_1098 : memref<5120xf32, #tpu.memory_space<vmem_shared>>) offsets(%dma_start3A_1096 : memref<128xi32, #tpu.memory_space<vmem>>) semaphore(%arg18 : memref<!tpu.dma_semaphore, #tpu.memory_space<semaphore_mem>>) {add = true}
    %dma_wait3A_1099 = arith.constant 23 : i32
    %dma_wait3A_1100 = arith.constant 23 : i32
    %dma_wait3A_1101 = arith.constant 0 : i32
    %dma_wait3A_1102 = tpu.memref_slice %arg8[%dma_wait3A_1099, %dma_wait3A_1101] : memref<49x128xf32, #tpu.memory_space<vmem>> -> memref<1x128xf32, #tpu.memory_space<vmem>>
    %dma_wait3A_1103 = tpu.memref_squeeze %dma_wait3A_1102 : memref<1x128xf32, #tpu.memory_space<vmem>> -> memref<128xf32, #tpu.memory_space<vmem>>
    %dma_wait3A_1104 = arith.constant 0 : i32
    %dma_wait3A_1105 = tpu.memref_slice %arg7[%dma_wait3A_1100, %dma_wait3A_1104] : memref<49x128xi32, #tpu.memory_space<vmem>> -> memref<1x128xi32, #tpu.memory_space<vmem>>
    %dma_wait3A_1106 = tpu.memref_squeeze %dma_wait3A_1105 : memref<1x128xi32, #tpu.memory_space<vmem>> -> memref<128xi32, #tpu.memory_space<vmem>>
    %dma_wait3A_1107 = arith.constant 0 : i32
    %dma_wait3A_1108 = tpu.memref_slice %arg16[%dma_wait3A_1107] : memref<5120xf32, #tpu.memory_space<vmem_shared>> -> memref<5120xf32, #tpu.memory_space<vmem_shared>>
    tpu.wait_indirect_dma semaphore(%arg18 : memref<!tpu.dma_semaphore, #tpu.memory_space<semaphore_mem>>) src(%dma_wait3A_1103 : memref<128xf32, #tpu.memory_space<vmem>>) dst(%dma_wait3A_1108 : memref<5120xf32, #tpu.memory_space<vmem_shared>>)
    %dma_wait3A_1109 = arith.constant 23 : i32
    %dma_wait3A_1110 = arith.constant 23 : i32
    %dma_wait3A_1111 = arith.constant 0 : i32
    %dma_wait3A_1112 = tpu.memref_slice %arg9[%dma_wait3A_1109, %dma_wait3A_1111] : memref<49x128xf32, #tpu.memory_space<vmem>> -> memref<1x128xf32, #tpu.memory_space<vmem>>
    %dma_wait3A_1113 = tpu.memref_squeeze %dma_wait3A_1112 : memref<1x128xf32, #tpu.memory_space<vmem>> -> memref<128xf32, #tpu.memory_space<vmem>>
    %dma_wait3A_1114 = arith.constant 0 : i32
    %dma_wait3A_1115 = tpu.memref_slice %arg7[%dma_wait3A_1110, %dma_wait3A_1114] : memref<49x128xi32, #tpu.memory_space<vmem>> -> memref<1x128xi32, #tpu.memory_space<vmem>>
    %dma_wait3A_1116 = tpu.memref_squeeze %dma_wait3A_1115 : memref<1x128xi32, #tpu.memory_space<vmem>> -> memref<128xi32, #tpu.memory_space<vmem>>
    %dma_wait3A_1117 = arith.constant 0 : i32
    %dma_wait3A_1118 = tpu.memref_slice %arg17[%dma_wait3A_1117] : memref<5120xf32, #tpu.memory_space<vmem_shared>> -> memref<5120xf32, #tpu.memory_space<vmem_shared>>
    tpu.wait_indirect_dma semaphore(%arg18 : memref<!tpu.dma_semaphore, #tpu.memory_space<semaphore_mem>>) src(%dma_wait3A_1113 : memref<128xf32, #tpu.memory_space<vmem>>) dst(%dma_wait3A_1118 : memref<5120xf32, #tpu.memory_space<vmem_shared>>)
    %dma_start3A_1119 = arith.constant 28 : i32
    %dma_start3A_1120 = arith.constant 28 : i32
    %dma_start3A_1121 = arith.constant 0 : i32
    %dma_start3A_1122 = tpu.memref_slice %arg8[%dma_start3A_1119, %dma_start3A_1121] : memref<49x128xf32, #tpu.memory_space<vmem>> -> memref<1x128xf32, #tpu.memory_space<vmem>>
    %dma_start3A_1123 = tpu.memref_squeeze %dma_start3A_1122 : memref<1x128xf32, #tpu.memory_space<vmem>> -> memref<128xf32, #tpu.memory_space<vmem>>
    %dma_start3A_1124 = arith.constant 0 : i32
    %dma_start3A_1125 = tpu.memref_slice %arg7[%dma_start3A_1120, %dma_start3A_1124] : memref<49x128xi32, #tpu.memory_space<vmem>> -> memref<1x128xi32, #tpu.memory_space<vmem>>
    %dma_start3A_1126 = tpu.memref_squeeze %dma_start3A_1125 : memref<1x128xi32, #tpu.memory_space<vmem>> -> memref<128xi32, #tpu.memory_space<vmem>>
    %dma_start3A_1127 = arith.constant 0 : i32
    %dma_start3A_1128 = tpu.memref_slice %arg16[%dma_start3A_1127] : memref<5120xf32, #tpu.memory_space<vmem_shared>> -> memref<5120xf32, #tpu.memory_space<vmem_shared>>
    tpu.enqueue_indirect_dma source(%dma_start3A_1123 : memref<128xf32, #tpu.memory_space<vmem>>) target(%dma_start3A_1128 : memref<5120xf32, #tpu.memory_space<vmem_shared>>) offsets(%dma_start3A_1126 : memref<128xi32, #tpu.memory_space<vmem>>) semaphore(%arg18 : memref<!tpu.dma_semaphore, #tpu.memory_space<semaphore_mem>>) {add = true}
    %dma_start3A_1129 = arith.constant 28 : i32
    %dma_start3A_1130 = arith.constant 28 : i32
    %dma_start3A_1131 = arith.constant 0 : i32
    %dma_start3A_1132 = tpu.memref_slice %arg9[%dma_start3A_1129, %dma_start3A_1131] : memref<49x128xf32, #tpu.memory_space<vmem>> -> memref<1x128xf32, #tpu.memory_space<vmem>>
    %dma_start3A_1133 = tpu.memref_squeeze %dma_start3A_1132 : memref<1x128xf32, #tpu.memory_space<vmem>> -> memref<128xf32, #tpu.memory_space<vmem>>
    %dma_start3A_1134 = arith.constant 0 : i32
    %dma_start3A_1135 = tpu.memref_slice %arg7[%dma_start3A_1130, %dma_start3A_1134] : memref<49x128xi32, #tpu.memory_space<vmem>> -> memref<1x128xi32, #tpu.memory_space<vmem>>
    %dma_start3A_1136 = tpu.memref_squeeze %dma_start3A_1135 : memref<1x128xi32, #tpu.memory_space<vmem>> -> memref<128xi32, #tpu.memory_space<vmem>>
    %dma_start3A_1137 = arith.constant 0 : i32
    %dma_start3A_1138 = tpu.memref_slice %arg17[%dma_start3A_1137] : memref<5120xf32, #tpu.memory_space<vmem_shared>> -> memref<5120xf32, #tpu.memory_space<vmem_shared>>
    tpu.enqueue_indirect_dma source(%dma_start3A_1133 : memref<128xf32, #tpu.memory_space<vmem>>) target(%dma_start3A_1138 : memref<5120xf32, #tpu.memory_space<vmem_shared>>) offsets(%dma_start3A_1136 : memref<128xi32, #tpu.memory_space<vmem>>) semaphore(%arg18 : memref<!tpu.dma_semaphore, #tpu.memory_space<semaphore_mem>>) {add = true}
    %dma_wait3A_1139 = arith.constant 24 : i32
    %dma_wait3A_1140 = arith.constant 24 : i32
    %dma_wait3A_1141 = arith.constant 0 : i32
    %dma_wait3A_1142 = tpu.memref_slice %arg8[%dma_wait3A_1139, %dma_wait3A_1141] : memref<49x128xf32, #tpu.memory_space<vmem>> -> memref<1x128xf32, #tpu.memory_space<vmem>>
    %dma_wait3A_1143 = tpu.memref_squeeze %dma_wait3A_1142 : memref<1x128xf32, #tpu.memory_space<vmem>> -> memref<128xf32, #tpu.memory_space<vmem>>
    %dma_wait3A_1144 = arith.constant 0 : i32
    %dma_wait3A_1145 = tpu.memref_slice %arg7[%dma_wait3A_1140, %dma_wait3A_1144] : memref<49x128xi32, #tpu.memory_space<vmem>> -> memref<1x128xi32, #tpu.memory_space<vmem>>
    %dma_wait3A_1146 = tpu.memref_squeeze %dma_wait3A_1145 : memref<1x128xi32, #tpu.memory_space<vmem>> -> memref<128xi32, #tpu.memory_space<vmem>>
    %dma_wait3A_1147 = arith.constant 0 : i32
    %dma_wait3A_1148 = tpu.memref_slice %arg16[%dma_wait3A_1147] : memref<5120xf32, #tpu.memory_space<vmem_shared>> -> memref<5120xf32, #tpu.memory_space<vmem_shared>>
    tpu.wait_indirect_dma semaphore(%arg18 : memref<!tpu.dma_semaphore, #tpu.memory_space<semaphore_mem>>) src(%dma_wait3A_1143 : memref<128xf32, #tpu.memory_space<vmem>>) dst(%dma_wait3A_1148 : memref<5120xf32, #tpu.memory_space<vmem_shared>>)
    %dma_wait3A_1149 = arith.constant 24 : i32
    %dma_wait3A_1150 = arith.constant 24 : i32
    %dma_wait3A_1151 = arith.constant 0 : i32
    %dma_wait3A_1152 = tpu.memref_slice %arg9[%dma_wait3A_1149, %dma_wait3A_1151] : memref<49x128xf32, #tpu.memory_space<vmem>> -> memref<1x128xf32, #tpu.memory_space<vmem>>
    %dma_wait3A_1153 = tpu.memref_squeeze %dma_wait3A_1152 : memref<1x128xf32, #tpu.memory_space<vmem>> -> memref<128xf32, #tpu.memory_space<vmem>>
    %dma_wait3A_1154 = arith.constant 0 : i32
    %dma_wait3A_1155 = tpu.memref_slice %arg7[%dma_wait3A_1150, %dma_wait3A_1154] : memref<49x128xi32, #tpu.memory_space<vmem>> -> memref<1x128xi32, #tpu.memory_space<vmem>>
    %dma_wait3A_1156 = tpu.memref_squeeze %dma_wait3A_1155 : memref<1x128xi32, #tpu.memory_space<vmem>> -> memref<128xi32, #tpu.memory_space<vmem>>
    %dma_wait3A_1157 = arith.constant 0 : i32
    %dma_wait3A_1158 = tpu.memref_slice %arg17[%dma_wait3A_1157] : memref<5120xf32, #tpu.memory_space<vmem_shared>> -> memref<5120xf32, #tpu.memory_space<vmem_shared>>
    tpu.wait_indirect_dma semaphore(%arg18 : memref<!tpu.dma_semaphore, #tpu.memory_space<semaphore_mem>>) src(%dma_wait3A_1153 : memref<128xf32, #tpu.memory_space<vmem>>) dst(%dma_wait3A_1158 : memref<5120xf32, #tpu.memory_space<vmem_shared>>)
    %dma_start3A_1159 = arith.constant 29 : i32
    %dma_start3A_1160 = arith.constant 29 : i32
    %dma_start3A_1161 = arith.constant 0 : i32
    %dma_start3A_1162 = tpu.memref_slice %arg8[%dma_start3A_1159, %dma_start3A_1161] : memref<49x128xf32, #tpu.memory_space<vmem>> -> memref<1x128xf32, #tpu.memory_space<vmem>>
    %dma_start3A_1163 = tpu.memref_squeeze %dma_start3A_1162 : memref<1x128xf32, #tpu.memory_space<vmem>> -> memref<128xf32, #tpu.memory_space<vmem>>
    %dma_start3A_1164 = arith.constant 0 : i32
    %dma_start3A_1165 = tpu.memref_slice %arg7[%dma_start3A_1160, %dma_start3A_1164] : memref<49x128xi32, #tpu.memory_space<vmem>> -> memref<1x128xi32, #tpu.memory_space<vmem>>
    %dma_start3A_1166 = tpu.memref_squeeze %dma_start3A_1165 : memref<1x128xi32, #tpu.memory_space<vmem>> -> memref<128xi32, #tpu.memory_space<vmem>>
    %dma_start3A_1167 = arith.constant 0 : i32
    %dma_start3A_1168 = tpu.memref_slice %arg16[%dma_start3A_1167] : memref<5120xf32, #tpu.memory_space<vmem_shared>> -> memref<5120xf32, #tpu.memory_space<vmem_shared>>
    tpu.enqueue_indirect_dma source(%dma_start3A_1163 : memref<128xf32, #tpu.memory_space<vmem>>) target(%dma_start3A_1168 : memref<5120xf32, #tpu.memory_space<vmem_shared>>) offsets(%dma_start3A_1166 : memref<128xi32, #tpu.memory_space<vmem>>) semaphore(%arg18 : memref<!tpu.dma_semaphore, #tpu.memory_space<semaphore_mem>>) {add = true}
    %dma_start3A_1169 = arith.constant 29 : i32
    %dma_start3A_1170 = arith.constant 29 : i32
    %dma_start3A_1171 = arith.constant 0 : i32
    %dma_start3A_1172 = tpu.memref_slice %arg9[%dma_start3A_1169, %dma_start3A_1171] : memref<49x128xf32, #tpu.memory_space<vmem>> -> memref<1x128xf32, #tpu.memory_space<vmem>>
    %dma_start3A_1173 = tpu.memref_squeeze %dma_start3A_1172 : memref<1x128xf32, #tpu.memory_space<vmem>> -> memref<128xf32, #tpu.memory_space<vmem>>
    %dma_start3A_1174 = arith.constant 0 : i32
    %dma_start3A_1175 = tpu.memref_slice %arg7[%dma_start3A_1170, %dma_start3A_1174] : memref<49x128xi32, #tpu.memory_space<vmem>> -> memref<1x128xi32, #tpu.memory_space<vmem>>
    %dma_start3A_1176 = tpu.memref_squeeze %dma_start3A_1175 : memref<1x128xi32, #tpu.memory_space<vmem>> -> memref<128xi32, #tpu.memory_space<vmem>>
    %dma_start3A_1177 = arith.constant 0 : i32
    %dma_start3A_1178 = tpu.memref_slice %arg17[%dma_start3A_1177] : memref<5120xf32, #tpu.memory_space<vmem_shared>> -> memref<5120xf32, #tpu.memory_space<vmem_shared>>
    tpu.enqueue_indirect_dma source(%dma_start3A_1173 : memref<128xf32, #tpu.memory_space<vmem>>) target(%dma_start3A_1178 : memref<5120xf32, #tpu.memory_space<vmem_shared>>) offsets(%dma_start3A_1176 : memref<128xi32, #tpu.memory_space<vmem>>) semaphore(%arg18 : memref<!tpu.dma_semaphore, #tpu.memory_space<semaphore_mem>>) {add = true}
    %dma_wait3A_1179 = arith.constant 25 : i32
    %dma_wait3A_1180 = arith.constant 25 : i32
    %dma_wait3A_1181 = arith.constant 0 : i32
    %dma_wait3A_1182 = tpu.memref_slice %arg8[%dma_wait3A_1179, %dma_wait3A_1181] : memref<49x128xf32, #tpu.memory_space<vmem>> -> memref<1x128xf32, #tpu.memory_space<vmem>>
    %dma_wait3A_1183 = tpu.memref_squeeze %dma_wait3A_1182 : memref<1x128xf32, #tpu.memory_space<vmem>> -> memref<128xf32, #tpu.memory_space<vmem>>
    %dma_wait3A_1184 = arith.constant 0 : i32
    %dma_wait3A_1185 = tpu.memref_slice %arg7[%dma_wait3A_1180, %dma_wait3A_1184] : memref<49x128xi32, #tpu.memory_space<vmem>> -> memref<1x128xi32, #tpu.memory_space<vmem>>
    %dma_wait3A_1186 = tpu.memref_squeeze %dma_wait3A_1185 : memref<1x128xi32, #tpu.memory_space<vmem>> -> memref<128xi32, #tpu.memory_space<vmem>>
    %dma_wait3A_1187 = arith.constant 0 : i32
    %dma_wait3A_1188 = tpu.memref_slice %arg16[%dma_wait3A_1187] : memref<5120xf32, #tpu.memory_space<vmem_shared>> -> memref<5120xf32, #tpu.memory_space<vmem_shared>>
    tpu.wait_indirect_dma semaphore(%arg18 : memref<!tpu.dma_semaphore, #tpu.memory_space<semaphore_mem>>) src(%dma_wait3A_1183 : memref<128xf32, #tpu.memory_space<vmem>>) dst(%dma_wait3A_1188 : memref<5120xf32, #tpu.memory_space<vmem_shared>>)
    %dma_wait3A_1189 = arith.constant 25 : i32
    %dma_wait3A_1190 = arith.constant 25 : i32
    %dma_wait3A_1191 = arith.constant 0 : i32
    %dma_wait3A_1192 = tpu.memref_slice %arg9[%dma_wait3A_1189, %dma_wait3A_1191] : memref<49x128xf32, #tpu.memory_space<vmem>> -> memref<1x128xf32, #tpu.memory_space<vmem>>
    %dma_wait3A_1193 = tpu.memref_squeeze %dma_wait3A_1192 : memref<1x128xf32, #tpu.memory_space<vmem>> -> memref<128xf32, #tpu.memory_space<vmem>>
    %dma_wait3A_1194 = arith.constant 0 : i32
    %dma_wait3A_1195 = tpu.memref_slice %arg7[%dma_wait3A_1190, %dma_wait3A_1194] : memref<49x128xi32, #tpu.memory_space<vmem>> -> memref<1x128xi32, #tpu.memory_space<vmem>>
    %dma_wait3A_1196 = tpu.memref_squeeze %dma_wait3A_1195 : memref<1x128xi32, #tpu.memory_space<vmem>> -> memref<128xi32, #tpu.memory_space<vmem>>
    %dma_wait3A_1197 = arith.constant 0 : i32
    %dma_wait3A_1198 = tpu.memref_slice %arg17[%dma_wait3A_1197] : memref<5120xf32, #tpu.memory_space<vmem_shared>> -> memref<5120xf32, #tpu.memory_space<vmem_shared>>
    tpu.wait_indirect_dma semaphore(%arg18 : memref<!tpu.dma_semaphore, #tpu.memory_space<semaphore_mem>>) src(%dma_wait3A_1193 : memref<128xf32, #tpu.memory_space<vmem>>) dst(%dma_wait3A_1198 : memref<5120xf32, #tpu.memory_space<vmem_shared>>)
    %dma_start3A_1199 = arith.constant 30 : i32
    %dma_start3A_1200 = arith.constant 30 : i32
    %dma_start3A_1201 = arith.constant 0 : i32
    %dma_start3A_1202 = tpu.memref_slice %arg8[%dma_start3A_1199, %dma_start3A_1201] : memref<49x128xf32, #tpu.memory_space<vmem>> -> memref<1x128xf32, #tpu.memory_space<vmem>>
    %dma_start3A_1203 = tpu.memref_squeeze %dma_start3A_1202 : memref<1x128xf32, #tpu.memory_space<vmem>> -> memref<128xf32, #tpu.memory_space<vmem>>
    %dma_start3A_1204 = arith.constant 0 : i32
    %dma_start3A_1205 = tpu.memref_slice %arg7[%dma_start3A_1200, %dma_start3A_1204] : memref<49x128xi32, #tpu.memory_space<vmem>> -> memref<1x128xi32, #tpu.memory_space<vmem>>
    %dma_start3A_1206 = tpu.memref_squeeze %dma_start3A_1205 : memref<1x128xi32, #tpu.memory_space<vmem>> -> memref<128xi32, #tpu.memory_space<vmem>>
    %dma_start3A_1207 = arith.constant 0 : i32
    %dma_start3A_1208 = tpu.memref_slice %arg16[%dma_start3A_1207] : memref<5120xf32, #tpu.memory_space<vmem_shared>> -> memref<5120xf32, #tpu.memory_space<vmem_shared>>
    tpu.enqueue_indirect_dma source(%dma_start3A_1203 : memref<128xf32, #tpu.memory_space<vmem>>) target(%dma_start3A_1208 : memref<5120xf32, #tpu.memory_space<vmem_shared>>) offsets(%dma_start3A_1206 : memref<128xi32, #tpu.memory_space<vmem>>) semaphore(%arg18 : memref<!tpu.dma_semaphore, #tpu.memory_space<semaphore_mem>>) {add = true}
    %dma_start3A_1209 = arith.constant 30 : i32
    %dma_start3A_1210 = arith.constant 30 : i32
    %dma_start3A_1211 = arith.constant 0 : i32
    %dma_start3A_1212 = tpu.memref_slice %arg9[%dma_start3A_1209, %dma_start3A_1211] : memref<49x128xf32, #tpu.memory_space<vmem>> -> memref<1x128xf32, #tpu.memory_space<vmem>>
    %dma_start3A_1213 = tpu.memref_squeeze %dma_start3A_1212 : memref<1x128xf32, #tpu.memory_space<vmem>> -> memref<128xf32, #tpu.memory_space<vmem>>
    %dma_start3A_1214 = arith.constant 0 : i32
    %dma_start3A_1215 = tpu.memref_slice %arg7[%dma_start3A_1210, %dma_start3A_1214] : memref<49x128xi32, #tpu.memory_space<vmem>> -> memref<1x128xi32, #tpu.memory_space<vmem>>
    %dma_start3A_1216 = tpu.memref_squeeze %dma_start3A_1215 : memref<1x128xi32, #tpu.memory_space<vmem>> -> memref<128xi32, #tpu.memory_space<vmem>>
    %dma_start3A_1217 = arith.constant 0 : i32
    %dma_start3A_1218 = tpu.memref_slice %arg17[%dma_start3A_1217] : memref<5120xf32, #tpu.memory_space<vmem_shared>> -> memref<5120xf32, #tpu.memory_space<vmem_shared>>
    tpu.enqueue_indirect_dma source(%dma_start3A_1213 : memref<128xf32, #tpu.memory_space<vmem>>) target(%dma_start3A_1218 : memref<5120xf32, #tpu.memory_space<vmem_shared>>) offsets(%dma_start3A_1216 : memref<128xi32, #tpu.memory_space<vmem>>) semaphore(%arg18 : memref<!tpu.dma_semaphore, #tpu.memory_space<semaphore_mem>>) {add = true}
    %dma_wait3A_1219 = arith.constant 26 : i32
    %dma_wait3A_1220 = arith.constant 26 : i32
    %dma_wait3A_1221 = arith.constant 0 : i32
    %dma_wait3A_1222 = tpu.memref_slice %arg8[%dma_wait3A_1219, %dma_wait3A_1221] : memref<49x128xf32, #tpu.memory_space<vmem>> -> memref<1x128xf32, #tpu.memory_space<vmem>>
    %dma_wait3A_1223 = tpu.memref_squeeze %dma_wait3A_1222 : memref<1x128xf32, #tpu.memory_space<vmem>> -> memref<128xf32, #tpu.memory_space<vmem>>
    %dma_wait3A_1224 = arith.constant 0 : i32
    %dma_wait3A_1225 = tpu.memref_slice %arg7[%dma_wait3A_1220, %dma_wait3A_1224] : memref<49x128xi32, #tpu.memory_space<vmem>> -> memref<1x128xi32, #tpu.memory_space<vmem>>
    %dma_wait3A_1226 = tpu.memref_squeeze %dma_wait3A_1225 : memref<1x128xi32, #tpu.memory_space<vmem>> -> memref<128xi32, #tpu.memory_space<vmem>>
    %dma_wait3A_1227 = arith.constant 0 : i32
    %dma_wait3A_1228 = tpu.memref_slice %arg16[%dma_wait3A_1227] : memref<5120xf32, #tpu.memory_space<vmem_shared>> -> memref<5120xf32, #tpu.memory_space<vmem_shared>>
    tpu.wait_indirect_dma semaphore(%arg18 : memref<!tpu.dma_semaphore, #tpu.memory_space<semaphore_mem>>) src(%dma_wait3A_1223 : memref<128xf32, #tpu.memory_space<vmem>>) dst(%dma_wait3A_1228 : memref<5120xf32, #tpu.memory_space<vmem_shared>>)
    %dma_wait3A_1229 = arith.constant 26 : i32
    %dma_wait3A_1230 = arith.constant 26 : i32
    %dma_wait3A_1231 = arith.constant 0 : i32
    %dma_wait3A_1232 = tpu.memref_slice %arg9[%dma_wait3A_1229, %dma_wait3A_1231] : memref<49x128xf32, #tpu.memory_space<vmem>> -> memref<1x128xf32, #tpu.memory_space<vmem>>
    %dma_wait3A_1233 = tpu.memref_squeeze %dma_wait3A_1232 : memref<1x128xf32, #tpu.memory_space<vmem>> -> memref<128xf32, #tpu.memory_space<vmem>>
    %dma_wait3A_1234 = arith.constant 0 : i32
    %dma_wait3A_1235 = tpu.memref_slice %arg7[%dma_wait3A_1230, %dma_wait3A_1234] : memref<49x128xi32, #tpu.memory_space<vmem>> -> memref<1x128xi32, #tpu.memory_space<vmem>>
    %dma_wait3A_1236 = tpu.memref_squeeze %dma_wait3A_1235 : memref<1x128xi32, #tpu.memory_space<vmem>> -> memref<128xi32, #tpu.memory_space<vmem>>
    %dma_wait3A_1237 = arith.constant 0 : i32
    %dma_wait3A_1238 = tpu.memref_slice %arg17[%dma_wait3A_1237] : memref<5120xf32, #tpu.memory_space<vmem_shared>> -> memref<5120xf32, #tpu.memory_space<vmem_shared>>
    tpu.wait_indirect_dma semaphore(%arg18 : memref<!tpu.dma_semaphore, #tpu.memory_space<semaphore_mem>>) src(%dma_wait3A_1233 : memref<128xf32, #tpu.memory_space<vmem>>) dst(%dma_wait3A_1238 : memref<5120xf32, #tpu.memory_space<vmem_shared>>)
    %dma_start3A_1239 = arith.constant 31 : i32
    %dma_start3A_1240 = arith.constant 31 : i32
    %dma_start3A_1241 = arith.constant 0 : i32
    %dma_start3A_1242 = tpu.memref_slice %arg8[%dma_start3A_1239, %dma_start3A_1241] : memref<49x128xf32, #tpu.memory_space<vmem>> -> memref<1x128xf32, #tpu.memory_space<vmem>>
    %dma_start3A_1243 = tpu.memref_squeeze %dma_start3A_1242 : memref<1x128xf32, #tpu.memory_space<vmem>> -> memref<128xf32, #tpu.memory_space<vmem>>
    %dma_start3A_1244 = arith.constant 0 : i32
    %dma_start3A_1245 = tpu.memref_slice %arg7[%dma_start3A_1240, %dma_start3A_1244] : memref<49x128xi32, #tpu.memory_space<vmem>> -> memref<1x128xi32, #tpu.memory_space<vmem>>
    %dma_start3A_1246 = tpu.memref_squeeze %dma_start3A_1245 : memref<1x128xi32, #tpu.memory_space<vmem>> -> memref<128xi32, #tpu.memory_space<vmem>>
    %dma_start3A_1247 = arith.constant 0 : i32
    %dma_start3A_1248 = tpu.memref_slice %arg16[%dma_start3A_1247] : memref<5120xf32, #tpu.memory_space<vmem_shared>> -> memref<5120xf32, #tpu.memory_space<vmem_shared>>
    tpu.enqueue_indirect_dma source(%dma_start3A_1243 : memref<128xf32, #tpu.memory_space<vmem>>) target(%dma_start3A_1248 : memref<5120xf32, #tpu.memory_space<vmem_shared>>) offsets(%dma_start3A_1246 : memref<128xi32, #tpu.memory_space<vmem>>) semaphore(%arg18 : memref<!tpu.dma_semaphore, #tpu.memory_space<semaphore_mem>>) {add = true}
    %dma_start3A_1249 = arith.constant 31 : i32
    %dma_start3A_1250 = arith.constant 31 : i32
    %dma_start3A_1251 = arith.constant 0 : i32
    %dma_start3A_1252 = tpu.memref_slice %arg9[%dma_start3A_1249, %dma_start3A_1251] : memref<49x128xf32, #tpu.memory_space<vmem>> -> memref<1x128xf32, #tpu.memory_space<vmem>>
    %dma_start3A_1253 = tpu.memref_squeeze %dma_start3A_1252 : memref<1x128xf32, #tpu.memory_space<vmem>> -> memref<128xf32, #tpu.memory_space<vmem>>
    %dma_start3A_1254 = arith.constant 0 : i32
    %dma_start3A_1255 = tpu.memref_slice %arg7[%dma_start3A_1250, %dma_start3A_1254] : memref<49x128xi32, #tpu.memory_space<vmem>> -> memref<1x128xi32, #tpu.memory_space<vmem>>
    %dma_start3A_1256 = tpu.memref_squeeze %dma_start3A_1255 : memref<1x128xi32, #tpu.memory_space<vmem>> -> memref<128xi32, #tpu.memory_space<vmem>>
    %dma_start3A_1257 = arith.constant 0 : i32
    %dma_start3A_1258 = tpu.memref_slice %arg17[%dma_start3A_1257] : memref<5120xf32, #tpu.memory_space<vmem_shared>> -> memref<5120xf32, #tpu.memory_space<vmem_shared>>
    tpu.enqueue_indirect_dma source(%dma_start3A_1253 : memref<128xf32, #tpu.memory_space<vmem>>) target(%dma_start3A_1258 : memref<5120xf32, #tpu.memory_space<vmem_shared>>) offsets(%dma_start3A_1256 : memref<128xi32, #tpu.memory_space<vmem>>) semaphore(%arg18 : memref<!tpu.dma_semaphore, #tpu.memory_space<semaphore_mem>>) {add = true}
    %dma_wait3A_1259 = arith.constant 27 : i32
    %dma_wait3A_1260 = arith.constant 27 : i32
    %dma_wait3A_1261 = arith.constant 0 : i32
    %dma_wait3A_1262 = tpu.memref_slice %arg8[%dma_wait3A_1259, %dma_wait3A_1261] : memref<49x128xf32, #tpu.memory_space<vmem>> -> memref<1x128xf32, #tpu.memory_space<vmem>>
    %dma_wait3A_1263 = tpu.memref_squeeze %dma_wait3A_1262 : memref<1x128xf32, #tpu.memory_space<vmem>> -> memref<128xf32, #tpu.memory_space<vmem>>
    %dma_wait3A_1264 = arith.constant 0 : i32
    %dma_wait3A_1265 = tpu.memref_slice %arg7[%dma_wait3A_1260, %dma_wait3A_1264] : memref<49x128xi32, #tpu.memory_space<vmem>> -> memref<1x128xi32, #tpu.memory_space<vmem>>
    %dma_wait3A_1266 = tpu.memref_squeeze %dma_wait3A_1265 : memref<1x128xi32, #tpu.memory_space<vmem>> -> memref<128xi32, #tpu.memory_space<vmem>>
    %dma_wait3A_1267 = arith.constant 0 : i32
    %dma_wait3A_1268 = tpu.memref_slice %arg16[%dma_wait3A_1267] : memref<5120xf32, #tpu.memory_space<vmem_shared>> -> memref<5120xf32, #tpu.memory_space<vmem_shared>>
    tpu.wait_indirect_dma semaphore(%arg18 : memref<!tpu.dma_semaphore, #tpu.memory_space<semaphore_mem>>) src(%dma_wait3A_1263 : memref<128xf32, #tpu.memory_space<vmem>>) dst(%dma_wait3A_1268 : memref<5120xf32, #tpu.memory_space<vmem_shared>>)
    %dma_wait3A_1269 = arith.constant 27 : i32
    %dma_wait3A_1270 = arith.constant 27 : i32
    %dma_wait3A_1271 = arith.constant 0 : i32
    %dma_wait3A_1272 = tpu.memref_slice %arg9[%dma_wait3A_1269, %dma_wait3A_1271] : memref<49x128xf32, #tpu.memory_space<vmem>> -> memref<1x128xf32, #tpu.memory_space<vmem>>
    %dma_wait3A_1273 = tpu.memref_squeeze %dma_wait3A_1272 : memref<1x128xf32, #tpu.memory_space<vmem>> -> memref<128xf32, #tpu.memory_space<vmem>>
    %dma_wait3A_1274 = arith.constant 0 : i32
    %dma_wait3A_1275 = tpu.memref_slice %arg7[%dma_wait3A_1270, %dma_wait3A_1274] : memref<49x128xi32, #tpu.memory_space<vmem>> -> memref<1x128xi32, #tpu.memory_space<vmem>>
    %dma_wait3A_1276 = tpu.memref_squeeze %dma_wait3A_1275 : memref<1x128xi32, #tpu.memory_space<vmem>> -> memref<128xi32, #tpu.memory_space<vmem>>
    %dma_wait3A_1277 = arith.constant 0 : i32
    %dma_wait3A_1278 = tpu.memref_slice %arg17[%dma_wait3A_1277] : memref<5120xf32, #tpu.memory_space<vmem_shared>> -> memref<5120xf32, #tpu.memory_space<vmem_shared>>
    tpu.wait_indirect_dma semaphore(%arg18 : memref<!tpu.dma_semaphore, #tpu.memory_space<semaphore_mem>>) src(%dma_wait3A_1273 : memref<128xf32, #tpu.memory_space<vmem>>) dst(%dma_wait3A_1278 : memref<5120xf32, #tpu.memory_space<vmem_shared>>)
    %dma_start3A_1279 = arith.constant 32 : i32
    %dma_start3A_1280 = arith.constant 32 : i32
    %dma_start3A_1281 = arith.constant 0 : i32
    %dma_start3A_1282 = tpu.memref_slice %arg8[%dma_start3A_1279, %dma_start3A_1281] : memref<49x128xf32, #tpu.memory_space<vmem>> -> memref<1x128xf32, #tpu.memory_space<vmem>>
    %dma_start3A_1283 = tpu.memref_squeeze %dma_start3A_1282 : memref<1x128xf32, #tpu.memory_space<vmem>> -> memref<128xf32, #tpu.memory_space<vmem>>
    %dma_start3A_1284 = arith.constant 0 : i32
    %dma_start3A_1285 = tpu.memref_slice %arg7[%dma_start3A_1280, %dma_start3A_1284] : memref<49x128xi32, #tpu.memory_space<vmem>> -> memref<1x128xi32, #tpu.memory_space<vmem>>
    %dma_start3A_1286 = tpu.memref_squeeze %dma_start3A_1285 : memref<1x128xi32, #tpu.memory_space<vmem>> -> memref<128xi32, #tpu.memory_space<vmem>>
    %dma_start3A_1287 = arith.constant 0 : i32
    %dma_start3A_1288 = tpu.memref_slice %arg16[%dma_start3A_1287] : memref<5120xf32, #tpu.memory_space<vmem_shared>> -> memref<5120xf32, #tpu.memory_space<vmem_shared>>
    tpu.enqueue_indirect_dma source(%dma_start3A_1283 : memref<128xf32, #tpu.memory_space<vmem>>) target(%dma_start3A_1288 : memref<5120xf32, #tpu.memory_space<vmem_shared>>) offsets(%dma_start3A_1286 : memref<128xi32, #tpu.memory_space<vmem>>) semaphore(%arg18 : memref<!tpu.dma_semaphore, #tpu.memory_space<semaphore_mem>>) {add = true}
    %dma_start3A_1289 = arith.constant 32 : i32
    %dma_start3A_1290 = arith.constant 32 : i32
    %dma_start3A_1291 = arith.constant 0 : i32
    %dma_start3A_1292 = tpu.memref_slice %arg9[%dma_start3A_1289, %dma_start3A_1291] : memref<49x128xf32, #tpu.memory_space<vmem>> -> memref<1x128xf32, #tpu.memory_space<vmem>>
    %dma_start3A_1293 = tpu.memref_squeeze %dma_start3A_1292 : memref<1x128xf32, #tpu.memory_space<vmem>> -> memref<128xf32, #tpu.memory_space<vmem>>
    %dma_start3A_1294 = arith.constant 0 : i32
    %dma_start3A_1295 = tpu.memref_slice %arg7[%dma_start3A_1290, %dma_start3A_1294] : memref<49x128xi32, #tpu.memory_space<vmem>> -> memref<1x128xi32, #tpu.memory_space<vmem>>
    %dma_start3A_1296 = tpu.memref_squeeze %dma_start3A_1295 : memref<1x128xi32, #tpu.memory_space<vmem>> -> memref<128xi32, #tpu.memory_space<vmem>>
    %dma_start3A_1297 = arith.constant 0 : i32
    %dma_start3A_1298 = tpu.memref_slice %arg17[%dma_start3A_1297] : memref<5120xf32, #tpu.memory_space<vmem_shared>> -> memref<5120xf32, #tpu.memory_space<vmem_shared>>
    tpu.enqueue_indirect_dma source(%dma_start3A_1293 : memref<128xf32, #tpu.memory_space<vmem>>) target(%dma_start3A_1298 : memref<5120xf32, #tpu.memory_space<vmem_shared>>) offsets(%dma_start3A_1296 : memref<128xi32, #tpu.memory_space<vmem>>) semaphore(%arg18 : memref<!tpu.dma_semaphore, #tpu.memory_space<semaphore_mem>>) {add = true}
    %dma_wait3A_1299 = arith.constant 28 : i32
    %dma_wait3A_1300 = arith.constant 28 : i32
    %dma_wait3A_1301 = arith.constant 0 : i32
    %dma_wait3A_1302 = tpu.memref_slice %arg8[%dma_wait3A_1299, %dma_wait3A_1301] : memref<49x128xf32, #tpu.memory_space<vmem>> -> memref<1x128xf32, #tpu.memory_space<vmem>>
    %dma_wait3A_1303 = tpu.memref_squeeze %dma_wait3A_1302 : memref<1x128xf32, #tpu.memory_space<vmem>> -> memref<128xf32, #tpu.memory_space<vmem>>
    %dma_wait3A_1304 = arith.constant 0 : i32
    %dma_wait3A_1305 = tpu.memref_slice %arg7[%dma_wait3A_1300, %dma_wait3A_1304] : memref<49x128xi32, #tpu.memory_space<vmem>> -> memref<1x128xi32, #tpu.memory_space<vmem>>
    %dma_wait3A_1306 = tpu.memref_squeeze %dma_wait3A_1305 : memref<1x128xi32, #tpu.memory_space<vmem>> -> memref<128xi32, #tpu.memory_space<vmem>>
    %dma_wait3A_1307 = arith.constant 0 : i32
    %dma_wait3A_1308 = tpu.memref_slice %arg16[%dma_wait3A_1307] : memref<5120xf32, #tpu.memory_space<vmem_shared>> -> memref<5120xf32, #tpu.memory_space<vmem_shared>>
    tpu.wait_indirect_dma semaphore(%arg18 : memref<!tpu.dma_semaphore, #tpu.memory_space<semaphore_mem>>) src(%dma_wait3A_1303 : memref<128xf32, #tpu.memory_space<vmem>>) dst(%dma_wait3A_1308 : memref<5120xf32, #tpu.memory_space<vmem_shared>>)
    %dma_wait3A_1309 = arith.constant 28 : i32
    %dma_wait3A_1310 = arith.constant 28 : i32
    %dma_wait3A_1311 = arith.constant 0 : i32
    %dma_wait3A_1312 = tpu.memref_slice %arg9[%dma_wait3A_1309, %dma_wait3A_1311] : memref<49x128xf32, #tpu.memory_space<vmem>> -> memref<1x128xf32, #tpu.memory_space<vmem>>
    %dma_wait3A_1313 = tpu.memref_squeeze %dma_wait3A_1312 : memref<1x128xf32, #tpu.memory_space<vmem>> -> memref<128xf32, #tpu.memory_space<vmem>>
    %dma_wait3A_1314 = arith.constant 0 : i32
    %dma_wait3A_1315 = tpu.memref_slice %arg7[%dma_wait3A_1310, %dma_wait3A_1314] : memref<49x128xi32, #tpu.memory_space<vmem>> -> memref<1x128xi32, #tpu.memory_space<vmem>>
    %dma_wait3A_1316 = tpu.memref_squeeze %dma_wait3A_1315 : memref<1x128xi32, #tpu.memory_space<vmem>> -> memref<128xi32, #tpu.memory_space<vmem>>
    %dma_wait3A_1317 = arith.constant 0 : i32
    %dma_wait3A_1318 = tpu.memref_slice %arg17[%dma_wait3A_1317] : memref<5120xf32, #tpu.memory_space<vmem_shared>> -> memref<5120xf32, #tpu.memory_space<vmem_shared>>
    tpu.wait_indirect_dma semaphore(%arg18 : memref<!tpu.dma_semaphore, #tpu.memory_space<semaphore_mem>>) src(%dma_wait3A_1313 : memref<128xf32, #tpu.memory_space<vmem>>) dst(%dma_wait3A_1318 : memref<5120xf32, #tpu.memory_space<vmem_shared>>)
    %dma_start3A_1319 = arith.constant 33 : i32
    %dma_start3A_1320 = arith.constant 33 : i32
    %dma_start3A_1321 = arith.constant 0 : i32
    %dma_start3A_1322 = tpu.memref_slice %arg8[%dma_start3A_1319, %dma_start3A_1321] : memref<49x128xf32, #tpu.memory_space<vmem>> -> memref<1x128xf32, #tpu.memory_space<vmem>>
    %dma_start3A_1323 = tpu.memref_squeeze %dma_start3A_1322 : memref<1x128xf32, #tpu.memory_space<vmem>> -> memref<128xf32, #tpu.memory_space<vmem>>
    %dma_start3A_1324 = arith.constant 0 : i32
    %dma_start3A_1325 = tpu.memref_slice %arg7[%dma_start3A_1320, %dma_start3A_1324] : memref<49x128xi32, #tpu.memory_space<vmem>> -> memref<1x128xi32, #tpu.memory_space<vmem>>
    %dma_start3A_1326 = tpu.memref_squeeze %dma_start3A_1325 : memref<1x128xi32, #tpu.memory_space<vmem>> -> memref<128xi32, #tpu.memory_space<vmem>>
    %dma_start3A_1327 = arith.constant 0 : i32
    %dma_start3A_1328 = tpu.memref_slice %arg16[%dma_start3A_1327] : memref<5120xf32, #tpu.memory_space<vmem_shared>> -> memref<5120xf32, #tpu.memory_space<vmem_shared>>
    tpu.enqueue_indirect_dma source(%dma_start3A_1323 : memref<128xf32, #tpu.memory_space<vmem>>) target(%dma_start3A_1328 : memref<5120xf32, #tpu.memory_space<vmem_shared>>) offsets(%dma_start3A_1326 : memref<128xi32, #tpu.memory_space<vmem>>) semaphore(%arg18 : memref<!tpu.dma_semaphore, #tpu.memory_space<semaphore_mem>>) {add = true}
    %dma_start3A_1329 = arith.constant 33 : i32
    %dma_start3A_1330 = arith.constant 33 : i32
    %dma_start3A_1331 = arith.constant 0 : i32
    %dma_start3A_1332 = tpu.memref_slice %arg9[%dma_start3A_1329, %dma_start3A_1331] : memref<49x128xf32, #tpu.memory_space<vmem>> -> memref<1x128xf32, #tpu.memory_space<vmem>>
    %dma_start3A_1333 = tpu.memref_squeeze %dma_start3A_1332 : memref<1x128xf32, #tpu.memory_space<vmem>> -> memref<128xf32, #tpu.memory_space<vmem>>
    %dma_start3A_1334 = arith.constant 0 : i32
    %dma_start3A_1335 = tpu.memref_slice %arg7[%dma_start3A_1330, %dma_start3A_1334] : memref<49x128xi32, #tpu.memory_space<vmem>> -> memref<1x128xi32, #tpu.memory_space<vmem>>
    %dma_start3A_1336 = tpu.memref_squeeze %dma_start3A_1335 : memref<1x128xi32, #tpu.memory_space<vmem>> -> memref<128xi32, #tpu.memory_space<vmem>>
    %dma_start3A_1337 = arith.constant 0 : i32
    %dma_start3A_1338 = tpu.memref_slice %arg17[%dma_start3A_1337] : memref<5120xf32, #tpu.memory_space<vmem_shared>> -> memref<5120xf32, #tpu.memory_space<vmem_shared>>
    tpu.enqueue_indirect_dma source(%dma_start3A_1333 : memref<128xf32, #tpu.memory_space<vmem>>) target(%dma_start3A_1338 : memref<5120xf32, #tpu.memory_space<vmem_shared>>) offsets(%dma_start3A_1336 : memref<128xi32, #tpu.memory_space<vmem>>) semaphore(%arg18 : memref<!tpu.dma_semaphore, #tpu.memory_space<semaphore_mem>>) {add = true}
    %dma_wait3A_1339 = arith.constant 29 : i32
    %dma_wait3A_1340 = arith.constant 29 : i32
    %dma_wait3A_1341 = arith.constant 0 : i32
    %dma_wait3A_1342 = tpu.memref_slice %arg8[%dma_wait3A_1339, %dma_wait3A_1341] : memref<49x128xf32, #tpu.memory_space<vmem>> -> memref<1x128xf32, #tpu.memory_space<vmem>>
    %dma_wait3A_1343 = tpu.memref_squeeze %dma_wait3A_1342 : memref<1x128xf32, #tpu.memory_space<vmem>> -> memref<128xf32, #tpu.memory_space<vmem>>
    %dma_wait3A_1344 = arith.constant 0 : i32
    %dma_wait3A_1345 = tpu.memref_slice %arg7[%dma_wait3A_1340, %dma_wait3A_1344] : memref<49x128xi32, #tpu.memory_space<vmem>> -> memref<1x128xi32, #tpu.memory_space<vmem>>
    %dma_wait3A_1346 = tpu.memref_squeeze %dma_wait3A_1345 : memref<1x128xi32, #tpu.memory_space<vmem>> -> memref<128xi32, #tpu.memory_space<vmem>>
    %dma_wait3A_1347 = arith.constant 0 : i32
    %dma_wait3A_1348 = tpu.memref_slice %arg16[%dma_wait3A_1347] : memref<5120xf32, #tpu.memory_space<vmem_shared>> -> memref<5120xf32, #tpu.memory_space<vmem_shared>>
    tpu.wait_indirect_dma semaphore(%arg18 : memref<!tpu.dma_semaphore, #tpu.memory_space<semaphore_mem>>) src(%dma_wait3A_1343 : memref<128xf32, #tpu.memory_space<vmem>>) dst(%dma_wait3A_1348 : memref<5120xf32, #tpu.memory_space<vmem_shared>>)
    %dma_wait3A_1349 = arith.constant 29 : i32
    %dma_wait3A_1350 = arith.constant 29 : i32
    %dma_wait3A_1351 = arith.constant 0 : i32
    %dma_wait3A_1352 = tpu.memref_slice %arg9[%dma_wait3A_1349, %dma_wait3A_1351] : memref<49x128xf32, #tpu.memory_space<vmem>> -> memref<1x128xf32, #tpu.memory_space<vmem>>
    %dma_wait3A_1353 = tpu.memref_squeeze %dma_wait3A_1352 : memref<1x128xf32, #tpu.memory_space<vmem>> -> memref<128xf32, #tpu.memory_space<vmem>>
    %dma_wait3A_1354 = arith.constant 0 : i32
    %dma_wait3A_1355 = tpu.memref_slice %arg7[%dma_wait3A_1350, %dma_wait3A_1354] : memref<49x128xi32, #tpu.memory_space<vmem>> -> memref<1x128xi32, #tpu.memory_space<vmem>>
    %dma_wait3A_1356 = tpu.memref_squeeze %dma_wait3A_1355 : memref<1x128xi32, #tpu.memory_space<vmem>> -> memref<128xi32, #tpu.memory_space<vmem>>
    %dma_wait3A_1357 = arith.constant 0 : i32
    %dma_wait3A_1358 = tpu.memref_slice %arg17[%dma_wait3A_1357] : memref<5120xf32, #tpu.memory_space<vmem_shared>> -> memref<5120xf32, #tpu.memory_space<vmem_shared>>
    tpu.wait_indirect_dma semaphore(%arg18 : memref<!tpu.dma_semaphore, #tpu.memory_space<semaphore_mem>>) src(%dma_wait3A_1353 : memref<128xf32, #tpu.memory_space<vmem>>) dst(%dma_wait3A_1358 : memref<5120xf32, #tpu.memory_space<vmem_shared>>)
    %dma_start3A_1359 = arith.constant 34 : i32
    %dma_start3A_1360 = arith.constant 34 : i32
    %dma_start3A_1361 = arith.constant 0 : i32
    %dma_start3A_1362 = tpu.memref_slice %arg8[%dma_start3A_1359, %dma_start3A_1361] : memref<49x128xf32, #tpu.memory_space<vmem>> -> memref<1x128xf32, #tpu.memory_space<vmem>>
    %dma_start3A_1363 = tpu.memref_squeeze %dma_start3A_1362 : memref<1x128xf32, #tpu.memory_space<vmem>> -> memref<128xf32, #tpu.memory_space<vmem>>
    %dma_start3A_1364 = arith.constant 0 : i32
    %dma_start3A_1365 = tpu.memref_slice %arg7[%dma_start3A_1360, %dma_start3A_1364] : memref<49x128xi32, #tpu.memory_space<vmem>> -> memref<1x128xi32, #tpu.memory_space<vmem>>
    %dma_start3A_1366 = tpu.memref_squeeze %dma_start3A_1365 : memref<1x128xi32, #tpu.memory_space<vmem>> -> memref<128xi32, #tpu.memory_space<vmem>>
    %dma_start3A_1367 = arith.constant 0 : i32
    %dma_start3A_1368 = tpu.memref_slice %arg16[%dma_start3A_1367] : memref<5120xf32, #tpu.memory_space<vmem_shared>> -> memref<5120xf32, #tpu.memory_space<vmem_shared>>
    tpu.enqueue_indirect_dma source(%dma_start3A_1363 : memref<128xf32, #tpu.memory_space<vmem>>) target(%dma_start3A_1368 : memref<5120xf32, #tpu.memory_space<vmem_shared>>) offsets(%dma_start3A_1366 : memref<128xi32, #tpu.memory_space<vmem>>) semaphore(%arg18 : memref<!tpu.dma_semaphore, #tpu.memory_space<semaphore_mem>>) {add = true}
    %dma_start3A_1369 = arith.constant 34 : i32
    %dma_start3A_1370 = arith.constant 34 : i32
    %dma_start3A_1371 = arith.constant 0 : i32
    %dma_start3A_1372 = tpu.memref_slice %arg9[%dma_start3A_1369, %dma_start3A_1371] : memref<49x128xf32, #tpu.memory_space<vmem>> -> memref<1x128xf32, #tpu.memory_space<vmem>>
    %dma_start3A_1373 = tpu.memref_squeeze %dma_start3A_1372 : memref<1x128xf32, #tpu.memory_space<vmem>> -> memref<128xf32, #tpu.memory_space<vmem>>
    %dma_start3A_1374 = arith.constant 0 : i32
    %dma_start3A_1375 = tpu.memref_slice %arg7[%dma_start3A_1370, %dma_start3A_1374] : memref<49x128xi32, #tpu.memory_space<vmem>> -> memref<1x128xi32, #tpu.memory_space<vmem>>
    %dma_start3A_1376 = tpu.memref_squeeze %dma_start3A_1375 : memref<1x128xi32, #tpu.memory_space<vmem>> -> memref<128xi32, #tpu.memory_space<vmem>>
    %dma_start3A_1377 = arith.constant 0 : i32
    %dma_start3A_1378 = tpu.memref_slice %arg17[%dma_start3A_1377] : memref<5120xf32, #tpu.memory_space<vmem_shared>> -> memref<5120xf32, #tpu.memory_space<vmem_shared>>
    tpu.enqueue_indirect_dma source(%dma_start3A_1373 : memref<128xf32, #tpu.memory_space<vmem>>) target(%dma_start3A_1378 : memref<5120xf32, #tpu.memory_space<vmem_shared>>) offsets(%dma_start3A_1376 : memref<128xi32, #tpu.memory_space<vmem>>) semaphore(%arg18 : memref<!tpu.dma_semaphore, #tpu.memory_space<semaphore_mem>>) {add = true}
    %dma_wait3A_1379 = arith.constant 30 : i32
    %dma_wait3A_1380 = arith.constant 30 : i32
    %dma_wait3A_1381 = arith.constant 0 : i32
    %dma_wait3A_1382 = tpu.memref_slice %arg8[%dma_wait3A_1379, %dma_wait3A_1381] : memref<49x128xf32, #tpu.memory_space<vmem>> -> memref<1x128xf32, #tpu.memory_space<vmem>>
    %dma_wait3A_1383 = tpu.memref_squeeze %dma_wait3A_1382 : memref<1x128xf32, #tpu.memory_space<vmem>> -> memref<128xf32, #tpu.memory_space<vmem>>
    %dma_wait3A_1384 = arith.constant 0 : i32
    %dma_wait3A_1385 = tpu.memref_slice %arg7[%dma_wait3A_1380, %dma_wait3A_1384] : memref<49x128xi32, #tpu.memory_space<vmem>> -> memref<1x128xi32, #tpu.memory_space<vmem>>
    %dma_wait3A_1386 = tpu.memref_squeeze %dma_wait3A_1385 : memref<1x128xi32, #tpu.memory_space<vmem>> -> memref<128xi32, #tpu.memory_space<vmem>>
    %dma_wait3A_1387 = arith.constant 0 : i32
    %dma_wait3A_1388 = tpu.memref_slice %arg16[%dma_wait3A_1387] : memref<5120xf32, #tpu.memory_space<vmem_shared>> -> memref<5120xf32, #tpu.memory_space<vmem_shared>>
    tpu.wait_indirect_dma semaphore(%arg18 : memref<!tpu.dma_semaphore, #tpu.memory_space<semaphore_mem>>) src(%dma_wait3A_1383 : memref<128xf32, #tpu.memory_space<vmem>>) dst(%dma_wait3A_1388 : memref<5120xf32, #tpu.memory_space<vmem_shared>>)
    %dma_wait3A_1389 = arith.constant 30 : i32
    %dma_wait3A_1390 = arith.constant 30 : i32
    %dma_wait3A_1391 = arith.constant 0 : i32
    %dma_wait3A_1392 = tpu.memref_slice %arg9[%dma_wait3A_1389, %dma_wait3A_1391] : memref<49x128xf32, #tpu.memory_space<vmem>> -> memref<1x128xf32, #tpu.memory_space<vmem>>
    %dma_wait3A_1393 = tpu.memref_squeeze %dma_wait3A_1392 : memref<1x128xf32, #tpu.memory_space<vmem>> -> memref<128xf32, #tpu.memory_space<vmem>>
    %dma_wait3A_1394 = arith.constant 0 : i32
    %dma_wait3A_1395 = tpu.memref_slice %arg7[%dma_wait3A_1390, %dma_wait3A_1394] : memref<49x128xi32, #tpu.memory_space<vmem>> -> memref<1x128xi32, #tpu.memory_space<vmem>>
    %dma_wait3A_1396 = tpu.memref_squeeze %dma_wait3A_1395 : memref<1x128xi32, #tpu.memory_space<vmem>> -> memref<128xi32, #tpu.memory_space<vmem>>
    %dma_wait3A_1397 = arith.constant 0 : i32
    %dma_wait3A_1398 = tpu.memref_slice %arg17[%dma_wait3A_1397] : memref<5120xf32, #tpu.memory_space<vmem_shared>> -> memref<5120xf32, #tpu.memory_space<vmem_shared>>
    tpu.wait_indirect_dma semaphore(%arg18 : memref<!tpu.dma_semaphore, #tpu.memory_space<semaphore_mem>>) src(%dma_wait3A_1393 : memref<128xf32, #tpu.memory_space<vmem>>) dst(%dma_wait3A_1398 : memref<5120xf32, #tpu.memory_space<vmem_shared>>)
    %dma_start3A_1399 = arith.constant 35 : i32
    %dma_start3A_1400 = arith.constant 35 : i32
    %dma_start3A_1401 = arith.constant 0 : i32
    %dma_start3A_1402 = tpu.memref_slice %arg8[%dma_start3A_1399, %dma_start3A_1401] : memref<49x128xf32, #tpu.memory_space<vmem>> -> memref<1x128xf32, #tpu.memory_space<vmem>>
    %dma_start3A_1403 = tpu.memref_squeeze %dma_start3A_1402 : memref<1x128xf32, #tpu.memory_space<vmem>> -> memref<128xf32, #tpu.memory_space<vmem>>
    %dma_start3A_1404 = arith.constant 0 : i32
    %dma_start3A_1405 = tpu.memref_slice %arg7[%dma_start3A_1400, %dma_start3A_1404] : memref<49x128xi32, #tpu.memory_space<vmem>> -> memref<1x128xi32, #tpu.memory_space<vmem>>
    %dma_start3A_1406 = tpu.memref_squeeze %dma_start3A_1405 : memref<1x128xi32, #tpu.memory_space<vmem>> -> memref<128xi32, #tpu.memory_space<vmem>>
    %dma_start3A_1407 = arith.constant 0 : i32
    %dma_start3A_1408 = tpu.memref_slice %arg16[%dma_start3A_1407] : memref<5120xf32, #tpu.memory_space<vmem_shared>> -> memref<5120xf32, #tpu.memory_space<vmem_shared>>
    tpu.enqueue_indirect_dma source(%dma_start3A_1403 : memref<128xf32, #tpu.memory_space<vmem>>) target(%dma_start3A_1408 : memref<5120xf32, #tpu.memory_space<vmem_shared>>) offsets(%dma_start3A_1406 : memref<128xi32, #tpu.memory_space<vmem>>) semaphore(%arg18 : memref<!tpu.dma_semaphore, #tpu.memory_space<semaphore_mem>>) {add = true}
    %dma_start3A_1409 = arith.constant 35 : i32
    %dma_start3A_1410 = arith.constant 35 : i32
    %dma_start3A_1411 = arith.constant 0 : i32
    %dma_start3A_1412 = tpu.memref_slice %arg9[%dma_start3A_1409, %dma_start3A_1411] : memref<49x128xf32, #tpu.memory_space<vmem>> -> memref<1x128xf32, #tpu.memory_space<vmem>>
    %dma_start3A_1413 = tpu.memref_squeeze %dma_start3A_1412 : memref<1x128xf32, #tpu.memory_space<vmem>> -> memref<128xf32, #tpu.memory_space<vmem>>
    %dma_start3A_1414 = arith.constant 0 : i32
    %dma_start3A_1415 = tpu.memref_slice %arg7[%dma_start3A_1410, %dma_start3A_1414] : memref<49x128xi32, #tpu.memory_space<vmem>> -> memref<1x128xi32, #tpu.memory_space<vmem>>
    %dma_start3A_1416 = tpu.memref_squeeze %dma_start3A_1415 : memref<1x128xi32, #tpu.memory_space<vmem>> -> memref<128xi32, #tpu.memory_space<vmem>>
    %dma_start3A_1417 = arith.constant 0 : i32
    %dma_start3A_1418 = tpu.memref_slice %arg17[%dma_start3A_1417] : memref<5120xf32, #tpu.memory_space<vmem_shared>> -> memref<5120xf32, #tpu.memory_space<vmem_shared>>
    tpu.enqueue_indirect_dma source(%dma_start3A_1413 : memref<128xf32, #tpu.memory_space<vmem>>) target(%dma_start3A_1418 : memref<5120xf32, #tpu.memory_space<vmem_shared>>) offsets(%dma_start3A_1416 : memref<128xi32, #tpu.memory_space<vmem>>) semaphore(%arg18 : memref<!tpu.dma_semaphore, #tpu.memory_space<semaphore_mem>>) {add = true}
    %dma_wait3A_1419 = arith.constant 31 : i32
    %dma_wait3A_1420 = arith.constant 31 : i32
    %dma_wait3A_1421 = arith.constant 0 : i32
    %dma_wait3A_1422 = tpu.memref_slice %arg8[%dma_wait3A_1419, %dma_wait3A_1421] : memref<49x128xf32, #tpu.memory_space<vmem>> -> memref<1x128xf32, #tpu.memory_space<vmem>>
    %dma_wait3A_1423 = tpu.memref_squeeze %dma_wait3A_1422 : memref<1x128xf32, #tpu.memory_space<vmem>> -> memref<128xf32, #tpu.memory_space<vmem>>
    %dma_wait3A_1424 = arith.constant 0 : i32
    %dma_wait3A_1425 = tpu.memref_slice %arg7[%dma_wait3A_1420, %dma_wait3A_1424] : memref<49x128xi32, #tpu.memory_space<vmem>> -> memref<1x128xi32, #tpu.memory_space<vmem>>
    %dma_wait3A_1426 = tpu.memref_squeeze %dma_wait3A_1425 : memref<1x128xi32, #tpu.memory_space<vmem>> -> memref<128xi32, #tpu.memory_space<vmem>>
    %dma_wait3A_1427 = arith.constant 0 : i32
    %dma_wait3A_1428 = tpu.memref_slice %arg16[%dma_wait3A_1427] : memref<5120xf32, #tpu.memory_space<vmem_shared>> -> memref<5120xf32, #tpu.memory_space<vmem_shared>>
    tpu.wait_indirect_dma semaphore(%arg18 : memref<!tpu.dma_semaphore, #tpu.memory_space<semaphore_mem>>) src(%dma_wait3A_1423 : memref<128xf32, #tpu.memory_space<vmem>>) dst(%dma_wait3A_1428 : memref<5120xf32, #tpu.memory_space<vmem_shared>>)
    %dma_wait3A_1429 = arith.constant 31 : i32
    %dma_wait3A_1430 = arith.constant 31 : i32
    %dma_wait3A_1431 = arith.constant 0 : i32
    %dma_wait3A_1432 = tpu.memref_slice %arg9[%dma_wait3A_1429, %dma_wait3A_1431] : memref<49x128xf32, #tpu.memory_space<vmem>> -> memref<1x128xf32, #tpu.memory_space<vmem>>
    %dma_wait3A_1433 = tpu.memref_squeeze %dma_wait3A_1432 : memref<1x128xf32, #tpu.memory_space<vmem>> -> memref<128xf32, #tpu.memory_space<vmem>>
    %dma_wait3A_1434 = arith.constant 0 : i32
    %dma_wait3A_1435 = tpu.memref_slice %arg7[%dma_wait3A_1430, %dma_wait3A_1434] : memref<49x128xi32, #tpu.memory_space<vmem>> -> memref<1x128xi32, #tpu.memory_space<vmem>>
    %dma_wait3A_1436 = tpu.memref_squeeze %dma_wait3A_1435 : memref<1x128xi32, #tpu.memory_space<vmem>> -> memref<128xi32, #tpu.memory_space<vmem>>
    %dma_wait3A_1437 = arith.constant 0 : i32
    %dma_wait3A_1438 = tpu.memref_slice %arg17[%dma_wait3A_1437] : memref<5120xf32, #tpu.memory_space<vmem_shared>> -> memref<5120xf32, #tpu.memory_space<vmem_shared>>
    tpu.wait_indirect_dma semaphore(%arg18 : memref<!tpu.dma_semaphore, #tpu.memory_space<semaphore_mem>>) src(%dma_wait3A_1433 : memref<128xf32, #tpu.memory_space<vmem>>) dst(%dma_wait3A_1438 : memref<5120xf32, #tpu.memory_space<vmem_shared>>)
    %dma_start3A_1439 = arith.constant 36 : i32
    %dma_start3A_1440 = arith.constant 36 : i32
    %dma_start3A_1441 = arith.constant 0 : i32
    %dma_start3A_1442 = tpu.memref_slice %arg8[%dma_start3A_1439, %dma_start3A_1441] : memref<49x128xf32, #tpu.memory_space<vmem>> -> memref<1x128xf32, #tpu.memory_space<vmem>>
    %dma_start3A_1443 = tpu.memref_squeeze %dma_start3A_1442 : memref<1x128xf32, #tpu.memory_space<vmem>> -> memref<128xf32, #tpu.memory_space<vmem>>
    %dma_start3A_1444 = arith.constant 0 : i32
    %dma_start3A_1445 = tpu.memref_slice %arg7[%dma_start3A_1440, %dma_start3A_1444] : memref<49x128xi32, #tpu.memory_space<vmem>> -> memref<1x128xi32, #tpu.memory_space<vmem>>
    %dma_start3A_1446 = tpu.memref_squeeze %dma_start3A_1445 : memref<1x128xi32, #tpu.memory_space<vmem>> -> memref<128xi32, #tpu.memory_space<vmem>>
    %dma_start3A_1447 = arith.constant 0 : i32
    %dma_start3A_1448 = tpu.memref_slice %arg16[%dma_start3A_1447] : memref<5120xf32, #tpu.memory_space<vmem_shared>> -> memref<5120xf32, #tpu.memory_space<vmem_shared>>
    tpu.enqueue_indirect_dma source(%dma_start3A_1443 : memref<128xf32, #tpu.memory_space<vmem>>) target(%dma_start3A_1448 : memref<5120xf32, #tpu.memory_space<vmem_shared>>) offsets(%dma_start3A_1446 : memref<128xi32, #tpu.memory_space<vmem>>) semaphore(%arg18 : memref<!tpu.dma_semaphore, #tpu.memory_space<semaphore_mem>>) {add = true}
    %dma_start3A_1449 = arith.constant 36 : i32
    %dma_start3A_1450 = arith.constant 36 : i32
    %dma_start3A_1451 = arith.constant 0 : i32
    %dma_start3A_1452 = tpu.memref_slice %arg9[%dma_start3A_1449, %dma_start3A_1451] : memref<49x128xf32, #tpu.memory_space<vmem>> -> memref<1x128xf32, #tpu.memory_space<vmem>>
    %dma_start3A_1453 = tpu.memref_squeeze %dma_start3A_1452 : memref<1x128xf32, #tpu.memory_space<vmem>> -> memref<128xf32, #tpu.memory_space<vmem>>
    %dma_start3A_1454 = arith.constant 0 : i32
    %dma_start3A_1455 = tpu.memref_slice %arg7[%dma_start3A_1450, %dma_start3A_1454] : memref<49x128xi32, #tpu.memory_space<vmem>> -> memref<1x128xi32, #tpu.memory_space<vmem>>
    %dma_start3A_1456 = tpu.memref_squeeze %dma_start3A_1455 : memref<1x128xi32, #tpu.memory_space<vmem>> -> memref<128xi32, #tpu.memory_space<vmem>>
    %dma_start3A_1457 = arith.constant 0 : i32
    %dma_start3A_1458 = tpu.memref_slice %arg17[%dma_start3A_1457] : memref<5120xf32, #tpu.memory_space<vmem_shared>> -> memref<5120xf32, #tpu.memory_space<vmem_shared>>
    tpu.enqueue_indirect_dma source(%dma_start3A_1453 : memref<128xf32, #tpu.memory_space<vmem>>) target(%dma_start3A_1458 : memref<5120xf32, #tpu.memory_space<vmem_shared>>) offsets(%dma_start3A_1456 : memref<128xi32, #tpu.memory_space<vmem>>) semaphore(%arg18 : memref<!tpu.dma_semaphore, #tpu.memory_space<semaphore_mem>>) {add = true}
    %dma_wait3A_1459 = arith.constant 32 : i32
    %dma_wait3A_1460 = arith.constant 32 : i32
    %dma_wait3A_1461 = arith.constant 0 : i32
    %dma_wait3A_1462 = tpu.memref_slice %arg8[%dma_wait3A_1459, %dma_wait3A_1461] : memref<49x128xf32, #tpu.memory_space<vmem>> -> memref<1x128xf32, #tpu.memory_space<vmem>>
    %dma_wait3A_1463 = tpu.memref_squeeze %dma_wait3A_1462 : memref<1x128xf32, #tpu.memory_space<vmem>> -> memref<128xf32, #tpu.memory_space<vmem>>
    %dma_wait3A_1464 = arith.constant 0 : i32
    %dma_wait3A_1465 = tpu.memref_slice %arg7[%dma_wait3A_1460, %dma_wait3A_1464] : memref<49x128xi32, #tpu.memory_space<vmem>> -> memref<1x128xi32, #tpu.memory_space<vmem>>
    %dma_wait3A_1466 = tpu.memref_squeeze %dma_wait3A_1465 : memref<1x128xi32, #tpu.memory_space<vmem>> -> memref<128xi32, #tpu.memory_space<vmem>>
    %dma_wait3A_1467 = arith.constant 0 : i32
    %dma_wait3A_1468 = tpu.memref_slice %arg16[%dma_wait3A_1467] : memref<5120xf32, #tpu.memory_space<vmem_shared>> -> memref<5120xf32, #tpu.memory_space<vmem_shared>>
    tpu.wait_indirect_dma semaphore(%arg18 : memref<!tpu.dma_semaphore, #tpu.memory_space<semaphore_mem>>) src(%dma_wait3A_1463 : memref<128xf32, #tpu.memory_space<vmem>>) dst(%dma_wait3A_1468 : memref<5120xf32, #tpu.memory_space<vmem_shared>>)
    %dma_wait3A_1469 = arith.constant 32 : i32
    %dma_wait3A_1470 = arith.constant 32 : i32
    %dma_wait3A_1471 = arith.constant 0 : i32
    %dma_wait3A_1472 = tpu.memref_slice %arg9[%dma_wait3A_1469, %dma_wait3A_1471] : memref<49x128xf32, #tpu.memory_space<vmem>> -> memref<1x128xf32, #tpu.memory_space<vmem>>
    %dma_wait3A_1473 = tpu.memref_squeeze %dma_wait3A_1472 : memref<1x128xf32, #tpu.memory_space<vmem>> -> memref<128xf32, #tpu.memory_space<vmem>>
    %dma_wait3A_1474 = arith.constant 0 : i32
    %dma_wait3A_1475 = tpu.memref_slice %arg7[%dma_wait3A_1470, %dma_wait3A_1474] : memref<49x128xi32, #tpu.memory_space<vmem>> -> memref<1x128xi32, #tpu.memory_space<vmem>>
    %dma_wait3A_1476 = tpu.memref_squeeze %dma_wait3A_1475 : memref<1x128xi32, #tpu.memory_space<vmem>> -> memref<128xi32, #tpu.memory_space<vmem>>
    %dma_wait3A_1477 = arith.constant 0 : i32
    %dma_wait3A_1478 = tpu.memref_slice %arg17[%dma_wait3A_1477] : memref<5120xf32, #tpu.memory_space<vmem_shared>> -> memref<5120xf32, #tpu.memory_space<vmem_shared>>
    tpu.wait_indirect_dma semaphore(%arg18 : memref<!tpu.dma_semaphore, #tpu.memory_space<semaphore_mem>>) src(%dma_wait3A_1473 : memref<128xf32, #tpu.memory_space<vmem>>) dst(%dma_wait3A_1478 : memref<5120xf32, #tpu.memory_space<vmem_shared>>)
    %dma_start3A_1479 = arith.constant 37 : i32
    %dma_start3A_1480 = arith.constant 37 : i32
    %dma_start3A_1481 = arith.constant 0 : i32
    %dma_start3A_1482 = tpu.memref_slice %arg8[%dma_start3A_1479, %dma_start3A_1481] : memref<49x128xf32, #tpu.memory_space<vmem>> -> memref<1x128xf32, #tpu.memory_space<vmem>>
    %dma_start3A_1483 = tpu.memref_squeeze %dma_start3A_1482 : memref<1x128xf32, #tpu.memory_space<vmem>> -> memref<128xf32, #tpu.memory_space<vmem>>
    %dma_start3A_1484 = arith.constant 0 : i32
    %dma_start3A_1485 = tpu.memref_slice %arg7[%dma_start3A_1480, %dma_start3A_1484] : memref<49x128xi32, #tpu.memory_space<vmem>> -> memref<1x128xi32, #tpu.memory_space<vmem>>
    %dma_start3A_1486 = tpu.memref_squeeze %dma_start3A_1485 : memref<1x128xi32, #tpu.memory_space<vmem>> -> memref<128xi32, #tpu.memory_space<vmem>>
    %dma_start3A_1487 = arith.constant 0 : i32
    %dma_start3A_1488 = tpu.memref_slice %arg16[%dma_start3A_1487] : memref<5120xf32, #tpu.memory_space<vmem_shared>> -> memref<5120xf32, #tpu.memory_space<vmem_shared>>
    tpu.enqueue_indirect_dma source(%dma_start3A_1483 : memref<128xf32, #tpu.memory_space<vmem>>) target(%dma_start3A_1488 : memref<5120xf32, #tpu.memory_space<vmem_shared>>) offsets(%dma_start3A_1486 : memref<128xi32, #tpu.memory_space<vmem>>) semaphore(%arg18 : memref<!tpu.dma_semaphore, #tpu.memory_space<semaphore_mem>>) {add = true}
    %dma_start3A_1489 = arith.constant 37 : i32
    %dma_start3A_1490 = arith.constant 37 : i32
    %dma_start3A_1491 = arith.constant 0 : i32
    %dma_start3A_1492 = tpu.memref_slice %arg9[%dma_start3A_1489, %dma_start3A_1491] : memref<49x128xf32, #tpu.memory_space<vmem>> -> memref<1x128xf32, #tpu.memory_space<vmem>>
    %dma_start3A_1493 = tpu.memref_squeeze %dma_start3A_1492 : memref<1x128xf32, #tpu.memory_space<vmem>> -> memref<128xf32, #tpu.memory_space<vmem>>
    %dma_start3A_1494 = arith.constant 0 : i32
    %dma_start3A_1495 = tpu.memref_slice %arg7[%dma_start3A_1490, %dma_start3A_1494] : memref<49x128xi32, #tpu.memory_space<vmem>> -> memref<1x128xi32, #tpu.memory_space<vmem>>
    %dma_start3A_1496 = tpu.memref_squeeze %dma_start3A_1495 : memref<1x128xi32, #tpu.memory_space<vmem>> -> memref<128xi32, #tpu.memory_space<vmem>>
    %dma_start3A_1497 = arith.constant 0 : i32
    %dma_start3A_1498 = tpu.memref_slice %arg17[%dma_start3A_1497] : memref<5120xf32, #tpu.memory_space<vmem_shared>> -> memref<5120xf32, #tpu.memory_space<vmem_shared>>
    tpu.enqueue_indirect_dma source(%dma_start3A_1493 : memref<128xf32, #tpu.memory_space<vmem>>) target(%dma_start3A_1498 : memref<5120xf32, #tpu.memory_space<vmem_shared>>) offsets(%dma_start3A_1496 : memref<128xi32, #tpu.memory_space<vmem>>) semaphore(%arg18 : memref<!tpu.dma_semaphore, #tpu.memory_space<semaphore_mem>>) {add = true}
    %dma_wait3A_1499 = arith.constant 33 : i32
    %dma_wait3A_1500 = arith.constant 33 : i32
    %dma_wait3A_1501 = arith.constant 0 : i32
    %dma_wait3A_1502 = tpu.memref_slice %arg8[%dma_wait3A_1499, %dma_wait3A_1501] : memref<49x128xf32, #tpu.memory_space<vmem>> -> memref<1x128xf32, #tpu.memory_space<vmem>>
    %dma_wait3A_1503 = tpu.memref_squeeze %dma_wait3A_1502 : memref<1x128xf32, #tpu.memory_space<vmem>> -> memref<128xf32, #tpu.memory_space<vmem>>
    %dma_wait3A_1504 = arith.constant 0 : i32
    %dma_wait3A_1505 = tpu.memref_slice %arg7[%dma_wait3A_1500, %dma_wait3A_1504] : memref<49x128xi32, #tpu.memory_space<vmem>> -> memref<1x128xi32, #tpu.memory_space<vmem>>
    %dma_wait3A_1506 = tpu.memref_squeeze %dma_wait3A_1505 : memref<1x128xi32, #tpu.memory_space<vmem>> -> memref<128xi32, #tpu.memory_space<vmem>>
    %dma_wait3A_1507 = arith.constant 0 : i32
    %dma_wait3A_1508 = tpu.memref_slice %arg16[%dma_wait3A_1507] : memref<5120xf32, #tpu.memory_space<vmem_shared>> -> memref<5120xf32, #tpu.memory_space<vmem_shared>>
    tpu.wait_indirect_dma semaphore(%arg18 : memref<!tpu.dma_semaphore, #tpu.memory_space<semaphore_mem>>) src(%dma_wait3A_1503 : memref<128xf32, #tpu.memory_space<vmem>>) dst(%dma_wait3A_1508 : memref<5120xf32, #tpu.memory_space<vmem_shared>>)
    %dma_wait3A_1509 = arith.constant 33 : i32
    %dma_wait3A_1510 = arith.constant 33 : i32
    %dma_wait3A_1511 = arith.constant 0 : i32
    %dma_wait3A_1512 = tpu.memref_slice %arg9[%dma_wait3A_1509, %dma_wait3A_1511] : memref<49x128xf32, #tpu.memory_space<vmem>> -> memref<1x128xf32, #tpu.memory_space<vmem>>
    %dma_wait3A_1513 = tpu.memref_squeeze %dma_wait3A_1512 : memref<1x128xf32, #tpu.memory_space<vmem>> -> memref<128xf32, #tpu.memory_space<vmem>>
    %dma_wait3A_1514 = arith.constant 0 : i32
    %dma_wait3A_1515 = tpu.memref_slice %arg7[%dma_wait3A_1510, %dma_wait3A_1514] : memref<49x128xi32, #tpu.memory_space<vmem>> -> memref<1x128xi32, #tpu.memory_space<vmem>>
    %dma_wait3A_1516 = tpu.memref_squeeze %dma_wait3A_1515 : memref<1x128xi32, #tpu.memory_space<vmem>> -> memref<128xi32, #tpu.memory_space<vmem>>
    %dma_wait3A_1517 = arith.constant 0 : i32
    %dma_wait3A_1518 = tpu.memref_slice %arg17[%dma_wait3A_1517] : memref<5120xf32, #tpu.memory_space<vmem_shared>> -> memref<5120xf32, #tpu.memory_space<vmem_shared>>
    tpu.wait_indirect_dma semaphore(%arg18 : memref<!tpu.dma_semaphore, #tpu.memory_space<semaphore_mem>>) src(%dma_wait3A_1513 : memref<128xf32, #tpu.memory_space<vmem>>) dst(%dma_wait3A_1518 : memref<5120xf32, #tpu.memory_space<vmem_shared>>)
    %dma_start3A_1519 = arith.constant 38 : i32
    %dma_start3A_1520 = arith.constant 38 : i32
    %dma_start3A_1521 = arith.constant 0 : i32
    %dma_start3A_1522 = tpu.memref_slice %arg8[%dma_start3A_1519, %dma_start3A_1521] : memref<49x128xf32, #tpu.memory_space<vmem>> -> memref<1x128xf32, #tpu.memory_space<vmem>>
    %dma_start3A_1523 = tpu.memref_squeeze %dma_start3A_1522 : memref<1x128xf32, #tpu.memory_space<vmem>> -> memref<128xf32, #tpu.memory_space<vmem>>
    %dma_start3A_1524 = arith.constant 0 : i32
    %dma_start3A_1525 = tpu.memref_slice %arg7[%dma_start3A_1520, %dma_start3A_1524] : memref<49x128xi32, #tpu.memory_space<vmem>> -> memref<1x128xi32, #tpu.memory_space<vmem>>
    %dma_start3A_1526 = tpu.memref_squeeze %dma_start3A_1525 : memref<1x128xi32, #tpu.memory_space<vmem>> -> memref<128xi32, #tpu.memory_space<vmem>>
    %dma_start3A_1527 = arith.constant 0 : i32
    %dma_start3A_1528 = tpu.memref_slice %arg16[%dma_start3A_1527] : memref<5120xf32, #tpu.memory_space<vmem_shared>> -> memref<5120xf32, #tpu.memory_space<vmem_shared>>
    tpu.enqueue_indirect_dma source(%dma_start3A_1523 : memref<128xf32, #tpu.memory_space<vmem>>) target(%dma_start3A_1528 : memref<5120xf32, #tpu.memory_space<vmem_shared>>) offsets(%dma_start3A_1526 : memref<128xi32, #tpu.memory_space<vmem>>) semaphore(%arg18 : memref<!tpu.dma_semaphore, #tpu.memory_space<semaphore_mem>>) {add = true}
    %dma_start3A_1529 = arith.constant 38 : i32
    %dma_start3A_1530 = arith.constant 38 : i32
    %dma_start3A_1531 = arith.constant 0 : i32
    %dma_start3A_1532 = tpu.memref_slice %arg9[%dma_start3A_1529, %dma_start3A_1531] : memref<49x128xf32, #tpu.memory_space<vmem>> -> memref<1x128xf32, #tpu.memory_space<vmem>>
    %dma_start3A_1533 = tpu.memref_squeeze %dma_start3A_1532 : memref<1x128xf32, #tpu.memory_space<vmem>> -> memref<128xf32, #tpu.memory_space<vmem>>
    %dma_start3A_1534 = arith.constant 0 : i32
    %dma_start3A_1535 = tpu.memref_slice %arg7[%dma_start3A_1530, %dma_start3A_1534] : memref<49x128xi32, #tpu.memory_space<vmem>> -> memref<1x128xi32, #tpu.memory_space<vmem>>
    %dma_start3A_1536 = tpu.memref_squeeze %dma_start3A_1535 : memref<1x128xi32, #tpu.memory_space<vmem>> -> memref<128xi32, #tpu.memory_space<vmem>>
    %dma_start3A_1537 = arith.constant 0 : i32
    %dma_start3A_1538 = tpu.memref_slice %arg17[%dma_start3A_1537] : memref<5120xf32, #tpu.memory_space<vmem_shared>> -> memref<5120xf32, #tpu.memory_space<vmem_shared>>
    tpu.enqueue_indirect_dma source(%dma_start3A_1533 : memref<128xf32, #tpu.memory_space<vmem>>) target(%dma_start3A_1538 : memref<5120xf32, #tpu.memory_space<vmem_shared>>) offsets(%dma_start3A_1536 : memref<128xi32, #tpu.memory_space<vmem>>) semaphore(%arg18 : memref<!tpu.dma_semaphore, #tpu.memory_space<semaphore_mem>>) {add = true}
    %dma_wait3A_1539 = arith.constant 34 : i32
    %dma_wait3A_1540 = arith.constant 34 : i32
    %dma_wait3A_1541 = arith.constant 0 : i32
    %dma_wait3A_1542 = tpu.memref_slice %arg8[%dma_wait3A_1539, %dma_wait3A_1541] : memref<49x128xf32, #tpu.memory_space<vmem>> -> memref<1x128xf32, #tpu.memory_space<vmem>>
    %dma_wait3A_1543 = tpu.memref_squeeze %dma_wait3A_1542 : memref<1x128xf32, #tpu.memory_space<vmem>> -> memref<128xf32, #tpu.memory_space<vmem>>
    %dma_wait3A_1544 = arith.constant 0 : i32
    %dma_wait3A_1545 = tpu.memref_slice %arg7[%dma_wait3A_1540, %dma_wait3A_1544] : memref<49x128xi32, #tpu.memory_space<vmem>> -> memref<1x128xi32, #tpu.memory_space<vmem>>
    %dma_wait3A_1546 = tpu.memref_squeeze %dma_wait3A_1545 : memref<1x128xi32, #tpu.memory_space<vmem>> -> memref<128xi32, #tpu.memory_space<vmem>>
    %dma_wait3A_1547 = arith.constant 0 : i32
    %dma_wait3A_1548 = tpu.memref_slice %arg16[%dma_wait3A_1547] : memref<5120xf32, #tpu.memory_space<vmem_shared>> -> memref<5120xf32, #tpu.memory_space<vmem_shared>>
    tpu.wait_indirect_dma semaphore(%arg18 : memref<!tpu.dma_semaphore, #tpu.memory_space<semaphore_mem>>) src(%dma_wait3A_1543 : memref<128xf32, #tpu.memory_space<vmem>>) dst(%dma_wait3A_1548 : memref<5120xf32, #tpu.memory_space<vmem_shared>>)
    %dma_wait3A_1549 = arith.constant 34 : i32
    %dma_wait3A_1550 = arith.constant 34 : i32
    %dma_wait3A_1551 = arith.constant 0 : i32
    %dma_wait3A_1552 = tpu.memref_slice %arg9[%dma_wait3A_1549, %dma_wait3A_1551] : memref<49x128xf32, #tpu.memory_space<vmem>> -> memref<1x128xf32, #tpu.memory_space<vmem>>
    %dma_wait3A_1553 = tpu.memref_squeeze %dma_wait3A_1552 : memref<1x128xf32, #tpu.memory_space<vmem>> -> memref<128xf32, #tpu.memory_space<vmem>>
    %dma_wait3A_1554 = arith.constant 0 : i32
    %dma_wait3A_1555 = tpu.memref_slice %arg7[%dma_wait3A_1550, %dma_wait3A_1554] : memref<49x128xi32, #tpu.memory_space<vmem>> -> memref<1x128xi32, #tpu.memory_space<vmem>>
    %dma_wait3A_1556 = tpu.memref_squeeze %dma_wait3A_1555 : memref<1x128xi32, #tpu.memory_space<vmem>> -> memref<128xi32, #tpu.memory_space<vmem>>
    %dma_wait3A_1557 = arith.constant 0 : i32
    %dma_wait3A_1558 = tpu.memref_slice %arg17[%dma_wait3A_1557] : memref<5120xf32, #tpu.memory_space<vmem_shared>> -> memref<5120xf32, #tpu.memory_space<vmem_shared>>
    tpu.wait_indirect_dma semaphore(%arg18 : memref<!tpu.dma_semaphore, #tpu.memory_space<semaphore_mem>>) src(%dma_wait3A_1553 : memref<128xf32, #tpu.memory_space<vmem>>) dst(%dma_wait3A_1558 : memref<5120xf32, #tpu.memory_space<vmem_shared>>)
    %dma_start3A_1559 = arith.constant 39 : i32
    %dma_start3A_1560 = arith.constant 39 : i32
    %dma_start3A_1561 = arith.constant 0 : i32
    %dma_start3A_1562 = tpu.memref_slice %arg8[%dma_start3A_1559, %dma_start3A_1561] : memref<49x128xf32, #tpu.memory_space<vmem>> -> memref<1x128xf32, #tpu.memory_space<vmem>>
    %dma_start3A_1563 = tpu.memref_squeeze %dma_start3A_1562 : memref<1x128xf32, #tpu.memory_space<vmem>> -> memref<128xf32, #tpu.memory_space<vmem>>
    %dma_start3A_1564 = arith.constant 0 : i32
    %dma_start3A_1565 = tpu.memref_slice %arg7[%dma_start3A_1560, %dma_start3A_1564] : memref<49x128xi32, #tpu.memory_space<vmem>> -> memref<1x128xi32, #tpu.memory_space<vmem>>
    %dma_start3A_1566 = tpu.memref_squeeze %dma_start3A_1565 : memref<1x128xi32, #tpu.memory_space<vmem>> -> memref<128xi32, #tpu.memory_space<vmem>>
    %dma_start3A_1567 = arith.constant 0 : i32
    %dma_start3A_1568 = tpu.memref_slice %arg16[%dma_start3A_1567] : memref<5120xf32, #tpu.memory_space<vmem_shared>> -> memref<5120xf32, #tpu.memory_space<vmem_shared>>
    tpu.enqueue_indirect_dma source(%dma_start3A_1563 : memref<128xf32, #tpu.memory_space<vmem>>) target(%dma_start3A_1568 : memref<5120xf32, #tpu.memory_space<vmem_shared>>) offsets(%dma_start3A_1566 : memref<128xi32, #tpu.memory_space<vmem>>) semaphore(%arg18 : memref<!tpu.dma_semaphore, #tpu.memory_space<semaphore_mem>>) {add = true}
    %dma_start3A_1569 = arith.constant 39 : i32
    %dma_start3A_1570 = arith.constant 39 : i32
    %dma_start3A_1571 = arith.constant 0 : i32
    %dma_start3A_1572 = tpu.memref_slice %arg9[%dma_start3A_1569, %dma_start3A_1571] : memref<49x128xf32, #tpu.memory_space<vmem>> -> memref<1x128xf32, #tpu.memory_space<vmem>>
    %dma_start3A_1573 = tpu.memref_squeeze %dma_start3A_1572 : memref<1x128xf32, #tpu.memory_space<vmem>> -> memref<128xf32, #tpu.memory_space<vmem>>
    %dma_start3A_1574 = arith.constant 0 : i32
    %dma_start3A_1575 = tpu.memref_slice %arg7[%dma_start3A_1570, %dma_start3A_1574] : memref<49x128xi32, #tpu.memory_space<vmem>> -> memref<1x128xi32, #tpu.memory_space<vmem>>
    %dma_start3A_1576 = tpu.memref_squeeze %dma_start3A_1575 : memref<1x128xi32, #tpu.memory_space<vmem>> -> memref<128xi32, #tpu.memory_space<vmem>>
    %dma_start3A_1577 = arith.constant 0 : i32
    %dma_start3A_1578 = tpu.memref_slice %arg17[%dma_start3A_1577] : memref<5120xf32, #tpu.memory_space<vmem_shared>> -> memref<5120xf32, #tpu.memory_space<vmem_shared>>
    tpu.enqueue_indirect_dma source(%dma_start3A_1573 : memref<128xf32, #tpu.memory_space<vmem>>) target(%dma_start3A_1578 : memref<5120xf32, #tpu.memory_space<vmem_shared>>) offsets(%dma_start3A_1576 : memref<128xi32, #tpu.memory_space<vmem>>) semaphore(%arg18 : memref<!tpu.dma_semaphore, #tpu.memory_space<semaphore_mem>>) {add = true}
    %dma_wait3A_1579 = arith.constant 35 : i32
    %dma_wait3A_1580 = arith.constant 35 : i32
    %dma_wait3A_1581 = arith.constant 0 : i32
    %dma_wait3A_1582 = tpu.memref_slice %arg8[%dma_wait3A_1579, %dma_wait3A_1581] : memref<49x128xf32, #tpu.memory_space<vmem>> -> memref<1x128xf32, #tpu.memory_space<vmem>>
    %dma_wait3A_1583 = tpu.memref_squeeze %dma_wait3A_1582 : memref<1x128xf32, #tpu.memory_space<vmem>> -> memref<128xf32, #tpu.memory_space<vmem>>
    %dma_wait3A_1584 = arith.constant 0 : i32
    %dma_wait3A_1585 = tpu.memref_slice %arg7[%dma_wait3A_1580, %dma_wait3A_1584] : memref<49x128xi32, #tpu.memory_space<vmem>> -> memref<1x128xi32, #tpu.memory_space<vmem>>
    %dma_wait3A_1586 = tpu.memref_squeeze %dma_wait3A_1585 : memref<1x128xi32, #tpu.memory_space<vmem>> -> memref<128xi32, #tpu.memory_space<vmem>>
    %dma_wait3A_1587 = arith.constant 0 : i32
    %dma_wait3A_1588 = tpu.memref_slice %arg16[%dma_wait3A_1587] : memref<5120xf32, #tpu.memory_space<vmem_shared>> -> memref<5120xf32, #tpu.memory_space<vmem_shared>>
    tpu.wait_indirect_dma semaphore(%arg18 : memref<!tpu.dma_semaphore, #tpu.memory_space<semaphore_mem>>) src(%dma_wait3A_1583 : memref<128xf32, #tpu.memory_space<vmem>>) dst(%dma_wait3A_1588 : memref<5120xf32, #tpu.memory_space<vmem_shared>>)
    %dma_wait3A_1589 = arith.constant 35 : i32
    %dma_wait3A_1590 = arith.constant 35 : i32
    %dma_wait3A_1591 = arith.constant 0 : i32
    %dma_wait3A_1592 = tpu.memref_slice %arg9[%dma_wait3A_1589, %dma_wait3A_1591] : memref<49x128xf32, #tpu.memory_space<vmem>> -> memref<1x128xf32, #tpu.memory_space<vmem>>
    %dma_wait3A_1593 = tpu.memref_squeeze %dma_wait3A_1592 : memref<1x128xf32, #tpu.memory_space<vmem>> -> memref<128xf32, #tpu.memory_space<vmem>>
    %dma_wait3A_1594 = arith.constant 0 : i32
    %dma_wait3A_1595 = tpu.memref_slice %arg7[%dma_wait3A_1590, %dma_wait3A_1594] : memref<49x128xi32, #tpu.memory_space<vmem>> -> memref<1x128xi32, #tpu.memory_space<vmem>>
    %dma_wait3A_1596 = tpu.memref_squeeze %dma_wait3A_1595 : memref<1x128xi32, #tpu.memory_space<vmem>> -> memref<128xi32, #tpu.memory_space<vmem>>
    %dma_wait3A_1597 = arith.constant 0 : i32
    %dma_wait3A_1598 = tpu.memref_slice %arg17[%dma_wait3A_1597] : memref<5120xf32, #tpu.memory_space<vmem_shared>> -> memref<5120xf32, #tpu.memory_space<vmem_shared>>
    tpu.wait_indirect_dma semaphore(%arg18 : memref<!tpu.dma_semaphore, #tpu.memory_space<semaphore_mem>>) src(%dma_wait3A_1593 : memref<128xf32, #tpu.memory_space<vmem>>) dst(%dma_wait3A_1598 : memref<5120xf32, #tpu.memory_space<vmem_shared>>)
    %dma_start3A_1599 = arith.constant 40 : i32
    %dma_start3A_1600 = arith.constant 40 : i32
    %dma_start3A_1601 = arith.constant 0 : i32
    %dma_start3A_1602 = tpu.memref_slice %arg8[%dma_start3A_1599, %dma_start3A_1601] : memref<49x128xf32, #tpu.memory_space<vmem>> -> memref<1x128xf32, #tpu.memory_space<vmem>>
    %dma_start3A_1603 = tpu.memref_squeeze %dma_start3A_1602 : memref<1x128xf32, #tpu.memory_space<vmem>> -> memref<128xf32, #tpu.memory_space<vmem>>
    %dma_start3A_1604 = arith.constant 0 : i32
    %dma_start3A_1605 = tpu.memref_slice %arg7[%dma_start3A_1600, %dma_start3A_1604] : memref<49x128xi32, #tpu.memory_space<vmem>> -> memref<1x128xi32, #tpu.memory_space<vmem>>
    %dma_start3A_1606 = tpu.memref_squeeze %dma_start3A_1605 : memref<1x128xi32, #tpu.memory_space<vmem>> -> memref<128xi32, #tpu.memory_space<vmem>>
    %dma_start3A_1607 = arith.constant 0 : i32
    %dma_start3A_1608 = tpu.memref_slice %arg16[%dma_start3A_1607] : memref<5120xf32, #tpu.memory_space<vmem_shared>> -> memref<5120xf32, #tpu.memory_space<vmem_shared>>
    tpu.enqueue_indirect_dma source(%dma_start3A_1603 : memref<128xf32, #tpu.memory_space<vmem>>) target(%dma_start3A_1608 : memref<5120xf32, #tpu.memory_space<vmem_shared>>) offsets(%dma_start3A_1606 : memref<128xi32, #tpu.memory_space<vmem>>) semaphore(%arg18 : memref<!tpu.dma_semaphore, #tpu.memory_space<semaphore_mem>>) {add = true}
    %dma_start3A_1609 = arith.constant 40 : i32
    %dma_start3A_1610 = arith.constant 40 : i32
    %dma_start3A_1611 = arith.constant 0 : i32
    %dma_start3A_1612 = tpu.memref_slice %arg9[%dma_start3A_1609, %dma_start3A_1611] : memref<49x128xf32, #tpu.memory_space<vmem>> -> memref<1x128xf32, #tpu.memory_space<vmem>>
    %dma_start3A_1613 = tpu.memref_squeeze %dma_start3A_1612 : memref<1x128xf32, #tpu.memory_space<vmem>> -> memref<128xf32, #tpu.memory_space<vmem>>
    %dma_start3A_1614 = arith.constant 0 : i32
    %dma_start3A_1615 = tpu.memref_slice %arg7[%dma_start3A_1610, %dma_start3A_1614] : memref<49x128xi32, #tpu.memory_space<vmem>> -> memref<1x128xi32, #tpu.memory_space<vmem>>
    %dma_start3A_1616 = tpu.memref_squeeze %dma_start3A_1615 : memref<1x128xi32, #tpu.memory_space<vmem>> -> memref<128xi32, #tpu.memory_space<vmem>>
    %dma_start3A_1617 = arith.constant 0 : i32
    %dma_start3A_1618 = tpu.memref_slice %arg17[%dma_start3A_1617] : memref<5120xf32, #tpu.memory_space<vmem_shared>> -> memref<5120xf32, #tpu.memory_space<vmem_shared>>
    tpu.enqueue_indirect_dma source(%dma_start3A_1613 : memref<128xf32, #tpu.memory_space<vmem>>) target(%dma_start3A_1618 : memref<5120xf32, #tpu.memory_space<vmem_shared>>) offsets(%dma_start3A_1616 : memref<128xi32, #tpu.memory_space<vmem>>) semaphore(%arg18 : memref<!tpu.dma_semaphore, #tpu.memory_space<semaphore_mem>>) {add = true}
    %dma_wait3A_1619 = arith.constant 36 : i32
    %dma_wait3A_1620 = arith.constant 36 : i32
    %dma_wait3A_1621 = arith.constant 0 : i32
    %dma_wait3A_1622 = tpu.memref_slice %arg8[%dma_wait3A_1619, %dma_wait3A_1621] : memref<49x128xf32, #tpu.memory_space<vmem>> -> memref<1x128xf32, #tpu.memory_space<vmem>>
    %dma_wait3A_1623 = tpu.memref_squeeze %dma_wait3A_1622 : memref<1x128xf32, #tpu.memory_space<vmem>> -> memref<128xf32, #tpu.memory_space<vmem>>
    %dma_wait3A_1624 = arith.constant 0 : i32
    %dma_wait3A_1625 = tpu.memref_slice %arg7[%dma_wait3A_1620, %dma_wait3A_1624] : memref<49x128xi32, #tpu.memory_space<vmem>> -> memref<1x128xi32, #tpu.memory_space<vmem>>
    %dma_wait3A_1626 = tpu.memref_squeeze %dma_wait3A_1625 : memref<1x128xi32, #tpu.memory_space<vmem>> -> memref<128xi32, #tpu.memory_space<vmem>>
    %dma_wait3A_1627 = arith.constant 0 : i32
    %dma_wait3A_1628 = tpu.memref_slice %arg16[%dma_wait3A_1627] : memref<5120xf32, #tpu.memory_space<vmem_shared>> -> memref<5120xf32, #tpu.memory_space<vmem_shared>>
    tpu.wait_indirect_dma semaphore(%arg18 : memref<!tpu.dma_semaphore, #tpu.memory_space<semaphore_mem>>) src(%dma_wait3A_1623 : memref<128xf32, #tpu.memory_space<vmem>>) dst(%dma_wait3A_1628 : memref<5120xf32, #tpu.memory_space<vmem_shared>>)
    %dma_wait3A_1629 = arith.constant 36 : i32
    %dma_wait3A_1630 = arith.constant 36 : i32
    %dma_wait3A_1631 = arith.constant 0 : i32
    %dma_wait3A_1632 = tpu.memref_slice %arg9[%dma_wait3A_1629, %dma_wait3A_1631] : memref<49x128xf32, #tpu.memory_space<vmem>> -> memref<1x128xf32, #tpu.memory_space<vmem>>
    %dma_wait3A_1633 = tpu.memref_squeeze %dma_wait3A_1632 : memref<1x128xf32, #tpu.memory_space<vmem>> -> memref<128xf32, #tpu.memory_space<vmem>>
    %dma_wait3A_1634 = arith.constant 0 : i32
    %dma_wait3A_1635 = tpu.memref_slice %arg7[%dma_wait3A_1630, %dma_wait3A_1634] : memref<49x128xi32, #tpu.memory_space<vmem>> -> memref<1x128xi32, #tpu.memory_space<vmem>>
    %dma_wait3A_1636 = tpu.memref_squeeze %dma_wait3A_1635 : memref<1x128xi32, #tpu.memory_space<vmem>> -> memref<128xi32, #tpu.memory_space<vmem>>
    %dma_wait3A_1637 = arith.constant 0 : i32
    %dma_wait3A_1638 = tpu.memref_slice %arg17[%dma_wait3A_1637] : memref<5120xf32, #tpu.memory_space<vmem_shared>> -> memref<5120xf32, #tpu.memory_space<vmem_shared>>
    tpu.wait_indirect_dma semaphore(%arg18 : memref<!tpu.dma_semaphore, #tpu.memory_space<semaphore_mem>>) src(%dma_wait3A_1633 : memref<128xf32, #tpu.memory_space<vmem>>) dst(%dma_wait3A_1638 : memref<5120xf32, #tpu.memory_space<vmem_shared>>)
    %dma_start3A_1639 = arith.constant 41 : i32
    %dma_start3A_1640 = arith.constant 41 : i32
    %dma_start3A_1641 = arith.constant 0 : i32
    %dma_start3A_1642 = tpu.memref_slice %arg8[%dma_start3A_1639, %dma_start3A_1641] : memref<49x128xf32, #tpu.memory_space<vmem>> -> memref<1x128xf32, #tpu.memory_space<vmem>>
    %dma_start3A_1643 = tpu.memref_squeeze %dma_start3A_1642 : memref<1x128xf32, #tpu.memory_space<vmem>> -> memref<128xf32, #tpu.memory_space<vmem>>
    %dma_start3A_1644 = arith.constant 0 : i32
    %dma_start3A_1645 = tpu.memref_slice %arg7[%dma_start3A_1640, %dma_start3A_1644] : memref<49x128xi32, #tpu.memory_space<vmem>> -> memref<1x128xi32, #tpu.memory_space<vmem>>
    %dma_start3A_1646 = tpu.memref_squeeze %dma_start3A_1645 : memref<1x128xi32, #tpu.memory_space<vmem>> -> memref<128xi32, #tpu.memory_space<vmem>>
    %dma_start3A_1647 = arith.constant 0 : i32
    %dma_start3A_1648 = tpu.memref_slice %arg16[%dma_start3A_1647] : memref<5120xf32, #tpu.memory_space<vmem_shared>> -> memref<5120xf32, #tpu.memory_space<vmem_shared>>
    tpu.enqueue_indirect_dma source(%dma_start3A_1643 : memref<128xf32, #tpu.memory_space<vmem>>) target(%dma_start3A_1648 : memref<5120xf32, #tpu.memory_space<vmem_shared>>) offsets(%dma_start3A_1646 : memref<128xi32, #tpu.memory_space<vmem>>) semaphore(%arg18 : memref<!tpu.dma_semaphore, #tpu.memory_space<semaphore_mem>>) {add = true}
    %dma_start3A_1649 = arith.constant 41 : i32
    %dma_start3A_1650 = arith.constant 41 : i32
    %dma_start3A_1651 = arith.constant 0 : i32
    %dma_start3A_1652 = tpu.memref_slice %arg9[%dma_start3A_1649, %dma_start3A_1651] : memref<49x128xf32, #tpu.memory_space<vmem>> -> memref<1x128xf32, #tpu.memory_space<vmem>>
    %dma_start3A_1653 = tpu.memref_squeeze %dma_start3A_1652 : memref<1x128xf32, #tpu.memory_space<vmem>> -> memref<128xf32, #tpu.memory_space<vmem>>
    %dma_start3A_1654 = arith.constant 0 : i32
    %dma_start3A_1655 = tpu.memref_slice %arg7[%dma_start3A_1650, %dma_start3A_1654] : memref<49x128xi32, #tpu.memory_space<vmem>> -> memref<1x128xi32, #tpu.memory_space<vmem>>
    %dma_start3A_1656 = tpu.memref_squeeze %dma_start3A_1655 : memref<1x128xi32, #tpu.memory_space<vmem>> -> memref<128xi32, #tpu.memory_space<vmem>>
    %dma_start3A_1657 = arith.constant 0 : i32
    %dma_start3A_1658 = tpu.memref_slice %arg17[%dma_start3A_1657] : memref<5120xf32, #tpu.memory_space<vmem_shared>> -> memref<5120xf32, #tpu.memory_space<vmem_shared>>
    tpu.enqueue_indirect_dma source(%dma_start3A_1653 : memref<128xf32, #tpu.memory_space<vmem>>) target(%dma_start3A_1658 : memref<5120xf32, #tpu.memory_space<vmem_shared>>) offsets(%dma_start3A_1656 : memref<128xi32, #tpu.memory_space<vmem>>) semaphore(%arg18 : memref<!tpu.dma_semaphore, #tpu.memory_space<semaphore_mem>>) {add = true}
    %dma_wait3A_1659 = arith.constant 37 : i32
    %dma_wait3A_1660 = arith.constant 37 : i32
    %dma_wait3A_1661 = arith.constant 0 : i32
    %dma_wait3A_1662 = tpu.memref_slice %arg8[%dma_wait3A_1659, %dma_wait3A_1661] : memref<49x128xf32, #tpu.memory_space<vmem>> -> memref<1x128xf32, #tpu.memory_space<vmem>>
    %dma_wait3A_1663 = tpu.memref_squeeze %dma_wait3A_1662 : memref<1x128xf32, #tpu.memory_space<vmem>> -> memref<128xf32, #tpu.memory_space<vmem>>
    %dma_wait3A_1664 = arith.constant 0 : i32
    %dma_wait3A_1665 = tpu.memref_slice %arg7[%dma_wait3A_1660, %dma_wait3A_1664] : memref<49x128xi32, #tpu.memory_space<vmem>> -> memref<1x128xi32, #tpu.memory_space<vmem>>
    %dma_wait3A_1666 = tpu.memref_squeeze %dma_wait3A_1665 : memref<1x128xi32, #tpu.memory_space<vmem>> -> memref<128xi32, #tpu.memory_space<vmem>>
    %dma_wait3A_1667 = arith.constant 0 : i32
    %dma_wait3A_1668 = tpu.memref_slice %arg16[%dma_wait3A_1667] : memref<5120xf32, #tpu.memory_space<vmem_shared>> -> memref<5120xf32, #tpu.memory_space<vmem_shared>>
    tpu.wait_indirect_dma semaphore(%arg18 : memref<!tpu.dma_semaphore, #tpu.memory_space<semaphore_mem>>) src(%dma_wait3A_1663 : memref<128xf32, #tpu.memory_space<vmem>>) dst(%dma_wait3A_1668 : memref<5120xf32, #tpu.memory_space<vmem_shared>>)
    %dma_wait3A_1669 = arith.constant 37 : i32
    %dma_wait3A_1670 = arith.constant 37 : i32
    %dma_wait3A_1671 = arith.constant 0 : i32
    %dma_wait3A_1672 = tpu.memref_slice %arg9[%dma_wait3A_1669, %dma_wait3A_1671] : memref<49x128xf32, #tpu.memory_space<vmem>> -> memref<1x128xf32, #tpu.memory_space<vmem>>
    %dma_wait3A_1673 = tpu.memref_squeeze %dma_wait3A_1672 : memref<1x128xf32, #tpu.memory_space<vmem>> -> memref<128xf32, #tpu.memory_space<vmem>>
    %dma_wait3A_1674 = arith.constant 0 : i32
    %dma_wait3A_1675 = tpu.memref_slice %arg7[%dma_wait3A_1670, %dma_wait3A_1674] : memref<49x128xi32, #tpu.memory_space<vmem>> -> memref<1x128xi32, #tpu.memory_space<vmem>>
    %dma_wait3A_1676 = tpu.memref_squeeze %dma_wait3A_1675 : memref<1x128xi32, #tpu.memory_space<vmem>> -> memref<128xi32, #tpu.memory_space<vmem>>
    %dma_wait3A_1677 = arith.constant 0 : i32
    %dma_wait3A_1678 = tpu.memref_slice %arg17[%dma_wait3A_1677] : memref<5120xf32, #tpu.memory_space<vmem_shared>> -> memref<5120xf32, #tpu.memory_space<vmem_shared>>
    tpu.wait_indirect_dma semaphore(%arg18 : memref<!tpu.dma_semaphore, #tpu.memory_space<semaphore_mem>>) src(%dma_wait3A_1673 : memref<128xf32, #tpu.memory_space<vmem>>) dst(%dma_wait3A_1678 : memref<5120xf32, #tpu.memory_space<vmem_shared>>)
    %dma_start3A_1679 = arith.constant 42 : i32
    %dma_start3A_1680 = arith.constant 42 : i32
    %dma_start3A_1681 = arith.constant 0 : i32
    %dma_start3A_1682 = tpu.memref_slice %arg8[%dma_start3A_1679, %dma_start3A_1681] : memref<49x128xf32, #tpu.memory_space<vmem>> -> memref<1x128xf32, #tpu.memory_space<vmem>>
    %dma_start3A_1683 = tpu.memref_squeeze %dma_start3A_1682 : memref<1x128xf32, #tpu.memory_space<vmem>> -> memref<128xf32, #tpu.memory_space<vmem>>
    %dma_start3A_1684 = arith.constant 0 : i32
    %dma_start3A_1685 = tpu.memref_slice %arg7[%dma_start3A_1680, %dma_start3A_1684] : memref<49x128xi32, #tpu.memory_space<vmem>> -> memref<1x128xi32, #tpu.memory_space<vmem>>
    %dma_start3A_1686 = tpu.memref_squeeze %dma_start3A_1685 : memref<1x128xi32, #tpu.memory_space<vmem>> -> memref<128xi32, #tpu.memory_space<vmem>>
    %dma_start3A_1687 = arith.constant 0 : i32
    %dma_start3A_1688 = tpu.memref_slice %arg16[%dma_start3A_1687] : memref<5120xf32, #tpu.memory_space<vmem_shared>> -> memref<5120xf32, #tpu.memory_space<vmem_shared>>
    tpu.enqueue_indirect_dma source(%dma_start3A_1683 : memref<128xf32, #tpu.memory_space<vmem>>) target(%dma_start3A_1688 : memref<5120xf32, #tpu.memory_space<vmem_shared>>) offsets(%dma_start3A_1686 : memref<128xi32, #tpu.memory_space<vmem>>) semaphore(%arg18 : memref<!tpu.dma_semaphore, #tpu.memory_space<semaphore_mem>>) {add = true}
    %dma_start3A_1689 = arith.constant 42 : i32
    %dma_start3A_1690 = arith.constant 42 : i32
    %dma_start3A_1691 = arith.constant 0 : i32
    %dma_start3A_1692 = tpu.memref_slice %arg9[%dma_start3A_1689, %dma_start3A_1691] : memref<49x128xf32, #tpu.memory_space<vmem>> -> memref<1x128xf32, #tpu.memory_space<vmem>>
    %dma_start3A_1693 = tpu.memref_squeeze %dma_start3A_1692 : memref<1x128xf32, #tpu.memory_space<vmem>> -> memref<128xf32, #tpu.memory_space<vmem>>
    %dma_start3A_1694 = arith.constant 0 : i32
    %dma_start3A_1695 = tpu.memref_slice %arg7[%dma_start3A_1690, %dma_start3A_1694] : memref<49x128xi32, #tpu.memory_space<vmem>> -> memref<1x128xi32, #tpu.memory_space<vmem>>
    %dma_start3A_1696 = tpu.memref_squeeze %dma_start3A_1695 : memref<1x128xi32, #tpu.memory_space<vmem>> -> memref<128xi32, #tpu.memory_space<vmem>>
    %dma_start3A_1697 = arith.constant 0 : i32
    %dma_start3A_1698 = tpu.memref_slice %arg17[%dma_start3A_1697] : memref<5120xf32, #tpu.memory_space<vmem_shared>> -> memref<5120xf32, #tpu.memory_space<vmem_shared>>
    tpu.enqueue_indirect_dma source(%dma_start3A_1693 : memref<128xf32, #tpu.memory_space<vmem>>) target(%dma_start3A_1698 : memref<5120xf32, #tpu.memory_space<vmem_shared>>) offsets(%dma_start3A_1696 : memref<128xi32, #tpu.memory_space<vmem>>) semaphore(%arg18 : memref<!tpu.dma_semaphore, #tpu.memory_space<semaphore_mem>>) {add = true}
    %dma_wait3A_1699 = arith.constant 38 : i32
    %dma_wait3A_1700 = arith.constant 38 : i32
    %dma_wait3A_1701 = arith.constant 0 : i32
    %dma_wait3A_1702 = tpu.memref_slice %arg8[%dma_wait3A_1699, %dma_wait3A_1701] : memref<49x128xf32, #tpu.memory_space<vmem>> -> memref<1x128xf32, #tpu.memory_space<vmem>>
    %dma_wait3A_1703 = tpu.memref_squeeze %dma_wait3A_1702 : memref<1x128xf32, #tpu.memory_space<vmem>> -> memref<128xf32, #tpu.memory_space<vmem>>
    %dma_wait3A_1704 = arith.constant 0 : i32
    %dma_wait3A_1705 = tpu.memref_slice %arg7[%dma_wait3A_1700, %dma_wait3A_1704] : memref<49x128xi32, #tpu.memory_space<vmem>> -> memref<1x128xi32, #tpu.memory_space<vmem>>
    %dma_wait3A_1706 = tpu.memref_squeeze %dma_wait3A_1705 : memref<1x128xi32, #tpu.memory_space<vmem>> -> memref<128xi32, #tpu.memory_space<vmem>>
    %dma_wait3A_1707 = arith.constant 0 : i32
    %dma_wait3A_1708 = tpu.memref_slice %arg16[%dma_wait3A_1707] : memref<5120xf32, #tpu.memory_space<vmem_shared>> -> memref<5120xf32, #tpu.memory_space<vmem_shared>>
    tpu.wait_indirect_dma semaphore(%arg18 : memref<!tpu.dma_semaphore, #tpu.memory_space<semaphore_mem>>) src(%dma_wait3A_1703 : memref<128xf32, #tpu.memory_space<vmem>>) dst(%dma_wait3A_1708 : memref<5120xf32, #tpu.memory_space<vmem_shared>>)
    %dma_wait3A_1709 = arith.constant 38 : i32
    %dma_wait3A_1710 = arith.constant 38 : i32
    %dma_wait3A_1711 = arith.constant 0 : i32
    %dma_wait3A_1712 = tpu.memref_slice %arg9[%dma_wait3A_1709, %dma_wait3A_1711] : memref<49x128xf32, #tpu.memory_space<vmem>> -> memref<1x128xf32, #tpu.memory_space<vmem>>
    %dma_wait3A_1713 = tpu.memref_squeeze %dma_wait3A_1712 : memref<1x128xf32, #tpu.memory_space<vmem>> -> memref<128xf32, #tpu.memory_space<vmem>>
    %dma_wait3A_1714 = arith.constant 0 : i32
    %dma_wait3A_1715 = tpu.memref_slice %arg7[%dma_wait3A_1710, %dma_wait3A_1714] : memref<49x128xi32, #tpu.memory_space<vmem>> -> memref<1x128xi32, #tpu.memory_space<vmem>>
    %dma_wait3A_1716 = tpu.memref_squeeze %dma_wait3A_1715 : memref<1x128xi32, #tpu.memory_space<vmem>> -> memref<128xi32, #tpu.memory_space<vmem>>
    %dma_wait3A_1717 = arith.constant 0 : i32
    %dma_wait3A_1718 = tpu.memref_slice %arg17[%dma_wait3A_1717] : memref<5120xf32, #tpu.memory_space<vmem_shared>> -> memref<5120xf32, #tpu.memory_space<vmem_shared>>
    tpu.wait_indirect_dma semaphore(%arg18 : memref<!tpu.dma_semaphore, #tpu.memory_space<semaphore_mem>>) src(%dma_wait3A_1713 : memref<128xf32, #tpu.memory_space<vmem>>) dst(%dma_wait3A_1718 : memref<5120xf32, #tpu.memory_space<vmem_shared>>)
    %dma_start3A_1719 = arith.constant 43 : i32
    %dma_start3A_1720 = arith.constant 43 : i32
    %dma_start3A_1721 = arith.constant 0 : i32
    %dma_start3A_1722 = tpu.memref_slice %arg8[%dma_start3A_1719, %dma_start3A_1721] : memref<49x128xf32, #tpu.memory_space<vmem>> -> memref<1x128xf32, #tpu.memory_space<vmem>>
    %dma_start3A_1723 = tpu.memref_squeeze %dma_start3A_1722 : memref<1x128xf32, #tpu.memory_space<vmem>> -> memref<128xf32, #tpu.memory_space<vmem>>
    %dma_start3A_1724 = arith.constant 0 : i32
    %dma_start3A_1725 = tpu.memref_slice %arg7[%dma_start3A_1720, %dma_start3A_1724] : memref<49x128xi32, #tpu.memory_space<vmem>> -> memref<1x128xi32, #tpu.memory_space<vmem>>
    %dma_start3A_1726 = tpu.memref_squeeze %dma_start3A_1725 : memref<1x128xi32, #tpu.memory_space<vmem>> -> memref<128xi32, #tpu.memory_space<vmem>>
    %dma_start3A_1727 = arith.constant 0 : i32
    %dma_start3A_1728 = tpu.memref_slice %arg16[%dma_start3A_1727] : memref<5120xf32, #tpu.memory_space<vmem_shared>> -> memref<5120xf32, #tpu.memory_space<vmem_shared>>
    tpu.enqueue_indirect_dma source(%dma_start3A_1723 : memref<128xf32, #tpu.memory_space<vmem>>) target(%dma_start3A_1728 : memref<5120xf32, #tpu.memory_space<vmem_shared>>) offsets(%dma_start3A_1726 : memref<128xi32, #tpu.memory_space<vmem>>) semaphore(%arg18 : memref<!tpu.dma_semaphore, #tpu.memory_space<semaphore_mem>>) {add = true}
    %dma_start3A_1729 = arith.constant 43 : i32
    %dma_start3A_1730 = arith.constant 43 : i32
    %dma_start3A_1731 = arith.constant 0 : i32
    %dma_start3A_1732 = tpu.memref_slice %arg9[%dma_start3A_1729, %dma_start3A_1731] : memref<49x128xf32, #tpu.memory_space<vmem>> -> memref<1x128xf32, #tpu.memory_space<vmem>>
    %dma_start3A_1733 = tpu.memref_squeeze %dma_start3A_1732 : memref<1x128xf32, #tpu.memory_space<vmem>> -> memref<128xf32, #tpu.memory_space<vmem>>
    %dma_start3A_1734 = arith.constant 0 : i32
    %dma_start3A_1735 = tpu.memref_slice %arg7[%dma_start3A_1730, %dma_start3A_1734] : memref<49x128xi32, #tpu.memory_space<vmem>> -> memref<1x128xi32, #tpu.memory_space<vmem>>
    %dma_start3A_1736 = tpu.memref_squeeze %dma_start3A_1735 : memref<1x128xi32, #tpu.memory_space<vmem>> -> memref<128xi32, #tpu.memory_space<vmem>>
    %dma_start3A_1737 = arith.constant 0 : i32
    %dma_start3A_1738 = tpu.memref_slice %arg17[%dma_start3A_1737] : memref<5120xf32, #tpu.memory_space<vmem_shared>> -> memref<5120xf32, #tpu.memory_space<vmem_shared>>
    tpu.enqueue_indirect_dma source(%dma_start3A_1733 : memref<128xf32, #tpu.memory_space<vmem>>) target(%dma_start3A_1738 : memref<5120xf32, #tpu.memory_space<vmem_shared>>) offsets(%dma_start3A_1736 : memref<128xi32, #tpu.memory_space<vmem>>) semaphore(%arg18 : memref<!tpu.dma_semaphore, #tpu.memory_space<semaphore_mem>>) {add = true}
    %dma_wait3A_1739 = arith.constant 39 : i32
    %dma_wait3A_1740 = arith.constant 39 : i32
    %dma_wait3A_1741 = arith.constant 0 : i32
    %dma_wait3A_1742 = tpu.memref_slice %arg8[%dma_wait3A_1739, %dma_wait3A_1741] : memref<49x128xf32, #tpu.memory_space<vmem>> -> memref<1x128xf32, #tpu.memory_space<vmem>>
    %dma_wait3A_1743 = tpu.memref_squeeze %dma_wait3A_1742 : memref<1x128xf32, #tpu.memory_space<vmem>> -> memref<128xf32, #tpu.memory_space<vmem>>
    %dma_wait3A_1744 = arith.constant 0 : i32
    %dma_wait3A_1745 = tpu.memref_slice %arg7[%dma_wait3A_1740, %dma_wait3A_1744] : memref<49x128xi32, #tpu.memory_space<vmem>> -> memref<1x128xi32, #tpu.memory_space<vmem>>
    %dma_wait3A_1746 = tpu.memref_squeeze %dma_wait3A_1745 : memref<1x128xi32, #tpu.memory_space<vmem>> -> memref<128xi32, #tpu.memory_space<vmem>>
    %dma_wait3A_1747 = arith.constant 0 : i32
    %dma_wait3A_1748 = tpu.memref_slice %arg16[%dma_wait3A_1747] : memref<5120xf32, #tpu.memory_space<vmem_shared>> -> memref<5120xf32, #tpu.memory_space<vmem_shared>>
    tpu.wait_indirect_dma semaphore(%arg18 : memref<!tpu.dma_semaphore, #tpu.memory_space<semaphore_mem>>) src(%dma_wait3A_1743 : memref<128xf32, #tpu.memory_space<vmem>>) dst(%dma_wait3A_1748 : memref<5120xf32, #tpu.memory_space<vmem_shared>>)
    %dma_wait3A_1749 = arith.constant 39 : i32
    %dma_wait3A_1750 = arith.constant 39 : i32
    %dma_wait3A_1751 = arith.constant 0 : i32
    %dma_wait3A_1752 = tpu.memref_slice %arg9[%dma_wait3A_1749, %dma_wait3A_1751] : memref<49x128xf32, #tpu.memory_space<vmem>> -> memref<1x128xf32, #tpu.memory_space<vmem>>
    %dma_wait3A_1753 = tpu.memref_squeeze %dma_wait3A_1752 : memref<1x128xf32, #tpu.memory_space<vmem>> -> memref<128xf32, #tpu.memory_space<vmem>>
    %dma_wait3A_1754 = arith.constant 0 : i32
    %dma_wait3A_1755 = tpu.memref_slice %arg7[%dma_wait3A_1750, %dma_wait3A_1754] : memref<49x128xi32, #tpu.memory_space<vmem>> -> memref<1x128xi32, #tpu.memory_space<vmem>>
    %dma_wait3A_1756 = tpu.memref_squeeze %dma_wait3A_1755 : memref<1x128xi32, #tpu.memory_space<vmem>> -> memref<128xi32, #tpu.memory_space<vmem>>
    %dma_wait3A_1757 = arith.constant 0 : i32
    %dma_wait3A_1758 = tpu.memref_slice %arg17[%dma_wait3A_1757] : memref<5120xf32, #tpu.memory_space<vmem_shared>> -> memref<5120xf32, #tpu.memory_space<vmem_shared>>
    tpu.wait_indirect_dma semaphore(%arg18 : memref<!tpu.dma_semaphore, #tpu.memory_space<semaphore_mem>>) src(%dma_wait3A_1753 : memref<128xf32, #tpu.memory_space<vmem>>) dst(%dma_wait3A_1758 : memref<5120xf32, #tpu.memory_space<vmem_shared>>)
    %dma_start3A_1759 = arith.constant 44 : i32
    %dma_start3A_1760 = arith.constant 44 : i32
    %dma_start3A_1761 = arith.constant 0 : i32
    %dma_start3A_1762 = tpu.memref_slice %arg8[%dma_start3A_1759, %dma_start3A_1761] : memref<49x128xf32, #tpu.memory_space<vmem>> -> memref<1x128xf32, #tpu.memory_space<vmem>>
    %dma_start3A_1763 = tpu.memref_squeeze %dma_start3A_1762 : memref<1x128xf32, #tpu.memory_space<vmem>> -> memref<128xf32, #tpu.memory_space<vmem>>
    %dma_start3A_1764 = arith.constant 0 : i32
    %dma_start3A_1765 = tpu.memref_slice %arg7[%dma_start3A_1760, %dma_start3A_1764] : memref<49x128xi32, #tpu.memory_space<vmem>> -> memref<1x128xi32, #tpu.memory_space<vmem>>
    %dma_start3A_1766 = tpu.memref_squeeze %dma_start3A_1765 : memref<1x128xi32, #tpu.memory_space<vmem>> -> memref<128xi32, #tpu.memory_space<vmem>>
    %dma_start3A_1767 = arith.constant 0 : i32
    %dma_start3A_1768 = tpu.memref_slice %arg16[%dma_start3A_1767] : memref<5120xf32, #tpu.memory_space<vmem_shared>> -> memref<5120xf32, #tpu.memory_space<vmem_shared>>
    tpu.enqueue_indirect_dma source(%dma_start3A_1763 : memref<128xf32, #tpu.memory_space<vmem>>) target(%dma_start3A_1768 : memref<5120xf32, #tpu.memory_space<vmem_shared>>) offsets(%dma_start3A_1766 : memref<128xi32, #tpu.memory_space<vmem>>) semaphore(%arg18 : memref<!tpu.dma_semaphore, #tpu.memory_space<semaphore_mem>>) {add = true}
    %dma_start3A_1769 = arith.constant 44 : i32
    %dma_start3A_1770 = arith.constant 44 : i32
    %dma_start3A_1771 = arith.constant 0 : i32
    %dma_start3A_1772 = tpu.memref_slice %arg9[%dma_start3A_1769, %dma_start3A_1771] : memref<49x128xf32, #tpu.memory_space<vmem>> -> memref<1x128xf32, #tpu.memory_space<vmem>>
    %dma_start3A_1773 = tpu.memref_squeeze %dma_start3A_1772 : memref<1x128xf32, #tpu.memory_space<vmem>> -> memref<128xf32, #tpu.memory_space<vmem>>
    %dma_start3A_1774 = arith.constant 0 : i32
    %dma_start3A_1775 = tpu.memref_slice %arg7[%dma_start3A_1770, %dma_start3A_1774] : memref<49x128xi32, #tpu.memory_space<vmem>> -> memref<1x128xi32, #tpu.memory_space<vmem>>
    %dma_start3A_1776 = tpu.memref_squeeze %dma_start3A_1775 : memref<1x128xi32, #tpu.memory_space<vmem>> -> memref<128xi32, #tpu.memory_space<vmem>>
    %dma_start3A_1777 = arith.constant 0 : i32
    %dma_start3A_1778 = tpu.memref_slice %arg17[%dma_start3A_1777] : memref<5120xf32, #tpu.memory_space<vmem_shared>> -> memref<5120xf32, #tpu.memory_space<vmem_shared>>
    tpu.enqueue_indirect_dma source(%dma_start3A_1773 : memref<128xf32, #tpu.memory_space<vmem>>) target(%dma_start3A_1778 : memref<5120xf32, #tpu.memory_space<vmem_shared>>) offsets(%dma_start3A_1776 : memref<128xi32, #tpu.memory_space<vmem>>) semaphore(%arg18 : memref<!tpu.dma_semaphore, #tpu.memory_space<semaphore_mem>>) {add = true}
    %dma_wait3A_1779 = arith.constant 40 : i32
    %dma_wait3A_1780 = arith.constant 40 : i32
    %dma_wait3A_1781 = arith.constant 0 : i32
    %dma_wait3A_1782 = tpu.memref_slice %arg8[%dma_wait3A_1779, %dma_wait3A_1781] : memref<49x128xf32, #tpu.memory_space<vmem>> -> memref<1x128xf32, #tpu.memory_space<vmem>>
    %dma_wait3A_1783 = tpu.memref_squeeze %dma_wait3A_1782 : memref<1x128xf32, #tpu.memory_space<vmem>> -> memref<128xf32, #tpu.memory_space<vmem>>
    %dma_wait3A_1784 = arith.constant 0 : i32
    %dma_wait3A_1785 = tpu.memref_slice %arg7[%dma_wait3A_1780, %dma_wait3A_1784] : memref<49x128xi32, #tpu.memory_space<vmem>> -> memref<1x128xi32, #tpu.memory_space<vmem>>
    %dma_wait3A_1786 = tpu.memref_squeeze %dma_wait3A_1785 : memref<1x128xi32, #tpu.memory_space<vmem>> -> memref<128xi32, #tpu.memory_space<vmem>>
    %dma_wait3A_1787 = arith.constant 0 : i32
    %dma_wait3A_1788 = tpu.memref_slice %arg16[%dma_wait3A_1787] : memref<5120xf32, #tpu.memory_space<vmem_shared>> -> memref<5120xf32, #tpu.memory_space<vmem_shared>>
    tpu.wait_indirect_dma semaphore(%arg18 : memref<!tpu.dma_semaphore, #tpu.memory_space<semaphore_mem>>) src(%dma_wait3A_1783 : memref<128xf32, #tpu.memory_space<vmem>>) dst(%dma_wait3A_1788 : memref<5120xf32, #tpu.memory_space<vmem_shared>>)
    %dma_wait3A_1789 = arith.constant 40 : i32
    %dma_wait3A_1790 = arith.constant 40 : i32
    %dma_wait3A_1791 = arith.constant 0 : i32
    %dma_wait3A_1792 = tpu.memref_slice %arg9[%dma_wait3A_1789, %dma_wait3A_1791] : memref<49x128xf32, #tpu.memory_space<vmem>> -> memref<1x128xf32, #tpu.memory_space<vmem>>
    %dma_wait3A_1793 = tpu.memref_squeeze %dma_wait3A_1792 : memref<1x128xf32, #tpu.memory_space<vmem>> -> memref<128xf32, #tpu.memory_space<vmem>>
    %dma_wait3A_1794 = arith.constant 0 : i32
    %dma_wait3A_1795 = tpu.memref_slice %arg7[%dma_wait3A_1790, %dma_wait3A_1794] : memref<49x128xi32, #tpu.memory_space<vmem>> -> memref<1x128xi32, #tpu.memory_space<vmem>>
    %dma_wait3A_1796 = tpu.memref_squeeze %dma_wait3A_1795 : memref<1x128xi32, #tpu.memory_space<vmem>> -> memref<128xi32, #tpu.memory_space<vmem>>
    %dma_wait3A_1797 = arith.constant 0 : i32
    %dma_wait3A_1798 = tpu.memref_slice %arg17[%dma_wait3A_1797] : memref<5120xf32, #tpu.memory_space<vmem_shared>> -> memref<5120xf32, #tpu.memory_space<vmem_shared>>
    tpu.wait_indirect_dma semaphore(%arg18 : memref<!tpu.dma_semaphore, #tpu.memory_space<semaphore_mem>>) src(%dma_wait3A_1793 : memref<128xf32, #tpu.memory_space<vmem>>) dst(%dma_wait3A_1798 : memref<5120xf32, #tpu.memory_space<vmem_shared>>)
    %dma_start3A_1799 = arith.constant 45 : i32
    %dma_start3A_1800 = arith.constant 45 : i32
    %dma_start3A_1801 = arith.constant 0 : i32
    %dma_start3A_1802 = tpu.memref_slice %arg8[%dma_start3A_1799, %dma_start3A_1801] : memref<49x128xf32, #tpu.memory_space<vmem>> -> memref<1x128xf32, #tpu.memory_space<vmem>>
    %dma_start3A_1803 = tpu.memref_squeeze %dma_start3A_1802 : memref<1x128xf32, #tpu.memory_space<vmem>> -> memref<128xf32, #tpu.memory_space<vmem>>
    %dma_start3A_1804 = arith.constant 0 : i32
    %dma_start3A_1805 = tpu.memref_slice %arg7[%dma_start3A_1800, %dma_start3A_1804] : memref<49x128xi32, #tpu.memory_space<vmem>> -> memref<1x128xi32, #tpu.memory_space<vmem>>
    %dma_start3A_1806 = tpu.memref_squeeze %dma_start3A_1805 : memref<1x128xi32, #tpu.memory_space<vmem>> -> memref<128xi32, #tpu.memory_space<vmem>>
    %dma_start3A_1807 = arith.constant 0 : i32
    %dma_start3A_1808 = tpu.memref_slice %arg16[%dma_start3A_1807] : memref<5120xf32, #tpu.memory_space<vmem_shared>> -> memref<5120xf32, #tpu.memory_space<vmem_shared>>
    tpu.enqueue_indirect_dma source(%dma_start3A_1803 : memref<128xf32, #tpu.memory_space<vmem>>) target(%dma_start3A_1808 : memref<5120xf32, #tpu.memory_space<vmem_shared>>) offsets(%dma_start3A_1806 : memref<128xi32, #tpu.memory_space<vmem>>) semaphore(%arg18 : memref<!tpu.dma_semaphore, #tpu.memory_space<semaphore_mem>>) {add = true}
    %dma_start3A_1809 = arith.constant 45 : i32
    %dma_start3A_1810 = arith.constant 45 : i32
    %dma_start3A_1811 = arith.constant 0 : i32
    %dma_start3A_1812 = tpu.memref_slice %arg9[%dma_start3A_1809, %dma_start3A_1811] : memref<49x128xf32, #tpu.memory_space<vmem>> -> memref<1x128xf32, #tpu.memory_space<vmem>>
    %dma_start3A_1813 = tpu.memref_squeeze %dma_start3A_1812 : memref<1x128xf32, #tpu.memory_space<vmem>> -> memref<128xf32, #tpu.memory_space<vmem>>
    %dma_start3A_1814 = arith.constant 0 : i32
    %dma_start3A_1815 = tpu.memref_slice %arg7[%dma_start3A_1810, %dma_start3A_1814] : memref<49x128xi32, #tpu.memory_space<vmem>> -> memref<1x128xi32, #tpu.memory_space<vmem>>
    %dma_start3A_1816 = tpu.memref_squeeze %dma_start3A_1815 : memref<1x128xi32, #tpu.memory_space<vmem>> -> memref<128xi32, #tpu.memory_space<vmem>>
    %dma_start3A_1817 = arith.constant 0 : i32
    %dma_start3A_1818 = tpu.memref_slice %arg17[%dma_start3A_1817] : memref<5120xf32, #tpu.memory_space<vmem_shared>> -> memref<5120xf32, #tpu.memory_space<vmem_shared>>
    tpu.enqueue_indirect_dma source(%dma_start3A_1813 : memref<128xf32, #tpu.memory_space<vmem>>) target(%dma_start3A_1818 : memref<5120xf32, #tpu.memory_space<vmem_shared>>) offsets(%dma_start3A_1816 : memref<128xi32, #tpu.memory_space<vmem>>) semaphore(%arg18 : memref<!tpu.dma_semaphore, #tpu.memory_space<semaphore_mem>>) {add = true}
    %dma_wait3A_1819 = arith.constant 41 : i32
    %dma_wait3A_1820 = arith.constant 41 : i32
    %dma_wait3A_1821 = arith.constant 0 : i32
    %dma_wait3A_1822 = tpu.memref_slice %arg8[%dma_wait3A_1819, %dma_wait3A_1821] : memref<49x128xf32, #tpu.memory_space<vmem>> -> memref<1x128xf32, #tpu.memory_space<vmem>>
    %dma_wait3A_1823 = tpu.memref_squeeze %dma_wait3A_1822 : memref<1x128xf32, #tpu.memory_space<vmem>> -> memref<128xf32, #tpu.memory_space<vmem>>
    %dma_wait3A_1824 = arith.constant 0 : i32
    %dma_wait3A_1825 = tpu.memref_slice %arg7[%dma_wait3A_1820, %dma_wait3A_1824] : memref<49x128xi32, #tpu.memory_space<vmem>> -> memref<1x128xi32, #tpu.memory_space<vmem>>
    %dma_wait3A_1826 = tpu.memref_squeeze %dma_wait3A_1825 : memref<1x128xi32, #tpu.memory_space<vmem>> -> memref<128xi32, #tpu.memory_space<vmem>>
    %dma_wait3A_1827 = arith.constant 0 : i32
    %dma_wait3A_1828 = tpu.memref_slice %arg16[%dma_wait3A_1827] : memref<5120xf32, #tpu.memory_space<vmem_shared>> -> memref<5120xf32, #tpu.memory_space<vmem_shared>>
    tpu.wait_indirect_dma semaphore(%arg18 : memref<!tpu.dma_semaphore, #tpu.memory_space<semaphore_mem>>) src(%dma_wait3A_1823 : memref<128xf32, #tpu.memory_space<vmem>>) dst(%dma_wait3A_1828 : memref<5120xf32, #tpu.memory_space<vmem_shared>>)
    %dma_wait3A_1829 = arith.constant 41 : i32
    %dma_wait3A_1830 = arith.constant 41 : i32
    %dma_wait3A_1831 = arith.constant 0 : i32
    %dma_wait3A_1832 = tpu.memref_slice %arg9[%dma_wait3A_1829, %dma_wait3A_1831] : memref<49x128xf32, #tpu.memory_space<vmem>> -> memref<1x128xf32, #tpu.memory_space<vmem>>
    %dma_wait3A_1833 = tpu.memref_squeeze %dma_wait3A_1832 : memref<1x128xf32, #tpu.memory_space<vmem>> -> memref<128xf32, #tpu.memory_space<vmem>>
    %dma_wait3A_1834 = arith.constant 0 : i32
    %dma_wait3A_1835 = tpu.memref_slice %arg7[%dma_wait3A_1830, %dma_wait3A_1834] : memref<49x128xi32, #tpu.memory_space<vmem>> -> memref<1x128xi32, #tpu.memory_space<vmem>>
    %dma_wait3A_1836 = tpu.memref_squeeze %dma_wait3A_1835 : memref<1x128xi32, #tpu.memory_space<vmem>> -> memref<128xi32, #tpu.memory_space<vmem>>
    %dma_wait3A_1837 = arith.constant 0 : i32
    %dma_wait3A_1838 = tpu.memref_slice %arg17[%dma_wait3A_1837] : memref<5120xf32, #tpu.memory_space<vmem_shared>> -> memref<5120xf32, #tpu.memory_space<vmem_shared>>
    tpu.wait_indirect_dma semaphore(%arg18 : memref<!tpu.dma_semaphore, #tpu.memory_space<semaphore_mem>>) src(%dma_wait3A_1833 : memref<128xf32, #tpu.memory_space<vmem>>) dst(%dma_wait3A_1838 : memref<5120xf32, #tpu.memory_space<vmem_shared>>)
    %dma_start3A_1839 = arith.constant 46 : i32
    %dma_start3A_1840 = arith.constant 46 : i32
    %dma_start3A_1841 = arith.constant 0 : i32
    %dma_start3A_1842 = tpu.memref_slice %arg8[%dma_start3A_1839, %dma_start3A_1841] : memref<49x128xf32, #tpu.memory_space<vmem>> -> memref<1x128xf32, #tpu.memory_space<vmem>>
    %dma_start3A_1843 = tpu.memref_squeeze %dma_start3A_1842 : memref<1x128xf32, #tpu.memory_space<vmem>> -> memref<128xf32, #tpu.memory_space<vmem>>
    %dma_start3A_1844 = arith.constant 0 : i32
    %dma_start3A_1845 = tpu.memref_slice %arg7[%dma_start3A_1840, %dma_start3A_1844] : memref<49x128xi32, #tpu.memory_space<vmem>> -> memref<1x128xi32, #tpu.memory_space<vmem>>
    %dma_start3A_1846 = tpu.memref_squeeze %dma_start3A_1845 : memref<1x128xi32, #tpu.memory_space<vmem>> -> memref<128xi32, #tpu.memory_space<vmem>>
    %dma_start3A_1847 = arith.constant 0 : i32
    %dma_start3A_1848 = tpu.memref_slice %arg16[%dma_start3A_1847] : memref<5120xf32, #tpu.memory_space<vmem_shared>> -> memref<5120xf32, #tpu.memory_space<vmem_shared>>
    tpu.enqueue_indirect_dma source(%dma_start3A_1843 : memref<128xf32, #tpu.memory_space<vmem>>) target(%dma_start3A_1848 : memref<5120xf32, #tpu.memory_space<vmem_shared>>) offsets(%dma_start3A_1846 : memref<128xi32, #tpu.memory_space<vmem>>) semaphore(%arg18 : memref<!tpu.dma_semaphore, #tpu.memory_space<semaphore_mem>>) {add = true}
    %dma_start3A_1849 = arith.constant 46 : i32
    %dma_start3A_1850 = arith.constant 46 : i32
    %dma_start3A_1851 = arith.constant 0 : i32
    %dma_start3A_1852 = tpu.memref_slice %arg9[%dma_start3A_1849, %dma_start3A_1851] : memref<49x128xf32, #tpu.memory_space<vmem>> -> memref<1x128xf32, #tpu.memory_space<vmem>>
    %dma_start3A_1853 = tpu.memref_squeeze %dma_start3A_1852 : memref<1x128xf32, #tpu.memory_space<vmem>> -> memref<128xf32, #tpu.memory_space<vmem>>
    %dma_start3A_1854 = arith.constant 0 : i32
    %dma_start3A_1855 = tpu.memref_slice %arg7[%dma_start3A_1850, %dma_start3A_1854] : memref<49x128xi32, #tpu.memory_space<vmem>> -> memref<1x128xi32, #tpu.memory_space<vmem>>
    %dma_start3A_1856 = tpu.memref_squeeze %dma_start3A_1855 : memref<1x128xi32, #tpu.memory_space<vmem>> -> memref<128xi32, #tpu.memory_space<vmem>>
    %dma_start3A_1857 = arith.constant 0 : i32
    %dma_start3A_1858 = tpu.memref_slice %arg17[%dma_start3A_1857] : memref<5120xf32, #tpu.memory_space<vmem_shared>> -> memref<5120xf32, #tpu.memory_space<vmem_shared>>
    tpu.enqueue_indirect_dma source(%dma_start3A_1853 : memref<128xf32, #tpu.memory_space<vmem>>) target(%dma_start3A_1858 : memref<5120xf32, #tpu.memory_space<vmem_shared>>) offsets(%dma_start3A_1856 : memref<128xi32, #tpu.memory_space<vmem>>) semaphore(%arg18 : memref<!tpu.dma_semaphore, #tpu.memory_space<semaphore_mem>>) {add = true}
    %dma_wait3A_1859 = arith.constant 42 : i32
    %dma_wait3A_1860 = arith.constant 42 : i32
    %dma_wait3A_1861 = arith.constant 0 : i32
    %dma_wait3A_1862 = tpu.memref_slice %arg8[%dma_wait3A_1859, %dma_wait3A_1861] : memref<49x128xf32, #tpu.memory_space<vmem>> -> memref<1x128xf32, #tpu.memory_space<vmem>>
    %dma_wait3A_1863 = tpu.memref_squeeze %dma_wait3A_1862 : memref<1x128xf32, #tpu.memory_space<vmem>> -> memref<128xf32, #tpu.memory_space<vmem>>
    %dma_wait3A_1864 = arith.constant 0 : i32
    %dma_wait3A_1865 = tpu.memref_slice %arg7[%dma_wait3A_1860, %dma_wait3A_1864] : memref<49x128xi32, #tpu.memory_space<vmem>> -> memref<1x128xi32, #tpu.memory_space<vmem>>
    %dma_wait3A_1866 = tpu.memref_squeeze %dma_wait3A_1865 : memref<1x128xi32, #tpu.memory_space<vmem>> -> memref<128xi32, #tpu.memory_space<vmem>>
    %dma_wait3A_1867 = arith.constant 0 : i32
    %dma_wait3A_1868 = tpu.memref_slice %arg16[%dma_wait3A_1867] : memref<5120xf32, #tpu.memory_space<vmem_shared>> -> memref<5120xf32, #tpu.memory_space<vmem_shared>>
    tpu.wait_indirect_dma semaphore(%arg18 : memref<!tpu.dma_semaphore, #tpu.memory_space<semaphore_mem>>) src(%dma_wait3A_1863 : memref<128xf32, #tpu.memory_space<vmem>>) dst(%dma_wait3A_1868 : memref<5120xf32, #tpu.memory_space<vmem_shared>>)
    %dma_wait3A_1869 = arith.constant 42 : i32
    %dma_wait3A_1870 = arith.constant 42 : i32
    %dma_wait3A_1871 = arith.constant 0 : i32
    %dma_wait3A_1872 = tpu.memref_slice %arg9[%dma_wait3A_1869, %dma_wait3A_1871] : memref<49x128xf32, #tpu.memory_space<vmem>> -> memref<1x128xf32, #tpu.memory_space<vmem>>
    %dma_wait3A_1873 = tpu.memref_squeeze %dma_wait3A_1872 : memref<1x128xf32, #tpu.memory_space<vmem>> -> memref<128xf32, #tpu.memory_space<vmem>>
    %dma_wait3A_1874 = arith.constant 0 : i32
    %dma_wait3A_1875 = tpu.memref_slice %arg7[%dma_wait3A_1870, %dma_wait3A_1874] : memref<49x128xi32, #tpu.memory_space<vmem>> -> memref<1x128xi32, #tpu.memory_space<vmem>>
    %dma_wait3A_1876 = tpu.memref_squeeze %dma_wait3A_1875 : memref<1x128xi32, #tpu.memory_space<vmem>> -> memref<128xi32, #tpu.memory_space<vmem>>
    %dma_wait3A_1877 = arith.constant 0 : i32
    %dma_wait3A_1878 = tpu.memref_slice %arg17[%dma_wait3A_1877] : memref<5120xf32, #tpu.memory_space<vmem_shared>> -> memref<5120xf32, #tpu.memory_space<vmem_shared>>
    tpu.wait_indirect_dma semaphore(%arg18 : memref<!tpu.dma_semaphore, #tpu.memory_space<semaphore_mem>>) src(%dma_wait3A_1873 : memref<128xf32, #tpu.memory_space<vmem>>) dst(%dma_wait3A_1878 : memref<5120xf32, #tpu.memory_space<vmem_shared>>)
    %dma_start3A_1879 = arith.constant 47 : i32
    %dma_start3A_1880 = arith.constant 47 : i32
    %dma_start3A_1881 = arith.constant 0 : i32
    %dma_start3A_1882 = tpu.memref_slice %arg8[%dma_start3A_1879, %dma_start3A_1881] : memref<49x128xf32, #tpu.memory_space<vmem>> -> memref<1x128xf32, #tpu.memory_space<vmem>>
    %dma_start3A_1883 = tpu.memref_squeeze %dma_start3A_1882 : memref<1x128xf32, #tpu.memory_space<vmem>> -> memref<128xf32, #tpu.memory_space<vmem>>
    %dma_start3A_1884 = arith.constant 0 : i32
    %dma_start3A_1885 = tpu.memref_slice %arg7[%dma_start3A_1880, %dma_start3A_1884] : memref<49x128xi32, #tpu.memory_space<vmem>> -> memref<1x128xi32, #tpu.memory_space<vmem>>
    %dma_start3A_1886 = tpu.memref_squeeze %dma_start3A_1885 : memref<1x128xi32, #tpu.memory_space<vmem>> -> memref<128xi32, #tpu.memory_space<vmem>>
    %dma_start3A_1887 = arith.constant 0 : i32
    %dma_start3A_1888 = tpu.memref_slice %arg16[%dma_start3A_1887] : memref<5120xf32, #tpu.memory_space<vmem_shared>> -> memref<5120xf32, #tpu.memory_space<vmem_shared>>
    tpu.enqueue_indirect_dma source(%dma_start3A_1883 : memref<128xf32, #tpu.memory_space<vmem>>) target(%dma_start3A_1888 : memref<5120xf32, #tpu.memory_space<vmem_shared>>) offsets(%dma_start3A_1886 : memref<128xi32, #tpu.memory_space<vmem>>) semaphore(%arg18 : memref<!tpu.dma_semaphore, #tpu.memory_space<semaphore_mem>>) {add = true}
    %dma_start3A_1889 = arith.constant 47 : i32
    %dma_start3A_1890 = arith.constant 47 : i32
    %dma_start3A_1891 = arith.constant 0 : i32
    %dma_start3A_1892 = tpu.memref_slice %arg9[%dma_start3A_1889, %dma_start3A_1891] : memref<49x128xf32, #tpu.memory_space<vmem>> -> memref<1x128xf32, #tpu.memory_space<vmem>>
    %dma_start3A_1893 = tpu.memref_squeeze %dma_start3A_1892 : memref<1x128xf32, #tpu.memory_space<vmem>> -> memref<128xf32, #tpu.memory_space<vmem>>
    %dma_start3A_1894 = arith.constant 0 : i32
    %dma_start3A_1895 = tpu.memref_slice %arg7[%dma_start3A_1890, %dma_start3A_1894] : memref<49x128xi32, #tpu.memory_space<vmem>> -> memref<1x128xi32, #tpu.memory_space<vmem>>
    %dma_start3A_1896 = tpu.memref_squeeze %dma_start3A_1895 : memref<1x128xi32, #tpu.memory_space<vmem>> -> memref<128xi32, #tpu.memory_space<vmem>>
    %dma_start3A_1897 = arith.constant 0 : i32
    %dma_start3A_1898 = tpu.memref_slice %arg17[%dma_start3A_1897] : memref<5120xf32, #tpu.memory_space<vmem_shared>> -> memref<5120xf32, #tpu.memory_space<vmem_shared>>
    tpu.enqueue_indirect_dma source(%dma_start3A_1893 : memref<128xf32, #tpu.memory_space<vmem>>) target(%dma_start3A_1898 : memref<5120xf32, #tpu.memory_space<vmem_shared>>) offsets(%dma_start3A_1896 : memref<128xi32, #tpu.memory_space<vmem>>) semaphore(%arg18 : memref<!tpu.dma_semaphore, #tpu.memory_space<semaphore_mem>>) {add = true}
    %dma_wait3A_1899 = arith.constant 43 : i32
    %dma_wait3A_1900 = arith.constant 43 : i32
    %dma_wait3A_1901 = arith.constant 0 : i32
    %dma_wait3A_1902 = tpu.memref_slice %arg8[%dma_wait3A_1899, %dma_wait3A_1901] : memref<49x128xf32, #tpu.memory_space<vmem>> -> memref<1x128xf32, #tpu.memory_space<vmem>>
    %dma_wait3A_1903 = tpu.memref_squeeze %dma_wait3A_1902 : memref<1x128xf32, #tpu.memory_space<vmem>> -> memref<128xf32, #tpu.memory_space<vmem>>
    %dma_wait3A_1904 = arith.constant 0 : i32
    %dma_wait3A_1905 = tpu.memref_slice %arg7[%dma_wait3A_1900, %dma_wait3A_1904] : memref<49x128xi32, #tpu.memory_space<vmem>> -> memref<1x128xi32, #tpu.memory_space<vmem>>
    %dma_wait3A_1906 = tpu.memref_squeeze %dma_wait3A_1905 : memref<1x128xi32, #tpu.memory_space<vmem>> -> memref<128xi32, #tpu.memory_space<vmem>>
    %dma_wait3A_1907 = arith.constant 0 : i32
    %dma_wait3A_1908 = tpu.memref_slice %arg16[%dma_wait3A_1907] : memref<5120xf32, #tpu.memory_space<vmem_shared>> -> memref<5120xf32, #tpu.memory_space<vmem_shared>>
    tpu.wait_indirect_dma semaphore(%arg18 : memref<!tpu.dma_semaphore, #tpu.memory_space<semaphore_mem>>) src(%dma_wait3A_1903 : memref<128xf32, #tpu.memory_space<vmem>>) dst(%dma_wait3A_1908 : memref<5120xf32, #tpu.memory_space<vmem_shared>>)
    %dma_wait3A_1909 = arith.constant 43 : i32
    %dma_wait3A_1910 = arith.constant 43 : i32
    %dma_wait3A_1911 = arith.constant 0 : i32
    %dma_wait3A_1912 = tpu.memref_slice %arg9[%dma_wait3A_1909, %dma_wait3A_1911] : memref<49x128xf32, #tpu.memory_space<vmem>> -> memref<1x128xf32, #tpu.memory_space<vmem>>
    %dma_wait3A_1913 = tpu.memref_squeeze %dma_wait3A_1912 : memref<1x128xf32, #tpu.memory_space<vmem>> -> memref<128xf32, #tpu.memory_space<vmem>>
    %dma_wait3A_1914 = arith.constant 0 : i32
    %dma_wait3A_1915 = tpu.memref_slice %arg7[%dma_wait3A_1910, %dma_wait3A_1914] : memref<49x128xi32, #tpu.memory_space<vmem>> -> memref<1x128xi32, #tpu.memory_space<vmem>>
    %dma_wait3A_1916 = tpu.memref_squeeze %dma_wait3A_1915 : memref<1x128xi32, #tpu.memory_space<vmem>> -> memref<128xi32, #tpu.memory_space<vmem>>
    %dma_wait3A_1917 = arith.constant 0 : i32
    %dma_wait3A_1918 = tpu.memref_slice %arg17[%dma_wait3A_1917] : memref<5120xf32, #tpu.memory_space<vmem_shared>> -> memref<5120xf32, #tpu.memory_space<vmem_shared>>
    tpu.wait_indirect_dma semaphore(%arg18 : memref<!tpu.dma_semaphore, #tpu.memory_space<semaphore_mem>>) src(%dma_wait3A_1913 : memref<128xf32, #tpu.memory_space<vmem>>) dst(%dma_wait3A_1918 : memref<5120xf32, #tpu.memory_space<vmem_shared>>)
    %dma_start3A_1919 = arith.constant 48 : i32
    %dma_start3A_1920 = arith.constant 48 : i32
    %dma_start3A_1921 = arith.constant 0 : i32
    %dma_start3A_1922 = tpu.memref_slice %arg8[%dma_start3A_1919, %dma_start3A_1921] : memref<49x128xf32, #tpu.memory_space<vmem>> -> memref<1x128xf32, #tpu.memory_space<vmem>>
    %dma_start3A_1923 = tpu.memref_squeeze %dma_start3A_1922 : memref<1x128xf32, #tpu.memory_space<vmem>> -> memref<128xf32, #tpu.memory_space<vmem>>
    %dma_start3A_1924 = arith.constant 0 : i32
    %dma_start3A_1925 = tpu.memref_slice %arg7[%dma_start3A_1920, %dma_start3A_1924] : memref<49x128xi32, #tpu.memory_space<vmem>> -> memref<1x128xi32, #tpu.memory_space<vmem>>
    %dma_start3A_1926 = tpu.memref_squeeze %dma_start3A_1925 : memref<1x128xi32, #tpu.memory_space<vmem>> -> memref<128xi32, #tpu.memory_space<vmem>>
    %dma_start3A_1927 = arith.constant 0 : i32
    %dma_start3A_1928 = tpu.memref_slice %arg16[%dma_start3A_1927] : memref<5120xf32, #tpu.memory_space<vmem_shared>> -> memref<5120xf32, #tpu.memory_space<vmem_shared>>
    tpu.enqueue_indirect_dma source(%dma_start3A_1923 : memref<128xf32, #tpu.memory_space<vmem>>) target(%dma_start3A_1928 : memref<5120xf32, #tpu.memory_space<vmem_shared>>) offsets(%dma_start3A_1926 : memref<128xi32, #tpu.memory_space<vmem>>) semaphore(%arg18 : memref<!tpu.dma_semaphore, #tpu.memory_space<semaphore_mem>>) {add = true}
    %dma_start3A_1929 = arith.constant 48 : i32
    %dma_start3A_1930 = arith.constant 48 : i32
    %dma_start3A_1931 = arith.constant 0 : i32
    %dma_start3A_1932 = tpu.memref_slice %arg9[%dma_start3A_1929, %dma_start3A_1931] : memref<49x128xf32, #tpu.memory_space<vmem>> -> memref<1x128xf32, #tpu.memory_space<vmem>>
    %dma_start3A_1933 = tpu.memref_squeeze %dma_start3A_1932 : memref<1x128xf32, #tpu.memory_space<vmem>> -> memref<128xf32, #tpu.memory_space<vmem>>
    %dma_start3A_1934 = arith.constant 0 : i32
    %dma_start3A_1935 = tpu.memref_slice %arg7[%dma_start3A_1930, %dma_start3A_1934] : memref<49x128xi32, #tpu.memory_space<vmem>> -> memref<1x128xi32, #tpu.memory_space<vmem>>
    %dma_start3A_1936 = tpu.memref_squeeze %dma_start3A_1935 : memref<1x128xi32, #tpu.memory_space<vmem>> -> memref<128xi32, #tpu.memory_space<vmem>>
    %dma_start3A_1937 = arith.constant 0 : i32
    %dma_start3A_1938 = tpu.memref_slice %arg17[%dma_start3A_1937] : memref<5120xf32, #tpu.memory_space<vmem_shared>> -> memref<5120xf32, #tpu.memory_space<vmem_shared>>
    tpu.enqueue_indirect_dma source(%dma_start3A_1933 : memref<128xf32, #tpu.memory_space<vmem>>) target(%dma_start3A_1938 : memref<5120xf32, #tpu.memory_space<vmem_shared>>) offsets(%dma_start3A_1936 : memref<128xi32, #tpu.memory_space<vmem>>) semaphore(%arg18 : memref<!tpu.dma_semaphore, #tpu.memory_space<semaphore_mem>>) {add = true}
    %dma_wait3A_1939 = arith.constant 44 : i32
    %dma_wait3A_1940 = arith.constant 44 : i32
    %dma_wait3A_1941 = arith.constant 0 : i32
    %dma_wait3A_1942 = tpu.memref_slice %arg8[%dma_wait3A_1939, %dma_wait3A_1941] : memref<49x128xf32, #tpu.memory_space<vmem>> -> memref<1x128xf32, #tpu.memory_space<vmem>>
    %dma_wait3A_1943 = tpu.memref_squeeze %dma_wait3A_1942 : memref<1x128xf32, #tpu.memory_space<vmem>> -> memref<128xf32, #tpu.memory_space<vmem>>
    %dma_wait3A_1944 = arith.constant 0 : i32
    %dma_wait3A_1945 = tpu.memref_slice %arg7[%dma_wait3A_1940, %dma_wait3A_1944] : memref<49x128xi32, #tpu.memory_space<vmem>> -> memref<1x128xi32, #tpu.memory_space<vmem>>
    %dma_wait3A_1946 = tpu.memref_squeeze %dma_wait3A_1945 : memref<1x128xi32, #tpu.memory_space<vmem>> -> memref<128xi32, #tpu.memory_space<vmem>>
    %dma_wait3A_1947 = arith.constant 0 : i32
    %dma_wait3A_1948 = tpu.memref_slice %arg16[%dma_wait3A_1947] : memref<5120xf32, #tpu.memory_space<vmem_shared>> -> memref<5120xf32, #tpu.memory_space<vmem_shared>>
    tpu.wait_indirect_dma semaphore(%arg18 : memref<!tpu.dma_semaphore, #tpu.memory_space<semaphore_mem>>) src(%dma_wait3A_1943 : memref<128xf32, #tpu.memory_space<vmem>>) dst(%dma_wait3A_1948 : memref<5120xf32, #tpu.memory_space<vmem_shared>>)
    %dma_wait3A_1949 = arith.constant 44 : i32
    %dma_wait3A_1950 = arith.constant 44 : i32
    %dma_wait3A_1951 = arith.constant 0 : i32
    %dma_wait3A_1952 = tpu.memref_slice %arg9[%dma_wait3A_1949, %dma_wait3A_1951] : memref<49x128xf32, #tpu.memory_space<vmem>> -> memref<1x128xf32, #tpu.memory_space<vmem>>
    %dma_wait3A_1953 = tpu.memref_squeeze %dma_wait3A_1952 : memref<1x128xf32, #tpu.memory_space<vmem>> -> memref<128xf32, #tpu.memory_space<vmem>>
    %dma_wait3A_1954 = arith.constant 0 : i32
    %dma_wait3A_1955 = tpu.memref_slice %arg7[%dma_wait3A_1950, %dma_wait3A_1954] : memref<49x128xi32, #tpu.memory_space<vmem>> -> memref<1x128xi32, #tpu.memory_space<vmem>>
    %dma_wait3A_1956 = tpu.memref_squeeze %dma_wait3A_1955 : memref<1x128xi32, #tpu.memory_space<vmem>> -> memref<128xi32, #tpu.memory_space<vmem>>
    %dma_wait3A_1957 = arith.constant 0 : i32
    %dma_wait3A_1958 = tpu.memref_slice %arg17[%dma_wait3A_1957] : memref<5120xf32, #tpu.memory_space<vmem_shared>> -> memref<5120xf32, #tpu.memory_space<vmem_shared>>
    tpu.wait_indirect_dma semaphore(%arg18 : memref<!tpu.dma_semaphore, #tpu.memory_space<semaphore_mem>>) src(%dma_wait3A_1953 : memref<128xf32, #tpu.memory_space<vmem>>) dst(%dma_wait3A_1958 : memref<5120xf32, #tpu.memory_space<vmem_shared>>)
    %dma_wait3A_1959 = arith.constant 45 : i32
    %dma_wait3A_1960 = arith.constant 45 : i32
    %dma_wait3A_1961 = arith.constant 0 : i32
    %dma_wait3A_1962 = tpu.memref_slice %arg8[%dma_wait3A_1959, %dma_wait3A_1961] : memref<49x128xf32, #tpu.memory_space<vmem>> -> memref<1x128xf32, #tpu.memory_space<vmem>>
    %dma_wait3A_1963 = tpu.memref_squeeze %dma_wait3A_1962 : memref<1x128xf32, #tpu.memory_space<vmem>> -> memref<128xf32, #tpu.memory_space<vmem>>
    %dma_wait3A_1964 = arith.constant 0 : i32
    %dma_wait3A_1965 = tpu.memref_slice %arg7[%dma_wait3A_1960, %dma_wait3A_1964] : memref<49x128xi32, #tpu.memory_space<vmem>> -> memref<1x128xi32, #tpu.memory_space<vmem>>
    %dma_wait3A_1966 = tpu.memref_squeeze %dma_wait3A_1965 : memref<1x128xi32, #tpu.memory_space<vmem>> -> memref<128xi32, #tpu.memory_space<vmem>>
    %dma_wait3A_1967 = arith.constant 0 : i32
    %dma_wait3A_1968 = tpu.memref_slice %arg16[%dma_wait3A_1967] : memref<5120xf32, #tpu.memory_space<vmem_shared>> -> memref<5120xf32, #tpu.memory_space<vmem_shared>>
    tpu.wait_indirect_dma semaphore(%arg18 : memref<!tpu.dma_semaphore, #tpu.memory_space<semaphore_mem>>) src(%dma_wait3A_1963 : memref<128xf32, #tpu.memory_space<vmem>>) dst(%dma_wait3A_1968 : memref<5120xf32, #tpu.memory_space<vmem_shared>>)
    %dma_wait3A_1969 = arith.constant 45 : i32
    %dma_wait3A_1970 = arith.constant 45 : i32
    %dma_wait3A_1971 = arith.constant 0 : i32
    %dma_wait3A_1972 = tpu.memref_slice %arg9[%dma_wait3A_1969, %dma_wait3A_1971] : memref<49x128xf32, #tpu.memory_space<vmem>> -> memref<1x128xf32, #tpu.memory_space<vmem>>
    %dma_wait3A_1973 = tpu.memref_squeeze %dma_wait3A_1972 : memref<1x128xf32, #tpu.memory_space<vmem>> -> memref<128xf32, #tpu.memory_space<vmem>>
    %dma_wait3A_1974 = arith.constant 0 : i32
    %dma_wait3A_1975 = tpu.memref_slice %arg7[%dma_wait3A_1970, %dma_wait3A_1974] : memref<49x128xi32, #tpu.memory_space<vmem>> -> memref<1x128xi32, #tpu.memory_space<vmem>>
    %dma_wait3A_1976 = tpu.memref_squeeze %dma_wait3A_1975 : memref<1x128xi32, #tpu.memory_space<vmem>> -> memref<128xi32, #tpu.memory_space<vmem>>
    %dma_wait3A_1977 = arith.constant 0 : i32
    %dma_wait3A_1978 = tpu.memref_slice %arg17[%dma_wait3A_1977] : memref<5120xf32, #tpu.memory_space<vmem_shared>> -> memref<5120xf32, #tpu.memory_space<vmem_shared>>
    tpu.wait_indirect_dma semaphore(%arg18 : memref<!tpu.dma_semaphore, #tpu.memory_space<semaphore_mem>>) src(%dma_wait3A_1973 : memref<128xf32, #tpu.memory_space<vmem>>) dst(%dma_wait3A_1978 : memref<5120xf32, #tpu.memory_space<vmem_shared>>)
    %dma_wait3A_1979 = arith.constant 46 : i32
    %dma_wait3A_1980 = arith.constant 46 : i32
    %dma_wait3A_1981 = arith.constant 0 : i32
    %dma_wait3A_1982 = tpu.memref_slice %arg8[%dma_wait3A_1979, %dma_wait3A_1981] : memref<49x128xf32, #tpu.memory_space<vmem>> -> memref<1x128xf32, #tpu.memory_space<vmem>>
    %dma_wait3A_1983 = tpu.memref_squeeze %dma_wait3A_1982 : memref<1x128xf32, #tpu.memory_space<vmem>> -> memref<128xf32, #tpu.memory_space<vmem>>
    %dma_wait3A_1984 = arith.constant 0 : i32
    %dma_wait3A_1985 = tpu.memref_slice %arg7[%dma_wait3A_1980, %dma_wait3A_1984] : memref<49x128xi32, #tpu.memory_space<vmem>> -> memref<1x128xi32, #tpu.memory_space<vmem>>
    %dma_wait3A_1986 = tpu.memref_squeeze %dma_wait3A_1985 : memref<1x128xi32, #tpu.memory_space<vmem>> -> memref<128xi32, #tpu.memory_space<vmem>>
    %dma_wait3A_1987 = arith.constant 0 : i32
    %dma_wait3A_1988 = tpu.memref_slice %arg16[%dma_wait3A_1987] : memref<5120xf32, #tpu.memory_space<vmem_shared>> -> memref<5120xf32, #tpu.memory_space<vmem_shared>>
    tpu.wait_indirect_dma semaphore(%arg18 : memref<!tpu.dma_semaphore, #tpu.memory_space<semaphore_mem>>) src(%dma_wait3A_1983 : memref<128xf32, #tpu.memory_space<vmem>>) dst(%dma_wait3A_1988 : memref<5120xf32, #tpu.memory_space<vmem_shared>>)
    %dma_wait3A_1989 = arith.constant 46 : i32
    %dma_wait3A_1990 = arith.constant 46 : i32
    %dma_wait3A_1991 = arith.constant 0 : i32
    %dma_wait3A_1992 = tpu.memref_slice %arg9[%dma_wait3A_1989, %dma_wait3A_1991] : memref<49x128xf32, #tpu.memory_space<vmem>> -> memref<1x128xf32, #tpu.memory_space<vmem>>
    %dma_wait3A_1993 = tpu.memref_squeeze %dma_wait3A_1992 : memref<1x128xf32, #tpu.memory_space<vmem>> -> memref<128xf32, #tpu.memory_space<vmem>>
    %dma_wait3A_1994 = arith.constant 0 : i32
    %dma_wait3A_1995 = tpu.memref_slice %arg7[%dma_wait3A_1990, %dma_wait3A_1994] : memref<49x128xi32, #tpu.memory_space<vmem>> -> memref<1x128xi32, #tpu.memory_space<vmem>>
    %dma_wait3A_1996 = tpu.memref_squeeze %dma_wait3A_1995 : memref<1x128xi32, #tpu.memory_space<vmem>> -> memref<128xi32, #tpu.memory_space<vmem>>
    %dma_wait3A_1997 = arith.constant 0 : i32
    %dma_wait3A_1998 = tpu.memref_slice %arg17[%dma_wait3A_1997] : memref<5120xf32, #tpu.memory_space<vmem_shared>> -> memref<5120xf32, #tpu.memory_space<vmem_shared>>
    tpu.wait_indirect_dma semaphore(%arg18 : memref<!tpu.dma_semaphore, #tpu.memory_space<semaphore_mem>>) src(%dma_wait3A_1993 : memref<128xf32, #tpu.memory_space<vmem>>) dst(%dma_wait3A_1998 : memref<5120xf32, #tpu.memory_space<vmem_shared>>)
    %dma_wait3A_1999 = arith.constant 47 : i32
    %dma_wait3A_2000 = arith.constant 47 : i32
    %dma_wait3A_2001 = arith.constant 0 : i32
    %dma_wait3A_2002 = tpu.memref_slice %arg8[%dma_wait3A_1999, %dma_wait3A_2001] : memref<49x128xf32, #tpu.memory_space<vmem>> -> memref<1x128xf32, #tpu.memory_space<vmem>>
    %dma_wait3A_2003 = tpu.memref_squeeze %dma_wait3A_2002 : memref<1x128xf32, #tpu.memory_space<vmem>> -> memref<128xf32, #tpu.memory_space<vmem>>
    %dma_wait3A_2004 = arith.constant 0 : i32
    %dma_wait3A_2005 = tpu.memref_slice %arg7[%dma_wait3A_2000, %dma_wait3A_2004] : memref<49x128xi32, #tpu.memory_space<vmem>> -> memref<1x128xi32, #tpu.memory_space<vmem>>
    %dma_wait3A_2006 = tpu.memref_squeeze %dma_wait3A_2005 : memref<1x128xi32, #tpu.memory_space<vmem>> -> memref<128xi32, #tpu.memory_space<vmem>>
    %dma_wait3A_2007 = arith.constant 0 : i32
    %dma_wait3A_2008 = tpu.memref_slice %arg16[%dma_wait3A_2007] : memref<5120xf32, #tpu.memory_space<vmem_shared>> -> memref<5120xf32, #tpu.memory_space<vmem_shared>>
    tpu.wait_indirect_dma semaphore(%arg18 : memref<!tpu.dma_semaphore, #tpu.memory_space<semaphore_mem>>) src(%dma_wait3A_2003 : memref<128xf32, #tpu.memory_space<vmem>>) dst(%dma_wait3A_2008 : memref<5120xf32, #tpu.memory_space<vmem_shared>>)
    %dma_wait3A_2009 = arith.constant 47 : i32
    %dma_wait3A_2010 = arith.constant 47 : i32
    %dma_wait3A_2011 = arith.constant 0 : i32
    %dma_wait3A_2012 = tpu.memref_slice %arg9[%dma_wait3A_2009, %dma_wait3A_2011] : memref<49x128xf32, #tpu.memory_space<vmem>> -> memref<1x128xf32, #tpu.memory_space<vmem>>
    %dma_wait3A_2013 = tpu.memref_squeeze %dma_wait3A_2012 : memref<1x128xf32, #tpu.memory_space<vmem>> -> memref<128xf32, #tpu.memory_space<vmem>>
    %dma_wait3A_2014 = arith.constant 0 : i32
    %dma_wait3A_2015 = tpu.memref_slice %arg7[%dma_wait3A_2010, %dma_wait3A_2014] : memref<49x128xi32, #tpu.memory_space<vmem>> -> memref<1x128xi32, #tpu.memory_space<vmem>>
    %dma_wait3A_2016 = tpu.memref_squeeze %dma_wait3A_2015 : memref<1x128xi32, #tpu.memory_space<vmem>> -> memref<128xi32, #tpu.memory_space<vmem>>
    %dma_wait3A_2017 = arith.constant 0 : i32
    %dma_wait3A_2018 = tpu.memref_slice %arg17[%dma_wait3A_2017] : memref<5120xf32, #tpu.memory_space<vmem_shared>> -> memref<5120xf32, #tpu.memory_space<vmem_shared>>
    tpu.wait_indirect_dma semaphore(%arg18 : memref<!tpu.dma_semaphore, #tpu.memory_space<semaphore_mem>>) src(%dma_wait3A_2013 : memref<128xf32, #tpu.memory_space<vmem>>) dst(%dma_wait3A_2018 : memref<5120xf32, #tpu.memory_space<vmem_shared>>)
    %dma_wait3A_2019 = arith.constant 48 : i32
    %dma_wait3A_2020 = arith.constant 48 : i32
    %dma_wait3A_2021 = arith.constant 0 : i32
    %dma_wait3A_2022 = tpu.memref_slice %arg8[%dma_wait3A_2019, %dma_wait3A_2021] : memref<49x128xf32, #tpu.memory_space<vmem>> -> memref<1x128xf32, #tpu.memory_space<vmem>>
    %dma_wait3A_2023 = tpu.memref_squeeze %dma_wait3A_2022 : memref<1x128xf32, #tpu.memory_space<vmem>> -> memref<128xf32, #tpu.memory_space<vmem>>
    %dma_wait3A_2024 = arith.constant 0 : i32
    %dma_wait3A_2025 = tpu.memref_slice %arg7[%dma_wait3A_2020, %dma_wait3A_2024] : memref<49x128xi32, #tpu.memory_space<vmem>> -> memref<1x128xi32, #tpu.memory_space<vmem>>
    %dma_wait3A_2026 = tpu.memref_squeeze %dma_wait3A_2025 : memref<1x128xi32, #tpu.memory_space<vmem>> -> memref<128xi32, #tpu.memory_space<vmem>>
    %dma_wait3A_2027 = arith.constant 0 : i32
    %dma_wait3A_2028 = tpu.memref_slice %arg16[%dma_wait3A_2027] : memref<5120xf32, #tpu.memory_space<vmem_shared>> -> memref<5120xf32, #tpu.memory_space<vmem_shared>>
    tpu.wait_indirect_dma semaphore(%arg18 : memref<!tpu.dma_semaphore, #tpu.memory_space<semaphore_mem>>) src(%dma_wait3A_2023 : memref<128xf32, #tpu.memory_space<vmem>>) dst(%dma_wait3A_2028 : memref<5120xf32, #tpu.memory_space<vmem_shared>>)
    %dma_wait3A_2029 = arith.constant 48 : i32
    %dma_wait3A_2030 = arith.constant 48 : i32
    %dma_wait3A_2031 = arith.constant 0 : i32
    %dma_wait3A_2032 = tpu.memref_slice %arg9[%dma_wait3A_2029, %dma_wait3A_2031] : memref<49x128xf32, #tpu.memory_space<vmem>> -> memref<1x128xf32, #tpu.memory_space<vmem>>
    %dma_wait3A_2033 = tpu.memref_squeeze %dma_wait3A_2032 : memref<1x128xf32, #tpu.memory_space<vmem>> -> memref<128xf32, #tpu.memory_space<vmem>>
    %dma_wait3A_2034 = arith.constant 0 : i32
    %dma_wait3A_2035 = tpu.memref_slice %arg7[%dma_wait3A_2030, %dma_wait3A_2034] : memref<49x128xi32, #tpu.memory_space<vmem>> -> memref<1x128xi32, #tpu.memory_space<vmem>>
    %dma_wait3A_2036 = tpu.memref_squeeze %dma_wait3A_2035 : memref<1x128xi32, #tpu.memory_space<vmem>> -> memref<128xi32, #tpu.memory_space<vmem>>
    %dma_wait3A_2037 = arith.constant 0 : i32
    %dma_wait3A_2038 = tpu.memref_slice %arg17[%dma_wait3A_2037] : memref<5120xf32, #tpu.memory_space<vmem_shared>> -> memref<5120xf32, #tpu.memory_space<vmem_shared>>
    tpu.wait_indirect_dma semaphore(%arg18 : memref<!tpu.dma_semaphore, #tpu.memory_space<semaphore_mem>>) src(%dma_wait3A_2033 : memref<128xf32, #tpu.memory_space<vmem>>) dst(%dma_wait3A_2038 : memref<5120xf32, #tpu.memory_space<vmem_shared>>)
    %barrier3A_2039 = arith.constant 0 : index
    tpu.barrier barrier_id(%barrier3A_2039)
    "tpu.region"() ({
      %run_scoped3A = tpu.sem_alloc : memref<!tpu.dma_semaphore, #tpu.memory_space<semaphore_mem>>
      %dma_start3A_2053 = tpu.memref_slice %arg16[%mul3A_37] : memref<5120xf32, #tpu.memory_space<vmem_shared>> -> memref<320xf32, #tpu.memory_space<vmem_shared>>
      %dma_start3A_2054 = tpu.memref_slice %arg16[%mul3A_37] : memref<5120xf32, #tpu.memory_space<vmem_shared>> -> memref<320xf32, #tpu.memory_space<vmem_shared>>
      tpu.enqueue_dma source(%dma_start3A_2054 : memref<320xf32, #tpu.memory_space<vmem_shared>>) target(%arg14 : memref<320xf32, #tpu.memory_space<vmem>>) target_semaphore(%run_scoped3A : memref<!tpu.dma_semaphore, #tpu.memory_space<semaphore_mem>>)
      %dma_wait3A_2055 = tpu.memref_slice %arg16[%mul3A_37] : memref<5120xf32, #tpu.memory_space<vmem_shared>> -> memref<320xf32, #tpu.memory_space<vmem_shared>>
      %dma_wait3A_2056 = tpu.memref_slice %arg16[%mul3A_37] : memref<5120xf32, #tpu.memory_space<vmem_shared>> -> memref<320xf32, #tpu.memory_space<vmem_shared>>
      tpu.wait_dma2 semaphore(%run_scoped3A : memref<!tpu.dma_semaphore, #tpu.memory_space<semaphore_mem>>) src(%dma_wait3A_2056 : memref<320xf32, #tpu.memory_space<vmem_shared>>) dst(%arg14 : memref<320xf32, #tpu.memory_space<vmem>>)
      tpu.yield
    }) : () -> ()
    "tpu.region"() ({
      %run_scoped3A = tpu.sem_alloc : memref<!tpu.dma_semaphore, #tpu.memory_space<semaphore_mem>>
      %dma_start3A_2053 = tpu.memref_slice %arg17[%mul3A_37] : memref<5120xf32, #tpu.memory_space<vmem_shared>> -> memref<320xf32, #tpu.memory_space<vmem_shared>>
      %dma_start3A_2054 = tpu.memref_slice %arg17[%mul3A_37] : memref<5120xf32, #tpu.memory_space<vmem_shared>> -> memref<320xf32, #tpu.memory_space<vmem_shared>>
      tpu.enqueue_dma source(%dma_start3A_2054 : memref<320xf32, #tpu.memory_space<vmem_shared>>) target(%arg15 : memref<320xf32, #tpu.memory_space<vmem>>) target_semaphore(%run_scoped3A : memref<!tpu.dma_semaphore, #tpu.memory_space<semaphore_mem>>)
      %dma_wait3A_2055 = tpu.memref_slice %arg17[%mul3A_37] : memref<5120xf32, #tpu.memory_space<vmem_shared>> -> memref<320xf32, #tpu.memory_space<vmem_shared>>
      %dma_wait3A_2056 = tpu.memref_slice %arg17[%mul3A_37] : memref<5120xf32, #tpu.memory_space<vmem_shared>> -> memref<320xf32, #tpu.memory_space<vmem_shared>>
      tpu.wait_dma2 semaphore(%run_scoped3A : memref<!tpu.dma_semaphore, #tpu.memory_space<semaphore_mem>>) src(%dma_wait3A_2056 : memref<320xf32, #tpu.memory_space<vmem_shared>>) dst(%arg15 : memref<320xf32, #tpu.memory_space<vmem>>)
      tpu.yield
    }) : () -> ()
    %scan3A_2040 = arith.constant 0 : i32
    %scan3A_2041 = arith.constant 0 : i32
    %scan3A_2042 = arith.constant 20 : i32
    %scan3A_2043 = arith.addi %scan3A_2041, %scan3A_2042 : i32
    %scan3A_2044 = arith.constant 1 : i32
    scf.for %scan3A_2053 = %scan3A_2041 to %scan3A_2043 step %scan3A_2044  : i32 {
      %mul3A_2054 = arith.constant 16 : i32
      %mul3A_2055 = arith.muli %scan3A_2053, %mul3A_2054 : i32
      %get3A = arith.index_cast %mul3A_2055 : i32 to index
      %get3A_2056 = tpu.vector_load %arg14[%get3A] {strides = array<i32>} : memref<320xf32, #tpu.memory_space<vmem>>, vector<16xf32>,
      %get3A_2057 = arith.index_cast %mul3A_2055 : i32 to index
      %get3A_2058 = tpu.vector_load %arg15[%get3A_2057] {strides = array<i32>} : memref<320xf32, #tpu.memory_space<vmem>>, vector<16xf32>,
      %div3A = arith.divf %get3A_2056, %get3A_2058 : vector<16xf32>
      %swap3A = arith.index_cast %mul3A_2055 : i32 to index
      %swap3A_2059 = tpu.vector_load %arg14[%swap3A] {strides = array<i32>} : memref<320xf32, #tpu.memory_space<vmem>>, vector<16xf32>,
      tpu.vector_store %arg14[%swap3A], %div3A {strides = array<i32>} : memref<320xf32, #tpu.memory_space<vmem>>, vector<16xf32>,
    }
    %scan3A_2045 = arith.constant 20 : i32
    "tpu.region"() ({
      %run_scoped3A = tpu.sem_alloc : memref<!tpu.dma_semaphore, #tpu.memory_space<semaphore_mem>>
      %dma_start3A_2053 = tpu.memref_slice %arg16[%mul3A_37] : memref<5120xf32, #tpu.memory_space<vmem_shared>> -> memref<320xf32, #tpu.memory_space<vmem_shared>>
      %dma_start3A_2054 = tpu.memref_slice %arg16[%mul3A_37] : memref<5120xf32, #tpu.memory_space<vmem_shared>> -> memref<320xf32, #tpu.memory_space<vmem_shared>>
      tpu.enqueue_dma source(%arg14 : memref<320xf32, #tpu.memory_space<vmem>>) target(%dma_start3A_2054 : memref<320xf32, #tpu.memory_space<vmem_shared>>) target_semaphore(%run_scoped3A : memref<!tpu.dma_semaphore, #tpu.memory_space<semaphore_mem>>)
      %dma_wait3A_2055 = tpu.memref_slice %arg16[%mul3A_37] : memref<5120xf32, #tpu.memory_space<vmem_shared>> -> memref<320xf32, #tpu.memory_space<vmem_shared>>
      %dma_wait3A_2056 = tpu.memref_slice %arg16[%mul3A_37] : memref<5120xf32, #tpu.memory_space<vmem_shared>> -> memref<320xf32, #tpu.memory_space<vmem_shared>>
      tpu.wait_dma2 semaphore(%run_scoped3A : memref<!tpu.dma_semaphore, #tpu.memory_space<semaphore_mem>>) src(%arg14 : memref<320xf32, #tpu.memory_space<vmem>>) dst(%dma_wait3A_2056 : memref<320xf32, #tpu.memory_space<vmem_shared>>)
      tpu.yield
    }) : () -> ()
    %barrier3A_2046 = arith.constant 0 : index
    tpu.barrier barrier_id(%barrier3A_2046)
    "tpu.region"() ({
      %run_scoped3A = tpu.sem_alloc : memref<!tpu.dma_semaphore, #tpu.memory_space<semaphore_mem>>
      tpu.enqueue_dma source(%arg16 : memref<5120xf32, #tpu.memory_space<vmem_shared>>) target(%arg13 : memref<5120xf32, #tpu.memory_space<vmem>>) target_semaphore(%run_scoped3A : memref<!tpu.dma_semaphore, #tpu.memory_space<semaphore_mem>>)
      tpu.wait_dma2 semaphore(%run_scoped3A : memref<!tpu.dma_semaphore, #tpu.memory_space<semaphore_mem>>) src(%arg16 : memref<5120xf32, #tpu.memory_space<vmem_shared>>) dst(%arg13 : memref<5120xf32, #tpu.memory_space<vmem>>)
      tpu.yield
    }) : () -> ()
    %scan3A_2047 = arith.constant 0 : i32
    %scan3A_2048 = arith.constant 0 : i32
    %scan3A_2049 = arith.constant 392 : i32
    %scan3A_2050 = arith.addi %scan3A_2048, %scan3A_2049 : i32
    %scan3A_2051 = arith.constant 1 : i32
    scf.for %scan3A_2053 = %scan3A_2048 to %scan3A_2050 step %scan3A_2051  : i32 {
      %jit3A = arith.constant 8 : i32
      %div3A = arith.divsi %scan3A_2053, %jit3A : i32
      %sign3A = arith.constant 0 : i32
      %sign3A_2054 = arith.cmpi sgt, %scan3A_2053, %sign3A : i32
      %sign3A_2055 = arith.extui %sign3A_2054 : i1 to i32
      %sign3A_2056 = arith.constant 0 : i32
      %sign3A_2057 = arith.cmpi slt, %scan3A_2053, %sign3A_2056 : i32
      %sign3A_2058 = arith.extui %sign3A_2057 : i1 to i32
      %sign3A_2059 = arith.subi %sign3A_2055, %sign3A_2058 : i32
      %sign3A_2060 = arith.constant 0 : i32
      %sign3A_2061 = arith.cmpi sgt, %jit3A, %sign3A_2060 : i32
      %sign3A_2062 = arith.extui %sign3A_2061 : i1 to i32
      %sign3A_2063 = arith.constant 0 : i32
      %sign3A_2064 = arith.cmpi slt, %jit3A, %sign3A_2063 : i32
      %sign3A_2065 = arith.extui %sign3A_2064 : i1 to i32
      %sign3A_2066 = arith.subi %sign3A_2062, %sign3A_2065 : i32
      %ne3A = arith.cmpi ne, %sign3A_2059, %sign3A_2066 : i32
      %rem3A = arith.remsi %scan3A_2053, %jit3A : i32
      %ne3A_2067 = arith.constant 0 : i32
      %ne3A_2068 = arith.cmpi ne, %rem3A, %ne3A_2067 : i32
      %and3A = arith.andi %ne3A, %ne3A_2068 : i1
      %sub3A = arith.constant 1 : i32
      %sub3A_2069 = arith.subi %div3A, %sub3A : i32
      %select_n3A = arith.select %and3A, %sub3A_2069, %div3A : i32
      %jit3A_2070 = arith.constant 8 : i32
      %eq3A = arith.constant 0 : i32
      %eq3A_2071 = arith.cmpi eq, %jit3A_2070, %eq3A : i32
      %jit3A_2072 = arith.constant 1 : i32
      %select_n3A_2073 = arith.select %eq3A_2071, %jit3A_2072, %jit3A_2070 : i32
      %rem3A_2074 = arith.remsi %scan3A_2053, %select_n3A_2073 : i32
      %ne3A_2075 = arith.constant 0 : i32
      %ne3A_2076 = arith.cmpi ne, %rem3A_2074, %ne3A_2075 : i32
      %lt3A = arith.constant 0 : i32
      %lt3A_2077 = arith.cmpi slt, %rem3A_2074, %lt3A : i32
      %lt3A_2078 = arith.constant 0 : i32
      %lt3A_2079 = arith.cmpi slt, %select_n3A_2073, %lt3A_2078 : i32
      %ne3A_2080 = arith.xori %lt3A_2077, %lt3A_2079 : i1
      %and3A_2081 = arith.andi %ne3A_2080, %ne3A_2076 : i1
      %add3A = arith.addi %rem3A_2074, %select_n3A_2073 : i32
      %select_n3A_2082 = arith.select %and3A_2081, %add3A, %rem3A_2074 : i32
      %mul3A_2083 = arith.constant 16 : i32
      %mul3A_2084 = arith.muli %select_n3A_2082, %mul3A_2083 : i32
      %get3A = arith.index_cast %select_n3A : i32 to index
      %get3A_2085 = arith.index_cast %mul3A_2084 : i32 to index
      %get3A_2086 = tpu.vector_load %arg7[%get3A, %get3A_2085] {strides = array<i32>} : memref<49x128xi32, #tpu.memory_space<vmem>>, vector<16xi32>,
      %gather3A = tpu.vector_load_idx %arg13[%get3A_2086] : memref<5120xf32, #tpu.memory_space<vmem>>[vector<16xi32>], vector<16xf32>,
      %get3A_2087 = arith.index_cast %select_n3A : i32 to index
      %get3A_2088 = arith.index_cast %mul3A_2084 : i32 to index
      %get3A_2089 = tpu.vector_load %arg9[%get3A_2087, %get3A_2088] {strides = array<i32>} : memref<49x128xf32, #tpu.memory_space<vmem>>, vector<16xf32>,
      %get3A_2090 = arith.index_cast %select_n3A : i32 to index
      %get3A_2091 = arith.index_cast %mul3A_2084 : i32 to index
      %get3A_2092 = tpu.vector_load %arg10[%get3A_2090, %get3A_2091] {strides = array<i32>} : memref<49x128xf32, #tpu.memory_space<vmem>>, vector<16xf32>,
      %sub3A_2093 = arith.subf %gather3A, %get3A_2092 : vector<16xf32>
      %mul3A_2094 = arith.mulf %get3A_2089, %sub3A_2093 : vector<16xf32>
      %swap3A = arith.index_cast %select_n3A : i32 to index
      %swap3A_2095 = arith.index_cast %mul3A_2084 : i32 to index
      %swap3A_2096 = tpu.vector_load %arg12[%swap3A, %swap3A_2095] {strides = array<i32>} : memref<49x128xf32, #tpu.memory_space<vmem>>, vector<16xf32>,
      tpu.vector_store %arg12[%swap3A, %swap3A_2095], %mul3A_2094 {strides = array<i32>} : memref<49x128xf32, #tpu.memory_space<vmem>>, vector<16xf32>,
    }
    %scan3A_2052 = arith.constant 392 : i32
    "tpu.region"() ({
      %run_scoped3A = tpu.sem_alloc : memref<!tpu.dma_semaphore, #tpu.memory_space<semaphore_mem>>
      %dma_start3A_2053 = arith.constant 0 : i32
      %dma_start3A_2054 = arith.constant 0 : i32
      %dma_start3A_2055 = tpu.memref_slice %arg6[%arg1, %dma_start3A_2053, %dma_start3A_2054] : memref<16x49x128xf32, #tpu.memory_space<hbm>> -> memref<1x49x128xf32, #tpu.memory_space<hbm>>
      %dma_start3A_2056 = tpu.memref_squeeze %dma_start3A_2055 : memref<1x49x128xf32, #tpu.memory_space<hbm>> -> memref<49x128xf32, #tpu.memory_space<hbm>>
      %dma_start3A_2057 = arith.constant 0 : i32
      %dma_start3A_2058 = arith.constant 0 : i32
      %dma_start3A_2059 = tpu.memref_slice %arg6[%arg1, %dma_start3A_2057, %dma_start3A_2058] : memref<16x49x128xf32, #tpu.memory_space<hbm>> -> memref<1x49x128xf32, #tpu.memory_space<hbm>>
      %dma_start3A_2060 = tpu.memref_squeeze %dma_start3A_2059 : memref<1x49x128xf32, #tpu.memory_space<hbm>> -> memref<49x128xf32, #tpu.memory_space<hbm>>
      tpu.enqueue_dma source(%arg12 : memref<49x128xf32, #tpu.memory_space<vmem>>) target(%dma_start3A_2060 : memref<49x128xf32, #tpu.memory_space<hbm>>) target_semaphore(%run_scoped3A : memref<!tpu.dma_semaphore, #tpu.memory_space<semaphore_mem>>)
      %dma_wait3A_2061 = arith.constant 0 : i32
      %dma_wait3A_2062 = arith.constant 0 : i32
      %dma_wait3A_2063 = tpu.memref_slice %arg6[%arg1, %dma_wait3A_2061, %dma_wait3A_2062] : memref<16x49x128xf32, #tpu.memory_space<hbm>> -> memref<1x49x128xf32, #tpu.memory_space<hbm>>
      %dma_wait3A_2064 = tpu.memref_squeeze %dma_wait3A_2063 : memref<1x49x128xf32, #tpu.memory_space<hbm>> -> memref<49x128xf32, #tpu.memory_space<hbm>>
      %dma_wait3A_2065 = arith.constant 0 : i32
      %dma_wait3A_2066 = arith.constant 0 : i32
      %dma_wait3A_2067 = tpu.memref_slice %arg6[%arg1, %dma_wait3A_2065, %dma_wait3A_2066] : memref<16x49x128xf32, #tpu.memory_space<hbm>> -> memref<1x49x128xf32, #tpu.memory_space<hbm>>
      %dma_wait3A_2068 = tpu.memref_squeeze %dma_wait3A_2067 : memref<1x49x128xf32, #tpu.memory_space<hbm>> -> memref<49x128xf32, #tpu.memory_space<hbm>>
      tpu.wait_dma2 semaphore(%run_scoped3A : memref<!tpu.dma_semaphore, #tpu.memory_space<semaphore_mem>>) src(%arg12 : memref<49x128xf32, #tpu.memory_space<vmem>>) dst(%dma_wait3A_2068 : memref<49x128xf32, #tpu.memory_space<hbm>>)
      tpu.yield
    }) : () -> ()
    return
  }
}

</mosaic_0001>

<sc_bundles>
// kernel: kernel.3.cloned.1.call-start
scs
__scs_entry_jumppad:
0x0: {  	(pc) =	sbr.rel $0x88, $3  }
0x1: {  	(tag) =	ssettag $0x0;
	lr =	simm.s32 $0x1  }
0x2: {  	[smem:$0x3F9D] =	sst lr;
	_ =	strace $0xD0000000  }
0x3: {  	_ = 	snop  }
0x4: {  	_ = 	snop  }
0x5: {  	_ = 	snop  }
0x6: {  	_ = 	snop  }
0x7: {  	_ = 	snop  }
__scs_overlays_trampoline_lowered:
0x8: {  	[smem:$0x3FAC] =	sst s0  }
0x9: {  	[smem:$0x3FAD] =	sst s1  }
0xa: {  	[smem:$0x3FAE] =	sst s2  }
0xb: {  	[smem:$0x3FAF] =	sst s3  }
0xc: {  	[smem:$0x3FB0] =	sst s4  }
0xd: {  	[smem:$0x3FB1] =	sst s5  }
0xe: {  	[smem:$0x3FB2] =	sst s6  }
0xf: {  	[smem:$0x3FB3] =	sst s7  }
0x10: {  	[smem:$0x3FB4] =	sst s8  }
0x11: {  	[smem:$0x3FB5] =	sst s9;
	s0 =	simm.s32 @!p0 $0x0  }
0x12: {  	s1 =	sld [smem:$0x3F9B];
	s0 =	simm.s32 @p0 $0x1  }
0x13: {  	[smem:$0x3FB6] =	sst s0;
	s0 =	simm.s32 @!p1 $0x0  }
0x14: {  	s2 =	sld [smem:$0x3F9A];
	s0 =	simm.s32 @p1 $0x1  }
0x15: {  	[smem:$0x3FB7] =	sst s0;
	s0 =	simm.s32 @!p2 $0x0  }
0x16: {  	s3 =	sld [smem:$0x3FDB];
	s0 =	simm.s32 @p2 $0x1  }
0x17: {  	s4 =	simm.s32 $0x1BF5;
	[smem:$0x3FB9] =	sst s0  }
0x18: {  	s0 =	sld [smem:$0x3F9C];
	_ =	swait.ge [sflag:s4], $0x0  }
0x19: {  	s7 =	sld [smem:$0x3F9D]  }
0x1a: {  	s8 =	sadd.s32 $0xFFFFE003, lr  }
0x1b: {  	s9 =	sadd.s32 $0xFFFFFEF7, lr;
	s5 =	simm.s32 $0xFFFFFFFF;
	p2 =	slt.u32 s8, $0xFFFFF086  }
0x1c: {  	p1 =	slt.u32 s9, $0xF7A;
	s5 =	simm.s32 @!p2 $0x0  }
0x1d: {  	s5 =	simm.s32 @p1 $0x1;
	p0 =	seq.s32 s7, s2  }
0x1e: {  	s7 =	smul.u32 @!p0 $0xF7A, s2;
	p2 =	seq.s32 @!p0 s5, $0x0  }
0x1f: {  	s9 =	smul.u32 $0xF7A, s1;
	s8 =	simm.s32 @!p0 $0x1BF5;
	p2 =	por !p2, p0  }
0x20: {  	[sflag:s8] =	ssyncset.s32 @!p0 $0xFFFFF086;
	s6 =	sadd.s32 @!p0 s3, s7;
	s7 =	simm.s32 @!p0 $0x108  }
0x21: {  	s3 =	sadd.s32 s3, s9;
	s6 =	sadd.s32 @!p0 $0x88, s6;
	s7 =	simm.s32 @p2 $0x1082  }
0x22: {  	[simem:s7], [sflag:s8] =	dma.local @!p0 [hbm:s6], $0xF7A  }
0x23: {  	s9 =	sor.u32 $0xD0000000, s2;
	s6 =	simm.s32 $0x108;
	_ =	swait.ge @!p0 [sflag:s8], $0x0  }
0x24: {  	s3 =	sadd.s32 $0x88, s3;
	s6 =	simm.s32 @!p1 $0x1082;
	[sflag:s4] =	ssyncset.s32 $0xFFFFF086  }
0x25: {  	[simem:s6], [sflag:s4] =	dma.local [hbm:s3], $0xF7A  }
0x26: {  	[smem:$0x3F9D] =	sst s1;
	(tag) =	ssettag s2;
	_ =	strace s9  }
0x27: {  	s1 =	sld [smem:$0x3FAD]  }
0x28: {  	s2 =	sld [smem:$0x3FAE]  }
0x29: {  	s4 =	sld [smem:$0x3FB0]  }
0x2a: {  	p0 =	seq.s32 s5, $0x0;
	s5 =	sld [smem:$0x3FB1]  }
0x2b: {  	s6 =	sld [smem:$0x3FB2]  }
0x2c: {  	s7 =	sld [smem:$0x3FB3]  }
0x2d: {  	s3 =	simm.s32 $0x108;
	s8 =	sld [smem:$0x3FB4]  }
0x2e: {  	s3 =	simm.s32 @!p0 $0x1082;
	s9 =	sld [smem:$0x3FB5]  }
0x2f: {  	lr =	sadd.s32 s0, s3;
	s0 =	sld [smem:$0x3FAC]  }
0x30: {  	s3 =	sld [smem:$0x3FAF]  }
0x31: {  	[smem:$0x3FB8] =	sst s10  }
0x32: {  	s10 =	sld [smem:$0x3FB6];
	_ =	sdelay $0x3  }
0x33: {  	p0 =	seq.s32 s10, $0x1;
	s10 =	sld [smem:$0x3FB8];
	_ =	sdelay $0x3  }
0x34: {  	[smem:$0x3FB8] =	sst s10  }
0x35: {  	s10 =	sld [smem:$0x3FB7];
	_ =	sdelay $0x3  }
0x36: {  	p1 =	seq.s32 s10, $0x1;
	s10 =	sld [smem:$0x3FB8];
	_ =	sdelay $0x3  }
0x37: {  	[smem:$0x3FB8] =	sst s10  }
0x38: {  	s10 =	sld [smem:$0x3FB9]  }
0x39: {  	_ = 	snop;
	(pc) =	sbr.ind lr, $3  }
0x3a: {  	_ = 	snop  }
0x3b: {  	_ = 	snop  }
0x3c: {  	p2 =	seq.s32 s10, $0x1;
	s10 =	sld [smem:$0x3FB8]  }
0x3d: {  	_ =	shalt  }
0x3e: {  	_ =	shalt  }
0x3f: {  	_ =	shalt  }
0x40: {  	_ =	shalt  }
0x41: {  	_ =	shalt  }
0x42: {  	_ =	shalt  }
0x43: {  	_ =	shalt  }
0x44: {  	_ =	shalt  }
0x45: {  	_ =	shalt  }
0x46: {  	_ =	shalt  }
0x47: {  	_ =	shalt  }
0x48: {  	_ =	shalt  }
0x49: {  	_ =	shalt  }
0x4a: {  	_ =	shalt  }
0x4b: {  	_ =	shalt  }
0x4c: {  	_ =	shalt  }
0x4d: {  	_ =	shalt  }
0x4e: {  	_ =	shalt  }
0x4f: {  	_ =	shalt  }
0x50: {  	_ =	shalt  }
0x51: {  	_ =	shalt  }
0x52: {  	_ =	shalt  }
0x53: {  	_ =	shalt  }
0x54: {  	_ =	shalt  }
0x55: {  	_ =	shalt  }
0x56: {  	_ =	shalt  }
0x57: {  	_ =	shalt  }
0x58: {  	_ =	shalt  }
0x59: {  	_ =	shalt  }
0x5a: {  	_ =	shalt  }
0x5b: {  	_ =	shalt  }
0x5c: {  	_ =	shalt  }
0x5d: {  	_ =	shalt  }
0x5e: {  	_ =	shalt  }
0x5f: {  	_ =	shalt  }
0x60: {  	_ =	shalt  }
0x61: {  	_ =	shalt  }
0x62: {  	_ =	shalt  }
0x63: {  	_ =	shalt  }
0x64: {  	_ =	shalt  }
0x65: {  	_ =	shalt  }
0x66: {  	_ =	shalt  }
0x67: {  	_ =	shalt  }
0x68: {  	_ =	shalt  }
0x69: {  	_ =	shalt  }
0x6a: {  	_ =	shalt  }
0x6b: {  	_ =	shalt  }
0x6c: {  	_ =	shalt  }
0x6d: {  	_ =	shalt  }
0x6e: {  	_ =	shalt  }
0x6f: {  	_ =	shalt  }
0x70: {  	_ =	shalt  }
0x71: {  	_ =	shalt  }
0x72: {  	_ =	shalt  }
0x73: {  	_ =	shalt  }
0x74: {  	_ =	shalt  }
0x75: {  	_ =	shalt  }
0x76: {  	_ =	shalt  }
0x77: {  	_ =	shalt  }
0x78: {  	_ =	shalt  }
0x79: {  	_ =	shalt  }
0x7a: {  	_ =	shalt  }
0x7b: {  	_ =	shalt  }
0x7c: {  	_ =	shalt  }
0x7d: {  	_ =	shalt  }
0x7e: {  	_ =	shalt  }
0x7f: {  	_ =	shalt  }
0x80: {  	_ =	shalt  }
0x81: {  	_ =	shalt  }
0x82: {  	_ =	shalt  }
0x83: {  	_ =	shalt  }
0x84: {  	_ =	shalt  }
0x85: {  	_ =	shalt  }
0x86: {  	_ =	shalt  }
0x87: {  	_ =	shalt  }
.Lfunc_end0:
.L_simem_size_0:
called_computation_lowered:
.L_overlay_start_0:
0x88: {  	s0 =	sld [smem:$0x3FD9]  }
0x89: {  	s1 =	sld [smem:$0x3FFE];
	_ =	sdelay $0x3  }
0x8a: {  	s0 =	sadd.s32 s1, s0  }
0x8b: {  	[smem:$0x3FC4] =	sst s0  }
0x8c: {  	_ = 	snop  }
0x8d: {  	(tm) =	ssettm $0x1  }
0x8e: {  	s15 =	sld [smem:$0x3FFB];
	_ =	sdelay $0x3  }
0x8f: {  	_ =	strace s15  }
0x90: {  	s0 =	sld [smem:$0x3FFC];
	_ =	sdelay $0x3  }
0x91: {  	_ =	strace s0  }
0x92: {  	s0 =	sld [smem:$0x3FFD];
	_ =	sdelay $0x3  }
0x93: {  	_ =	strace s0  }
0x94: {  	_ =	strace $0x8FFFFFFF  }
0x95: {  	s16 =	sld [smem:$0x3FDB];
	_ =	sdelay $0x1  }
0x96: {  	s17 =	simm.s32 $_scs_section_size  }
0x97: {  	s2 =	simm.s32 $_size__tile_overlayer_lowered;
	s3 =	simm.s32 $_tile_overlayer_lowered  }
0x98: {  	s20 =	simm.s32 $0x1BFF;
	s19 =	sshll.u32 s3, $0x1;
	s0 =	sadd.s32 s17, s16  }
0x99: {  	s4 =	simm.s32 $0x0;
	s18 =	sshll.u32 s2, $0x1;
	s2 =	sadd.s32 s19, s0  }
0x9a: {  	[timem:s4], [sflag:s20] =	dma.local [hbm:s2], s18  }
0x9b: {  	_ =	swait.ge [sflag:s20], s18  }
0x9c: {  	s1 =	ssub.s32 $0x0, s18;
	[sflag:s20] =	ssyncset.done $0x0  }
0x9d: {  	[sflag:s20] =	ssyncadd.s32 s1;
	_ =	sdelay $0x1  }
0x9e: {  	s21 =	simm.s32 $0x1B8B  }
0x9f: {  	_ =	swait.ge [sflag:s21], $0x1  }
0xa0: {  	[sflag:s21] =	ssyncset.done $0x0  }
0xa1: {  	s23 =	simm.s32 $0x1B8E;
	s22 =	sld [smem:$0x3FFE];
	[sflag:s21] =	ssyncadd.s32 $0xFFFFFFFF  }
0xa2: {  	s24 =	simm.s32 $execute0_lowered;
	[smem:$0x3FD2] =	sst s23  }
0xa3: {  	s2 =	sshll.u32 s24, $0x1;
	_ =	strace $0x80000046;
	[dreg:$0x1] =	wrdreg $0xFFFFFFFF  }
0xa4: {  	s25 =	simm.s32 $_size_execute0_lowered;
	s0 =	sadd.s32 s0, s2;
	[dreg:$0x0] =	wrdreg $0x0  }
0xa5: {  	s2 =	sshll.u32 s25, $0x1;
	[dreg:$0x2] =	wrdreg s0  }
0xa6: {  	[dreg:$0x3] =	wrdreg s2  }
0xa7: {  	[dreg:$0x4] =	wrdreg $0xC0  }
0xa8: {  	_ =	task [dreg:s4], $0x5FFFF  }
0xa9: {  	[dreg:$0x1] =	wrdreg $0xFFFFFFFF  }
0xaa: {  	[dreg:$0x0] =	wrdreg $0x60  }
0xab: {  	[dreg:$0x2] =	wrdreg s22  }
0xac: {  	[dreg:$0x3] =	wrdreg $0xBF000  }
0xad: {  	[dreg:$0x4] =	wrdreg $0xC0400  }
0xae: {  	[dreg:$0x5] =	wrdreg $0x9  }
0xaf: {  	_ =	task.clear_ibuf [dreg:s4], $0x6FFFF;
	_ =	strace $0x90000046  }
0xb0: {  	s26 =	simm.s32 $0x9;
	_ =	strace $0x80000048  }
0xb1: {  	_ =	swait.ge [sflag:s26], $0x1  }
0xb2: {  	[sflag:s26] =	ssyncadd.s32 $0xFFFFFFFF  }
0xb3: {  	_ =	strace $0x90000048  }
0xb4: {  	_ =	sfence  }
0xb5: {  	s28 =	sld [smem:$0x0];
	_ =	sdelay $0x1  }
0xb6: {  	s29 =	srdreg.scid  }
0xb7: {  	s30 =	sshll.u32 s29, $0xD;
	s31 =	sshrl.u32 s29, $0x2  }
0xb8: {  	s1 =	sand.u32 $0x1, s29;
	s2 =	sand.u32 $0x4000, s30;
	s0 =	sadd.s32 s31, s28  }
0xb9: {  	s1 =	sor.u32 s2, s1;
	s0 =	sshll.u32 s0, $0x11  }
0xba: {  	s0 =	sor.u32 s0, s1  }
0xbb: {  	s0 =	sadd.s32 $0x8F2B, s0  }
0xbc: {  	[sflag:s0] =	ssyncadd.remote.s32 $0x1  }
0xbd: {  	_ =	sfence.sel $0xFFFF  }
0xbe: {  	[dreg:$0x0] =	wrdreg $0xFFFFFFFF;
	(pc) =	sbr.abs _section_cstart, $3  }
0xbf: {  	[dreg:$0x1] =	wrdreg $0xFFFFFFFF  }
0xc0: {  	_ =	task.clear_ibuf [dreg:s4], $0x2FFFF;
	_ =	strace $0x9FFFFFFF  }
0xc1: {  	(tm) =	ssettm $0x7FFFFFFF  }
tec
execute0_lowered:
.L_overlay_start_1:
0x0: {  	(tag) =	ssettag $0x1  }
0x1: {  	s4 =	rddreg [dreg:$0x0];
	s0 =	stileid.u32  }
0x2: {  	s3 =	rddreg [dreg:$0x1];
	s2 =	smul.u32 $0x380, s0  }
0x3: {  	s6 =	rddreg [dreg:$0x2];
	s5 =	simm.s32 $0x0  }
0x4: {  	[smem:$0x7FF] =	sst s5;
	s7 =	sadd.s32 s4, s2  }
0x5: {  	s1 =	rddreg [dreg:$0x3];
	_ =	strace $0x80000047;
	s8 =	sadd.s32 $0xA800, s7  }
0x6: {  	[tilespmem:s5], [sflag:$0x1] =	stream.linear.gather [hbm4b:s8+s5], $0x1880, $0x38;
	[tilespmem:$0xC180] =	vst v63  }
0x7: {  	s24 =	simm.s32 $0x5400  }
0x8: {  	[tilespmem:s24], [sflag:$0x1] =	stream.linear.gather [hbm4b:s7+s5], $0x1880, $0x38;
	[tilespmem:$0xC180] =	vst v63  }
0x9: {  	s9 =	simm.s32 $0x7000;
	s25 =	sadd.s32 $0x3800, s7  }
0xa: {  	[tilespmem:s9], [sflag:$0x1] =	stream.linear.gather [hbm4b:s25+s5], $0x1880, $0x38;
	[tilespmem:$0xC180] =	vst v63  }
0xb: {  	s26 =	simm.s32 $0x8C00;
	s7 =	sadd.s32 $0x7000, s7  }
0xc: {  	v0 =	vimm.f32 $0.0e+00;
	[tilespmem:s26], [sflag:$0x1] =	stream.linear.gather [hbm4b:s7+s5], $0x1880, $0x38;
	[tilespmem:$0xC180] =	vst v63  }
0xd: {  	[tilespmem:$0xBC00] =	vst v0  }
0xe: {  	[tilespmem:$0xBC10] =	vst v0  }
0xf: {  	[tilespmem:$0xBC20] =	vst v0  }
0x10: {  	[tilespmem:$0xBC30] =	vst v0  }
0x11: {  	[tilespmem:$0xBC40] =	vst v0  }
0x12: {  	[tilespmem:$0xBC50] =	vst v0  }
0x13: {  	[tilespmem:$0xBC60] =	vst v0  }
0x14: {  	[tilespmem:$0xBC70] =	vst v0  }
0x15: {  	[tilespmem:$0xBC80] =	vst v0  }
0x16: {  	[tilespmem:$0xBC90] =	vst v0  }
0x17: {  	[tilespmem:$0xBCA0] =	vst v0  }
0x18: {  	[tilespmem:$0xBCB0] =	vst v0  }
0x19: {  	[tilespmem:$0xBCC0] =	vst v0  }
0x1a: {  	[tilespmem:$0xBCD0] =	vst v0  }
0x1b: {  	[tilespmem:$0xBCE0] =	vst v0  }
0x1c: {  	[tilespmem:$0xBCF0] =	vst v0  }
0x1d: {  	[tilespmem:$0xBD00] =	vst v0  }
0x1e: {  	s28 =	smul.u32 $0x140, s0;
	[tilespmem:$0xBD10] =	vst v0  }
0x1f: {  	[tilespmem:$0xBD20] =	vst v0  }
0x20: {  	s29 =	simm.s32 $0xBC00;
	s30 =	simm.s32 $0x2;
	s5 =	sadd.s32 s28, s3;
	[tilespmem:$0xBD30] =	vst v0  }
0x21: {  	[spmem:s5] =	stream.linear.scatter [tilespmem:s29], [sflag:$0x2], $0x140, $0x38;
	[tilespmem:$0xC180] =	vst v63  }
0x22: {  	_ =	swait.ge [sflag:s30], $0x140  }
0x23: {  	[sflag:s30] =	ssyncset.done $0x0  }
0x24: {  	s7 =	sadd.s32 s28, s6;
	[sflag:s30] =	ssyncadd.s32 $0xFFFFFEC0  }
0x25: {  	[spmem:s7] =	stream.linear.scatter [tilespmem:s29], [sflag:$0x2], $0x140, $0x38;
	[tilespmem:$0xC180] =	vst v63  }
0x26: {  	_ =	swait.ge [sflag:s30], $0x140  }
0x27: {  	[sflag:s30] =	ssyncset.done $0x0  }
0x28: {  	s31 =	simm.s32 $0x1;
	[sflag:s30] =	ssyncadd.s32 $0xFFFFFEC0  }
0x29: {  	_ =	swait.ge [sflag:s31], $0x1880  }
0x2a: {  	[sflag:s31] =	ssyncset.done $0x0  }
0x2b: {  	[sflag:s31] =	ssyncadd.s32 $0xFFFFE780  }
0x2c: {  	_ =	swait.ge [sflag:s31], $0x1880  }
0x2d: {  	[sflag:s31] =	ssyncset.done $0x0  }
0x2e: {  	[sflag:s31] =	ssyncadd.s32 $0xFFFFE780  }
0x2f: {  	_ =	swait.ge [sflag:s31], $0x1880  }
0x30: {  	[sflag:s31] =	ssyncset.done $0x0  }
0x31: {  	[sflag:s31] =	ssyncadd.s32 $0xFFFFE780  }
0x32: {  	_ =	swait.ge [sflag:s31], $0x1880  }
0x33: {  	[sflag:s31] =	ssyncset.done $0x0  }
0x34: {  	s9 =	simm.s32 $0x0;
	[sflag:s31] =	ssyncadd.s32 $0xFFFFE780  }
0x35: {  	v1 =	vld [tilespmem:s9+$0x0]  }
0x36: {  	v2 =	vld [tilespmem:s9+$0x7000];
	_ =	sdelay $0x3  }
0x37: {  	vm0 =	vgt.s32 v1, $0x0  }
0x38: {  	(erf) = vrcp.f32 v2;
	v3 =	vnsel vm0, $0x0, v1  }
0x39: {  	v2 =	vmin.u32 v3, $0x1388  }
0x3a: {  	s8 =	simm.s32 $0x10;
	v0 =	vld [tilespmem:s9+$0x5400];
	[tilespmem:s9+$0x0] =	vst v2  }
0x3b: {  	v4 =	vld [tilespmem:s8+$0x0]  }
0x3c: {  	v6 =	vld [tilespmem:s8+$0x7000]  }
0x3d: {  	v3 =	vld [tilespmem:s8+$0x5400]  }
0x3e: {  	v1 =	vld [tilespmem:s9+$0x8C00]  }
0x3f: {  	v2 =	vld [tilespmem:s8+$0x8C00]  }
0x40: {  	s11 =	simm.s32 $0x80;
	vm15 =	vgt.s32 v4, $0x0  }
0x41: {  	s10 =	simm.s32 $0xC0;
	s12 =	simm.s32 $0x100;
	s4 =	sadd.s32 $0xE000, s4;
	(erf) = vrcp.f32 v6;
	v5 =	vnsel vm15, $0x0, v4;
	v4 =	vpop (erf)  }
.LBB2_1:
0x42: {  	p0 =	sne.s32 s12, $0x61C0;
	v5 =	vmin.u32 v5, $0x1388;
	v6 =	vmul.f32 v0, v4;
	[tilespmem:s9+$0x3800] =	vst v4;
	v0 =	vmov v3  }
0x43: {  	s13 =	sshra.s32 s11, $0x2;
	s11 =	smov.u32 s10;
	s10 =	smov.u32 s12;
	[tilespmem:s8+$0x0] =	vst v5  }
0x44: {  	v4 =	vld [tilespmem:s13+$0x0];
	v5 =	vadd.f32 v6, v1;
	v1 =	vmov v2  }
0x45: {  	v6 =	vld [tilespmem:s13+$0x7000]  }
.Ltmp0:
0x46: {  	v3 =	vld [tilespmem:s13+$0x5400];
	[tilespmem:s9+$0x1C00] =	vst v5;
	s9 =	smov.u32 s8;
	s8 =	smov.u32 s13;
	(pc) =	sbr.rel @p0 .LBB2_1-.Ltmp0, $3  }
0x47: {  	v2 =	vld [tilespmem:s8+$0x8C00];
	_ =	sdelay $0x1  }
0x48: {  	vm0 =	vgt.s32 v4, $0x0  }
0x49: {  	s12 =	sadd.s32 $0x40, s12;
	v5 =	vnsel vm0, $0x0, v4;
	(erf) = vrcp.f32 v6;
	v4 =	vpop (erf)  }
0x4a: {  	v5 =	vmin.u32 v5, $0x1388;
	[tilespmem:s9+$0x3800] =	vst v4  }
0x4b: {  	s11 =	sshra.s32 s11, $0x2;
	[tilespmem:s8+$0x0] =	vst v5  }
0x4c: {  	v5 =	vld [tilespmem:s11+$0x0];
	_ =	sdelay $0x1  }
0x4d: {  	v0 =	vmul.f32 v0, v4;
	_ =	sdelay $0x1  }
0x4e: {  	v0 =	vadd.f32 v0, v1  }
0x4f: {  	v1 =	vld [tilespmem:s11+$0x7000];
	vm0 =	vgt.s32 v5, $0x0  }
0x50: {  	v61 =	vld [tilespmem:s11+$0x5400];
	[tilespmem:s9+$0x1C00] =	vst v0;
	v5 =	vnsel vm0, $0x0, v5;
	v6 =	vpop (erf)  }
0x51: {  	v0 =	vld [tilespmem:s11+$0x8C00];
	v5 =	vmin.u32 v5, $0x1388;
	[tilespmem:s8+$0x3800] =	vst v6  }
0x52: {  	s14 =	sshra.s32 s10, $0x2;
	[tilespmem:s11+$0x0] =	vst v5  }
0x53: {  	v5 =	vld [tilespmem:s14+$0x7000];
	_ =	sdelay $0x2  }
0x54: {  	(erf) = vrcp.f32 v1;
	_ =	sdelay $0x1  }
0x55: {  	(erf) = vrcp.f32 v5;
	_ =	sdelay $0x1  }
0x56: {  	v1 =	vmul.f32 v3, v6  }
0x57: {  	v3 =	vld [tilespmem:s14+$0x0]  }
0x58: {  	v1 =	vadd.f32 v1, v2  }
0x59: {  	v2 =	vld [tilespmem:s14+$0x5400]  }
0x5a: {  	[tilespmem:s8+$0x1C00] =	vst v1  }
0x5b: {  	v1 =	vld [tilespmem:s14+$0x8C00];
	v62 =	vpop (erf)  }
0x5c: {  	vm15 =	vgt.s32 v3, $0x0;
	v4 =	vmul.f32 v61, v62  }
0x5d: {  	v3 =	vnsel vm15, $0x0, v3;
	v63 =	vpop (erf)  }
0x5e: {  	[tilespmem:s11+$0x3800] =	vst v62;
	v3 =	vmin.u32 v3, $0x1388;
	v0 =	vadd.f32 v4, v0;
	v2 =	vmul.f32 v2, v63  }
0x5f: {  	[tilespmem:s14+$0x0] =	vst v3  }
0x60: {  	[tilespmem:s11+$0x1C00] =	vst v0;
	v0 =	vadd.f32 v2, v1  }
0x61: {  	[tilespmem:s14+$0x3800] =	vst v63  }
0x62: {  	s15 =	simm.s32 $0x0;
	[tilespmem:s14+$0x1C00] =	vst v0  }
0x63: {  	s16 =	simm.s32 $0x1C00;
	s9 =	simm.s32 $0x80;
	[bflag:$0x0] =	sbarrier.arrive $0xFFFF  }
0x64: {  	[spmem:s3] =	stream.indirect.scatter.add.f32 [tilespmem:s16], [sflag:$0x1], $0x1, s15, s9, $0xb8;
	[tilespmem:$0xC180] =	vst v63  }
0x65: {  	s17 =	simm.s32 $0x3800  }
0x66: {  	[spmem:s6] =	stream.indirect.scatter.add.f32 [tilespmem:s17], [sflag:$0x1], $0x1, s15, s9, $0xb8;
	[tilespmem:$0xC180] =	vst v63  }
0x67: {  	s18 =	simm.s32 $0x1C80  }
0x68: {  	[spmem:s3] =	stream.indirect.scatter.add.f32 [tilespmem:s18], [sflag:$0x1], $0x1, s9, s9, $0xb8;
	[tilespmem:$0xC180] =	vst v63  }
0x69: {  	s19 =	simm.s32 $0x3880  }
0x6a: {  	[spmem:s6] =	stream.indirect.scatter.add.f32 [tilespmem:s19], [sflag:$0x1], $0x1, s9, s9, $0xb8;
	[tilespmem:$0xC180] =	vst v63  }
0x6b: {  	s20 =	simm.s32 $0x100;
	s21 =	simm.s32 $0x1D00  }
0x6c: {  	[spmem:s3] =	stream.indirect.scatter.add.f32 [tilespmem:s21], [sflag:$0x1], $0x1, s20, s9, $0xb8;
	[tilespmem:$0xC180] =	vst v63  }
0x6d: {  	s22 =	simm.s32 $0x3900  }
0x6e: {  	[spmem:s6] =	stream.indirect.scatter.add.f32 [tilespmem:s22], [sflag:$0x1], $0x1, s20, s9, $0xb8;
	[tilespmem:$0xC180] =	vst v63  }
0x6f: {  	s23 =	simm.s32 $0x180;
	s24 =	simm.s32 $0x1D80  }
0x70: {  	[spmem:s3] =	stream.indirect.scatter.add.f32 [tilespmem:s24], [sflag:$0x1], $0x1, s23, s9, $0xb8;
	[tilespmem:$0xC180] =	vst v63  }
0x71: {  	s25 =	simm.s32 $0x3980  }
0x72: {  	[spmem:s6] =	stream.indirect.scatter.add.f32 [tilespmem:s25], [sflag:$0x1], $0x1, s23, s9, $0xb8;
	[tilespmem:$0xC180] =	vst v63  }
0x73: {  	s26 =	simm.s32 $0x200;
	s28 =	simm.s32 $0x1E00  }
0x74: {  	[spmem:s3] =	stream.indirect.scatter.add.f32 [tilespmem:s28], [sflag:$0x1], $0x1, s26, s9, $0xb8;
	[tilespmem:$0xC180] =	vst v63  }
0x75: {  	s29 =	simm.s32 $0x3A00;
	s8 =	simm.s32 $0x1  }
0x76: {  	[spmem:s6] =	stream.indirect.scatter.add.f32 [tilespmem:s29], [sflag:$0x1], $0x1, s26, s9, $0xb8;
	[tilespmem:$0xC180] =	vst v63  }
0x77: {  	_ =	swait.ge [sflag:s8], $0x80  }
0x78: {  	[sflag:s8] =	ssyncset.done $0x0  }
0x79: {  	[sflag:s8] =	ssyncadd.s32 $0xFFFFFF80  }
0x7a: {  	_ =	swait.ge [sflag:s8], $0x80  }
0x7b: {  	[sflag:s8] =	ssyncset.done $0x0  }
0x7c: {  	s30 =	simm.s32 $0x280;
	s31 =	simm.s32 $0x1E80;
	[sflag:s8] =	ssyncadd.s32 $0xFFFFFF80  }
0x7d: {  	[spmem:s3] =	stream.indirect.scatter.add.f32 [tilespmem:s31], [sflag:$0x1], $0x1, s30, s9, $0xb8;
	[tilespmem:$0xC180] =	vst v63  }
0x7e: {  	s12 =	simm.s32 $0x3A80  }
0x7f: {  	[spmem:s6] =	stream.indirect.scatter.add.f32 [tilespmem:s12], [sflag:$0x1], $0x1, s30, s9, $0xb8;
	[tilespmem:$0xC180] =	vst v63  }
0x80: {  	_ =	swait.ge [sflag:s8], $0x80  }
0x81: {  	[sflag:s8] =	ssyncset.done $0x0  }
0x82: {  	[sflag:s8] =	ssyncadd.s32 $0xFFFFFF80  }
0x83: {  	_ =	swait.ge [sflag:s8], $0x80  }
0x84: {  	[sflag:s8] =	ssyncset.done $0x0  }
0x85: {  	s13 =	simm.s32 $0x300;
	s14 =	simm.s32 $0x1F00;
	[sflag:s8] =	ssyncadd.s32 $0xFFFFFF80  }
0x86: {  	[spmem:s3] =	stream.indirect.scatter.add.f32 [tilespmem:s14], [sflag:$0x1], $0x1, s13, s9, $0xb8;
	[tilespmem:$0xC180] =	vst v63  }
0x87: {  	s15 =	simm.s32 $0x3B00  }
0x88: {  	[spmem:s6] =	stream.indirect.scatter.add.f32 [tilespmem:s15], [sflag:$0x1], $0x1, s13, s9, $0xb8;
	[tilespmem:$0xC180] =	vst v63  }
0x89: {  	_ =	swait.ge [sflag:s8], $0x80  }
0x8a: {  	[sflag:s8] =	ssyncset.done $0x0  }
0x8b: {  	[sflag:s8] =	ssyncadd.s32 $0xFFFFFF80  }
0x8c: {  	_ =	swait.ge [sflag:s8], $0x80  }
0x8d: {  	[sflag:s8] =	ssyncset.done $0x0  }
0x8e: {  	s16 =	simm.s32 $0x380;
	s17 =	simm.s32 $0x1F80;
	[sflag:s8] =	ssyncadd.s32 $0xFFFFFF80  }
0x8f: {  	[spmem:s3] =	stream.indirect.scatter.add.f32 [tilespmem:s17], [sflag:$0x1], $0x1, s16, s9, $0xb8;
	[tilespmem:$0xC180] =	vst v63  }
0x90: {  	s18 =	simm.s32 $0x3B80  }
0x91: {  	[spmem:s6] =	stream.indirect.scatter.add.f32 [tilespmem:s18], [sflag:$0x1], $0x1, s16, s9, $0xb8;
	[tilespmem:$0xC180] =	vst v63  }
0x92: {  	_ =	swait.ge [sflag:s8], $0x80  }
0x93: {  	[sflag:s8] =	ssyncset.done $0x0  }
0x94: {  	[sflag:s8] =	ssyncadd.s32 $0xFFFFFF80  }
0x95: {  	_ =	swait.ge [sflag:s8], $0x80  }
0x96: {  	[sflag:s8] =	ssyncset.done $0x0  }
0x97: {  	s19 =	simm.s32 $0x400;
	s20 =	simm.s32 $0x2000;
	[sflag:s8] =	ssyncadd.s32 $0xFFFFFF80  }
0x98: {  	[spmem:s3] =	stream.indirect.scatter.add.f32 [tilespmem:s20], [sflag:$0x1], $0x1, s19, s9, $0xb8;
	[tilespmem:$0xC180] =	vst v63  }
0x99: {  	s21 =	simm.s32 $0x3C00  }
0x9a: {  	[spmem:s6] =	stream.indirect.scatter.add.f32 [tilespmem:s21], [sflag:$0x1], $0x1, s19, s9, $0xb8;
	[tilespmem:$0xC180] =	vst v63  }
0x9b: {  	_ =	swait.ge [sflag:s8], $0x80  }
0x9c: {  	[sflag:s8] =	ssyncset.done $0x0  }
0x9d: {  	[sflag:s8] =	ssyncadd.s32 $0xFFFFFF80  }
0x9e: {  	_ =	swait.ge [sflag:s8], $0x80  }
0x9f: {  	[sflag:s8] =	ssyncset.done $0x0  }
0xa0: {  	s22 =	simm.s32 $0x480;
	s23 =	simm.s32 $0x2080;
	[sflag:s8] =	ssyncadd.s32 $0xFFFFFF80  }
0xa1: {  	[spmem:s3] =	stream.indirect.scatter.add.f32 [tilespmem:s23], [sflag:$0x1], $0x1, s22, s9, $0xb8;
	[tilespmem:$0xC180] =	vst v63  }
0xa2: {  	s24 =	simm.s32 $0x3C80  }
0xa3: {  	[spmem:s6] =	stream.indirect.scatter.add.f32 [tilespmem:s24], [sflag:$0x1], $0x1, s22, s9, $0xb8;
	[tilespmem:$0xC180] =	vst v63  }
0xa4: {  	_ =	swait.ge [sflag:s8], $0x80  }
0xa5: {  	[sflag:s8] =	ssyncset.done $0x0  }
0xa6: {  	[sflag:s8] =	ssyncadd.s32 $0xFFFFFF80  }
0xa7: {  	_ =	swait.ge [sflag:s8], $0x80  }
0xa8: {  	[sflag:s8] =	ssyncset.done $0x0  }
0xa9: {  	s25 =	simm.s32 $0x500;
	s26 =	simm.s32 $0x2100;
	[sflag:s8] =	ssyncadd.s32 $0xFFFFFF80  }
0xaa: {  	[spmem:s3] =	stream.indirect.scatter.add.f32 [tilespmem:s26], [sflag:$0x1], $0x1, s25, s9, $0xb8;
	[tilespmem:$0xC180] =	vst v63  }
0xab: {  	s28 =	simm.s32 $0x3D00  }
0xac: {  	[spmem:s6] =	stream.indirect.scatter.add.f32 [tilespmem:s28], [sflag:$0x1], $0x1, s25, s9, $0xb8;
	[tilespmem:$0xC180] =	vst v63  }
0xad: {  	_ =	swait.ge [sflag:s8], $0x80  }
0xae: {  	[sflag:s8] =	ssyncset.done $0x0  }
0xaf: {  	[sflag:s8] =	ssyncadd.s32 $0xFFFFFF80  }
0xb0: {  	_ =	swait.ge [sflag:s8], $0x80  }
0xb1: {  	[sflag:s8] =	ssyncset.done $0x0  }
0xb2: {  	s29 =	simm.s32 $0x580;
	s30 =	simm.s32 $0x2180;
	[sflag:s8] =	ssyncadd.s32 $0xFFFFFF80  }
0xb3: {  	[spmem:s3] =	stream.indirect.scatter.add.f32 [tilespmem:s30], [sflag:$0x1], $0x1, s29, s9, $0xb8;
	[tilespmem:$0xC180] =	vst v63  }
0xb4: {  	s31 =	simm.s32 $0x3D80  }
0xb5: {  	[spmem:s6] =	stream.indirect.scatter.add.f32 [tilespmem:s31], [sflag:$0x1], $0x1, s29, s9, $0xb8;
	[tilespmem:$0xC180] =	vst v63  }
0xb6: {  	_ =	swait.ge [sflag:s8], $0x80  }
0xb7: {  	[sflag:s8] =	ssyncset.done $0x0  }
0xb8: {  	[sflag:s8] =	ssyncadd.s32 $0xFFFFFF80  }
0xb9: {  	_ =	swait.ge [sflag:s8], $0x80  }
0xba: {  	[sflag:s8] =	ssyncset.done $0x0  }
0xbb: {  	s12 =	simm.s32 $0x600;
	s13 =	simm.s32 $0x2200;
	[sflag:s8] =	ssyncadd.s32 $0xFFFFFF80  }
0xbc: {  	[spmem:s3] =	stream.indirect.scatter.add.f32 [tilespmem:s13], [sflag:$0x1], $0x1, s12, s9, $0xb8;
	[tilespmem:$0xC180] =	vst v63  }
0xbd: {  	s14 =	simm.s32 $0x3E00  }
0xbe: {  	[spmem:s6] =	stream.indirect.scatter.add.f32 [tilespmem:s14], [sflag:$0x1], $0x1, s12, s9, $0xb8;
	[tilespmem:$0xC180] =	vst v63  }
0xbf: {  	_ =	swait.ge [sflag:s8], $0x80  }
0xc0: {  	[sflag:s8] =	ssyncset.done $0x0  }
0xc1: {  	[sflag:s8] =	ssyncadd.s32 $0xFFFFFF80  }
0xc2: {  	_ =	swait.ge [sflag:s8], $0x80  }
0xc3: {  	[sflag:s8] =	ssyncset.done $0x0  }
0xc4: {  	s15 =	simm.s32 $0x680;
	s16 =	simm.s32 $0x2280;
	[sflag:s8] =	ssyncadd.s32 $0xFFFFFF80  }
0xc5: {  	[spmem:s3] =	stream.indirect.scatter.add.f32 [tilespmem:s16], [sflag:$0x1], $0x1, s15, s9, $0xb8;
	[tilespmem:$0xC180] =	vst v63  }
0xc6: {  	s17 =	simm.s32 $0x3E80  }
0xc7: {  	[spmem:s6] =	stream.indirect.scatter.add.f32 [tilespmem:s17], [sflag:$0x1], $0x1, s15, s9, $0xb8;
	[tilespmem:$0xC180] =	vst v63  }
0xc8: {  	_ =	swait.ge [sflag:s8], $0x80  }
0xc9: {  	[sflag:s8] =	ssyncset.done $0x0  }
0xca: {  	[sflag:s8] =	ssyncadd.s32 $0xFFFFFF80  }
0xcb: {  	_ =	swait.ge [sflag:s8], $0x80  }
0xcc: {  	[sflag:s8] =	ssyncset.done $0x0  }
0xcd: {  	s18 =	simm.s32 $0x700;
	s19 =	simm.s32 $0x2300;
	[sflag:s8] =	ssyncadd.s32 $0xFFFFFF80  }
0xce: {  	[spmem:s3] =	stream.indirect.scatter.add.f32 [tilespmem:s19], [sflag:$0x1], $0x1, s18, s9, $0xb8;
	[tilespmem:$0xC180] =	vst v63  }
0xcf: {  	s20 =	simm.s32 $0x3F00  }
0xd0: {  	[spmem:s6] =	stream.indirect.scatter.add.f32 [tilespmem:s20], [sflag:$0x1], $0x1, s18, s9, $0xb8;
	[tilespmem:$0xC180] =	vst v63  }
0xd1: {  	_ =	swait.ge [sflag:s8], $0x80  }
0xd2: {  	[sflag:s8] =	ssyncset.done $0x0  }
0xd3: {  	[sflag:s8] =	ssyncadd.s32 $0xFFFFFF80  }
0xd4: {  	_ =	swait.ge [sflag:s8], $0x80  }
0xd5: {  	[sflag:s8] =	ssyncset.done $0x0  }
0xd6: {  	s21 =	simm.s32 $0x780;
	s22 =	simm.s32 $0x2380;
	[sflag:s8] =	ssyncadd.s32 $0xFFFFFF80  }
0xd7: {  	[spmem:s3] =	stream.indirect.scatter.add.f32 [tilespmem:s22], [sflag:$0x1], $0x1, s21, s9, $0xb8;
	[tilespmem:$0xC180] =	vst v63  }
0xd8: {  	s23 =	simm.s32 $0x3F80  }
0xd9: {  	[spmem:s6] =	stream.indirect.scatter.add.f32 [tilespmem:s23], [sflag:$0x1], $0x1, s21, s9, $0xb8;
	[tilespmem:$0xC180] =	vst v63  }
0xda: {  	_ =	swait.ge [sflag:s8], $0x80  }
0xdb: {  	[sflag:s8] =	ssyncset.done $0x0  }
0xdc: {  	[sflag:s8] =	ssyncadd.s32 $0xFFFFFF80  }
0xdd: {  	_ =	swait.ge [sflag:s8], $0x80  }
0xde: {  	[sflag:s8] =	ssyncset.done $0x0  }
0xdf: {  	s24 =	simm.s32 $0x800;
	s25 =	simm.s32 $0x2400;
	[sflag:s8] =	ssyncadd.s32 $0xFFFFFF80  }
0xe0: {  	[spmem:s3] =	stream.indirect.scatter.add.f32 [tilespmem:s25], [sflag:$0x1], $0x1, s24, s9, $0xb8;
	[tilespmem:$0xC180] =	vst v63  }
0xe1: {  	s26 =	simm.s32 $0x4000  }
0xe2: {  	[spmem:s6] =	stream.indirect.scatter.add.f32 [tilespmem:s26], [sflag:$0x1], $0x1, s24, s9, $0xb8;
	[tilespmem:$0xC180] =	vst v63  }
0xe3: {  	_ =	swait.ge [sflag:s8], $0x80  }
0xe4: {  	[sflag:s8] =	ssyncset.done $0x0  }
0xe5: {  	[sflag:s8] =	ssyncadd.s32 $0xFFFFFF80  }
0xe6: {  	_ =	swait.ge [sflag:s8], $0x80  }
0xe7: {  	[sflag:s8] =	ssyncset.done $0x0  }
0xe8: {  	s28 =	simm.s32 $0x880;
	s29 =	simm.s32 $0x2480;
	[sflag:s8] =	ssyncadd.s32 $0xFFFFFF80  }
0xe9: {  	[spmem:s3] =	stream.indirect.scatter.add.f32 [tilespmem:s29], [sflag:$0x1], $0x1, s28, s9, $0xb8;
	[tilespmem:$0xC180] =	vst v63  }
0xea: {  	s30 =	simm.s32 $0x4080  }
0xeb: {  	[spmem:s6] =	stream.indirect.scatter.add.f32 [tilespmem:s30], [sflag:$0x1], $0x1, s28, s9, $0xb8;
	[tilespmem:$0xC180] =	vst v63  }
0xec: {  	_ =	swait.ge [sflag:s8], $0x80  }
0xed: {  	[sflag:s8] =	ssyncset.done $0x0  }
0xee: {  	[sflag:s8] =	ssyncadd.s32 $0xFFFFFF80  }
0xef: {  	_ =	swait.ge [sflag:s8], $0x80  }
0xf0: {  	[sflag:s8] =	ssyncset.done $0x0  }
0xf1: {  	s31 =	simm.s32 $0x900;
	s12 =	simm.s32 $0x2500;
	[sflag:s8] =	ssyncadd.s32 $0xFFFFFF80  }
0xf2: {  	[spmem:s3] =	stream.indirect.scatter.add.f32 [tilespmem:s12], [sflag:$0x1], $0x1, s31, s9, $0xb8;
	[tilespmem:$0xC180] =	vst v63  }
0xf3: {  	s13 =	simm.s32 $0x4100  }
0xf4: {  	[spmem:s6] =	stream.indirect.scatter.add.f32 [tilespmem:s13], [sflag:$0x1], $0x1, s31, s9, $0xb8;
	[tilespmem:$0xC180] =	vst v63  }
0xf5: {  	_ =	swait.ge [sflag:s8], $0x80  }
0xf6: {  	[sflag:s8] =	ssyncset.done $0x0  }
0xf7: {  	[sflag:s8] =	ssyncadd.s32 $0xFFFFFF80  }
0xf8: {  	_ =	swait.ge [sflag:s8], $0x80  }
0xf9: {  	[sflag:s8] =	ssyncset.done $0x0  }
0xfa: {  	s14 =	simm.s32 $0x980;
	s15 =	simm.s32 $0x2580;
	[sflag:s8] =	ssyncadd.s32 $0xFFFFFF80  }
0xfb: {  	[spmem:s3] =	stream.indirect.scatter.add.f32 [tilespmem:s15], [sflag:$0x1], $0x1, s14, s9, $0xb8;
	[tilespmem:$0xC180] =	vst v63  }
0xfc: {  	s16 =	simm.s32 $0x4180  }
0xfd: {  	[spmem:s6] =	stream.indirect.scatter.add.f32 [tilespmem:s16], [sflag:$0x1], $0x1, s14, s9, $0xb8;
	[tilespmem:$0xC180] =	vst v63  }
0xfe: {  	_ =	swait.ge [sflag:s8], $0x80  }
0xff: {  	[sflag:s8] =	ssyncset.done $0x0  }
0x100: {  	[sflag:s8] =	ssyncadd.s32 $0xFFFFFF80  }
0x101: {  	_ =	swait.ge [sflag:s8], $0x80  }
0x102: {  	[sflag:s8] =	ssyncset.done $0x0  }
0x103: {  	s17 =	simm.s32 $0xA00;
	s18 =	simm.s32 $0x2600;
	[sflag:s8] =	ssyncadd.s32 $0xFFFFFF80  }
0x104: {  	[spmem:s3] =	stream.indirect.scatter.add.f32 [tilespmem:s18], [sflag:$0x1], $0x1, s17, s9, $0xb8;
	[tilespmem:$0xC180] =	vst v63  }
0x105: {  	s19 =	simm.s32 $0x4200  }
0x106: {  	[spmem:s6] =	stream.indirect.scatter.add.f32 [tilespmem:s19], [sflag:$0x1], $0x1, s17, s9, $0xb8;
	[tilespmem:$0xC180] =	vst v63  }
0x107: {  	_ =	swait.ge [sflag:s8], $0x80  }
0x108: {  	[sflag:s8] =	ssyncset.done $0x0  }
0x109: {  	[sflag:s8] =	ssyncadd.s32 $0xFFFFFF80  }
0x10a: {  	_ =	swait.ge [sflag:s8], $0x80  }
0x10b: {  	[sflag:s8] =	ssyncset.done $0x0  }
0x10c: {  	s20 =	simm.s32 $0xA80;
	s21 =	simm.s32 $0x2680;
	[sflag:s8] =	ssyncadd.s32 $0xFFFFFF80  }
0x10d: {  	[spmem:s3] =	stream.indirect.scatter.add.f32 [tilespmem:s21], [sflag:$0x1], $0x1, s20, s9, $0xb8;
	[tilespmem:$0xC180] =	vst v63  }
0x10e: {  	s22 =	simm.s32 $0x4280  }
0x10f: {  	[spmem:s6] =	stream.indirect.scatter.add.f32 [tilespmem:s22], [sflag:$0x1], $0x1, s20, s9, $0xb8;
	[tilespmem:$0xC180] =	vst v63  }
0x110: {  	_ =	swait.ge [sflag:s8], $0x80  }
0x111: {  	[sflag:s8] =	ssyncset.done $0x0  }
0x112: {  	[sflag:s8] =	ssyncadd.s32 $0xFFFFFF80  }
0x113: {  	_ =	swait.ge [sflag:s8], $0x80  }
0x114: {  	[sflag:s8] =	ssyncset.done $0x0  }
0x115: {  	s23 =	simm.s32 $0xB00;
	s24 =	simm.s32 $0x2700;
	[sflag:s8] =	ssyncadd.s32 $0xFFFFFF80  }
0x116: {  	[spmem:s3] =	stream.indirect.scatter.add.f32 [tilespmem:s24], [sflag:$0x1], $0x1, s23, s9, $0xb8;
	[tilespmem:$0xC180] =	vst v63  }
0x117: {  	s25 =	simm.s32 $0x4300  }
0x118: {  	[spmem:s6] =	stream.indirect.scatter.add.f32 [tilespmem:s25], [sflag:$0x1], $0x1, s23, s9, $0xb8;
	[tilespmem:$0xC180] =	vst v63  }
0x119: {  	_ =	swait.ge [sflag:s8], $0x80  }
0x11a: {  	[sflag:s8] =	ssyncset.done $0x0  }
0x11b: {  	[sflag:s8] =	ssyncadd.s32 $0xFFFFFF80  }
0x11c: {  	_ =	swait.ge [sflag:s8], $0x80  }
0x11d: {  	[sflag:s8] =	ssyncset.done $0x0  }
0x11e: {  	s26 =	simm.s32 $0xB80;
	s28 =	simm.s32 $0x2780;
	[sflag:s8] =	ssyncadd.s32 $0xFFFFFF80  }
0x11f: {  	[spmem:s3] =	stream.indirect.scatter.add.f32 [tilespmem:s28], [sflag:$0x1], $0x1, s26, s9, $0xb8;
	[tilespmem:$0xC180] =	vst v63  }
0x120: {  	s29 =	simm.s32 $0x4380  }
0x121: {  	[spmem:s6] =	stream.indirect.scatter.add.f32 [tilespmem:s29], [sflag:$0x1], $0x1, s26, s9, $0xb8;
	[tilespmem:$0xC180] =	vst v63  }
0x122: {  	_ =	swait.ge [sflag:s8], $0x80  }
0x123: {  	[sflag:s8] =	ssyncset.done $0x0  }
0x124: {  	[sflag:s8] =	ssyncadd.s32 $0xFFFFFF80  }
0x125: {  	_ =	swait.ge [sflag:s8], $0x80  }
0x126: {  	[sflag:s8] =	ssyncset.done $0x0  }
0x127: {  	s30 =	simm.s32 $0xC00;
	s31 =	simm.s32 $0x2800;
	[sflag:s8] =	ssyncadd.s32 $0xFFFFFF80  }
0x128: {  	[spmem:s3] =	stream.indirect.scatter.add.f32 [tilespmem:s31], [sflag:$0x1], $0x1, s30, s9, $0xb8;
	[tilespmem:$0xC180] =	vst v63  }
0x129: {  	s12 =	simm.s32 $0x4400  }
0x12a: {  	[spmem:s6] =	stream.indirect.scatter.add.f32 [tilespmem:s12], [sflag:$0x1], $0x1, s30, s9, $0xb8;
	[tilespmem:$0xC180] =	vst v63  }
0x12b: {  	_ =	swait.ge [sflag:s8], $0x80  }
0x12c: {  	[sflag:s8] =	ssyncset.done $0x0  }
0x12d: {  	[sflag:s8] =	ssyncadd.s32 $0xFFFFFF80  }
0x12e: {  	_ =	swait.ge [sflag:s8], $0x80  }
0x12f: {  	[sflag:s8] =	ssyncset.done $0x0  }
0x130: {  	s13 =	simm.s32 $0xC80;
	s14 =	simm.s32 $0x2880;
	[sflag:s8] =	ssyncadd.s32 $0xFFFFFF80  }
0x131: {  	[spmem:s3] =	stream.indirect.scatter.add.f32 [tilespmem:s14], [sflag:$0x1], $0x1, s13, s9, $0xb8;
	[tilespmem:$0xC180] =	vst v63  }
0x132: {  	s15 =	simm.s32 $0x4480  }
0x133: {  	[spmem:s6] =	stream.indirect.scatter.add.f32 [tilespmem:s15], [sflag:$0x1], $0x1, s13, s9, $0xb8;
	[tilespmem:$0xC180] =	vst v63  }
0x134: {  	_ =	swait.ge [sflag:s8], $0x80  }
0x135: {  	[sflag:s8] =	ssyncset.done $0x0  }
0x136: {  	[sflag:s8] =	ssyncadd.s32 $0xFFFFFF80  }
0x137: {  	_ =	swait.ge [sflag:s8], $0x80  }
0x138: {  	[sflag:s8] =	ssyncset.done $0x0  }
0x139: {  	s16 =	simm.s32 $0xD00;
	s17 =	simm.s32 $0x2900;
	[sflag:s8] =	ssyncadd.s32 $0xFFFFFF80  }
0x13a: {  	[spmem:s3] =	stream.indirect.scatter.add.f32 [tilespmem:s17], [sflag:$0x1], $0x1, s16, s9, $0xb8;
	[tilespmem:$0xC180] =	vst v63  }
0x13b: {  	s18 =	simm.s32 $0x4500  }
0x13c: {  	[spmem:s6] =	stream.indirect.scatter.add.f32 [tilespmem:s18], [sflag:$0x1], $0x1, s16, s9, $0xb8;
	[tilespmem:$0xC180] =	vst v63  }
0x13d: {  	_ =	swait.ge [sflag:s8], $0x80  }
0x13e: {  	[sflag:s8] =	ssyncset.done $0x0  }
0x13f: {  	[sflag:s8] =	ssyncadd.s32 $0xFFFFFF80  }
0x140: {  	_ =	swait.ge [sflag:s8], $0x80  }
0x141: {  	[sflag:s8] =	ssyncset.done $0x0  }
0x142: {  	s19 =	simm.s32 $0xD80;
	s20 =	simm.s32 $0x2980;
	[sflag:s8] =	ssyncadd.s32 $0xFFFFFF80  }
0x143: {  	[spmem:s3] =	stream.indirect.scatter.add.f32 [tilespmem:s20], [sflag:$0x1], $0x1, s19, s9, $0xb8;
	[tilespmem:$0xC180] =	vst v63  }
0x144: {  	s21 =	simm.s32 $0x4580  }
0x145: {  	[spmem:s6] =	stream.indirect.scatter.add.f32 [tilespmem:s21], [sflag:$0x1], $0x1, s19, s9, $0xb8;
	[tilespmem:$0xC180] =	vst v63  }
0x146: {  	_ =	swait.ge [sflag:s8], $0x80  }
0x147: {  	[sflag:s8] =	ssyncset.done $0x0  }
0x148: {  	[sflag:s8] =	ssyncadd.s32 $0xFFFFFF80  }
0x149: {  	_ =	swait.ge [sflag:s8], $0x80  }
0x14a: {  	[sflag:s8] =	ssyncset.done $0x0  }
0x14b: {  	s22 =	simm.s32 $0xE00;
	s23 =	simm.s32 $0x2A00;
	[sflag:s8] =	ssyncadd.s32 $0xFFFFFF80  }
0x14c: {  	[spmem:s3] =	stream.indirect.scatter.add.f32 [tilespmem:s23], [sflag:$0x1], $0x1, s22, s9, $0xb8;
	[tilespmem:$0xC180] =	vst v63  }
0x14d: {  	s24 =	simm.s32 $0x4600  }
0x14e: {  	[spmem:s6] =	stream.indirect.scatter.add.f32 [tilespmem:s24], [sflag:$0x1], $0x1, s22, s9, $0xb8;
	[tilespmem:$0xC180] =	vst v63  }
0x14f: {  	_ =	swait.ge [sflag:s8], $0x80  }
0x150: {  	[sflag:s8] =	ssyncset.done $0x0  }
0x151: {  	[sflag:s8] =	ssyncadd.s32 $0xFFFFFF80  }
0x152: {  	_ =	swait.ge [sflag:s8], $0x80  }
0x153: {  	[sflag:s8] =	ssyncset.done $0x0  }
0x154: {  	s25 =	simm.s32 $0xE80;
	s26 =	simm.s32 $0x2A80;
	[sflag:s8] =	ssyncadd.s32 $0xFFFFFF80  }
0x155: {  	[spmem:s3] =	stream.indirect.scatter.add.f32 [tilespmem:s26], [sflag:$0x1], $0x1, s25, s9, $0xb8;
	[tilespmem:$0xC180] =	vst v63  }
0x156: {  	s28 =	simm.s32 $0x4680  }
0x157: {  	[spmem:s6] =	stream.indirect.scatter.add.f32 [tilespmem:s28], [sflag:$0x1], $0x1, s25, s9, $0xb8;
	[tilespmem:$0xC180] =	vst v63  }
0x158: {  	_ =	swait.ge [sflag:s8], $0x80  }
0x159: {  	[sflag:s8] =	ssyncset.done $0x0  }
0x15a: {  	[sflag:s8] =	ssyncadd.s32 $0xFFFFFF80  }
0x15b: {  	_ =	swait.ge [sflag:s8], $0x80  }
0x15c: {  	[sflag:s8] =	ssyncset.done $0x0  }
0x15d: {  	s29 =	simm.s32 $0xF00;
	s30 =	simm.s32 $0x2B00;
	[sflag:s8] =	ssyncadd.s32 $0xFFFFFF80  }
0x15e: {  	[spmem:s3] =	stream.indirect.scatter.add.f32 [tilespmem:s30], [sflag:$0x1], $0x1, s29, s9, $0xb8;
	[tilespmem:$0xC180] =	vst v63  }
0x15f: {  	s31 =	simm.s32 $0x4700  }
0x160: {  	[spmem:s6] =	stream.indirect.scatter.add.f32 [tilespmem:s31], [sflag:$0x1], $0x1, s29, s9, $0xb8;
	[tilespmem:$0xC180] =	vst v63  }
0x161: {  	_ =	swait.ge [sflag:s8], $0x80  }
0x162: {  	[sflag:s8] =	ssyncset.done $0x0  }
0x163: {  	[sflag:s8] =	ssyncadd.s32 $0xFFFFFF80  }
0x164: {  	_ =	swait.ge [sflag:s8], $0x80  }
0x165: {  	[sflag:s8] =	ssyncset.done $0x0  }
0x166: {  	s12 =	simm.s32 $0xF80;
	s13 =	simm.s32 $0x2B80;
	[sflag:s8] =	ssyncadd.s32 $0xFFFFFF80  }
0x167: {  	[spmem:s3] =	stream.indirect.scatter.add.f32 [tilespmem:s13], [sflag:$0x1], $0x1, s12, s9, $0xb8;
	[tilespmem:$0xC180] =	vst v63  }
0x168: {  	s14 =	simm.s32 $0x4780  }
0x169: {  	[spmem:s6] =	stream.indirect.scatter.add.f32 [tilespmem:s14], [sflag:$0x1], $0x1, s12, s9, $0xb8;
	[tilespmem:$0xC180] =	vst v63  }
0x16a: {  	_ =	swait.ge [sflag:s8], $0x80  }
0x16b: {  	[sflag:s8] =	ssyncset.done $0x0  }
0x16c: {  	[sflag:s8] =	ssyncadd.s32 $0xFFFFFF80  }
0x16d: {  	_ =	swait.ge [sflag:s8], $0x80  }
0x16e: {  	[sflag:s8] =	ssyncset.done $0x0  }
0x16f: {  	s15 =	simm.s32 $0x1000;
	s16 =	simm.s32 $0x2C00;
	[sflag:s8] =	ssyncadd.s32 $0xFFFFFF80  }
0x170: {  	[spmem:s3] =	stream.indirect.scatter.add.f32 [tilespmem:s16], [sflag:$0x1], $0x1, s15, s9, $0xb8;
	[tilespmem:$0xC180] =	vst v63  }
0x171: {  	s17 =	simm.s32 $0x4800  }
0x172: {  	[spmem:s6] =	stream.indirect.scatter.add.f32 [tilespmem:s17], [sflag:$0x1], $0x1, s15, s9, $0xb8;
	[tilespmem:$0xC180] =	vst v63  }
0x173: {  	_ =	swait.ge [sflag:s8], $0x80  }
0x174: {  	[sflag:s8] =	ssyncset.done $0x0  }
0x175: {  	[sflag:s8] =	ssyncadd.s32 $0xFFFFFF80  }
0x176: {  	_ =	swait.ge [sflag:s8], $0x80  }
0x177: {  	[sflag:s8] =	ssyncset.done $0x0  }
0x178: {  	s18 =	simm.s32 $0x1080;
	s19 =	simm.s32 $0x2C80;
	[sflag:s8] =	ssyncadd.s32 $0xFFFFFF80  }
0x179: {  	[spmem:s3] =	stream.indirect.scatter.add.f32 [tilespmem:s19], [sflag:$0x1], $0x1, s18, s9, $0xb8;
	[tilespmem:$0xC180] =	vst v63  }
0x17a: {  	s20 =	simm.s32 $0x4880  }
0x17b: {  	[spmem:s6] =	stream.indirect.scatter.add.f32 [tilespmem:s20], [sflag:$0x1], $0x1, s18, s9, $0xb8;
	[tilespmem:$0xC180] =	vst v63  }
0x17c: {  	_ =	swait.ge [sflag:s8], $0x80  }
0x17d: {  	[sflag:s8] =	ssyncset.done $0x0  }
0x17e: {  	[sflag:s8] =	ssyncadd.s32 $0xFFFFFF80  }
0x17f: {  	_ =	swait.ge [sflag:s8], $0x80  }
0x180: {  	[sflag:s8] =	ssyncset.done $0x0  }
0x181: {  	s21 =	simm.s32 $0x1100;
	s22 =	simm.s32 $0x2D00;
	[sflag:s8] =	ssyncadd.s32 $0xFFFFFF80  }
0x182: {  	[spmem:s3] =	stream.indirect.scatter.add.f32 [tilespmem:s22], [sflag:$0x1], $0x1, s21, s9, $0xb8;
	[tilespmem:$0xC180] =	vst v63  }
0x183: {  	s23 =	simm.s32 $0x4900  }
0x184: {  	[spmem:s6] =	stream.indirect.scatter.add.f32 [tilespmem:s23], [sflag:$0x1], $0x1, s21, s9, $0xb8;
	[tilespmem:$0xC180] =	vst v63  }
0x185: {  	_ =	swait.ge [sflag:s8], $0x80  }
0x186: {  	[sflag:s8] =	ssyncset.done $0x0  }
0x187: {  	[sflag:s8] =	ssyncadd.s32 $0xFFFFFF80  }
0x188: {  	_ =	swait.ge [sflag:s8], $0x80  }
0x189: {  	[sflag:s8] =	ssyncset.done $0x0  }
0x18a: {  	s24 =	simm.s32 $0x1180;
	s25 =	simm.s32 $0x2D80;
	[sflag:s8] =	ssyncadd.s32 $0xFFFFFF80  }
0x18b: {  	[spmem:s3] =	stream.indirect.scatter.add.f32 [tilespmem:s25], [sflag:$0x1], $0x1, s24, s9, $0xb8;
	[tilespmem:$0xC180] =	vst v63  }
0x18c: {  	s26 =	simm.s32 $0x4980  }
0x18d: {  	[spmem:s6] =	stream.indirect.scatter.add.f32 [tilespmem:s26], [sflag:$0x1], $0x1, s24, s9, $0xb8;
	[tilespmem:$0xC180] =	vst v63  }
0x18e: {  	_ =	swait.ge [sflag:s8], $0x80  }
0x18f: {  	[sflag:s8] =	ssyncset.done $0x0  }
0x190: {  	[sflag:s8] =	ssyncadd.s32 $0xFFFFFF80  }
0x191: {  	_ =	swait.ge [sflag:s8], $0x80  }
0x192: {  	[sflag:s8] =	ssyncset.done $0x0  }
0x193: {  	s28 =	simm.s32 $0x1200;
	s29 =	simm.s32 $0x2E00;
	[sflag:s8] =	ssyncadd.s32 $0xFFFFFF80  }
0x194: {  	[spmem:s3] =	stream.indirect.scatter.add.f32 [tilespmem:s29], [sflag:$0x1], $0x1, s28, s9, $0xb8;
	[tilespmem:$0xC180] =	vst v63  }
0x195: {  	s30 =	simm.s32 $0x4A00  }
0x196: {  	[spmem:s6] =	stream.indirect.scatter.add.f32 [tilespmem:s30], [sflag:$0x1], $0x1, s28, s9, $0xb8;
	[tilespmem:$0xC180] =	vst v63  }
0x197: {  	_ =	swait.ge [sflag:s8], $0x80  }
0x198: {  	[sflag:s8] =	ssyncset.done $0x0  }
0x199: {  	[sflag:s8] =	ssyncadd.s32 $0xFFFFFF80  }
0x19a: {  	_ =	swait.ge [sflag:s8], $0x80  }
0x19b: {  	[sflag:s8] =	ssyncset.done $0x0  }
0x19c: {  	s31 =	simm.s32 $0x1280;
	s12 =	simm.s32 $0x2E80;
	[sflag:s8] =	ssyncadd.s32 $0xFFFFFF80  }
0x19d: {  	[spmem:s3] =	stream.indirect.scatter.add.f32 [tilespmem:s12], [sflag:$0x1], $0x1, s31, s9, $0xb8;
	[tilespmem:$0xC180] =	vst v63  }
0x19e: {  	s13 =	simm.s32 $0x4A80  }
0x19f: {  	[spmem:s6] =	stream.indirect.scatter.add.f32 [tilespmem:s13], [sflag:$0x1], $0x1, s31, s9, $0xb8;
	[tilespmem:$0xC180] =	vst v63  }
0x1a0: {  	_ =	swait.ge [sflag:s8], $0x80  }
0x1a1: {  	[sflag:s8] =	ssyncset.done $0x0  }
0x1a2: {  	[sflag:s8] =	ssyncadd.s32 $0xFFFFFF80  }
0x1a3: {  	_ =	swait.ge [sflag:s8], $0x80  }
0x1a4: {  	[sflag:s8] =	ssyncset.done $0x0  }
0x1a5: {  	s14 =	simm.s32 $0x1300;
	s15 =	simm.s32 $0x2F00;
	[sflag:s8] =	ssyncadd.s32 $0xFFFFFF80  }
0x1a6: {  	[spmem:s3] =	stream.indirect.scatter.add.f32 [tilespmem:s15], [sflag:$0x1], $0x1, s14, s9, $0xb8;
	[tilespmem:$0xC180] =	vst v63  }
0x1a7: {  	s16 =	simm.s32 $0x4B00  }
0x1a8: {  	[spmem:s6] =	stream.indirect.scatter.add.f32 [tilespmem:s16], [sflag:$0x1], $0x1, s14, s9, $0xb8;
	[tilespmem:$0xC180] =	vst v63  }
0x1a9: {  	_ =	swait.ge [sflag:s8], $0x80  }
0x1aa: {  	[sflag:s8] =	ssyncset.done $0x0  }
0x1ab: {  	[sflag:s8] =	ssyncadd.s32 $0xFFFFFF80  }
0x1ac: {  	_ =	swait.ge [sflag:s8], $0x80  }
0x1ad: {  	[sflag:s8] =	ssyncset.done $0x0  }
0x1ae: {  	s17 =	simm.s32 $0x1380;
	s18 =	simm.s32 $0x2F80;
	[sflag:s8] =	ssyncadd.s32 $0xFFFFFF80  }
0x1af: {  	[spmem:s3] =	stream.indirect.scatter.add.f32 [tilespmem:s18], [sflag:$0x1], $0x1, s17, s9, $0xb8;
	[tilespmem:$0xC180] =	vst v63  }
0x1b0: {  	s19 =	simm.s32 $0x4B80  }
0x1b1: {  	[spmem:s6] =	stream.indirect.scatter.add.f32 [tilespmem:s19], [sflag:$0x1], $0x1, s17, s9, $0xb8;
	[tilespmem:$0xC180] =	vst v63  }
0x1b2: {  	_ =	swait.ge [sflag:s8], $0x80  }
0x1b3: {  	[sflag:s8] =	ssyncset.done $0x0  }
0x1b4: {  	[sflag:s8] =	ssyncadd.s32 $0xFFFFFF80  }
0x1b5: {  	_ =	swait.ge [sflag:s8], $0x80  }
0x1b6: {  	[sflag:s8] =	ssyncset.done $0x0  }
0x1b7: {  	s20 =	simm.s32 $0x1400;
	s21 =	simm.s32 $0x3000;
	[sflag:s8] =	ssyncadd.s32 $0xFFFFFF80  }
0x1b8: {  	[spmem:s3] =	stream.indirect.scatter.add.f32 [tilespmem:s21], [sflag:$0x1], $0x1, s20, s9, $0xb8;
	[tilespmem:$0xC180] =	vst v63  }
0x1b9: {  	s22 =	simm.s32 $0x4C00  }
0x1ba: {  	[spmem:s6] =	stream.indirect.scatter.add.f32 [tilespmem:s22], [sflag:$0x1], $0x1, s20, s9, $0xb8;
	[tilespmem:$0xC180] =	vst v63  }
0x1bb: {  	_ =	swait.ge [sflag:s8], $0x80  }
0x1bc: {  	[sflag:s8] =	ssyncset.done $0x0  }
0x1bd: {  	[sflag:s8] =	ssyncadd.s32 $0xFFFFFF80  }
0x1be: {  	_ =	swait.ge [sflag:s8], $0x80  }
0x1bf: {  	[sflag:s8] =	ssyncset.done $0x0  }
0x1c0: {  	s23 =	simm.s32 $0x1480;
	s24 =	simm.s32 $0x3080;
	[sflag:s8] =	ssyncadd.s32 $0xFFFFFF80  }
0x1c1: {  	[spmem:s3] =	stream.indirect.scatter.add.f32 [tilespmem:s24], [sflag:$0x1], $0x1, s23, s9, $0xb8;
	[tilespmem:$0xC180] =	vst v63  }
0x1c2: {  	s25 =	simm.s32 $0x4C80  }
0x1c3: {  	[spmem:s6] =	stream.indirect.scatter.add.f32 [tilespmem:s25], [sflag:$0x1], $0x1, s23, s9, $0xb8;
	[tilespmem:$0xC180] =	vst v63  }
0x1c4: {  	_ =	swait.ge [sflag:s8], $0x80  }
0x1c5: {  	[sflag:s8] =	ssyncset.done $0x0  }
0x1c6: {  	[sflag:s8] =	ssyncadd.s32 $0xFFFFFF80  }
0x1c7: {  	_ =	swait.ge [sflag:s8], $0x80  }
0x1c8: {  	[sflag:s8] =	ssyncset.done $0x0  }
0x1c9: {  	s26 =	simm.s32 $0x1500;
	s28 =	simm.s32 $0x3100;
	[sflag:s8] =	ssyncadd.s32 $0xFFFFFF80  }
0x1ca: {  	[spmem:s3] =	stream.indirect.scatter.add.f32 [tilespmem:s28], [sflag:$0x1], $0x1, s26, s9, $0xb8;
	[tilespmem:$0xC180] =	vst v63  }
0x1cb: {  	s29 =	simm.s32 $0x4D00  }
0x1cc: {  	[spmem:s6] =	stream.indirect.scatter.add.f32 [tilespmem:s29], [sflag:$0x1], $0x1, s26, s9, $0xb8;
	[tilespmem:$0xC180] =	vst v63  }
0x1cd: {  	_ =	swait.ge [sflag:s8], $0x80  }
0x1ce: {  	[sflag:s8] =	ssyncset.done $0x0  }
0x1cf: {  	[sflag:s8] =	ssyncadd.s32 $0xFFFFFF80  }
0x1d0: {  	_ =	swait.ge [sflag:s8], $0x80  }
0x1d1: {  	[sflag:s8] =	ssyncset.done $0x0  }
0x1d2: {  	s30 =	simm.s32 $0x1580;
	s31 =	simm.s32 $0x3180;
	[sflag:s8] =	ssyncadd.s32 $0xFFFFFF80  }
0x1d3: {  	[spmem:s3] =	stream.indirect.scatter.add.f32 [tilespmem:s31], [sflag:$0x1], $0x1, s30, s9, $0xb8;
	[tilespmem:$0xC180] =	vst v63  }
0x1d4: {  	s12 =	simm.s32 $0x4D80  }
0x1d5: {  	[spmem:s6] =	stream.indirect.scatter.add.f32 [tilespmem:s12], [sflag:$0x1], $0x1, s30, s9, $0xb8;
	[tilespmem:$0xC180] =	vst v63  }
0x1d6: {  	_ =	swait.ge [sflag:s8], $0x80  }
0x1d7: {  	[sflag:s8] =	ssyncset.done $0x0  }
0x1d8: {  	[sflag:s8] =	ssyncadd.s32 $0xFFFFFF80  }
0x1d9: {  	_ =	swait.ge [sflag:s8], $0x80  }
0x1da: {  	[sflag:s8] =	ssyncset.done $0x0  }
0x1db: {  	s13 =	simm.s32 $0x1600;
	s14 =	simm.s32 $0x3200;
	[sflag:s8] =	ssyncadd.s32 $0xFFFFFF80  }
0x1dc: {  	[spmem:s3] =	stream.indirect.scatter.add.f32 [tilespmem:s14], [sflag:$0x1], $0x1, s13, s9, $0xb8;
	[tilespmem:$0xC180] =	vst v63  }
0x1dd: {  	s15 =	simm.s32 $0x4E00  }
0x1de: {  	[spmem:s6] =	stream.indirect.scatter.add.f32 [tilespmem:s15], [sflag:$0x1], $0x1, s13, s9, $0xb8;
	[tilespmem:$0xC180] =	vst v63  }
0x1df: {  	_ =	swait.ge [sflag:s8], $0x80  }
0x1e0: {  	[sflag:s8] =	ssyncset.done $0x0  }
0x1e1: {  	[sflag:s8] =	ssyncadd.s32 $0xFFFFFF80  }
0x1e2: {  	_ =	swait.ge [sflag:s8], $0x80  }
0x1e3: {  	[sflag:s8] =	ssyncset.done $0x0  }
0x1e4: {  	s16 =	simm.s32 $0x1680;
	s17 =	simm.s32 $0x3280;
	[sflag:s8] =	ssyncadd.s32 $0xFFFFFF80  }
0x1e5: {  	[spmem:s3] =	stream.indirect.scatter.add.f32 [tilespmem:s17], [sflag:$0x1], $0x1, s16, s9, $0xb8;
	[tilespmem:$0xC180] =	vst v63  }
0x1e6: {  	s18 =	simm.s32 $0x4E80  }
0x1e7: {  	[spmem:s6] =	stream.indirect.scatter.add.f32 [tilespmem:s18], [sflag:$0x1], $0x1, s16, s9, $0xb8;
	[tilespmem:$0xC180] =	vst v63  }
0x1e8: {  	_ =	swait.ge [sflag:s8], $0x80  }
0x1e9: {  	[sflag:s8] =	ssyncset.done $0x0  }
0x1ea: {  	[sflag:s8] =	ssyncadd.s32 $0xFFFFFF80  }
0x1eb: {  	_ =	swait.ge [sflag:s8], $0x80  }
0x1ec: {  	[sflag:s8] =	ssyncset.done $0x0  }
0x1ed: {  	s19 =	simm.s32 $0x1700;
	s20 =	simm.s32 $0x3300;
	[sflag:s8] =	ssyncadd.s32 $0xFFFFFF80  }
0x1ee: {  	[spmem:s3] =	stream.indirect.scatter.add.f32 [tilespmem:s20], [sflag:$0x1], $0x1, s19, s9, $0xb8;
	[tilespmem:$0xC180] =	vst v63  }
0x1ef: {  	s21 =	simm.s32 $0x4F00  }
0x1f0: {  	[spmem:s6] =	stream.indirect.scatter.add.f32 [tilespmem:s21], [sflag:$0x1], $0x1, s19, s9, $0xb8;
	[tilespmem:$0xC180] =	vst v63  }
0x1f1: {  	_ =	swait.ge [sflag:s8], $0x80  }
0x1f2: {  	[sflag:s8] =	ssyncset.done $0x0  }
0x1f3: {  	[sflag:s8] =	ssyncadd.s32 $0xFFFFFF80  }
0x1f4: {  	_ =	swait.ge [sflag:s8], $0x80  }
0x1f5: {  	[sflag:s8] =	ssyncset.done $0x0  }
0x1f6: {  	s22 =	simm.s32 $0x1780;
	s23 =	simm.s32 $0x3380;
	[sflag:s8] =	ssyncadd.s32 $0xFFFFFF80  }
0x1f7: {  	[spmem:s3] =	stream.indirect.scatter.add.f32 [tilespmem:s23], [sflag:$0x1], $0x1, s22, s9, $0xb8;
	[tilespmem:$0xC180] =	vst v63  }
0x1f8: {  	s24 =	simm.s32 $0x4F80  }
0x1f9: {  	[spmem:s6] =	stream.indirect.scatter.add.f32 [tilespmem:s24], [sflag:$0x1], $0x1, s22, s9, $0xb8;
	[tilespmem:$0xC180] =	vst v63  }
0x1fa: {  	_ =	swait.ge [sflag:s8], $0x80  }
0x1fb: {  	[sflag:s8] =	ssyncset.done $0x0  }
0x1fc: {  	[sflag:s8] =	ssyncadd.s32 $0xFFFFFF80  }
0x1fd: {  	_ =	swait.ge [sflag:s8], $0x80  }
0x1fe: {  	[sflag:s8] =	ssyncset.done $0x0  }
0x1ff: {  	s25 =	simm.s32 $0x1800;
	s26 =	simm.s32 $0x3400;
	[sflag:s8] =	ssyncadd.s32 $0xFFFFFF80  }
0x200: {  	[spmem:s3] =	stream.indirect.scatter.add.f32 [tilespmem:s26], [sflag:$0x1], $0x1, s25, s9, $0xb8;
	[tilespmem:$0xC180] =	vst v63  }
0x201: {  	s28 =	simm.s32 $0x5000  }
0x202: {  	[spmem:s6] =	stream.indirect.scatter.add.f32 [tilespmem:s28], [sflag:$0x1], $0x1, s25, s9, $0xb8;
	[tilespmem:$0xC180] =	vst v63  }
0x203: {  	_ =	swait.ge [sflag:s8], $0x80  }
0x204: {  	[sflag:s8] =	ssyncset.done $0x0  }
0x205: {  	[sflag:s8] =	ssyncadd.s32 $0xFFFFFF80  }
0x206: {  	_ =	swait.ge [sflag:s8], $0x80  }
0x207: {  	[sflag:s8] =	ssyncset.done $0x0  }
0x208: {  	[sflag:s8] =	ssyncadd.s32 $0xFFFFFF80  }
0x209: {  	_ =	swait.ge [sflag:s8], $0x80  }
0x20a: {  	[sflag:s8] =	ssyncset.done $0x0  }
0x20b: {  	[sflag:s8] =	ssyncadd.s32 $0xFFFFFF80  }
0x20c: {  	_ =	swait.ge [sflag:s8], $0x80  }
0x20d: {  	[sflag:s8] =	ssyncset.done $0x0  }
0x20e: {  	[sflag:s8] =	ssyncadd.s32 $0xFFFFFF80  }
0x20f: {  	_ =	swait.ge [sflag:s8], $0x80  }
0x210: {  	[sflag:s8] =	ssyncset.done $0x0  }
0x211: {  	[sflag:s8] =	ssyncadd.s32 $0xFFFFFF80  }
0x212: {  	_ =	swait.ge [sflag:s8], $0x80  }
0x213: {  	[sflag:s8] =	ssyncset.done $0x0  }
0x214: {  	[sflag:s8] =	ssyncadd.s32 $0xFFFFFF80  }
0x215: {  	_ =	swait.ge [sflag:s8], $0x80  }
0x216: {  	[sflag:s8] =	ssyncset.done $0x0  }
0x217: {  	[sflag:s8] =	ssyncadd.s32 $0xFFFFFF80  }
0x218: {  	_ =	swait.ge [sflag:s8], $0x80  }
0x219: {  	[sflag:s8] =	ssyncset.done $0x0  }
0x21a: {  	[sflag:s8] =	ssyncadd.s32 $0xFFFFFF80  }
0x21b: {  	_ =	swait.ge [sflag:s8], $0x80  }
0x21c: {  	[sflag:s8] =	ssyncset.done $0x0  }
0x21d: {  	[sflag:s8] =	ssyncadd.s32 $0xFFFFFF80  }
0x21e: {  	_ =	swait.ge [sflag:s8], $0x80  }
0x21f: {  	[sflag:s8] =	ssyncset.done $0x0  }
0x220: {  	[sflag:s8] =	ssyncadd.s32 $0xFFFFFF80  }
0x221: {  	s29 =	simm.s32 $0xBC00;
	s30 =	simm.s32 $0x2;
	[bflag:$0x0] =	sbarrier.arrive $0xFFFF  }
0x222: {  	[tilespmem:s29], [sflag:$0x2] =	stream.linear.gather [spmem:s5], $0x140, $0x38;
	[tilespmem:$0xC180] =	vst v63  }
0x223: {  	_ =	swait.ge [sflag:s30], $0x140  }
0x224: {  	[sflag:s30] =	ssyncset.done $0x0  }
0x225: {  	s31 =	simm.s32 $0xBD80;
	[sflag:s30] =	ssyncadd.s32 $0xFFFFFEC0  }
0x226: {  	[tilespmem:s31], [sflag:$0x2] =	stream.linear.gather [spmem:s7], $0x140, $0x38;
	[tilespmem:$0xC180] =	vst v63  }
0x227: {  	_ =	swait.ge [sflag:s30], $0x140  }
0x228: {  	[sflag:s30] =	ssyncset.done $0x0  }
0x229: {  	s7 =	simm.s32 $0x0;
	[sflag:s30] =	ssyncadd.s32 $0xFFFFFEC0  }
0x22a: {  	v0 =	vld [tilespmem:s7+$0xBD80];
	_ =	sdelay $0x4  }
0x22b: {  	(erf) = vrcp.f32 v0;
	_ =	sdelay $0x2  }
0x22c: {  	s6 =	simm.s32 $0x10  }
0x22d: {  	v0 =	vld [tilespmem:s6+$0xBD80];
	_ =	sdelay $0x1  }
0x22e: {  	v1 =	vld [tilespmem:s7+$0xBC00];
	_ =	sdelay $0x2  }
0x22f: {  	v2 =	vpop (erf);
	(erf) = vrcp.f32 v0;
	_ =	sdelay $0x1  }
0x230: {  	s9 =	simm.s32 $0xC0;
	s8 =	simm.s32 $0x20;
	v0 =	vmul.f32 v2, v1  }
.LBB2_3:
0x231: {  	p0 =	sne.s32 s9, $0x4C0;
	v1 =	vld [tilespmem:s8+$0xBD80]  }
0x232: {  	[tilespmem:s7+$0xBC00] =	vst v0;
	s7 =	smov.u32 s6;
	s6 =	smov.u32 s8  }
0x233: {  	v0 =	vld [tilespmem:s7+$0xBC00]  }
.Ltmp1:
0x234: {  	(pc) =	sbr.rel @p0 .LBB2_3-.Ltmp1, $4  }
0x235: {  	_ = 	snop  }
0x236: {  	(erf) = vrcp.f32 v1  }
0x237: {  	v1 =	vpop (erf)  }
0x238: {  	s8 =	sshra.s32 s9, $0x2;
	s9 =	sadd.s32 $0x40, s9;
	v0 =	vmul.f32 v1, v0  }
0x239: {  	v1 =	vld [tilespmem:s8+$0xBD80]  }
0x23a: {  	[tilespmem:s7+$0xBC00] =	vst v0  }
0x23b: {  	v0 =	vld [tilespmem:s6+$0xBC00];
	_ =	sdelay $0x2  }
0x23c: {  	(erf) = vrcp.f32 v1  }
0x23d: {  	v1 =	vpop (erf)  }
0x23e: {  	v0 =	vmul.f32 v1, v0;
	_ =	sdelay $0x1  }
0x23f: {  	[tilespmem:s6+$0xBC00] =	vst v0  }
0x240: {  	v0 =	vld [tilespmem:s8+$0xBC00];
	_ =	sdelay $0x3  }
0x241: {  	v1 =	vpop (erf)  }
0x242: {  	v0 =	vmul.f32 v1, v0;
	_ =	sdelay $0x1  }
0x243: {  	s30 =	simm.s32 $0xBC00;
	s31 =	simm.s32 $0x2;
	[tilespmem:s8+$0xBC00] =	vst v0  }
0x244: {  	[spmem:s5] =	stream.linear.scatter [tilespmem:s30], [sflag:$0x2], $0x140, $0x38;
	[tilespmem:$0xC180] =	vst v63  }
0x245: {  	_ =	swait.ge [sflag:s31], $0x140  }
0x246: {  	[sflag:s31] =	ssyncset.done $0x0  }
0x247: {  	[sflag:s31] =	ssyncadd.s32 $0xFFFFFEC0  }
0x248: {  	s5 =	simm.s32 $0xA800;
	[bflag:$0x0] =	sbarrier.arrive $0xFFFF  }
0x249: {  	[tilespmem:s5], [sflag:$0x2] =	stream.linear.gather [spmem:s3], $0x1400, $0x38;
	[tilespmem:$0xC180] =	vst v63  }
0x24a: {  	_ =	swait.ge [sflag:s31], $0x1400  }
0x24b: {  	[sflag:s31] =	ssyncset.done $0x0  }
0x24c: {  	s3 =	simm.s32 $0x0;
	[sflag:s31] =	ssyncadd.s32 $0xFFFFEC00  }
0x24d: {  	v0 =	vld [tilespmem:s3+$0x0];
	_ =	sdelay $0x6  }
0x24e: {  	v1 =	vld [tilespmem:s3+$0x5400]  }
0x24f: {  	v0 =	vld.idx.msk [tilespmem:v0+s5+$0x0], $0xffff  }
0x250: {  	s7 =	simm.s32 $0x80;
	s6 =	simm.s32 $0x10;
	v2 =	vld [tilespmem:s3+$0x3800]  }
.LBB2_5:
0x251: {  	p0 =	sne.s32 s7, $0x61C0;
	v3 =	vld [tilespmem:s6+$0x0];
	_ =	sdelay $0x2  }
0x252: {  	v0 =	vsub.f32 v0, v1;
	_ =	sdelay $0x1  }
0x253: {  	v0 =	vmul.f32 v0, v2  }
.Ltmp2:
0x254: {  	(pc) =	sbr.rel @p0 .LBB2_5-.Ltmp2, $4  }
0x255: {  	[tilespmem:s3+$0x8C00] =	vst v0;
	s3 =	smov.u32 s6  }
0x256: {  	v0 =	vld.idx.msk [tilespmem:v3+s5+$0x0], $0xffff  }
0x257: {  	v1 =	vld [tilespmem:s3+$0x5400]  }
0x258: {  	s6 =	sshra.s32 s7, $0x2;
	s7 =	sadd.s32 $0x40, s7;
	v2 =	vld [tilespmem:s3+$0x3800]  }
0x259: {  	v3 =	vld [tilespmem:s6+$0x0];
	_ =	sdelay $0x2  }
0x25a: {  	v0 =	vsub.f32 v0, v1;
	_ =	sdelay $0x1  }
0x25b: {  	v0 =	vmul.f32 v0, v2;
	_ =	sdelay $0x1  }
0x25c: {  	[tilespmem:s3+$0x8C00] =	vst v0  }
0x25d: {  	v0 =	vld.idx.msk [tilespmem:v3+s5+$0x0], $0xffff  }
0x25e: {  	v62 =	vld [tilespmem:s6+$0x5400];
	_ =	sdelay $0x1  }
0x25f: {  	v63 =	vld [tilespmem:s6+$0x3800];
	_ =	sdelay $0x2  }
0x260: {  	v0 =	vsub.f32 v0, v62;
	_ =	sdelay $0x1  }
0x261: {  	v0 =	vmul.f32 v0, v63  }
0x262: {  	s2 =	sadd.s32 s4, s2  }
0x263: {  	s29 =	simm.s32 $0x0;
	s30 =	simm.s32 $0x8C00;
	s31 =	simm.s32 $0x2;
	[tilespmem:s6+$0x8C00] =	vst v0  }
0x264: {  	[hbm4b:s2+s29] =	stream.linear.scatter [tilespmem:s30], [sflag:$0x2], $0x1880, $0x38;
	[tilespmem:$0xC180] =	vst v63  }
0x265: {  	_ =	swait.ge [sflag:s31], $0x1880  }
0x266: {  	[sflag:s31] =	ssyncset.done $0x0  }
0x267: {  	[sflag:s31] =	ssyncadd.s32 $0xFFFFE780  }
0x268: {  	_ =	sfence.sel $0x180000  }
0x269: {  	[bflag:$0x0] =	sbarrier.arrive $0xFFFF  }
0x26a: {  	p0 =	sne.s32 s0, $0x0;
	_ =	strace $0x90000047  }
0x26b: {  	s0 =	sadd.s32 @!p0 $0x100000, s1;
	[bflag:$0x2] =	sbarrier.arrive $0xFFFF  }
0x26c: {  	[sflag:s0] =	ssyncadd.tile.s32 @!p0 $0x1;
	_ =	shalt  }
.Lfunc_end2:
_tile_overlayer_lowered:
.L_overlay_start_2:
0x26d: {  	(tag) =	ssettag $0x2  }
0x26e: {  	s0 =	rddreg [dreg:$0x0];
	s2 =	stileid.u32  }
0x26f: {  	s1 =	rddreg [dreg:$0x1];
	p0 =	sne.s32 s2, $0x0  }
0x270: {  	s3 =	rddreg [dreg:$0x2];
	[bflag:$0x3] =	sbarrier.arrive $0xFFFF;
	s2 =	simm.s32 @!p0 $0x1C02  }
0x271: {  	[timem:s3], [sflag:s2] =	dma.local @!p0 [hbm:s0], s1  }
0x272: {  	s0 =	simm.s32 @!p0 $0x2  }
0x273: {  	_ =	swait.ge @!p0 [sflag:s0], s1  }
0x274: {  	s1 =	ssub.s32 @!p0 $0x0, s1;
	[sflag:s0] =	ssyncset.done @!p0 $0x0  }
0x275: {  	[sflag:s0] =	ssyncadd.s32 @!p0 s1  }
0x276: {  	[bflag:$0x3] =	sbarrier.arrive $0xFFFF  }
0x277: {  	_ =	shalt  }

</sc_bundles>
